<compile_context>
chip_gen: v7x
topology: tpu7x:2x2x1
jax: 0.10.2.dev20260603
libtpu: 0.0.44.dev20260713+nightly
codegen_flags: <defaults>
</compile_context>

<pallas_src>
import functools

import jax
import jax.numpy as jnp
from jax import lax
from jax.experimental import pallas as pl
from jax.experimental.pallas import tpu as pltpu
from jax.experimental.pallas import tpu_sc as plsc

_BATCH = 4096
_SEQ = 200
_DIM = 32

_NC = 2
_NS = 16
_NW = _NC * _NS
_BB = _BATCH // _NW

_L = 16
_JB = _BB // _L


@functools.partial(
    pl.kernel,
    mesh=plsc.VectorSubcoreMesh(core_axis_name="c", subcore_axis_name="s"),
    out_type=jax.ShapeDtypeStruct((_SEQ, _DIM // 8, _BATCH // _BB, 8, _BB),
                                  jnp.float32),
    scratch_types=[
        pltpu.VMEM((_SEQ, _BB), jnp.int32),
        pltpu.VMEM((_SEQ, _BB), jnp.int32),
        pltpu.VMEM((4, _BB, 128), jnp.float32),
        pltpu.VMEM((2, _DIM // 8, 8, _BB), jnp.float32),
        pltpu.SemaphoreType.DMA,
        pltpu.SemaphoreType.DMA,
        pltpu.SemaphoreType.DMA,
    ],
    compiler_params=pltpu.CompilerParams(
        use_tc_tiling_on_sc=False, needs_layout_passes=False),
)
def _gather_kernel(idxs_hbm, idxm_hbm, table_hbm, out_hbm,
                   idxs_v, idxm_v, rows_v, tr_v, gsem, osem, isem):
    wid = lax.axis_index("s") * _NC + lax.axis_index("c")
    b0 = wid * _BB

    pltpu.async_copy(idxs_hbm.at[:, pl.ds(b0, _BB)], idxs_v, isem)
    pltpu.async_copy(idxm_hbm.at[:, pl.ds(b0, _BB)], idxm_v, isem)
    pltpu.make_async_copy(idxs_hbm.at[:, pl.ds(b0, _BB)], idxs_v, isem).wait()
    pltpu.make_async_copy(idxm_hbm.at[:, pl.ds(b0, _BB)], idxm_v, isem).wait()

    for tt in range(3):
        pltpu.async_copy(table_hbm.at[idxs_v.at[tt]], rows_v.at[tt], gsem)

    def step(t, carry):
        buf = lax.rem(t, 4)
        obuf = lax.rem(t, 2)
        pltpu.make_async_copy(table_hbm.at[idxs_v.at[t]],
                              rows_v.at[buf], gsem).wait()

        @pl.when(t + 3 < _SEQ)
        def _():
            pltpu.async_copy(table_hbm.at[idxs_v.at[t + 3]],
                             rows_v.at[lax.rem(t + 3, 4)], gsem)

        @pl.when(t >= 2)
        def _():
            pltpu.make_async_copy(
                tr_v.at[obuf], out_hbm.at[t - 2, :, wid], osem).wait()

        for g in range(_JB):
            jv = g * _L + lax.iota(jnp.int32, _L)
            off = idxm_v[t, pl.ds(g * _L, _L)] * _DIM

            for d in range(_DIM):
                val = plsc.load_gather(rows_v.at[buf], [jv, off + d])
                tr_v[obuf, d // 8, d % 8, pl.ds(g * _L, _L)] = val

        pltpu.async_copy(tr_v.at[obuf], out_hbm.at[t, :, wid], osem)
        return carry

    lax.fori_loop(0, _SEQ, step, 0)

    pltpu.make_async_copy(
        tr_v.at[0], out_hbm.at[_SEQ - 2, :, wid], osem).wait()
    pltpu.make_async_copy(
        tr_v.at[1], out_hbm.at[_SEQ - 1, :, wid], osem).wait()


def kernel(X, W):
    xi = X.astype(jnp.int32)
    idxs = (xi >> 2).T
    idxm = (xi & 3).T
    w4 = W.reshape(_BATCH // _BATCH * 250000, 128)
    out5 = _gather_kernel(idxs, idxm, w4)
    return out5.transpose(2, 4, 0, 1, 3).reshape(_BATCH, _SEQ, _DIM)

# --- scband reference (transcript-rebuilt; emitter-appended) ---
"""Pipeline reference for scband-fixed-embedding-13383118094810 (READ-ONLY COPY).

The authoritative reference and input builder live on the scoring server;
editing this copy changes nothing except your own understanding.
"""

import jax, jax.numpy as jnp
import numpy as np

INPUT_DIM = 1000000
OUTPUT_DIM = 32
BATCH = 4096
INPUT_LENGTH = 200


def setup_inputs(seed: int = 0) -> dict:
    key = jax.random.key(seed)
    k_idx, k_w = jax.random.split(key)
    X = jax.random.randint(k_idx, (BATCH, INPUT_LENGTH), 0, INPUT_DIM, dtype=jnp.int32).astype(jnp.int64)
    # Fixed (non-trainable) embedding table, per init weights=[np.array(input_dim, output_dim)]
    W = jax.random.normal(k_w, (INPUT_DIM, OUTPUT_DIM), dtype=jnp.float32)
    return {"X": X, "W": W}


def reference(X, W):
    # FixedEmbedding.get_output: out = K.gather(self.W, X)
    # dropout=0.0 path, mask_zero=False so no mask output.
    out = jnp.take(W, X, axis=0)
    return out

if __name__ == "__main__":
    import jax
    _d = setup_inputs()
    print(jax.jit(kernel)(*tuple(_d.values())))

</pallas_src>

<mosaic_0001>
#map = affine_map<(d0, d1) -> (0, 0)>
#map1 = affine_map<(d0, d1) -> (0, 0, 0, 0, 0)>
module attributes {stable_mosaic.version = 14 : i64} {
  func.func @_gather_kernel(%arg0: i32, %arg1: i32, %arg2: memref<200x4096xi32, #tpu.memory_space<hbm>>, %arg3: memref<200x4096xi32, #tpu.memory_space<hbm>>, %arg4: memref<250000x128xf32, #tpu.memory_space<hbm>>, %arg5: memref<200x4x32x8x128xf32, #tpu.memory_space<hbm>>, %arg6: memref<200x128xi32, #tpu.memory_space<vmem>>, %arg7: memref<200x128xi32, #tpu.memory_space<vmem>>, %arg8: memref<4x128x128xf32, #tpu.memory_space<vmem>>, %arg9: memref<2x4x8x128xf32, #tpu.memory_space<vmem>>, %arg10: memref<!tpu.dma_semaphore, #tpu.memory_space<semaphore_mem>>, %arg11: memref<!tpu.dma_semaphore, #tpu.memory_space<semaphore_mem>>, %arg12: memref<!tpu.dma_semaphore, #tpu.memory_space<semaphore_mem>>) attributes {dimension_semantics = [#tpu.dimension_semantics<core_parallel>, #tpu.dimension_semantics<subcore_parallel>], iteration_bounds = array<i64: 2, 16>, scalar_prefetch = 0 : i64, scratch_operands = 7 : i64, tpu.core_type = #tpu.core_type<sc_vector_subcore>, window_params = [{transform_indices = #map}, {transform_indices = #map}, {transform_indices = #map}, {transform_indices = #map1}]} {
    %mul3A = arith.constant 2 : i32
    %mul3A_0 = arith.muli %arg1, %mul3A : i32
    %add3A = arith.addi %mul3A_0, %arg0 : i32
    %mul3A_1 = arith.constant 128 : i32
    %mul3A_2 = arith.muli %add3A, %mul3A_1 : i32
    %dma_start3A = arith.constant 0 : i32
    %dma_start3A_3 = tpu.memref_slice %arg2[%dma_start3A, %mul3A_2] : memref<200x4096xi32, #tpu.memory_space<hbm>> -> memref<200x128xi32, #tpu.memory_space<hbm>>
    %dma_start3A_4 = arith.constant 0 : i32
    %dma_start3A_5 = tpu.memref_slice %arg2[%dma_start3A_4, %mul3A_2] : memref<200x4096xi32, #tpu.memory_space<hbm>> -> memref<200x128xi32, #tpu.memory_space<hbm>>
    tpu.enqueue_dma source(%dma_start3A_5 : memref<200x128xi32, #tpu.memory_space<hbm>>) target(%arg6 : memref<200x128xi32, #tpu.memory_space<vmem>>) target_semaphore(%arg12 : memref<!tpu.dma_semaphore, #tpu.memory_space<semaphore_mem>>)
    %dma_start3A_6 = arith.constant 0 : i32
    %dma_start3A_7 = tpu.memref_slice %arg3[%dma_start3A_6, %mul3A_2] : memref<200x4096xi32, #tpu.memory_space<hbm>> -> memref<200x128xi32, #tpu.memory_space<hbm>>
    %dma_start3A_8 = arith.constant 0 : i32
    %dma_start3A_9 = tpu.memref_slice %arg3[%dma_start3A_8, %mul3A_2] : memref<200x4096xi32, #tpu.memory_space<hbm>> -> memref<200x128xi32, #tpu.memory_space<hbm>>
    tpu.enqueue_dma source(%dma_start3A_9 : memref<200x128xi32, #tpu.memory_space<hbm>>) target(%arg7 : memref<200x128xi32, #tpu.memory_space<vmem>>) target_semaphore(%arg12 : memref<!tpu.dma_semaphore, #tpu.memory_space<semaphore_mem>>)
    %dma_wait3A = arith.constant 0 : i32
    %dma_wait3A_10 = tpu.memref_slice %arg2[%dma_wait3A, %mul3A_2] : memref<200x4096xi32, #tpu.memory_space<hbm>> -> memref<200x128xi32, #tpu.memory_space<hbm>>
    %dma_wait3A_11 = arith.constant 0 : i32
    %dma_wait3A_12 = tpu.memref_slice %arg2[%dma_wait3A_11, %mul3A_2] : memref<200x4096xi32, #tpu.memory_space<hbm>> -> memref<200x128xi32, #tpu.memory_space<hbm>>
    tpu.wait_dma2 semaphore(%arg12 : memref<!tpu.dma_semaphore, #tpu.memory_space<semaphore_mem>>) src(%dma_wait3A_12 : memref<200x128xi32, #tpu.memory_space<hbm>>) dst(%arg6 : memref<200x128xi32, #tpu.memory_space<vmem>>)
    %dma_wait3A_13 = arith.constant 0 : i32
    %dma_wait3A_14 = tpu.memref_slice %arg3[%dma_wait3A_13, %mul3A_2] : memref<200x4096xi32, #tpu.memory_space<hbm>> -> memref<200x128xi32, #tpu.memory_space<hbm>>
    %dma_wait3A_15 = arith.constant 0 : i32
    %dma_wait3A_16 = tpu.memref_slice %arg3[%dma_wait3A_15, %mul3A_2] : memref<200x4096xi32, #tpu.memory_space<hbm>> -> memref<200x128xi32, #tpu.memory_space<hbm>>
    tpu.wait_dma2 semaphore(%arg12 : memref<!tpu.dma_semaphore, #tpu.memory_space<semaphore_mem>>) src(%dma_wait3A_16 : memref<200x128xi32, #tpu.memory_space<hbm>>) dst(%arg7 : memref<200x128xi32, #tpu.memory_space<vmem>>)
    %dma_start3A_17 = arith.constant 0 : i32
    %dma_start3A_18 = arith.constant 0 : i32
    %dma_start3A_19 = arith.constant 0 : i32
    %dma_start3A_20 = arith.constant 0 : i32
    %dma_start3A_21 = tpu.memref_slice %arg8[%dma_start3A_18, %dma_start3A_19, %dma_start3A_20] : memref<4x128x128xf32, #tpu.memory_space<vmem>> -> memref<1x128x128xf32, #tpu.memory_space<vmem>>
    %dma_start3A_22 = tpu.memref_squeeze %dma_start3A_21 : memref<1x128x128xf32, #tpu.memory_space<vmem>> -> memref<128x128xf32, #tpu.memory_space<vmem>>
    %dma_start3A_23 = arith.constant 0 : i32
    %dma_start3A_24 = tpu.memref_slice %arg6[%dma_start3A_17, %dma_start3A_23] : memref<200x128xi32, #tpu.memory_space<vmem>> -> memref<1x128xi32, #tpu.memory_space<vmem>>
    %dma_start3A_25 = tpu.memref_squeeze %dma_start3A_24 : memref<1x128xi32, #tpu.memory_space<vmem>> -> memref<128xi32, #tpu.memory_space<vmem>>
    %dma_start3A_26 = arith.constant 0 : i32
    %dma_start3A_27 = arith.constant 0 : i32
    %dma_start3A_28 = tpu.memref_slice %arg4[%dma_start3A_26, %dma_start3A_27] : memref<250000x128xf32, #tpu.memory_space<hbm>> -> memref<250000x128xf32, #tpu.memory_space<hbm>>
    tpu.enqueue_indirect_dma source(%dma_start3A_28 : memref<250000x128xf32, #tpu.memory_space<hbm>>) target(%dma_start3A_22 : memref<128x128xf32, #tpu.memory_space<vmem>>) offsets(%dma_start3A_25 : memref<128xi32, #tpu.memory_space<vmem>>) semaphore(%arg10 : memref<!tpu.dma_semaphore, #tpu.memory_space<semaphore_mem>>)
    %dma_start3A_29 = arith.constant 1 : i32
    %dma_start3A_30 = arith.constant 1 : i32
    %dma_start3A_31 = arith.constant 0 : i32
    %dma_start3A_32 = arith.constant 0 : i32
    %dma_start3A_33 = tpu.memref_slice %arg8[%dma_start3A_30, %dma_start3A_31, %dma_start3A_32] : memref<4x128x128xf32, #tpu.memory_space<vmem>> -> memref<1x128x128xf32, #tpu.memory_space<vmem>>
    %dma_start3A_34 = tpu.memref_squeeze %dma_start3A_33 : memref<1x128x128xf32, #tpu.memory_space<vmem>> -> memref<128x128xf32, #tpu.memory_space<vmem>>
    %dma_start3A_35 = arith.constant 0 : i32
    %dma_start3A_36 = tpu.memref_slice %arg6[%dma_start3A_29, %dma_start3A_35] : memref<200x128xi32, #tpu.memory_space<vmem>> -> memref<1x128xi32, #tpu.memory_space<vmem>>
    %dma_start3A_37 = tpu.memref_squeeze %dma_start3A_36 : memref<1x128xi32, #tpu.memory_space<vmem>> -> memref<128xi32, #tpu.memory_space<vmem>>
    %dma_start3A_38 = arith.constant 0 : i32
    %dma_start3A_39 = arith.constant 0 : i32
    %dma_start3A_40 = tpu.memref_slice %arg4[%dma_start3A_38, %dma_start3A_39] : memref<250000x128xf32, #tpu.memory_space<hbm>> -> memref<250000x128xf32, #tpu.memory_space<hbm>>
    tpu.enqueue_indirect_dma source(%dma_start3A_40 : memref<250000x128xf32, #tpu.memory_space<hbm>>) target(%dma_start3A_34 : memref<128x128xf32, #tpu.memory_space<vmem>>) offsets(%dma_start3A_37 : memref<128xi32, #tpu.memory_space<vmem>>) semaphore(%arg10 : memref<!tpu.dma_semaphore, #tpu.memory_space<semaphore_mem>>)
    %dma_start3A_41 = arith.constant 2 : i32
    %dma_start3A_42 = arith.constant 2 : i32
    %dma_start3A_43 = arith.constant 0 : i32
    %dma_start3A_44 = arith.constant 0 : i32
    %dma_start3A_45 = tpu.memref_slice %arg8[%dma_start3A_42, %dma_start3A_43, %dma_start3A_44] : memref<4x128x128xf32, #tpu.memory_space<vmem>> -> memref<1x128x128xf32, #tpu.memory_space<vmem>>
    %dma_start3A_46 = tpu.memref_squeeze %dma_start3A_45 : memref<1x128x128xf32, #tpu.memory_space<vmem>> -> memref<128x128xf32, #tpu.memory_space<vmem>>
    %dma_start3A_47 = arith.constant 0 : i32
    %dma_start3A_48 = tpu.memref_slice %arg6[%dma_start3A_41, %dma_start3A_47] : memref<200x128xi32, #tpu.memory_space<vmem>> -> memref<1x128xi32, #tpu.memory_space<vmem>>
    %dma_start3A_49 = tpu.memref_squeeze %dma_start3A_48 : memref<1x128xi32, #tpu.memory_space<vmem>> -> memref<128xi32, #tpu.memory_space<vmem>>
    %dma_start3A_50 = arith.constant 0 : i32
    %dma_start3A_51 = arith.constant 0 : i32
    %dma_start3A_52 = tpu.memref_slice %arg4[%dma_start3A_50, %dma_start3A_51] : memref<250000x128xf32, #tpu.memory_space<hbm>> -> memref<250000x128xf32, #tpu.memory_space<hbm>>
    tpu.enqueue_indirect_dma source(%dma_start3A_52 : memref<250000x128xf32, #tpu.memory_space<hbm>>) target(%dma_start3A_46 : memref<128x128xf32, #tpu.memory_space<vmem>>) offsets(%dma_start3A_49 : memref<128xi32, #tpu.memory_space<vmem>>) semaphore(%arg10 : memref<!tpu.dma_semaphore, #tpu.memory_space<semaphore_mem>>)
    %scan3A = arith.constant 0 : i32
    %scan3A_53 = arith.constant 0 : i32
    %scan3A_54 = arith.constant 200 : i32
    %scan3A_55 = arith.addi %scan3A_53, %scan3A_54 : i32
    %scan3A_56 = arith.constant 1 : i32
    scf.for %scan3A_102 = %scan3A_53 to %scan3A_55 step %scan3A_56  : i32 {
      %rem3A = arith.constant 4 : i32
      %rem3A_103 = arith.remsi %scan3A_102, %rem3A : i32
      %rem3A_104 = arith.constant 2 : i32
      %rem3A_105 = arith.remsi %scan3A_102, %rem3A_104 : i32
      %dma_wait3A_106 = arith.constant 0 : i32
      %dma_wait3A_107 = arith.constant 0 : i32
      %dma_wait3A_108 = tpu.memref_slice %arg8[%rem3A_103, %dma_wait3A_106, %dma_wait3A_107] : memref<4x128x128xf32, #tpu.memory_space<vmem>> -> memref<1x128x128xf32, #tpu.memory_space<vmem>>
      %dma_wait3A_109 = tpu.memref_squeeze %dma_wait3A_108 : memref<1x128x128xf32, #tpu.memory_space<vmem>> -> memref<128x128xf32, #tpu.memory_space<vmem>>
      %dma_wait3A_110 = arith.constant 0 : i32
      %dma_wait3A_111 = tpu.memref_slice %arg6[%scan3A_102, %dma_wait3A_110] : memref<200x128xi32, #tpu.memory_space<vmem>> -> memref<1x128xi32, #tpu.memory_space<vmem>>
      %dma_wait3A_112 = tpu.memref_squeeze %dma_wait3A_111 : memref<1x128xi32, #tpu.memory_space<vmem>> -> memref<128xi32, #tpu.memory_space<vmem>>
      %dma_wait3A_113 = arith.constant 0 : i32
      %dma_wait3A_114 = arith.constant 0 : i32
      %dma_wait3A_115 = tpu.memref_slice %arg4[%dma_wait3A_113, %dma_wait3A_114] : memref<250000x128xf32, #tpu.memory_space<hbm>> -> memref<250000x128xf32, #tpu.memory_space<hbm>>
      tpu.wait_indirect_dma semaphore(%arg10 : memref<!tpu.dma_semaphore, #tpu.memory_space<semaphore_mem>>) src(%dma_wait3A_115 : memref<250000x128xf32, #tpu.memory_space<hbm>>) dst(%dma_wait3A_109 : memref<128x128xf32, #tpu.memory_space<vmem>>)
      %add3A_116 = arith.constant 3 : i32
      %add3A_117 = arith.addi %scan3A_102, %add3A_116 : i32
      %lt3A = arith.constant 200 : i32
      %lt3A_118 = arith.cmpi slt, %add3A_117, %lt3A : i32
      %convert_element_type3A = arith.extui %lt3A_118 : i1 to i32
      %cond3A = arith.constant 0 : i32
      %cond3A_119 = arith.cmpi ne, %convert_element_type3A, %cond3A : i32
      scf.if %cond3A_119 {
        %add3A_4060 = arith.constant 3 : i32
        %add3A_4061 = arith.addi %scan3A_102, %add3A_4060 : i32
        %add3A_4062 = arith.constant 3 : i32
        %add3A_4063 = arith.addi %scan3A_102, %add3A_4062 : i32
        %rem3A_4064 = arith.constant 4 : i32
        %rem3A_4065 = arith.remsi %add3A_4063, %rem3A_4064 : i32
        %dma_start3A_4066 = arith.constant 0 : i32
        %dma_start3A_4067 = arith.constant 0 : i32
        %dma_start3A_4068 = tpu.memref_slice %arg8[%rem3A_4065, %dma_start3A_4066, %dma_start3A_4067] : memref<4x128x128xf32, #tpu.memory_space<vmem>> -> memref<1x128x128xf32, #tpu.memory_space<vmem>>
        %dma_start3A_4069 = tpu.memref_squeeze %dma_start3A_4068 : memref<1x128x128xf32, #tpu.memory_space<vmem>> -> memref<128x128xf32, #tpu.memory_space<vmem>>
        %dma_start3A_4070 = arith.constant 0 : i32
        %dma_start3A_4071 = tpu.memref_slice %arg6[%add3A_4061, %dma_start3A_4070] : memref<200x128xi32, #tpu.memory_space<vmem>> -> memref<1x128xi32, #tpu.memory_space<vmem>>
        %dma_start3A_4072 = tpu.memref_squeeze %dma_start3A_4071 : memref<1x128xi32, #tpu.memory_space<vmem>> -> memref<128xi32, #tpu.memory_space<vmem>>
        %dma_start3A_4073 = arith.constant 0 : i32
        %dma_start3A_4074 = arith.constant 0 : i32
        %dma_start3A_4075 = tpu.memref_slice %arg4[%dma_start3A_4073, %dma_start3A_4074] : memref<250000x128xf32, #tpu.memory_space<hbm>> -> memref<250000x128xf32, #tpu.memory_space<hbm>>
        tpu.enqueue_indirect_dma source(%dma_start3A_4075 : memref<250000x128xf32, #tpu.memory_space<hbm>>) target(%dma_start3A_4069 : memref<128x128xf32, #tpu.memory_space<vmem>>) offsets(%dma_start3A_4072 : memref<128xi32, #tpu.memory_space<vmem>>) semaphore(%arg10 : memref<!tpu.dma_semaphore, #tpu.memory_space<semaphore_mem>>)
      } else {
      }
      %ge3A = arith.constant 2 : i32
      %ge3A_120 = arith.cmpi sge, %scan3A_102, %ge3A : i32
      %convert_element_type3A_121 = arith.extui %ge3A_120 : i1 to i32
      %cond3A_122 = arith.constant 0 : i32
      %cond3A_123 = arith.cmpi ne, %convert_element_type3A_121, %cond3A_122 : i32
      scf.if %cond3A_123 {
        %sub3A = arith.constant 2 : i32
        %sub3A_4060 = arith.subi %scan3A_102, %sub3A : i32
        %dma_wait3A_4061 = arith.constant 0 : i32
        %dma_wait3A_4062 = arith.constant 0 : i32
        %dma_wait3A_4063 = arith.constant 0 : i32
        %dma_wait3A_4064 = tpu.memref_slice %arg9[%rem3A_105, %dma_wait3A_4061, %dma_wait3A_4062, %dma_wait3A_4063] : memref<2x4x8x128xf32, #tpu.memory_space<vmem>> -> memref<1x4x8x128xf32, #tpu.memory_space<vmem>>
        %dma_wait3A_4065 = tpu.memref_squeeze %dma_wait3A_4064 : memref<1x4x8x128xf32, #tpu.memory_space<vmem>> -> memref<4x8x128xf32, #tpu.memory_space<vmem>>
        %dma_wait3A_4066 = arith.constant 0 : i32
        %dma_wait3A_4067 = arith.constant 0 : i32
        %dma_wait3A_4068 = arith.constant 0 : i32
        %dma_wait3A_4069 = tpu.memref_slice %arg5[%sub3A_4060, %dma_wait3A_4066, %add3A, %dma_wait3A_4067, %dma_wait3A_4068] : memref<200x4x32x8x128xf32, #tpu.memory_space<hbm>> -> memref<1x4x1x8x128xf32, #tpu.memory_space<hbm>>
        %dma_wait3A_4070 = tpu.memref_squeeze %dma_wait3A_4069 : memref<1x4x1x8x128xf32, #tpu.memory_space<hbm>> -> memref<4x8x128xf32, #tpu.memory_space<hbm>>
        %dma_wait3A_4071 = arith.constant 0 : i32
        %dma_wait3A_4072 = arith.constant 0 : i32
        %dma_wait3A_4073 = arith.constant 0 : i32
        %dma_wait3A_4074 = tpu.memref_slice %arg5[%sub3A_4060, %dma_wait3A_4071, %add3A, %dma_wait3A_4072, %dma_wait3A_4073] : memref<200x4x32x8x128xf32, #tpu.memory_space<hbm>> -> memref<1x4x1x8x128xf32, #tpu.memory_space<hbm>>
        %dma_wait3A_4075 = tpu.memref_squeeze %dma_wait3A_4074 : memref<1x4x1x8x128xf32, #tpu.memory_space<hbm>> -> memref<4x8x128xf32, #tpu.memory_space<hbm>>
        %dma_wait3A_4076 = arith.constant 0 : i32
        %dma_wait3A_4077 = arith.constant 0 : i32
        %dma_wait3A_4078 = arith.constant 0 : i32
        %dma_wait3A_4079 = tpu.memref_slice %arg9[%rem3A_105, %dma_wait3A_4076, %dma_wait3A_4077, %dma_wait3A_4078] : memref<2x4x8x128xf32, #tpu.memory_space<vmem>> -> memref<1x4x8x128xf32, #tpu.memory_space<vmem>>
        %dma_wait3A_4080 = tpu.memref_squeeze %dma_wait3A_4079 : memref<1x4x8x128xf32, #tpu.memory_space<vmem>> -> memref<4x8x128xf32, #tpu.memory_space<vmem>>
        tpu.wait_dma2 semaphore(%arg11 : memref<!tpu.dma_semaphore, #tpu.memory_space<semaphore_mem>>) src(%dma_wait3A_4080 : memref<4x8x128xf32, #tpu.memory_space<vmem>>) dst(%dma_wait3A_4075 : memref<4x8x128xf32, #tpu.memory_space<hbm>>)
      } else {
      }
      %iota3A = tpu.iota {dimensions = array<i32: 0>} : vector<16xi32>
      %add3A_124 = arith.constant 0 : i32
      %add3A_125 = vector.broadcast %add3A_124 : i32 to vector<16xi32>
      %add3A_126 = arith.addi %add3A_125, %iota3A : vector<16xi32>
      %get3A = arith.index_cast %scan3A_102 : i32 to index
      %get3A_127 = arith.constant 0 : index
      %get3A_128 = tpu.vector_load %arg7[%get3A, %get3A_127] {strides = array<i32>} : memref<200x128xi32, #tpu.memory_space<vmem>>, vector<16xi32>,
      %mul3A_129 = arith.constant 32 : i32
      %mul3A_130 = vector.broadcast %mul3A_129 : i32 to vector<16xi32>
      %mul3A_131 = arith.muli %get3A_128, %mul3A_130 : vector<16xi32>
      %add3A_132 = arith.constant 0 : i32
      %add3A_133 = vector.broadcast %add3A_132 : i32 to vector<16xi32>
      %add3A_134 = arith.addi %mul3A_131, %add3A_133 : vector<16xi32>
      %gather3A = arith.constant 0 : i32
      %gather3A_135 = arith.constant 0 : i32
      %gather3A_136 = tpu.memref_slice %arg8[%rem3A_103, %gather3A, %gather3A_135] : memref<4x128x128xf32, #tpu.memory_space<vmem>> -> memref<1x128x128xf32, #tpu.memory_space<vmem>>
      %gather3A_137 = tpu.memref_squeeze %gather3A_136 : memref<1x128x128xf32, #tpu.memory_space<vmem>> -> memref<128x128xf32, #tpu.memory_space<vmem>>
      %gather3A_138 = tpu.vector_load_idx %gather3A_137[%add3A_126, %add3A_134] : memref<128x128xf32, #tpu.memory_space<vmem>>[vector<16xi32>, vector<16xi32>], vector<16xf32>,
      %swap3A = arith.constant 0 : i32
      %swap3A_139 = arith.constant 0 : i32
      %swap3A_140 = arith.index_cast %rem3A_105 : i32 to index
      %swap3A_141 = arith.index_cast %swap3A : i32 to index
      %swap3A_142 = arith.index_cast %swap3A_139 : i32 to index
      %swap3A_143 = arith.constant 0 : index
      %swap3A_144 = tpu.vector_load %arg9[%swap3A_140, %swap3A_141, %swap3A_142, %swap3A_143] {strides = array<i32>} : memref<2x4x8x128xf32, #tpu.memory_space<vmem>>, vector<16xf32>,
      tpu.vector_store %arg9[%swap3A_140, %swap3A_141, %swap3A_142, %swap3A_143], %gather3A_138 {strides = array<i32>} : memref<2x4x8x128xf32, #tpu.memory_space<vmem>>, vector<16xf32>,
      %add3A_145 = arith.constant 1 : i32
      %add3A_146 = vector.broadcast %add3A_145 : i32 to vector<16xi32>
      %add3A_147 = arith.addi %mul3A_131, %add3A_146 : vector<16xi32>
      %gather3A_148 = arith.constant 0 : i32
      %gather3A_149 = arith.constant 0 : i32
      %gather3A_150 = tpu.memref_slice %arg8[%rem3A_103, %gather3A_148, %gather3A_149] : memref<4x128x128xf32, #tpu.memory_space<vmem>> -> memref<1x128x128xf32, #tpu.memory_space<vmem>>
      %gather3A_151 = tpu.memref_squeeze %gather3A_150 : memref<1x128x128xf32, #tpu.memory_space<vmem>> -> memref<128x128xf32, #tpu.memory_space<vmem>>
      %gather3A_152 = tpu.vector_load_idx %gather3A_151[%add3A_126, %add3A_147] : memref<128x128xf32, #tpu.memory_space<vmem>>[vector<16xi32>, vector<16xi32>], vector<16xf32>,
      %swap3A_153 = arith.constant 0 : i32
      %swap3A_154 = arith.constant 1 : i32
      %swap3A_155 = arith.index_cast %rem3A_105 : i32 to index
      %swap3A_156 = arith.index_cast %swap3A_153 : i32 to index
      %swap3A_157 = arith.index_cast %swap3A_154 : i32 to index
      %swap3A_158 = arith.constant 0 : index
      %swap3A_159 = tpu.vector_load %arg9[%swap3A_155, %swap3A_156, %swap3A_157, %swap3A_158] {strides = array<i32>} : memref<2x4x8x128xf32, #tpu.memory_space<vmem>>, vector<16xf32>,
      tpu.vector_store %arg9[%swap3A_155, %swap3A_156, %swap3A_157, %swap3A_158], %gather3A_152 {strides = array<i32>} : memref<2x4x8x128xf32, #tpu.memory_space<vmem>>, vector<16xf32>,
      %add3A_160 = arith.constant 2 : i32
      %add3A_161 = vector.broadcast %add3A_160 : i32 to vector<16xi32>
      %add3A_162 = arith.addi %mul3A_131, %add3A_161 : vector<16xi32>
      %gather3A_163 = arith.constant 0 : i32
      %gather3A_164 = arith.constant 0 : i32
      %gather3A_165 = tpu.memref_slice %arg8[%rem3A_103, %gather3A_163, %gather3A_164] : memref<4x128x128xf32, #tpu.memory_space<vmem>> -> memref<1x128x128xf32, #tpu.memory_space<vmem>>
      %gather3A_166 = tpu.memref_squeeze %gather3A_165 : memref<1x128x128xf32, #tpu.memory_space<vmem>> -> memref<128x128xf32, #tpu.memory_space<vmem>>
      %gather3A_167 = tpu.vector_load_idx %gather3A_166[%add3A_126, %add3A_162] : memref<128x128xf32, #tpu.memory_space<vmem>>[vector<16xi32>, vector<16xi32>], vector<16xf32>,
      %swap3A_168 = arith.constant 0 : i32
      %swap3A_169 = arith.constant 2 : i32
      %swap3A_170 = arith.index_cast %rem3A_105 : i32 to index
      %swap3A_171 = arith.index_cast %swap3A_168 : i32 to index
      %swap3A_172 = arith.index_cast %swap3A_169 : i32 to index
      %swap3A_173 = arith.constant 0 : index
      %swap3A_174 = tpu.vector_load %arg9[%swap3A_170, %swap3A_171, %swap3A_172, %swap3A_173] {strides = array<i32>} : memref<2x4x8x128xf32, #tpu.memory_space<vmem>>, vector<16xf32>,
      tpu.vector_store %arg9[%swap3A_170, %swap3A_171, %swap3A_172, %swap3A_173], %gather3A_167 {strides = array<i32>} : memref<2x4x8x128xf32, #tpu.memory_space<vmem>>, vector<16xf32>,
      %add3A_175 = arith.constant 3 : i32
      %add3A_176 = vector.broadcast %add3A_175 : i32 to vector<16xi32>
      %add3A_177 = arith.addi %mul3A_131, %add3A_176 : vector<16xi32>
      %gather3A_178 = arith.constant 0 : i32
      %gather3A_179 = arith.constant 0 : i32
      %gather3A_180 = tpu.memref_slice %arg8[%rem3A_103, %gather3A_178, %gather3A_179] : memref<4x128x128xf32, #tpu.memory_space<vmem>> -> memref<1x128x128xf32, #tpu.memory_space<vmem>>
      %gather3A_181 = tpu.memref_squeeze %gather3A_180 : memref<1x128x128xf32, #tpu.memory_space<vmem>> -> memref<128x128xf32, #tpu.memory_space<vmem>>
      %gather3A_182 = tpu.vector_load_idx %gather3A_181[%add3A_126, %add3A_177] : memref<128x128xf32, #tpu.memory_space<vmem>>[vector<16xi32>, vector<16xi32>], vector<16xf32>,
      %swap3A_183 = arith.constant 0 : i32
      %swap3A_184 = arith.constant 3 : i32
      %swap3A_185 = arith.index_cast %rem3A_105 : i32 to index
      %swap3A_186 = arith.index_cast %swap3A_183 : i32 to index
      %swap3A_187 = arith.index_cast %swap3A_184 : i32 to index
      %swap3A_188 = arith.constant 0 : index
      %swap3A_189 = tpu.vector_load %arg9[%swap3A_185, %swap3A_186, %swap3A_187, %swap3A_188] {strides = array<i32>} : memref<2x4x8x128xf32, #tpu.memory_space<vmem>>, vector<16xf32>,
      tpu.vector_store %arg9[%swap3A_185, %swap3A_186, %swap3A_187, %swap3A_188], %gather3A_182 {strides = array<i32>} : memref<2x4x8x128xf32, #tpu.memory_space<vmem>>, vector<16xf32>,
      %add3A_190 = arith.constant 4 : i32
      %add3A_191 = vector.broadcast %add3A_190 : i32 to vector<16xi32>
      %add3A_192 = arith.addi %mul3A_131, %add3A_191 : vector<16xi32>
      %gather3A_193 = arith.constant 0 : i32
      %gather3A_194 = arith.constant 0 : i32
      %gather3A_195 = tpu.memref_slice %arg8[%rem3A_103, %gather3A_193, %gather3A_194] : memref<4x128x128xf32, #tpu.memory_space<vmem>> -> memref<1x128x128xf32, #tpu.memory_space<vmem>>
      %gather3A_196 = tpu.memref_squeeze %gather3A_195 : memref<1x128x128xf32, #tpu.memory_space<vmem>> -> memref<128x128xf32, #tpu.memory_space<vmem>>
      %gather3A_197 = tpu.vector_load_idx %gather3A_196[%add3A_126, %add3A_192] : memref<128x128xf32, #tpu.memory_space<vmem>>[vector<16xi32>, vector<16xi32>], vector<16xf32>,
      %swap3A_198 = arith.constant 0 : i32
      %swap3A_199 = arith.constant 4 : i32
      %swap3A_200 = arith.index_cast %rem3A_105 : i32 to index
      %swap3A_201 = arith.index_cast %swap3A_198 : i32 to index
      %swap3A_202 = arith.index_cast %swap3A_199 : i32 to index
      %swap3A_203 = arith.constant 0 : index
      %swap3A_204 = tpu.vector_load %arg9[%swap3A_200, %swap3A_201, %swap3A_202, %swap3A_203] {strides = array<i32>} : memref<2x4x8x128xf32, #tpu.memory_space<vmem>>, vector<16xf32>,
      tpu.vector_store %arg9[%swap3A_200, %swap3A_201, %swap3A_202, %swap3A_203], %gather3A_197 {strides = array<i32>} : memref<2x4x8x128xf32, #tpu.memory_space<vmem>>, vector<16xf32>,
      %add3A_205 = arith.constant 5 : i32
      %add3A_206 = vector.broadcast %add3A_205 : i32 to vector<16xi32>
      %add3A_207 = arith.addi %mul3A_131, %add3A_206 : vector<16xi32>
      %gather3A_208 = arith.constant 0 : i32
      %gather3A_209 = arith.constant 0 : i32
      %gather3A_210 = tpu.memref_slice %arg8[%rem3A_103, %gather3A_208, %gather3A_209] : memref<4x128x128xf32, #tpu.memory_space<vmem>> -> memref<1x128x128xf32, #tpu.memory_space<vmem>>
      %gather3A_211 = tpu.memref_squeeze %gather3A_210 : memref<1x128x128xf32, #tpu.memory_space<vmem>> -> memref<128x128xf32, #tpu.memory_space<vmem>>
      %gather3A_212 = tpu.vector_load_idx %gather3A_211[%add3A_126, %add3A_207] : memref<128x128xf32, #tpu.memory_space<vmem>>[vector<16xi32>, vector<16xi32>], vector<16xf32>,
      %swap3A_213 = arith.constant 0 : i32
      %swap3A_214 = arith.constant 5 : i32
      %swap3A_215 = arith.index_cast %rem3A_105 : i32 to index
      %swap3A_216 = arith.index_cast %swap3A_213 : i32 to index
      %swap3A_217 = arith.index_cast %swap3A_214 : i32 to index
      %swap3A_218 = arith.constant 0 : index
      %swap3A_219 = tpu.vector_load %arg9[%swap3A_215, %swap3A_216, %swap3A_217, %swap3A_218] {strides = array<i32>} : memref<2x4x8x128xf32, #tpu.memory_space<vmem>>, vector<16xf32>,
      tpu.vector_store %arg9[%swap3A_215, %swap3A_216, %swap3A_217, %swap3A_218], %gather3A_212 {strides = array<i32>} : memref<2x4x8x128xf32, #tpu.memory_space<vmem>>, vector<16xf32>,
      %add3A_220 = arith.constant 6 : i32
      %add3A_221 = vector.broadcast %add3A_220 : i32 to vector<16xi32>
      %add3A_222 = arith.addi %mul3A_131, %add3A_221 : vector<16xi32>
      %gather3A_223 = arith.constant 0 : i32
      %gather3A_224 = arith.constant 0 : i32
      %gather3A_225 = tpu.memref_slice %arg8[%rem3A_103, %gather3A_223, %gather3A_224] : memref<4x128x128xf32, #tpu.memory_space<vmem>> -> memref<1x128x128xf32, #tpu.memory_space<vmem>>
      %gather3A_226 = tpu.memref_squeeze %gather3A_225 : memref<1x128x128xf32, #tpu.memory_space<vmem>> -> memref<128x128xf32, #tpu.memory_space<vmem>>
      %gather3A_227 = tpu.vector_load_idx %gather3A_226[%add3A_126, %add3A_222] : memref<128x128xf32, #tpu.memory_space<vmem>>[vector<16xi32>, vector<16xi32>], vector<16xf32>,
      %swap3A_228 = arith.constant 0 : i32
      %swap3A_229 = arith.constant 6 : i32
      %swap3A_230 = arith.index_cast %rem3A_105 : i32 to index
      %swap3A_231 = arith.index_cast %swap3A_228 : i32 to index
      %swap3A_232 = arith.index_cast %swap3A_229 : i32 to index
      %swap3A_233 = arith.constant 0 : index
      %swap3A_234 = tpu.vector_load %arg9[%swap3A_230, %swap3A_231, %swap3A_232, %swap3A_233] {strides = array<i32>} : memref<2x4x8x128xf32, #tpu.memory_space<vmem>>, vector<16xf32>,
      tpu.vector_store %arg9[%swap3A_230, %swap3A_231, %swap3A_232, %swap3A_233], %gather3A_227 {strides = array<i32>} : memref<2x4x8x128xf32, #tpu.memory_space<vmem>>, vector<16xf32>,
      %add3A_235 = arith.constant 7 : i32
      %add3A_236 = vector.broadcast %add3A_235 : i32 to vector<16xi32>
      %add3A_237 = arith.addi %mul3A_131, %add3A_236 : vector<16xi32>
      %gather3A_238 = arith.constant 0 : i32
      %gather3A_239 = arith.constant 0 : i32
      %gather3A_240 = tpu.memref_slice %arg8[%rem3A_103, %gather3A_238, %gather3A_239] : memref<4x128x128xf32, #tpu.memory_space<vmem>> -> memref<1x128x128xf32, #tpu.memory_space<vmem>>
      %gather3A_241 = tpu.memref_squeeze %gather3A_240 : memref<1x128x128xf32, #tpu.memory_space<vmem>> -> memref<128x128xf32, #tpu.memory_space<vmem>>
      %gather3A_242 = tpu.vector_load_idx %gather3A_241[%add3A_126, %add3A_237] : memref<128x128xf32, #tpu.memory_space<vmem>>[vector<16xi32>, vector<16xi32>], vector<16xf32>,
      %swap3A_243 = arith.constant 0 : i32
      %swap3A_244 = arith.constant 7 : i32
      %swap3A_245 = arith.index_cast %rem3A_105 : i32 to index
      %swap3A_246 = arith.index_cast %swap3A_243 : i32 to index
      %swap3A_247 = arith.index_cast %swap3A_244 : i32 to index
      %swap3A_248 = arith.constant 0 : index
      %swap3A_249 = tpu.vector_load %arg9[%swap3A_245, %swap3A_246, %swap3A_247, %swap3A_248] {strides = array<i32>} : memref<2x4x8x128xf32, #tpu.memory_space<vmem>>, vector<16xf32>,
      tpu.vector_store %arg9[%swap3A_245, %swap3A_246, %swap3A_247, %swap3A_248], %gather3A_242 {strides = array<i32>} : memref<2x4x8x128xf32, #tpu.memory_space<vmem>>, vector<16xf32>,
      %add3A_250 = arith.constant 8 : i32
      %add3A_251 = vector.broadcast %add3A_250 : i32 to vector<16xi32>
      %add3A_252 = arith.addi %mul3A_131, %add3A_251 : vector<16xi32>
      %gather3A_253 = arith.constant 0 : i32
      %gather3A_254 = arith.constant 0 : i32
      %gather3A_255 = tpu.memref_slice %arg8[%rem3A_103, %gather3A_253, %gather3A_254] : memref<4x128x128xf32, #tpu.memory_space<vmem>> -> memref<1x128x128xf32, #tpu.memory_space<vmem>>
      %gather3A_256 = tpu.memref_squeeze %gather3A_255 : memref<1x128x128xf32, #tpu.memory_space<vmem>> -> memref<128x128xf32, #tpu.memory_space<vmem>>
      %gather3A_257 = tpu.vector_load_idx %gather3A_256[%add3A_126, %add3A_252] : memref<128x128xf32, #tpu.memory_space<vmem>>[vector<16xi32>, vector<16xi32>], vector<16xf32>,
      %swap3A_258 = arith.constant 1 : i32
      %swap3A_259 = arith.constant 0 : i32
      %swap3A_260 = arith.index_cast %rem3A_105 : i32 to index
      %swap3A_261 = arith.index_cast %swap3A_258 : i32 to index
      %swap3A_262 = arith.index_cast %swap3A_259 : i32 to index
      %swap3A_263 = arith.constant 0 : index
      %swap3A_264 = tpu.vector_load %arg9[%swap3A_260, %swap3A_261, %swap3A_262, %swap3A_263] {strides = array<i32>} : memref<2x4x8x128xf32, #tpu.memory_space<vmem>>, vector<16xf32>,
      tpu.vector_store %arg9[%swap3A_260, %swap3A_261, %swap3A_262, %swap3A_263], %gather3A_257 {strides = array<i32>} : memref<2x4x8x128xf32, #tpu.memory_space<vmem>>, vector<16xf32>,
      %add3A_265 = arith.constant 9 : i32
      %add3A_266 = vector.broadcast %add3A_265 : i32 to vector<16xi32>
      %add3A_267 = arith.addi %mul3A_131, %add3A_266 : vector<16xi32>
      %gather3A_268 = arith.constant 0 : i32
      %gather3A_269 = arith.constant 0 : i32
      %gather3A_270 = tpu.memref_slice %arg8[%rem3A_103, %gather3A_268, %gather3A_269] : memref<4x128x128xf32, #tpu.memory_space<vmem>> -> memref<1x128x128xf32, #tpu.memory_space<vmem>>
      %gather3A_271 = tpu.memref_squeeze %gather3A_270 : memref<1x128x128xf32, #tpu.memory_space<vmem>> -> memref<128x128xf32, #tpu.memory_space<vmem>>
      %gather3A_272 = tpu.vector_load_idx %gather3A_271[%add3A_126, %add3A_267] : memref<128x128xf32, #tpu.memory_space<vmem>>[vector<16xi32>, vector<16xi32>], vector<16xf32>,
      %swap3A_273 = arith.constant 1 : i32
      %swap3A_274 = arith.constant 1 : i32
      %swap3A_275 = arith.index_cast %rem3A_105 : i32 to index
      %swap3A_276 = arith.index_cast %swap3A_273 : i32 to index
      %swap3A_277 = arith.index_cast %swap3A_274 : i32 to index
      %swap3A_278 = arith.constant 0 : index
      %swap3A_279 = tpu.vector_load %arg9[%swap3A_275, %swap3A_276, %swap3A_277, %swap3A_278] {strides = array<i32>} : memref<2x4x8x128xf32, #tpu.memory_space<vmem>>, vector<16xf32>,
      tpu.vector_store %arg9[%swap3A_275, %swap3A_276, %swap3A_277, %swap3A_278], %gather3A_272 {strides = array<i32>} : memref<2x4x8x128xf32, #tpu.memory_space<vmem>>, vector<16xf32>,
      %add3A_280 = arith.constant 10 : i32
      %add3A_281 = vector.broadcast %add3A_280 : i32 to vector<16xi32>
      %add3A_282 = arith.addi %mul3A_131, %add3A_281 : vector<16xi32>
      %gather3A_283 = arith.constant 0 : i32
      %gather3A_284 = arith.constant 0 : i32
      %gather3A_285 = tpu.memref_slice %arg8[%rem3A_103, %gather3A_283, %gather3A_284] : memref<4x128x128xf32, #tpu.memory_space<vmem>> -> memref<1x128x128xf32, #tpu.memory_space<vmem>>
      %gather3A_286 = tpu.memref_squeeze %gather3A_285 : memref<1x128x128xf32, #tpu.memory_space<vmem>> -> memref<128x128xf32, #tpu.memory_space<vmem>>
      %gather3A_287 = tpu.vector_load_idx %gather3A_286[%add3A_126, %add3A_282] : memref<128x128xf32, #tpu.memory_space<vmem>>[vector<16xi32>, vector<16xi32>], vector<16xf32>,
      %swap3A_288 = arith.constant 1 : i32
      %swap3A_289 = arith.constant 2 : i32
      %swap3A_290 = arith.index_cast %rem3A_105 : i32 to index
      %swap3A_291 = arith.index_cast %swap3A_288 : i32 to index
      %swap3A_292 = arith.index_cast %swap3A_289 : i32 to index
      %swap3A_293 = arith.constant 0 : index
      %swap3A_294 = tpu.vector_load %arg9[%swap3A_290, %swap3A_291, %swap3A_292, %swap3A_293] {strides = array<i32>} : memref<2x4x8x128xf32, #tpu.memory_space<vmem>>, vector<16xf32>,
      tpu.vector_store %arg9[%swap3A_290, %swap3A_291, %swap3A_292, %swap3A_293], %gather3A_287 {strides = array<i32>} : memref<2x4x8x128xf32, #tpu.memory_space<vmem>>, vector<16xf32>,
      %add3A_295 = arith.constant 11 : i32
      %add3A_296 = vector.broadcast %add3A_295 : i32 to vector<16xi32>
      %add3A_297 = arith.addi %mul3A_131, %add3A_296 : vector<16xi32>
      %gather3A_298 = arith.constant 0 : i32
      %gather3A_299 = arith.constant 0 : i32
      %gather3A_300 = tpu.memref_slice %arg8[%rem3A_103, %gather3A_298, %gather3A_299] : memref<4x128x128xf32, #tpu.memory_space<vmem>> -> memref<1x128x128xf32, #tpu.memory_space<vmem>>
      %gather3A_301 = tpu.memref_squeeze %gather3A_300 : memref<1x128x128xf32, #tpu.memory_space<vmem>> -> memref<128x128xf32, #tpu.memory_space<vmem>>
      %gather3A_302 = tpu.vector_load_idx %gather3A_301[%add3A_126, %add3A_297] : memref<128x128xf32, #tpu.memory_space<vmem>>[vector<16xi32>, vector<16xi32>], vector<16xf32>,
      %swap3A_303 = arith.constant 1 : i32
      %swap3A_304 = arith.constant 3 : i32
      %swap3A_305 = arith.index_cast %rem3A_105 : i32 to index
      %swap3A_306 = arith.index_cast %swap3A_303 : i32 to index
      %swap3A_307 = arith.index_cast %swap3A_304 : i32 to index
      %swap3A_308 = arith.constant 0 : index
      %swap3A_309 = tpu.vector_load %arg9[%swap3A_305, %swap3A_306, %swap3A_307, %swap3A_308] {strides = array<i32>} : memref<2x4x8x128xf32, #tpu.memory_space<vmem>>, vector<16xf32>,
      tpu.vector_store %arg9[%swap3A_305, %swap3A_306, %swap3A_307, %swap3A_308], %gather3A_302 {strides = array<i32>} : memref<2x4x8x128xf32, #tpu.memory_space<vmem>>, vector<16xf32>,
      %add3A_310 = arith.constant 12 : i32
      %add3A_311 = vector.broadcast %add3A_310 : i32 to vector<16xi32>
      %add3A_312 = arith.addi %mul3A_131, %add3A_311 : vector<16xi32>
      %gather3A_313 = arith.constant 0 : i32
      %gather3A_314 = arith.constant 0 : i32
      %gather3A_315 = tpu.memref_slice %arg8[%rem3A_103, %gather3A_313, %gather3A_314] : memref<4x128x128xf32, #tpu.memory_space<vmem>> -> memref<1x128x128xf32, #tpu.memory_space<vmem>>
      %gather3A_316 = tpu.memref_squeeze %gather3A_315 : memref<1x128x128xf32, #tpu.memory_space<vmem>> -> memref<128x128xf32, #tpu.memory_space<vmem>>
      %gather3A_317 = tpu.vector_load_idx %gather3A_316[%add3A_126, %add3A_312] : memref<128x128xf32, #tpu.memory_space<vmem>>[vector<16xi32>, vector<16xi32>], vector<16xf32>,
      %swap3A_318 = arith.constant 1 : i32
      %swap3A_319 = arith.constant 4 : i32
      %swap3A_320 = arith.index_cast %rem3A_105 : i32 to index
      %swap3A_321 = arith.index_cast %swap3A_318 : i32 to index
      %swap3A_322 = arith.index_cast %swap3A_319 : i32 to index
      %swap3A_323 = arith.constant 0 : index
      %swap3A_324 = tpu.vector_load %arg9[%swap3A_320, %swap3A_321, %swap3A_322, %swap3A_323] {strides = array<i32>} : memref<2x4x8x128xf32, #tpu.memory_space<vmem>>, vector<16xf32>,
      tpu.vector_store %arg9[%swap3A_320, %swap3A_321, %swap3A_322, %swap3A_323], %gather3A_317 {strides = array<i32>} : memref<2x4x8x128xf32, #tpu.memory_space<vmem>>, vector<16xf32>,
      %add3A_325 = arith.constant 13 : i32
      %add3A_326 = vector.broadcast %add3A_325 : i32 to vector<16xi32>
      %add3A_327 = arith.addi %mul3A_131, %add3A_326 : vector<16xi32>
      %gather3A_328 = arith.constant 0 : i32
      %gather3A_329 = arith.constant 0 : i32
      %gather3A_330 = tpu.memref_slice %arg8[%rem3A_103, %gather3A_328, %gather3A_329] : memref<4x128x128xf32, #tpu.memory_space<vmem>> -> memref<1x128x128xf32, #tpu.memory_space<vmem>>
      %gather3A_331 = tpu.memref_squeeze %gather3A_330 : memref<1x128x128xf32, #tpu.memory_space<vmem>> -> memref<128x128xf32, #tpu.memory_space<vmem>>
      %gather3A_332 = tpu.vector_load_idx %gather3A_331[%add3A_126, %add3A_327] : memref<128x128xf32, #tpu.memory_space<vmem>>[vector<16xi32>, vector<16xi32>], vector<16xf32>,
      %swap3A_333 = arith.constant 1 : i32
      %swap3A_334 = arith.constant 5 : i32
      %swap3A_335 = arith.index_cast %rem3A_105 : i32 to index
      %swap3A_336 = arith.index_cast %swap3A_333 : i32 to index
      %swap3A_337 = arith.index_cast %swap3A_334 : i32 to index
      %swap3A_338 = arith.constant 0 : index
      %swap3A_339 = tpu.vector_load %arg9[%swap3A_335, %swap3A_336, %swap3A_337, %swap3A_338] {strides = array<i32>} : memref<2x4x8x128xf32, #tpu.memory_space<vmem>>, vector<16xf32>,
      tpu.vector_store %arg9[%swap3A_335, %swap3A_336, %swap3A_337, %swap3A_338], %gather3A_332 {strides = array<i32>} : memref<2x4x8x128xf32, #tpu.memory_space<vmem>>, vector<16xf32>,
      %add3A_340 = arith.constant 14 : i32
      %add3A_341 = vector.broadcast %add3A_340 : i32 to vector<16xi32>
      %add3A_342 = arith.addi %mul3A_131, %add3A_341 : vector<16xi32>
      %gather3A_343 = arith.constant 0 : i32
      %gather3A_344 = arith.constant 0 : i32
      %gather3A_345 = tpu.memref_slice %arg8[%rem3A_103, %gather3A_343, %gather3A_344] : memref<4x128x128xf32, #tpu.memory_space<vmem>> -> memref<1x128x128xf32, #tpu.memory_space<vmem>>
      %gather3A_346 = tpu.memref_squeeze %gather3A_345 : memref<1x128x128xf32, #tpu.memory_space<vmem>> -> memref<128x128xf32, #tpu.memory_space<vmem>>
      %gather3A_347 = tpu.vector_load_idx %gather3A_346[%add3A_126, %add3A_342] : memref<128x128xf32, #tpu.memory_space<vmem>>[vector<16xi32>, vector<16xi32>], vector<16xf32>,
      %swap3A_348 = arith.constant 1 : i32
      %swap3A_349 = arith.constant 6 : i32
      %swap3A_350 = arith.index_cast %rem3A_105 : i32 to index
      %swap3A_351 = arith.index_cast %swap3A_348 : i32 to index
      %swap3A_352 = arith.index_cast %swap3A_349 : i32 to index
      %swap3A_353 = arith.constant 0 : index
      %swap3A_354 = tpu.vector_load %arg9[%swap3A_350, %swap3A_351, %swap3A_352, %swap3A_353] {strides = array<i32>} : memref<2x4x8x128xf32, #tpu.memory_space<vmem>>, vector<16xf32>,
      tpu.vector_store %arg9[%swap3A_350, %swap3A_351, %swap3A_352, %swap3A_353], %gather3A_347 {strides = array<i32>} : memref<2x4x8x128xf32, #tpu.memory_space<vmem>>, vector<16xf32>,
      %add3A_355 = arith.constant 15 : i32
      %add3A_356 = vector.broadcast %add3A_355 : i32 to vector<16xi32>
      %add3A_357 = arith.addi %mul3A_131, %add3A_356 : vector<16xi32>
      %gather3A_358 = arith.constant 0 : i32
      %gather3A_359 = arith.constant 0 : i32
      %gather3A_360 = tpu.memref_slice %arg8[%rem3A_103, %gather3A_358, %gather3A_359] : memref<4x128x128xf32, #tpu.memory_space<vmem>> -> memref<1x128x128xf32, #tpu.memory_space<vmem>>
      %gather3A_361 = tpu.memref_squeeze %gather3A_360 : memref<1x128x128xf32, #tpu.memory_space<vmem>> -> memref<128x128xf32, #tpu.memory_space<vmem>>
      %gather3A_362 = tpu.vector_load_idx %gather3A_361[%add3A_126, %add3A_357] : memref<128x128xf32, #tpu.memory_space<vmem>>[vector<16xi32>, vector<16xi32>], vector<16xf32>,
      %swap3A_363 = arith.constant 1 : i32
      %swap3A_364 = arith.constant 7 : i32
      %swap3A_365 = arith.index_cast %rem3A_105 : i32 to index
      %swap3A_366 = arith.index_cast %swap3A_363 : i32 to index
      %swap3A_367 = arith.index_cast %swap3A_364 : i32 to index
      %swap3A_368 = arith.constant 0 : index
      %swap3A_369 = tpu.vector_load %arg9[%swap3A_365, %swap3A_366, %swap3A_367, %swap3A_368] {strides = array<i32>} : memref<2x4x8x128xf32, #tpu.memory_space<vmem>>, vector<16xf32>,
      tpu.vector_store %arg9[%swap3A_365, %swap3A_366, %swap3A_367, %swap3A_368], %gather3A_362 {strides = array<i32>} : memref<2x4x8x128xf32, #tpu.memory_space<vmem>>, vector<16xf32>,
      %add3A_370 = arith.constant 16 : i32
      %add3A_371 = vector.broadcast %add3A_370 : i32 to vector<16xi32>
      %add3A_372 = arith.addi %mul3A_131, %add3A_371 : vector<16xi32>
      %gather3A_373 = arith.constant 0 : i32
      %gather3A_374 = arith.constant 0 : i32
      %gather3A_375 = tpu.memref_slice %arg8[%rem3A_103, %gather3A_373, %gather3A_374] : memref<4x128x128xf32, #tpu.memory_space<vmem>> -> memref<1x128x128xf32, #tpu.memory_space<vmem>>
      %gather3A_376 = tpu.memref_squeeze %gather3A_375 : memref<1x128x128xf32, #tpu.memory_space<vmem>> -> memref<128x128xf32, #tpu.memory_space<vmem>>
      %gather3A_377 = tpu.vector_load_idx %gather3A_376[%add3A_126, %add3A_372] : memref<128x128xf32, #tpu.memory_space<vmem>>[vector<16xi32>, vector<16xi32>], vector<16xf32>,
      %swap3A_378 = arith.constant 2 : i32
      %swap3A_379 = arith.constant 0 : i32
      %swap3A_380 = arith.index_cast %rem3A_105 : i32 to index
      %swap3A_381 = arith.index_cast %swap3A_378 : i32 to index
      %swap3A_382 = arith.index_cast %swap3A_379 : i32 to index
      %swap3A_383 = arith.constant 0 : index
      %swap3A_384 = tpu.vector_load %arg9[%swap3A_380, %swap3A_381, %swap3A_382, %swap3A_383] {strides = array<i32>} : memref<2x4x8x128xf32, #tpu.memory_space<vmem>>, vector<16xf32>,
      tpu.vector_store %arg9[%swap3A_380, %swap3A_381, %swap3A_382, %swap3A_383], %gather3A_377 {strides = array<i32>} : memref<2x4x8x128xf32, #tpu.memory_space<vmem>>, vector<16xf32>,
      %add3A_385 = arith.constant 17 : i32
      %add3A_386 = vector.broadcast %add3A_385 : i32 to vector<16xi32>
      %add3A_387 = arith.addi %mul3A_131, %add3A_386 : vector<16xi32>
      %gather3A_388 = arith.constant 0 : i32
      %gather3A_389 = arith.constant 0 : i32
      %gather3A_390 = tpu.memref_slice %arg8[%rem3A_103, %gather3A_388, %gather3A_389] : memref<4x128x128xf32, #tpu.memory_space<vmem>> -> memref<1x128x128xf32, #tpu.memory_space<vmem>>
      %gather3A_391 = tpu.memref_squeeze %gather3A_390 : memref<1x128x128xf32, #tpu.memory_space<vmem>> -> memref<128x128xf32, #tpu.memory_space<vmem>>
      %gather3A_392 = tpu.vector_load_idx %gather3A_391[%add3A_126, %add3A_387] : memref<128x128xf32, #tpu.memory_space<vmem>>[vector<16xi32>, vector<16xi32>], vector<16xf32>,
      %swap3A_393 = arith.constant 2 : i32
      %swap3A_394 = arith.constant 1 : i32
      %swap3A_395 = arith.index_cast %rem3A_105 : i32 to index
      %swap3A_396 = arith.index_cast %swap3A_393 : i32 to index
      %swap3A_397 = arith.index_cast %swap3A_394 : i32 to index
      %swap3A_398 = arith.constant 0 : index
      %swap3A_399 = tpu.vector_load %arg9[%swap3A_395, %swap3A_396, %swap3A_397, %swap3A_398] {strides = array<i32>} : memref<2x4x8x128xf32, #tpu.memory_space<vmem>>, vector<16xf32>,
      tpu.vector_store %arg9[%swap3A_395, %swap3A_396, %swap3A_397, %swap3A_398], %gather3A_392 {strides = array<i32>} : memref<2x4x8x128xf32, #tpu.memory_space<vmem>>, vector<16xf32>,
      %add3A_400 = arith.constant 18 : i32
      %add3A_401 = vector.broadcast %add3A_400 : i32 to vector<16xi32>
      %add3A_402 = arith.addi %mul3A_131, %add3A_401 : vector<16xi32>
      %gather3A_403 = arith.constant 0 : i32
      %gather3A_404 = arith.constant 0 : i32
      %gather3A_405 = tpu.memref_slice %arg8[%rem3A_103, %gather3A_403, %gather3A_404] : memref<4x128x128xf32, #tpu.memory_space<vmem>> -> memref<1x128x128xf32, #tpu.memory_space<vmem>>
      %gather3A_406 = tpu.memref_squeeze %gather3A_405 : memref<1x128x128xf32, #tpu.memory_space<vmem>> -> memref<128x128xf32, #tpu.memory_space<vmem>>
      %gather3A_407 = tpu.vector_load_idx %gather3A_406[%add3A_126, %add3A_402] : memref<128x128xf32, #tpu.memory_space<vmem>>[vector<16xi32>, vector<16xi32>], vector<16xf32>,
      %swap3A_408 = arith.constant 2 : i32
      %swap3A_409 = arith.constant 2 : i32
      %swap3A_410 = arith.index_cast %rem3A_105 : i32 to index
      %swap3A_411 = arith.index_cast %swap3A_408 : i32 to index
      %swap3A_412 = arith.index_cast %swap3A_409 : i32 to index
      %swap3A_413 = arith.constant 0 : index
      %swap3A_414 = tpu.vector_load %arg9[%swap3A_410, %swap3A_411, %swap3A_412, %swap3A_413] {strides = array<i32>} : memref<2x4x8x128xf32, #tpu.memory_space<vmem>>, vector<16xf32>,
      tpu.vector_store %arg9[%swap3A_410, %swap3A_411, %swap3A_412, %swap3A_413], %gather3A_407 {strides = array<i32>} : memref<2x4x8x128xf32, #tpu.memory_space<vmem>>, vector<16xf32>,
      %add3A_415 = arith.constant 19 : i32
      %add3A_416 = vector.broadcast %add3A_415 : i32 to vector<16xi32>
      %add3A_417 = arith.addi %mul3A_131, %add3A_416 : vector<16xi32>
      %gather3A_418 = arith.constant 0 : i32
      %gather3A_419 = arith.constant 0 : i32
      %gather3A_420 = tpu.memref_slice %arg8[%rem3A_103, %gather3A_418, %gather3A_419] : memref<4x128x128xf32, #tpu.memory_space<vmem>> -> memref<1x128x128xf32, #tpu.memory_space<vmem>>
      %gather3A_421 = tpu.memref_squeeze %gather3A_420 : memref<1x128x128xf32, #tpu.memory_space<vmem>> -> memref<128x128xf32, #tpu.memory_space<vmem>>
      %gather3A_422 = tpu.vector_load_idx %gather3A_421[%add3A_126, %add3A_417] : memref<128x128xf32, #tpu.memory_space<vmem>>[vector<16xi32>, vector<16xi32>], vector<16xf32>,
      %swap3A_423 = arith.constant 2 : i32
      %swap3A_424 = arith.constant 3 : i32
      %swap3A_425 = arith.index_cast %rem3A_105 : i32 to index
      %swap3A_426 = arith.index_cast %swap3A_423 : i32 to index
      %swap3A_427 = arith.index_cast %swap3A_424 : i32 to index
      %swap3A_428 = arith.constant 0 : index
      %swap3A_429 = tpu.vector_load %arg9[%swap3A_425, %swap3A_426, %swap3A_427, %swap3A_428] {strides = array<i32>} : memref<2x4x8x128xf32, #tpu.memory_space<vmem>>, vector<16xf32>,
      tpu.vector_store %arg9[%swap3A_425, %swap3A_426, %swap3A_427, %swap3A_428], %gather3A_422 {strides = array<i32>} : memref<2x4x8x128xf32, #tpu.memory_space<vmem>>, vector<16xf32>,
      %add3A_430 = arith.constant 20 : i32
      %add3A_431 = vector.broadcast %add3A_430 : i32 to vector<16xi32>
      %add3A_432 = arith.addi %mul3A_131, %add3A_431 : vector<16xi32>
      %gather3A_433 = arith.constant 0 : i32
      %gather3A_434 = arith.constant 0 : i32
      %gather3A_435 = tpu.memref_slice %arg8[%rem3A_103, %gather3A_433, %gather3A_434] : memref<4x128x128xf32, #tpu.memory_space<vmem>> -> memref<1x128x128xf32, #tpu.memory_space<vmem>>
      %gather3A_436 = tpu.memref_squeeze %gather3A_435 : memref<1x128x128xf32, #tpu.memory_space<vmem>> -> memref<128x128xf32, #tpu.memory_space<vmem>>
      %gather3A_437 = tpu.vector_load_idx %gather3A_436[%add3A_126, %add3A_432] : memref<128x128xf32, #tpu.memory_space<vmem>>[vector<16xi32>, vector<16xi32>], vector<16xf32>,
      %swap3A_438 = arith.constant 2 : i32
      %swap3A_439 = arith.constant 4 : i32
      %swap3A_440 = arith.index_cast %rem3A_105 : i32 to index
      %swap3A_441 = arith.index_cast %swap3A_438 : i32 to index
      %swap3A_442 = arith.index_cast %swap3A_439 : i32 to index
      %swap3A_443 = arith.constant 0 : index
      %swap3A_444 = tpu.vector_load %arg9[%swap3A_440, %swap3A_441, %swap3A_442, %swap3A_443] {strides = array<i32>} : memref<2x4x8x128xf32, #tpu.memory_space<vmem>>, vector<16xf32>,
      tpu.vector_store %arg9[%swap3A_440, %swap3A_441, %swap3A_442, %swap3A_443], %gather3A_437 {strides = array<i32>} : memref<2x4x8x128xf32, #tpu.memory_space<vmem>>, vector<16xf32>,
      %add3A_445 = arith.constant 21 : i32
      %add3A_446 = vector.broadcast %add3A_445 : i32 to vector<16xi32>
      %add3A_447 = arith.addi %mul3A_131, %add3A_446 : vector<16xi32>
      %gather3A_448 = arith.constant 0 : i32
      %gather3A_449 = arith.constant 0 : i32
      %gather3A_450 = tpu.memref_slice %arg8[%rem3A_103, %gather3A_448, %gather3A_449] : memref<4x128x128xf32, #tpu.memory_space<vmem>> -> memref<1x128x128xf32, #tpu.memory_space<vmem>>
      %gather3A_451 = tpu.memref_squeeze %gather3A_450 : memref<1x128x128xf32, #tpu.memory_space<vmem>> -> memref<128x128xf32, #tpu.memory_space<vmem>>
      %gather3A_452 = tpu.vector_load_idx %gather3A_451[%add3A_126, %add3A_447] : memref<128x128xf32, #tpu.memory_space<vmem>>[vector<16xi32>, vector<16xi32>], vector<16xf32>,
      %swap3A_453 = arith.constant 2 : i32
      %swap3A_454 = arith.constant 5 : i32
      %swap3A_455 = arith.index_cast %rem3A_105 : i32 to index
      %swap3A_456 = arith.index_cast %swap3A_453 : i32 to index
      %swap3A_457 = arith.index_cast %swap3A_454 : i32 to index
      %swap3A_458 = arith.constant 0 : index
      %swap3A_459 = tpu.vector_load %arg9[%swap3A_455, %swap3A_456, %swap3A_457, %swap3A_458] {strides = array<i32>} : memref<2x4x8x128xf32, #tpu.memory_space<vmem>>, vector<16xf32>,
      tpu.vector_store %arg9[%swap3A_455, %swap3A_456, %swap3A_457, %swap3A_458], %gather3A_452 {strides = array<i32>} : memref<2x4x8x128xf32, #tpu.memory_space<vmem>>, vector<16xf32>,
      %add3A_460 = arith.constant 22 : i32
      %add3A_461 = vector.broadcast %add3A_460 : i32 to vector<16xi32>
      %add3A_462 = arith.addi %mul3A_131, %add3A_461 : vector<16xi32>
      %gather3A_463 = arith.constant 0 : i32
      %gather3A_464 = arith.constant 0 : i32
      %gather3A_465 = tpu.memref_slice %arg8[%rem3A_103, %gather3A_463, %gather3A_464] : memref<4x128x128xf32, #tpu.memory_space<vmem>> -> memref<1x128x128xf32, #tpu.memory_space<vmem>>
      %gather3A_466 = tpu.memref_squeeze %gather3A_465 : memref<1x128x128xf32, #tpu.memory_space<vmem>> -> memref<128x128xf32, #tpu.memory_space<vmem>>
      %gather3A_467 = tpu.vector_load_idx %gather3A_466[%add3A_126, %add3A_462] : memref<128x128xf32, #tpu.memory_space<vmem>>[vector<16xi32>, vector<16xi32>], vector<16xf32>,
      %swap3A_468 = arith.constant 2 : i32
      %swap3A_469 = arith.constant 6 : i32
      %swap3A_470 = arith.index_cast %rem3A_105 : i32 to index
      %swap3A_471 = arith.index_cast %swap3A_468 : i32 to index
      %swap3A_472 = arith.index_cast %swap3A_469 : i32 to index
      %swap3A_473 = arith.constant 0 : index
      %swap3A_474 = tpu.vector_load %arg9[%swap3A_470, %swap3A_471, %swap3A_472, %swap3A_473] {strides = array<i32>} : memref<2x4x8x128xf32, #tpu.memory_space<vmem>>, vector<16xf32>,
      tpu.vector_store %arg9[%swap3A_470, %swap3A_471, %swap3A_472, %swap3A_473], %gather3A_467 {strides = array<i32>} : memref<2x4x8x128xf32, #tpu.memory_space<vmem>>, vector<16xf32>,
      %add3A_475 = arith.constant 23 : i32
      %add3A_476 = vector.broadcast %add3A_475 : i32 to vector<16xi32>
      %add3A_477 = arith.addi %mul3A_131, %add3A_476 : vector<16xi32>
      %gather3A_478 = arith.constant 0 : i32
      %gather3A_479 = arith.constant 0 : i32
      %gather3A_480 = tpu.memref_slice %arg8[%rem3A_103, %gather3A_478, %gather3A_479] : memref<4x128x128xf32, #tpu.memory_space<vmem>> -> memref<1x128x128xf32, #tpu.memory_space<vmem>>
      %gather3A_481 = tpu.memref_squeeze %gather3A_480 : memref<1x128x128xf32, #tpu.memory_space<vmem>> -> memref<128x128xf32, #tpu.memory_space<vmem>>
      %gather3A_482 = tpu.vector_load_idx %gather3A_481[%add3A_126, %add3A_477] : memref<128x128xf32, #tpu.memory_space<vmem>>[vector<16xi32>, vector<16xi32>], vector<16xf32>,
      %swap3A_483 = arith.constant 2 : i32
      %swap3A_484 = arith.constant 7 : i32
      %swap3A_485 = arith.index_cast %rem3A_105 : i32 to index
      %swap3A_486 = arith.index_cast %swap3A_483 : i32 to index
      %swap3A_487 = arith.index_cast %swap3A_484 : i32 to index
      %swap3A_488 = arith.constant 0 : index
      %swap3A_489 = tpu.vector_load %arg9[%swap3A_485, %swap3A_486, %swap3A_487, %swap3A_488] {strides = array<i32>} : memref<2x4x8x128xf32, #tpu.memory_space<vmem>>, vector<16xf32>,
      tpu.vector_store %arg9[%swap3A_485, %swap3A_486, %swap3A_487, %swap3A_488], %gather3A_482 {strides = array<i32>} : memref<2x4x8x128xf32, #tpu.memory_space<vmem>>, vector<16xf32>,
      %add3A_490 = arith.constant 24 : i32
      %add3A_491 = vector.broadcast %add3A_490 : i32 to vector<16xi32>
      %add3A_492 = arith.addi %mul3A_131, %add3A_491 : vector<16xi32>
      %gather3A_493 = arith.constant 0 : i32
      %gather3A_494 = arith.constant 0 : i32
      %gather3A_495 = tpu.memref_slice %arg8[%rem3A_103, %gather3A_493, %gather3A_494] : memref<4x128x128xf32, #tpu.memory_space<vmem>> -> memref<1x128x128xf32, #tpu.memory_space<vmem>>
      %gather3A_496 = tpu.memref_squeeze %gather3A_495 : memref<1x128x128xf32, #tpu.memory_space<vmem>> -> memref<128x128xf32, #tpu.memory_space<vmem>>
      %gather3A_497 = tpu.vector_load_idx %gather3A_496[%add3A_126, %add3A_492] : memref<128x128xf32, #tpu.memory_space<vmem>>[vector<16xi32>, vector<16xi32>], vector<16xf32>,
      %swap3A_498 = arith.constant 3 : i32
      %swap3A_499 = arith.constant 0 : i32
      %swap3A_500 = arith.index_cast %rem3A_105 : i32 to index
      %swap3A_501 = arith.index_cast %swap3A_498 : i32 to index
      %swap3A_502 = arith.index_cast %swap3A_499 : i32 to index
      %swap3A_503 = arith.constant 0 : index
      %swap3A_504 = tpu.vector_load %arg9[%swap3A_500, %swap3A_501, %swap3A_502, %swap3A_503] {strides = array<i32>} : memref<2x4x8x128xf32, #tpu.memory_space<vmem>>, vector<16xf32>,
      tpu.vector_store %arg9[%swap3A_500, %swap3A_501, %swap3A_502, %swap3A_503], %gather3A_497 {strides = array<i32>} : memref<2x4x8x128xf32, #tpu.memory_space<vmem>>, vector<16xf32>,
      %add3A_505 = arith.constant 25 : i32
      %add3A_506 = vector.broadcast %add3A_505 : i32 to vector<16xi32>
      %add3A_507 = arith.addi %mul3A_131, %add3A_506 : vector<16xi32>
      %gather3A_508 = arith.constant 0 : i32
      %gather3A_509 = arith.constant 0 : i32
      %gather3A_510 = tpu.memref_slice %arg8[%rem3A_103, %gather3A_508, %gather3A_509] : memref<4x128x128xf32, #tpu.memory_space<vmem>> -> memref<1x128x128xf32, #tpu.memory_space<vmem>>
      %gather3A_511 = tpu.memref_squeeze %gather3A_510 : memref<1x128x128xf32, #tpu.memory_space<vmem>> -> memref<128x128xf32, #tpu.memory_space<vmem>>
      %gather3A_512 = tpu.vector_load_idx %gather3A_511[%add3A_126, %add3A_507] : memref<128x128xf32, #tpu.memory_space<vmem>>[vector<16xi32>, vector<16xi32>], vector<16xf32>,
      %swap3A_513 = arith.constant 3 : i32
      %swap3A_514 = arith.constant 1 : i32
      %swap3A_515 = arith.index_cast %rem3A_105 : i32 to index
      %swap3A_516 = arith.index_cast %swap3A_513 : i32 to index
      %swap3A_517 = arith.index_cast %swap3A_514 : i32 to index
      %swap3A_518 = arith.constant 0 : index
      %swap3A_519 = tpu.vector_load %arg9[%swap3A_515, %swap3A_516, %swap3A_517, %swap3A_518] {strides = array<i32>} : memref<2x4x8x128xf32, #tpu.memory_space<vmem>>, vector<16xf32>,
      tpu.vector_store %arg9[%swap3A_515, %swap3A_516, %swap3A_517, %swap3A_518], %gather3A_512 {strides = array<i32>} : memref<2x4x8x128xf32, #tpu.memory_space<vmem>>, vector<16xf32>,
      %add3A_520 = arith.constant 26 : i32
      %add3A_521 = vector.broadcast %add3A_520 : i32 to vector<16xi32>
      %add3A_522 = arith.addi %mul3A_131, %add3A_521 : vector<16xi32>
      %gather3A_523 = arith.constant 0 : i32
      %gather3A_524 = arith.constant 0 : i32
      %gather3A_525 = tpu.memref_slice %arg8[%rem3A_103, %gather3A_523, %gather3A_524] : memref<4x128x128xf32, #tpu.memory_space<vmem>> -> memref<1x128x128xf32, #tpu.memory_space<vmem>>
      %gather3A_526 = tpu.memref_squeeze %gather3A_525 : memref<1x128x128xf32, #tpu.memory_space<vmem>> -> memref<128x128xf32, #tpu.memory_space<vmem>>
      %gather3A_527 = tpu.vector_load_idx %gather3A_526[%add3A_126, %add3A_522] : memref<128x128xf32, #tpu.memory_space<vmem>>[vector<16xi32>, vector<16xi32>], vector<16xf32>,
      %swap3A_528 = arith.constant 3 : i32
      %swap3A_529 = arith.constant 2 : i32
      %swap3A_530 = arith.index_cast %rem3A_105 : i32 to index
      %swap3A_531 = arith.index_cast %swap3A_528 : i32 to index
      %swap3A_532 = arith.index_cast %swap3A_529 : i32 to index
      %swap3A_533 = arith.constant 0 : index
      %swap3A_534 = tpu.vector_load %arg9[%swap3A_530, %swap3A_531, %swap3A_532, %swap3A_533] {strides = array<i32>} : memref<2x4x8x128xf32, #tpu.memory_space<vmem>>, vector<16xf32>,
      tpu.vector_store %arg9[%swap3A_530, %swap3A_531, %swap3A_532, %swap3A_533], %gather3A_527 {strides = array<i32>} : memref<2x4x8x128xf32, #tpu.memory_space<vmem>>, vector<16xf32>,
      %add3A_535 = arith.constant 27 : i32
      %add3A_536 = vector.broadcast %add3A_535 : i32 to vector<16xi32>
      %add3A_537 = arith.addi %mul3A_131, %add3A_536 : vector<16xi32>
      %gather3A_538 = arith.constant 0 : i32
      %gather3A_539 = arith.constant 0 : i32
      %gather3A_540 = tpu.memref_slice %arg8[%rem3A_103, %gather3A_538, %gather3A_539] : memref<4x128x128xf32, #tpu.memory_space<vmem>> -> memref<1x128x128xf32, #tpu.memory_space<vmem>>
      %gather3A_541 = tpu.memref_squeeze %gather3A_540 : memref<1x128x128xf32, #tpu.memory_space<vmem>> -> memref<128x128xf32, #tpu.memory_space<vmem>>
      %gather3A_542 = tpu.vector_load_idx %gather3A_541[%add3A_126, %add3A_537] : memref<128x128xf32, #tpu.memory_space<vmem>>[vector<16xi32>, vector<16xi32>], vector<16xf32>,
      %swap3A_543 = arith.constant 3 : i32
      %swap3A_544 = arith.constant 3 : i32
      %swap3A_545 = arith.index_cast %rem3A_105 : i32 to index
      %swap3A_546 = arith.index_cast %swap3A_543 : i32 to index
      %swap3A_547 = arith.index_cast %swap3A_544 : i32 to index
      %swap3A_548 = arith.constant 0 : index
      %swap3A_549 = tpu.vector_load %arg9[%swap3A_545, %swap3A_546, %swap3A_547, %swap3A_548] {strides = array<i32>} : memref<2x4x8x128xf32, #tpu.memory_space<vmem>>, vector<16xf32>,
      tpu.vector_store %arg9[%swap3A_545, %swap3A_546, %swap3A_547, %swap3A_548], %gather3A_542 {strides = array<i32>} : memref<2x4x8x128xf32, #tpu.memory_space<vmem>>, vector<16xf32>,
      %add3A_550 = arith.constant 28 : i32
      %add3A_551 = vector.broadcast %add3A_550 : i32 to vector<16xi32>
      %add3A_552 = arith.addi %mul3A_131, %add3A_551 : vector<16xi32>
      %gather3A_553 = arith.constant 0 : i32
      %gather3A_554 = arith.constant 0 : i32
      %gather3A_555 = tpu.memref_slice %arg8[%rem3A_103, %gather3A_553, %gather3A_554] : memref<4x128x128xf32, #tpu.memory_space<vmem>> -> memref<1x128x128xf32, #tpu.memory_space<vmem>>
      %gather3A_556 = tpu.memref_squeeze %gather3A_555 : memref<1x128x128xf32, #tpu.memory_space<vmem>> -> memref<128x128xf32, #tpu.memory_space<vmem>>
      %gather3A_557 = tpu.vector_load_idx %gather3A_556[%add3A_126, %add3A_552] : memref<128x128xf32, #tpu.memory_space<vmem>>[vector<16xi32>, vector<16xi32>], vector<16xf32>,
      %swap3A_558 = arith.constant 3 : i32
      %swap3A_559 = arith.constant 4 : i32
      %swap3A_560 = arith.index_cast %rem3A_105 : i32 to index
      %swap3A_561 = arith.index_cast %swap3A_558 : i32 to index
      %swap3A_562 = arith.index_cast %swap3A_559 : i32 to index
      %swap3A_563 = arith.constant 0 : index
      %swap3A_564 = tpu.vector_load %arg9[%swap3A_560, %swap3A_561, %swap3A_562, %swap3A_563] {strides = array<i32>} : memref<2x4x8x128xf32, #tpu.memory_space<vmem>>, vector<16xf32>,
      tpu.vector_store %arg9[%swap3A_560, %swap3A_561, %swap3A_562, %swap3A_563], %gather3A_557 {strides = array<i32>} : memref<2x4x8x128xf32, #tpu.memory_space<vmem>>, vector<16xf32>,
      %add3A_565 = arith.constant 29 : i32
      %add3A_566 = vector.broadcast %add3A_565 : i32 to vector<16xi32>
      %add3A_567 = arith.addi %mul3A_131, %add3A_566 : vector<16xi32>
      %gather3A_568 = arith.constant 0 : i32
      %gather3A_569 = arith.constant 0 : i32
      %gather3A_570 = tpu.memref_slice %arg8[%rem3A_103, %gather3A_568, %gather3A_569] : memref<4x128x128xf32, #tpu.memory_space<vmem>> -> memref<1x128x128xf32, #tpu.memory_space<vmem>>
      %gather3A_571 = tpu.memref_squeeze %gather3A_570 : memref<1x128x128xf32, #tpu.memory_space<vmem>> -> memref<128x128xf32, #tpu.memory_space<vmem>>
      %gather3A_572 = tpu.vector_load_idx %gather3A_571[%add3A_126, %add3A_567] : memref<128x128xf32, #tpu.memory_space<vmem>>[vector<16xi32>, vector<16xi32>], vector<16xf32>,
      %swap3A_573 = arith.constant 3 : i32
      %swap3A_574 = arith.constant 5 : i32
      %swap3A_575 = arith.index_cast %rem3A_105 : i32 to index
      %swap3A_576 = arith.index_cast %swap3A_573 : i32 to index
      %swap3A_577 = arith.index_cast %swap3A_574 : i32 to index
      %swap3A_578 = arith.constant 0 : index
      %swap3A_579 = tpu.vector_load %arg9[%swap3A_575, %swap3A_576, %swap3A_577, %swap3A_578] {strides = array<i32>} : memref<2x4x8x128xf32, #tpu.memory_space<vmem>>, vector<16xf32>,
      tpu.vector_store %arg9[%swap3A_575, %swap3A_576, %swap3A_577, %swap3A_578], %gather3A_572 {strides = array<i32>} : memref<2x4x8x128xf32, #tpu.memory_space<vmem>>, vector<16xf32>,
      %add3A_580 = arith.constant 30 : i32
      %add3A_581 = vector.broadcast %add3A_580 : i32 to vector<16xi32>
      %add3A_582 = arith.addi %mul3A_131, %add3A_581 : vector<16xi32>
      %gather3A_583 = arith.constant 0 : i32
      %gather3A_584 = arith.constant 0 : i32
      %gather3A_585 = tpu.memref_slice %arg8[%rem3A_103, %gather3A_583, %gather3A_584] : memref<4x128x128xf32, #tpu.memory_space<vmem>> -> memref<1x128x128xf32, #tpu.memory_space<vmem>>
      %gather3A_586 = tpu.memref_squeeze %gather3A_585 : memref<1x128x128xf32, #tpu.memory_space<vmem>> -> memref<128x128xf32, #tpu.memory_space<vmem>>
      %gather3A_587 = tpu.vector_load_idx %gather3A_586[%add3A_126, %add3A_582] : memref<128x128xf32, #tpu.memory_space<vmem>>[vector<16xi32>, vector<16xi32>], vector<16xf32>,
      %swap3A_588 = arith.constant 3 : i32
      %swap3A_589 = arith.constant 6 : i32
      %swap3A_590 = arith.index_cast %rem3A_105 : i32 to index
      %swap3A_591 = arith.index_cast %swap3A_588 : i32 to index
      %swap3A_592 = arith.index_cast %swap3A_589 : i32 to index
      %swap3A_593 = arith.constant 0 : index
      %swap3A_594 = tpu.vector_load %arg9[%swap3A_590, %swap3A_591, %swap3A_592, %swap3A_593] {strides = array<i32>} : memref<2x4x8x128xf32, #tpu.memory_space<vmem>>, vector<16xf32>,
      tpu.vector_store %arg9[%swap3A_590, %swap3A_591, %swap3A_592, %swap3A_593], %gather3A_587 {strides = array<i32>} : memref<2x4x8x128xf32, #tpu.memory_space<vmem>>, vector<16xf32>,
      %add3A_595 = arith.constant 31 : i32
      %add3A_596 = vector.broadcast %add3A_595 : i32 to vector<16xi32>
      %add3A_597 = arith.addi %mul3A_131, %add3A_596 : vector<16xi32>
      %gather3A_598 = arith.constant 0 : i32
      %gather3A_599 = arith.constant 0 : i32
      %gather3A_600 = tpu.memref_slice %arg8[%rem3A_103, %gather3A_598, %gather3A_599] : memref<4x128x128xf32, #tpu.memory_space<vmem>> -> memref<1x128x128xf32, #tpu.memory_space<vmem>>
      %gather3A_601 = tpu.memref_squeeze %gather3A_600 : memref<1x128x128xf32, #tpu.memory_space<vmem>> -> memref<128x128xf32, #tpu.memory_space<vmem>>
      %gather3A_602 = tpu.vector_load_idx %gather3A_601[%add3A_126, %add3A_597] : memref<128x128xf32, #tpu.memory_space<vmem>>[vector<16xi32>, vector<16xi32>], vector<16xf32>,
      %swap3A_603 = arith.constant 3 : i32
      %swap3A_604 = arith.constant 7 : i32
      %swap3A_605 = arith.index_cast %rem3A_105 : i32 to index
      %swap3A_606 = arith.index_cast %swap3A_603 : i32 to index
      %swap3A_607 = arith.index_cast %swap3A_604 : i32 to index
      %swap3A_608 = arith.constant 0 : index
      %swap3A_609 = tpu.vector_load %arg9[%swap3A_605, %swap3A_606, %swap3A_607, %swap3A_608] {strides = array<i32>} : memref<2x4x8x128xf32, #tpu.memory_space<vmem>>, vector<16xf32>,
      tpu.vector_store %arg9[%swap3A_605, %swap3A_606, %swap3A_607, %swap3A_608], %gather3A_602 {strides = array<i32>} : memref<2x4x8x128xf32, #tpu.memory_space<vmem>>, vector<16xf32>,
      %iota3A_610 = tpu.iota {dimensions = array<i32: 0>} : vector<16xi32>
      %add3A_611 = arith.constant 16 : i32
      %add3A_612 = vector.broadcast %add3A_611 : i32 to vector<16xi32>
      %add3A_613 = arith.addi %add3A_612, %iota3A_610 : vector<16xi32>
      %get3A_614 = arith.index_cast %scan3A_102 : i32 to index
      %get3A_615 = arith.constant 16 : index
      %get3A_616 = tpu.vector_load %arg7[%get3A_614, %get3A_615] {strides = array<i32>} : memref<200x128xi32, #tpu.memory_space<vmem>>, vector<16xi32>,
      %mul3A_617 = arith.constant 32 : i32
      %mul3A_618 = vector.broadcast %mul3A_617 : i32 to vector<16xi32>
      %mul3A_619 = arith.muli %get3A_616, %mul3A_618 : vector<16xi32>
      %add3A_620 = arith.constant 0 : i32
      %add3A_621 = vector.broadcast %add3A_620 : i32 to vector<16xi32>
      %add3A_622 = arith.addi %mul3A_619, %add3A_621 : vector<16xi32>
      %gather3A_623 = arith.constant 0 : i32
      %gather3A_624 = arith.constant 0 : i32
      %gather3A_625 = tpu.memref_slice %arg8[%rem3A_103, %gather3A_623, %gather3A_624] : memref<4x128x128xf32, #tpu.memory_space<vmem>> -> memref<1x128x128xf32, #tpu.memory_space<vmem>>
      %gather3A_626 = tpu.memref_squeeze %gather3A_625 : memref<1x128x128xf32, #tpu.memory_space<vmem>> -> memref<128x128xf32, #tpu.memory_space<vmem>>
      %gather3A_627 = tpu.vector_load_idx %gather3A_626[%add3A_613, %add3A_622] : memref<128x128xf32, #tpu.memory_space<vmem>>[vector<16xi32>, vector<16xi32>], vector<16xf32>,
      %swap3A_628 = arith.constant 0 : i32
      %swap3A_629 = arith.constant 0 : i32
      %swap3A_630 = arith.index_cast %rem3A_105 : i32 to index
      %swap3A_631 = arith.index_cast %swap3A_628 : i32 to index
      %swap3A_632 = arith.index_cast %swap3A_629 : i32 to index
      %swap3A_633 = arith.constant 16 : index
      %swap3A_634 = tpu.vector_load %arg9[%swap3A_630, %swap3A_631, %swap3A_632, %swap3A_633] {strides = array<i32>} : memref<2x4x8x128xf32, #tpu.memory_space<vmem>>, vector<16xf32>,
      tpu.vector_store %arg9[%swap3A_630, %swap3A_631, %swap3A_632, %swap3A_633], %gather3A_627 {strides = array<i32>} : memref<2x4x8x128xf32, #tpu.memory_space<vmem>>, vector<16xf32>,
      %add3A_635 = arith.constant 1 : i32
      %add3A_636 = vector.broadcast %add3A_635 : i32 to vector<16xi32>
      %add3A_637 = arith.addi %mul3A_619, %add3A_636 : vector<16xi32>
      %gather3A_638 = arith.constant 0 : i32
      %gather3A_639 = arith.constant 0 : i32
      %gather3A_640 = tpu.memref_slice %arg8[%rem3A_103, %gather3A_638, %gather3A_639] : memref<4x128x128xf32, #tpu.memory_space<vmem>> -> memref<1x128x128xf32, #tpu.memory_space<vmem>>
      %gather3A_641 = tpu.memref_squeeze %gather3A_640 : memref<1x128x128xf32, #tpu.memory_space<vmem>> -> memref<128x128xf32, #tpu.memory_space<vmem>>
      %gather3A_642 = tpu.vector_load_idx %gather3A_641[%add3A_613, %add3A_637] : memref<128x128xf32, #tpu.memory_space<vmem>>[vector<16xi32>, vector<16xi32>], vector<16xf32>,
      %swap3A_643 = arith.constant 0 : i32
      %swap3A_644 = arith.constant 1 : i32
      %swap3A_645 = arith.index_cast %rem3A_105 : i32 to index
      %swap3A_646 = arith.index_cast %swap3A_643 : i32 to index
      %swap3A_647 = arith.index_cast %swap3A_644 : i32 to index
      %swap3A_648 = arith.constant 16 : index
      %swap3A_649 = tpu.vector_load %arg9[%swap3A_645, %swap3A_646, %swap3A_647, %swap3A_648] {strides = array<i32>} : memref<2x4x8x128xf32, #tpu.memory_space<vmem>>, vector<16xf32>,
      tpu.vector_store %arg9[%swap3A_645, %swap3A_646, %swap3A_647, %swap3A_648], %gather3A_642 {strides = array<i32>} : memref<2x4x8x128xf32, #tpu.memory_space<vmem>>, vector<16xf32>,
      %add3A_650 = arith.constant 2 : i32
      %add3A_651 = vector.broadcast %add3A_650 : i32 to vector<16xi32>
      %add3A_652 = arith.addi %mul3A_619, %add3A_651 : vector<16xi32>
      %gather3A_653 = arith.constant 0 : i32
      %gather3A_654 = arith.constant 0 : i32
      %gather3A_655 = tpu.memref_slice %arg8[%rem3A_103, %gather3A_653, %gather3A_654] : memref<4x128x128xf32, #tpu.memory_space<vmem>> -> memref<1x128x128xf32, #tpu.memory_space<vmem>>
      %gather3A_656 = tpu.memref_squeeze %gather3A_655 : memref<1x128x128xf32, #tpu.memory_space<vmem>> -> memref<128x128xf32, #tpu.memory_space<vmem>>
      %gather3A_657 = tpu.vector_load_idx %gather3A_656[%add3A_613, %add3A_652] : memref<128x128xf32, #tpu.memory_space<vmem>>[vector<16xi32>, vector<16xi32>], vector<16xf32>,
      %swap3A_658 = arith.constant 0 : i32
      %swap3A_659 = arith.constant 2 : i32
      %swap3A_660 = arith.index_cast %rem3A_105 : i32 to index
      %swap3A_661 = arith.index_cast %swap3A_658 : i32 to index
      %swap3A_662 = arith.index_cast %swap3A_659 : i32 to index
      %swap3A_663 = arith.constant 16 : index
      %swap3A_664 = tpu.vector_load %arg9[%swap3A_660, %swap3A_661, %swap3A_662, %swap3A_663] {strides = array<i32>} : memref<2x4x8x128xf32, #tpu.memory_space<vmem>>, vector<16xf32>,
      tpu.vector_store %arg9[%swap3A_660, %swap3A_661, %swap3A_662, %swap3A_663], %gather3A_657 {strides = array<i32>} : memref<2x4x8x128xf32, #tpu.memory_space<vmem>>, vector<16xf32>,
      %add3A_665 = arith.constant 3 : i32
      %add3A_666 = vector.broadcast %add3A_665 : i32 to vector<16xi32>
      %add3A_667 = arith.addi %mul3A_619, %add3A_666 : vector<16xi32>
      %gather3A_668 = arith.constant 0 : i32
      %gather3A_669 = arith.constant 0 : i32
      %gather3A_670 = tpu.memref_slice %arg8[%rem3A_103, %gather3A_668, %gather3A_669] : memref<4x128x128xf32, #tpu.memory_space<vmem>> -> memref<1x128x128xf32, #tpu.memory_space<vmem>>
      %gather3A_671 = tpu.memref_squeeze %gather3A_670 : memref<1x128x128xf32, #tpu.memory_space<vmem>> -> memref<128x128xf32, #tpu.memory_space<vmem>>
      %gather3A_672 = tpu.vector_load_idx %gather3A_671[%add3A_613, %add3A_667] : memref<128x128xf32, #tpu.memory_space<vmem>>[vector<16xi32>, vector<16xi32>], vector<16xf32>,
      %swap3A_673 = arith.constant 0 : i32
      %swap3A_674 = arith.constant 3 : i32
      %swap3A_675 = arith.index_cast %rem3A_105 : i32 to index
      %swap3A_676 = arith.index_cast %swap3A_673 : i32 to index
      %swap3A_677 = arith.index_cast %swap3A_674 : i32 to index
      %swap3A_678 = arith.constant 16 : index
      %swap3A_679 = tpu.vector_load %arg9[%swap3A_675, %swap3A_676, %swap3A_677, %swap3A_678] {strides = array<i32>} : memref<2x4x8x128xf32, #tpu.memory_space<vmem>>, vector<16xf32>,
      tpu.vector_store %arg9[%swap3A_675, %swap3A_676, %swap3A_677, %swap3A_678], %gather3A_672 {strides = array<i32>} : memref<2x4x8x128xf32, #tpu.memory_space<vmem>>, vector<16xf32>,
      %add3A_680 = arith.constant 4 : i32
      %add3A_681 = vector.broadcast %add3A_680 : i32 to vector<16xi32>
      %add3A_682 = arith.addi %mul3A_619, %add3A_681 : vector<16xi32>
      %gather3A_683 = arith.constant 0 : i32
      %gather3A_684 = arith.constant 0 : i32
      %gather3A_685 = tpu.memref_slice %arg8[%rem3A_103, %gather3A_683, %gather3A_684] : memref<4x128x128xf32, #tpu.memory_space<vmem>> -> memref<1x128x128xf32, #tpu.memory_space<vmem>>
      %gather3A_686 = tpu.memref_squeeze %gather3A_685 : memref<1x128x128xf32, #tpu.memory_space<vmem>> -> memref<128x128xf32, #tpu.memory_space<vmem>>
      %gather3A_687 = tpu.vector_load_idx %gather3A_686[%add3A_613, %add3A_682] : memref<128x128xf32, #tpu.memory_space<vmem>>[vector<16xi32>, vector<16xi32>], vector<16xf32>,
      %swap3A_688 = arith.constant 0 : i32
      %swap3A_689 = arith.constant 4 : i32
      %swap3A_690 = arith.index_cast %rem3A_105 : i32 to index
      %swap3A_691 = arith.index_cast %swap3A_688 : i32 to index
      %swap3A_692 = arith.index_cast %swap3A_689 : i32 to index
      %swap3A_693 = arith.constant 16 : index
      %swap3A_694 = tpu.vector_load %arg9[%swap3A_690, %swap3A_691, %swap3A_692, %swap3A_693] {strides = array<i32>} : memref<2x4x8x128xf32, #tpu.memory_space<vmem>>, vector<16xf32>,
      tpu.vector_store %arg9[%swap3A_690, %swap3A_691, %swap3A_692, %swap3A_693], %gather3A_687 {strides = array<i32>} : memref<2x4x8x128xf32, #tpu.memory_space<vmem>>, vector<16xf32>,
      %add3A_695 = arith.constant 5 : i32
      %add3A_696 = vector.broadcast %add3A_695 : i32 to vector<16xi32>
      %add3A_697 = arith.addi %mul3A_619, %add3A_696 : vector<16xi32>
      %gather3A_698 = arith.constant 0 : i32
      %gather3A_699 = arith.constant 0 : i32
      %gather3A_700 = tpu.memref_slice %arg8[%rem3A_103, %gather3A_698, %gather3A_699] : memref<4x128x128xf32, #tpu.memory_space<vmem>> -> memref<1x128x128xf32, #tpu.memory_space<vmem>>
      %gather3A_701 = tpu.memref_squeeze %gather3A_700 : memref<1x128x128xf32, #tpu.memory_space<vmem>> -> memref<128x128xf32, #tpu.memory_space<vmem>>
      %gather3A_702 = tpu.vector_load_idx %gather3A_701[%add3A_613, %add3A_697] : memref<128x128xf32, #tpu.memory_space<vmem>>[vector<16xi32>, vector<16xi32>], vector<16xf32>,
      %swap3A_703 = arith.constant 0 : i32
      %swap3A_704 = arith.constant 5 : i32
      %swap3A_705 = arith.index_cast %rem3A_105 : i32 to index
      %swap3A_706 = arith.index_cast %swap3A_703 : i32 to index
      %swap3A_707 = arith.index_cast %swap3A_704 : i32 to index
      %swap3A_708 = arith.constant 16 : index
      %swap3A_709 = tpu.vector_load %arg9[%swap3A_705, %swap3A_706, %swap3A_707, %swap3A_708] {strides = array<i32>} : memref<2x4x8x128xf32, #tpu.memory_space<vmem>>, vector<16xf32>,
      tpu.vector_store %arg9[%swap3A_705, %swap3A_706, %swap3A_707, %swap3A_708], %gather3A_702 {strides = array<i32>} : memref<2x4x8x128xf32, #tpu.memory_space<vmem>>, vector<16xf32>,
      %add3A_710 = arith.constant 6 : i32
      %add3A_711 = vector.broadcast %add3A_710 : i32 to vector<16xi32>
      %add3A_712 = arith.addi %mul3A_619, %add3A_711 : vector<16xi32>
      %gather3A_713 = arith.constant 0 : i32
      %gather3A_714 = arith.constant 0 : i32
      %gather3A_715 = tpu.memref_slice %arg8[%rem3A_103, %gather3A_713, %gather3A_714] : memref<4x128x128xf32, #tpu.memory_space<vmem>> -> memref<1x128x128xf32, #tpu.memory_space<vmem>>
      %gather3A_716 = tpu.memref_squeeze %gather3A_715 : memref<1x128x128xf32, #tpu.memory_space<vmem>> -> memref<128x128xf32, #tpu.memory_space<vmem>>
      %gather3A_717 = tpu.vector_load_idx %gather3A_716[%add3A_613, %add3A_712] : memref<128x128xf32, #tpu.memory_space<vmem>>[vector<16xi32>, vector<16xi32>], vector<16xf32>,
      %swap3A_718 = arith.constant 0 : i32
      %swap3A_719 = arith.constant 6 : i32
      %swap3A_720 = arith.index_cast %rem3A_105 : i32 to index
      %swap3A_721 = arith.index_cast %swap3A_718 : i32 to index
      %swap3A_722 = arith.index_cast %swap3A_719 : i32 to index
      %swap3A_723 = arith.constant 16 : index
      %swap3A_724 = tpu.vector_load %arg9[%swap3A_720, %swap3A_721, %swap3A_722, %swap3A_723] {strides = array<i32>} : memref<2x4x8x128xf32, #tpu.memory_space<vmem>>, vector<16xf32>,
      tpu.vector_store %arg9[%swap3A_720, %swap3A_721, %swap3A_722, %swap3A_723], %gather3A_717 {strides = array<i32>} : memref<2x4x8x128xf32, #tpu.memory_space<vmem>>, vector<16xf32>,
      %add3A_725 = arith.constant 7 : i32
      %add3A_726 = vector.broadcast %add3A_725 : i32 to vector<16xi32>
      %add3A_727 = arith.addi %mul3A_619, %add3A_726 : vector<16xi32>
      %gather3A_728 = arith.constant 0 : i32
      %gather3A_729 = arith.constant 0 : i32
      %gather3A_730 = tpu.memref_slice %arg8[%rem3A_103, %gather3A_728, %gather3A_729] : memref<4x128x128xf32, #tpu.memory_space<vmem>> -> memref<1x128x128xf32, #tpu.memory_space<vmem>>
      %gather3A_731 = tpu.memref_squeeze %gather3A_730 : memref<1x128x128xf32, #tpu.memory_space<vmem>> -> memref<128x128xf32, #tpu.memory_space<vmem>>
      %gather3A_732 = tpu.vector_load_idx %gather3A_731[%add3A_613, %add3A_727] : memref<128x128xf32, #tpu.memory_space<vmem>>[vector<16xi32>, vector<16xi32>], vector<16xf32>,
      %swap3A_733 = arith.constant 0 : i32
      %swap3A_734 = arith.constant 7 : i32
      %swap3A_735 = arith.index_cast %rem3A_105 : i32 to index
      %swap3A_736 = arith.index_cast %swap3A_733 : i32 to index
      %swap3A_737 = arith.index_cast %swap3A_734 : i32 to index
      %swap3A_738 = arith.constant 16 : index
      %swap3A_739 = tpu.vector_load %arg9[%swap3A_735, %swap3A_736, %swap3A_737, %swap3A_738] {strides = array<i32>} : memref<2x4x8x128xf32, #tpu.memory_space<vmem>>, vector<16xf32>,
      tpu.vector_store %arg9[%swap3A_735, %swap3A_736, %swap3A_737, %swap3A_738], %gather3A_732 {strides = array<i32>} : memref<2x4x8x128xf32, #tpu.memory_space<vmem>>, vector<16xf32>,
      %add3A_740 = arith.constant 8 : i32
      %add3A_741 = vector.broadcast %add3A_740 : i32 to vector<16xi32>
      %add3A_742 = arith.addi %mul3A_619, %add3A_741 : vector<16xi32>
      %gather3A_743 = arith.constant 0 : i32
      %gather3A_744 = arith.constant 0 : i32
      %gather3A_745 = tpu.memref_slice %arg8[%rem3A_103, %gather3A_743, %gather3A_744] : memref<4x128x128xf32, #tpu.memory_space<vmem>> -> memref<1x128x128xf32, #tpu.memory_space<vmem>>
      %gather3A_746 = tpu.memref_squeeze %gather3A_745 : memref<1x128x128xf32, #tpu.memory_space<vmem>> -> memref<128x128xf32, #tpu.memory_space<vmem>>
      %gather3A_747 = tpu.vector_load_idx %gather3A_746[%add3A_613, %add3A_742] : memref<128x128xf32, #tpu.memory_space<vmem>>[vector<16xi32>, vector<16xi32>], vector<16xf32>,
      %swap3A_748 = arith.constant 1 : i32
      %swap3A_749 = arith.constant 0 : i32
      %swap3A_750 = arith.index_cast %rem3A_105 : i32 to index
      %swap3A_751 = arith.index_cast %swap3A_748 : i32 to index
      %swap3A_752 = arith.index_cast %swap3A_749 : i32 to index
      %swap3A_753 = arith.constant 16 : index
      %swap3A_754 = tpu.vector_load %arg9[%swap3A_750, %swap3A_751, %swap3A_752, %swap3A_753] {strides = array<i32>} : memref<2x4x8x128xf32, #tpu.memory_space<vmem>>, vector<16xf32>,
      tpu.vector_store %arg9[%swap3A_750, %swap3A_751, %swap3A_752, %swap3A_753], %gather3A_747 {strides = array<i32>} : memref<2x4x8x128xf32, #tpu.memory_space<vmem>>, vector<16xf32>,
      %add3A_755 = arith.constant 9 : i32
      %add3A_756 = vector.broadcast %add3A_755 : i32 to vector<16xi32>
      %add3A_757 = arith.addi %mul3A_619, %add3A_756 : vector<16xi32>
      %gather3A_758 = arith.constant 0 : i32
      %gather3A_759 = arith.constant 0 : i32
      %gather3A_760 = tpu.memref_slice %arg8[%rem3A_103, %gather3A_758, %gather3A_759] : memref<4x128x128xf32, #tpu.memory_space<vmem>> -> memref<1x128x128xf32, #tpu.memory_space<vmem>>
      %gather3A_761 = tpu.memref_squeeze %gather3A_760 : memref<1x128x128xf32, #tpu.memory_space<vmem>> -> memref<128x128xf32, #tpu.memory_space<vmem>>
      %gather3A_762 = tpu.vector_load_idx %gather3A_761[%add3A_613, %add3A_757] : memref<128x128xf32, #tpu.memory_space<vmem>>[vector<16xi32>, vector<16xi32>], vector<16xf32>,
      %swap3A_763 = arith.constant 1 : i32
      %swap3A_764 = arith.constant 1 : i32
      %swap3A_765 = arith.index_cast %rem3A_105 : i32 to index
      %swap3A_766 = arith.index_cast %swap3A_763 : i32 to index
      %swap3A_767 = arith.index_cast %swap3A_764 : i32 to index
      %swap3A_768 = arith.constant 16 : index
      %swap3A_769 = tpu.vector_load %arg9[%swap3A_765, %swap3A_766, %swap3A_767, %swap3A_768] {strides = array<i32>} : memref<2x4x8x128xf32, #tpu.memory_space<vmem>>, vector<16xf32>,
      tpu.vector_store %arg9[%swap3A_765, %swap3A_766, %swap3A_767, %swap3A_768], %gather3A_762 {strides = array<i32>} : memref<2x4x8x128xf32, #tpu.memory_space<vmem>>, vector<16xf32>,
      %add3A_770 = arith.constant 10 : i32
      %add3A_771 = vector.broadcast %add3A_770 : i32 to vector<16xi32>
      %add3A_772 = arith.addi %mul3A_619, %add3A_771 : vector<16xi32>
      %gather3A_773 = arith.constant 0 : i32
      %gather3A_774 = arith.constant 0 : i32
      %gather3A_775 = tpu.memref_slice %arg8[%rem3A_103, %gather3A_773, %gather3A_774] : memref<4x128x128xf32, #tpu.memory_space<vmem>> -> memref<1x128x128xf32, #tpu.memory_space<vmem>>
      %gather3A_776 = tpu.memref_squeeze %gather3A_775 : memref<1x128x128xf32, #tpu.memory_space<vmem>> -> memref<128x128xf32, #tpu.memory_space<vmem>>
      %gather3A_777 = tpu.vector_load_idx %gather3A_776[%add3A_613, %add3A_772] : memref<128x128xf32, #tpu.memory_space<vmem>>[vector<16xi32>, vector<16xi32>], vector<16xf32>,
      %swap3A_778 = arith.constant 1 : i32
      %swap3A_779 = arith.constant 2 : i32
      %swap3A_780 = arith.index_cast %rem3A_105 : i32 to index
      %swap3A_781 = arith.index_cast %swap3A_778 : i32 to index
      %swap3A_782 = arith.index_cast %swap3A_779 : i32 to index
      %swap3A_783 = arith.constant 16 : index
      %swap3A_784 = tpu.vector_load %arg9[%swap3A_780, %swap3A_781, %swap3A_782, %swap3A_783] {strides = array<i32>} : memref<2x4x8x128xf32, #tpu.memory_space<vmem>>, vector<16xf32>,
      tpu.vector_store %arg9[%swap3A_780, %swap3A_781, %swap3A_782, %swap3A_783], %gather3A_777 {strides = array<i32>} : memref<2x4x8x128xf32, #tpu.memory_space<vmem>>, vector<16xf32>,
      %add3A_785 = arith.constant 11 : i32
      %add3A_786 = vector.broadcast %add3A_785 : i32 to vector<16xi32>
      %add3A_787 = arith.addi %mul3A_619, %add3A_786 : vector<16xi32>
      %gather3A_788 = arith.constant 0 : i32
      %gather3A_789 = arith.constant 0 : i32
      %gather3A_790 = tpu.memref_slice %arg8[%rem3A_103, %gather3A_788, %gather3A_789] : memref<4x128x128xf32, #tpu.memory_space<vmem>> -> memref<1x128x128xf32, #tpu.memory_space<vmem>>
      %gather3A_791 = tpu.memref_squeeze %gather3A_790 : memref<1x128x128xf32, #tpu.memory_space<vmem>> -> memref<128x128xf32, #tpu.memory_space<vmem>>
      %gather3A_792 = tpu.vector_load_idx %gather3A_791[%add3A_613, %add3A_787] : memref<128x128xf32, #tpu.memory_space<vmem>>[vector<16xi32>, vector<16xi32>], vector<16xf32>,
      %swap3A_793 = arith.constant 1 : i32
      %swap3A_794 = arith.constant 3 : i32
      %swap3A_795 = arith.index_cast %rem3A_105 : i32 to index
      %swap3A_796 = arith.index_cast %swap3A_793 : i32 to index
      %swap3A_797 = arith.index_cast %swap3A_794 : i32 to index
      %swap3A_798 = arith.constant 16 : index
      %swap3A_799 = tpu.vector_load %arg9[%swap3A_795, %swap3A_796, %swap3A_797, %swap3A_798] {strides = array<i32>} : memref<2x4x8x128xf32, #tpu.memory_space<vmem>>, vector<16xf32>,
      tpu.vector_store %arg9[%swap3A_795, %swap3A_796, %swap3A_797, %swap3A_798], %gather3A_792 {strides = array<i32>} : memref<2x4x8x128xf32, #tpu.memory_space<vmem>>, vector<16xf32>,
      %add3A_800 = arith.constant 12 : i32
      %add3A_801 = vector.broadcast %add3A_800 : i32 to vector<16xi32>
      %add3A_802 = arith.addi %mul3A_619, %add3A_801 : vector<16xi32>
      %gather3A_803 = arith.constant 0 : i32
      %gather3A_804 = arith.constant 0 : i32
      %gather3A_805 = tpu.memref_slice %arg8[%rem3A_103, %gather3A_803, %gather3A_804] : memref<4x128x128xf32, #tpu.memory_space<vmem>> -> memref<1x128x128xf32, #tpu.memory_space<vmem>>
      %gather3A_806 = tpu.memref_squeeze %gather3A_805 : memref<1x128x128xf32, #tpu.memory_space<vmem>> -> memref<128x128xf32, #tpu.memory_space<vmem>>
      %gather3A_807 = tpu.vector_load_idx %gather3A_806[%add3A_613, %add3A_802] : memref<128x128xf32, #tpu.memory_space<vmem>>[vector<16xi32>, vector<16xi32>], vector<16xf32>,
      %swap3A_808 = arith.constant 1 : i32
      %swap3A_809 = arith.constant 4 : i32
      %swap3A_810 = arith.index_cast %rem3A_105 : i32 to index
      %swap3A_811 = arith.index_cast %swap3A_808 : i32 to index
      %swap3A_812 = arith.index_cast %swap3A_809 : i32 to index
      %swap3A_813 = arith.constant 16 : index
      %swap3A_814 = tpu.vector_load %arg9[%swap3A_810, %swap3A_811, %swap3A_812, %swap3A_813] {strides = array<i32>} : memref<2x4x8x128xf32, #tpu.memory_space<vmem>>, vector<16xf32>,
      tpu.vector_store %arg9[%swap3A_810, %swap3A_811, %swap3A_812, %swap3A_813], %gather3A_807 {strides = array<i32>} : memref<2x4x8x128xf32, #tpu.memory_space<vmem>>, vector<16xf32>,
      %add3A_815 = arith.constant 13 : i32
      %add3A_816 = vector.broadcast %add3A_815 : i32 to vector<16xi32>
      %add3A_817 = arith.addi %mul3A_619, %add3A_816 : vector<16xi32>
      %gather3A_818 = arith.constant 0 : i32
      %gather3A_819 = arith.constant 0 : i32
      %gather3A_820 = tpu.memref_slice %arg8[%rem3A_103, %gather3A_818, %gather3A_819] : memref<4x128x128xf32, #tpu.memory_space<vmem>> -> memref<1x128x128xf32, #tpu.memory_space<vmem>>
      %gather3A_821 = tpu.memref_squeeze %gather3A_820 : memref<1x128x128xf32, #tpu.memory_space<vmem>> -> memref<128x128xf32, #tpu.memory_space<vmem>>
      %gather3A_822 = tpu.vector_load_idx %gather3A_821[%add3A_613, %add3A_817] : memref<128x128xf32, #tpu.memory_space<vmem>>[vector<16xi32>, vector<16xi32>], vector<16xf32>,
      %swap3A_823 = arith.constant 1 : i32
      %swap3A_824 = arith.constant 5 : i32
      %swap3A_825 = arith.index_cast %rem3A_105 : i32 to index
      %swap3A_826 = arith.index_cast %swap3A_823 : i32 to index
      %swap3A_827 = arith.index_cast %swap3A_824 : i32 to index
      %swap3A_828 = arith.constant 16 : index
      %swap3A_829 = tpu.vector_load %arg9[%swap3A_825, %swap3A_826, %swap3A_827, %swap3A_828] {strides = array<i32>} : memref<2x4x8x128xf32, #tpu.memory_space<vmem>>, vector<16xf32>,
      tpu.vector_store %arg9[%swap3A_825, %swap3A_826, %swap3A_827, %swap3A_828], %gather3A_822 {strides = array<i32>} : memref<2x4x8x128xf32, #tpu.memory_space<vmem>>, vector<16xf32>,
      %add3A_830 = arith.constant 14 : i32
      %add3A_831 = vector.broadcast %add3A_830 : i32 to vector<16xi32>
      %add3A_832 = arith.addi %mul3A_619, %add3A_831 : vector<16xi32>
      %gather3A_833 = arith.constant 0 : i32
      %gather3A_834 = arith.constant 0 : i32
      %gather3A_835 = tpu.memref_slice %arg8[%rem3A_103, %gather3A_833, %gather3A_834] : memref<4x128x128xf32, #tpu.memory_space<vmem>> -> memref<1x128x128xf32, #tpu.memory_space<vmem>>
      %gather3A_836 = tpu.memref_squeeze %gather3A_835 : memref<1x128x128xf32, #tpu.memory_space<vmem>> -> memref<128x128xf32, #tpu.memory_space<vmem>>
      %gather3A_837 = tpu.vector_load_idx %gather3A_836[%add3A_613, %add3A_832] : memref<128x128xf32, #tpu.memory_space<vmem>>[vector<16xi32>, vector<16xi32>], vector<16xf32>,
      %swap3A_838 = arith.constant 1 : i32
      %swap3A_839 = arith.constant 6 : i32
      %swap3A_840 = arith.index_cast %rem3A_105 : i32 to index
      %swap3A_841 = arith.index_cast %swap3A_838 : i32 to index
      %swap3A_842 = arith.index_cast %swap3A_839 : i32 to index
      %swap3A_843 = arith.constant 16 : index
      %swap3A_844 = tpu.vector_load %arg9[%swap3A_840, %swap3A_841, %swap3A_842, %swap3A_843] {strides = array<i32>} : memref<2x4x8x128xf32, #tpu.memory_space<vmem>>, vector<16xf32>,
      tpu.vector_store %arg9[%swap3A_840, %swap3A_841, %swap3A_842, %swap3A_843], %gather3A_837 {strides = array<i32>} : memref<2x4x8x128xf32, #tpu.memory_space<vmem>>, vector<16xf32>,
      %add3A_845 = arith.constant 15 : i32
      %add3A_846 = vector.broadcast %add3A_845 : i32 to vector<16xi32>
      %add3A_847 = arith.addi %mul3A_619, %add3A_846 : vector<16xi32>
      %gather3A_848 = arith.constant 0 : i32
      %gather3A_849 = arith.constant 0 : i32
      %gather3A_850 = tpu.memref_slice %arg8[%rem3A_103, %gather3A_848, %gather3A_849] : memref<4x128x128xf32, #tpu.memory_space<vmem>> -> memref<1x128x128xf32, #tpu.memory_space<vmem>>
      %gather3A_851 = tpu.memref_squeeze %gather3A_850 : memref<1x128x128xf32, #tpu.memory_space<vmem>> -> memref<128x128xf32, #tpu.memory_space<vmem>>
      %gather3A_852 = tpu.vector_load_idx %gather3A_851[%add3A_613, %add3A_847] : memref<128x128xf32, #tpu.memory_space<vmem>>[vector<16xi32>, vector<16xi32>], vector<16xf32>,
      %swap3A_853 = arith.constant 1 : i32
      %swap3A_854 = arith.constant 7 : i32
      %swap3A_855 = arith.index_cast %rem3A_105 : i32 to index
      %swap3A_856 = arith.index_cast %swap3A_853 : i32 to index
      %swap3A_857 = arith.index_cast %swap3A_854 : i32 to index
      %swap3A_858 = arith.constant 16 : index
      %swap3A_859 = tpu.vector_load %arg9[%swap3A_855, %swap3A_856, %swap3A_857, %swap3A_858] {strides = array<i32>} : memref<2x4x8x128xf32, #tpu.memory_space<vmem>>, vector<16xf32>,
      tpu.vector_store %arg9[%swap3A_855, %swap3A_856, %swap3A_857, %swap3A_858], %gather3A_852 {strides = array<i32>} : memref<2x4x8x128xf32, #tpu.memory_space<vmem>>, vector<16xf32>,
      %add3A_860 = arith.constant 16 : i32
      %add3A_861 = vector.broadcast %add3A_860 : i32 to vector<16xi32>
      %add3A_862 = arith.addi %mul3A_619, %add3A_861 : vector<16xi32>
      %gather3A_863 = arith.constant 0 : i32
      %gather3A_864 = arith.constant 0 : i32
      %gather3A_865 = tpu.memref_slice %arg8[%rem3A_103, %gather3A_863, %gather3A_864] : memref<4x128x128xf32, #tpu.memory_space<vmem>> -> memref<1x128x128xf32, #tpu.memory_space<vmem>>
      %gather3A_866 = tpu.memref_squeeze %gather3A_865 : memref<1x128x128xf32, #tpu.memory_space<vmem>> -> memref<128x128xf32, #tpu.memory_space<vmem>>
      %gather3A_867 = tpu.vector_load_idx %gather3A_866[%add3A_613, %add3A_862] : memref<128x128xf32, #tpu.memory_space<vmem>>[vector<16xi32>, vector<16xi32>], vector<16xf32>,
      %swap3A_868 = arith.constant 2 : i32
      %swap3A_869 = arith.constant 0 : i32
      %swap3A_870 = arith.index_cast %rem3A_105 : i32 to index
      %swap3A_871 = arith.index_cast %swap3A_868 : i32 to index
      %swap3A_872 = arith.index_cast %swap3A_869 : i32 to index
      %swap3A_873 = arith.constant 16 : index
      %swap3A_874 = tpu.vector_load %arg9[%swap3A_870, %swap3A_871, %swap3A_872, %swap3A_873] {strides = array<i32>} : memref<2x4x8x128xf32, #tpu.memory_space<vmem>>, vector<16xf32>,
      tpu.vector_store %arg9[%swap3A_870, %swap3A_871, %swap3A_872, %swap3A_873], %gather3A_867 {strides = array<i32>} : memref<2x4x8x128xf32, #tpu.memory_space<vmem>>, vector<16xf32>,
      %add3A_875 = arith.constant 17 : i32
      %add3A_876 = vector.broadcast %add3A_875 : i32 to vector<16xi32>
      %add3A_877 = arith.addi %mul3A_619, %add3A_876 : vector<16xi32>
      %gather3A_878 = arith.constant 0 : i32
      %gather3A_879 = arith.constant 0 : i32
      %gather3A_880 = tpu.memref_slice %arg8[%rem3A_103, %gather3A_878, %gather3A_879] : memref<4x128x128xf32, #tpu.memory_space<vmem>> -> memref<1x128x128xf32, #tpu.memory_space<vmem>>
      %gather3A_881 = tpu.memref_squeeze %gather3A_880 : memref<1x128x128xf32, #tpu.memory_space<vmem>> -> memref<128x128xf32, #tpu.memory_space<vmem>>
      %gather3A_882 = tpu.vector_load_idx %gather3A_881[%add3A_613, %add3A_877] : memref<128x128xf32, #tpu.memory_space<vmem>>[vector<16xi32>, vector<16xi32>], vector<16xf32>,
      %swap3A_883 = arith.constant 2 : i32
      %swap3A_884 = arith.constant 1 : i32
      %swap3A_885 = arith.index_cast %rem3A_105 : i32 to index
      %swap3A_886 = arith.index_cast %swap3A_883 : i32 to index
      %swap3A_887 = arith.index_cast %swap3A_884 : i32 to index
      %swap3A_888 = arith.constant 16 : index
      %swap3A_889 = tpu.vector_load %arg9[%swap3A_885, %swap3A_886, %swap3A_887, %swap3A_888] {strides = array<i32>} : memref<2x4x8x128xf32, #tpu.memory_space<vmem>>, vector<16xf32>,
      tpu.vector_store %arg9[%swap3A_885, %swap3A_886, %swap3A_887, %swap3A_888], %gather3A_882 {strides = array<i32>} : memref<2x4x8x128xf32, #tpu.memory_space<vmem>>, vector<16xf32>,
      %add3A_890 = arith.constant 18 : i32
      %add3A_891 = vector.broadcast %add3A_890 : i32 to vector<16xi32>
      %add3A_892 = arith.addi %mul3A_619, %add3A_891 : vector<16xi32>
      %gather3A_893 = arith.constant 0 : i32
      %gather3A_894 = arith.constant 0 : i32
      %gather3A_895 = tpu.memref_slice %arg8[%rem3A_103, %gather3A_893, %gather3A_894] : memref<4x128x128xf32, #tpu.memory_space<vmem>> -> memref<1x128x128xf32, #tpu.memory_space<vmem>>
      %gather3A_896 = tpu.memref_squeeze %gather3A_895 : memref<1x128x128xf32, #tpu.memory_space<vmem>> -> memref<128x128xf32, #tpu.memory_space<vmem>>
      %gather3A_897 = tpu.vector_load_idx %gather3A_896[%add3A_613, %add3A_892] : memref<128x128xf32, #tpu.memory_space<vmem>>[vector<16xi32>, vector<16xi32>], vector<16xf32>,
      %swap3A_898 = arith.constant 2 : i32
      %swap3A_899 = arith.constant 2 : i32
      %swap3A_900 = arith.index_cast %rem3A_105 : i32 to index
      %swap3A_901 = arith.index_cast %swap3A_898 : i32 to index
      %swap3A_902 = arith.index_cast %swap3A_899 : i32 to index
      %swap3A_903 = arith.constant 16 : index
      %swap3A_904 = tpu.vector_load %arg9[%swap3A_900, %swap3A_901, %swap3A_902, %swap3A_903] {strides = array<i32>} : memref<2x4x8x128xf32, #tpu.memory_space<vmem>>, vector<16xf32>,
      tpu.vector_store %arg9[%swap3A_900, %swap3A_901, %swap3A_902, %swap3A_903], %gather3A_897 {strides = array<i32>} : memref<2x4x8x128xf32, #tpu.memory_space<vmem>>, vector<16xf32>,
      %add3A_905 = arith.constant 19 : i32
      %add3A_906 = vector.broadcast %add3A_905 : i32 to vector<16xi32>
      %add3A_907 = arith.addi %mul3A_619, %add3A_906 : vector<16xi32>
      %gather3A_908 = arith.constant 0 : i32
      %gather3A_909 = arith.constant 0 : i32
      %gather3A_910 = tpu.memref_slice %arg8[%rem3A_103, %gather3A_908, %gather3A_909] : memref<4x128x128xf32, #tpu.memory_space<vmem>> -> memref<1x128x128xf32, #tpu.memory_space<vmem>>
      %gather3A_911 = tpu.memref_squeeze %gather3A_910 : memref<1x128x128xf32, #tpu.memory_space<vmem>> -> memref<128x128xf32, #tpu.memory_space<vmem>>
      %gather3A_912 = tpu.vector_load_idx %gather3A_911[%add3A_613, %add3A_907] : memref<128x128xf32, #tpu.memory_space<vmem>>[vector<16xi32>, vector<16xi32>], vector<16xf32>,
      %swap3A_913 = arith.constant 2 : i32
      %swap3A_914 = arith.constant 3 : i32
      %swap3A_915 = arith.index_cast %rem3A_105 : i32 to index
      %swap3A_916 = arith.index_cast %swap3A_913 : i32 to index
      %swap3A_917 = arith.index_cast %swap3A_914 : i32 to index
      %swap3A_918 = arith.constant 16 : index
      %swap3A_919 = tpu.vector_load %arg9[%swap3A_915, %swap3A_916, %swap3A_917, %swap3A_918] {strides = array<i32>} : memref<2x4x8x128xf32, #tpu.memory_space<vmem>>, vector<16xf32>,
      tpu.vector_store %arg9[%swap3A_915, %swap3A_916, %swap3A_917, %swap3A_918], %gather3A_912 {strides = array<i32>} : memref<2x4x8x128xf32, #tpu.memory_space<vmem>>, vector<16xf32>,
      %add3A_920 = arith.constant 20 : i32
      %add3A_921 = vector.broadcast %add3A_920 : i32 to vector<16xi32>
      %add3A_922 = arith.addi %mul3A_619, %add3A_921 : vector<16xi32>
      %gather3A_923 = arith.constant 0 : i32
      %gather3A_924 = arith.constant 0 : i32
      %gather3A_925 = tpu.memref_slice %arg8[%rem3A_103, %gather3A_923, %gather3A_924] : memref<4x128x128xf32, #tpu.memory_space<vmem>> -> memref<1x128x128xf32, #tpu.memory_space<vmem>>
      %gather3A_926 = tpu.memref_squeeze %gather3A_925 : memref<1x128x128xf32, #tpu.memory_space<vmem>> -> memref<128x128xf32, #tpu.memory_space<vmem>>
      %gather3A_927 = tpu.vector_load_idx %gather3A_926[%add3A_613, %add3A_922] : memref<128x128xf32, #tpu.memory_space<vmem>>[vector<16xi32>, vector<16xi32>], vector<16xf32>,
      %swap3A_928 = arith.constant 2 : i32
      %swap3A_929 = arith.constant 4 : i32
      %swap3A_930 = arith.index_cast %rem3A_105 : i32 to index
      %swap3A_931 = arith.index_cast %swap3A_928 : i32 to index
      %swap3A_932 = arith.index_cast %swap3A_929 : i32 to index
      %swap3A_933 = arith.constant 16 : index
      %swap3A_934 = tpu.vector_load %arg9[%swap3A_930, %swap3A_931, %swap3A_932, %swap3A_933] {strides = array<i32>} : memref<2x4x8x128xf32, #tpu.memory_space<vmem>>, vector<16xf32>,
      tpu.vector_store %arg9[%swap3A_930, %swap3A_931, %swap3A_932, %swap3A_933], %gather3A_927 {strides = array<i32>} : memref<2x4x8x128xf32, #tpu.memory_space<vmem>>, vector<16xf32>,
      %add3A_935 = arith.constant 21 : i32
      %add3A_936 = vector.broadcast %add3A_935 : i32 to vector<16xi32>
      %add3A_937 = arith.addi %mul3A_619, %add3A_936 : vector<16xi32>
      %gather3A_938 = arith.constant 0 : i32
      %gather3A_939 = arith.constant 0 : i32
      %gather3A_940 = tpu.memref_slice %arg8[%rem3A_103, %gather3A_938, %gather3A_939] : memref<4x128x128xf32, #tpu.memory_space<vmem>> -> memref<1x128x128xf32, #tpu.memory_space<vmem>>
      %gather3A_941 = tpu.memref_squeeze %gather3A_940 : memref<1x128x128xf32, #tpu.memory_space<vmem>> -> memref<128x128xf32, #tpu.memory_space<vmem>>
      %gather3A_942 = tpu.vector_load_idx %gather3A_941[%add3A_613, %add3A_937] : memref<128x128xf32, #tpu.memory_space<vmem>>[vector<16xi32>, vector<16xi32>], vector<16xf32>,
      %swap3A_943 = arith.constant 2 : i32
      %swap3A_944 = arith.constant 5 : i32
      %swap3A_945 = arith.index_cast %rem3A_105 : i32 to index
      %swap3A_946 = arith.index_cast %swap3A_943 : i32 to index
      %swap3A_947 = arith.index_cast %swap3A_944 : i32 to index
      %swap3A_948 = arith.constant 16 : index
      %swap3A_949 = tpu.vector_load %arg9[%swap3A_945, %swap3A_946, %swap3A_947, %swap3A_948] {strides = array<i32>} : memref<2x4x8x128xf32, #tpu.memory_space<vmem>>, vector<16xf32>,
      tpu.vector_store %arg9[%swap3A_945, %swap3A_946, %swap3A_947, %swap3A_948], %gather3A_942 {strides = array<i32>} : memref<2x4x8x128xf32, #tpu.memory_space<vmem>>, vector<16xf32>,
      %add3A_950 = arith.constant 22 : i32
      %add3A_951 = vector.broadcast %add3A_950 : i32 to vector<16xi32>
      %add3A_952 = arith.addi %mul3A_619, %add3A_951 : vector<16xi32>
      %gather3A_953 = arith.constant 0 : i32
      %gather3A_954 = arith.constant 0 : i32
      %gather3A_955 = tpu.memref_slice %arg8[%rem3A_103, %gather3A_953, %gather3A_954] : memref<4x128x128xf32, #tpu.memory_space<vmem>> -> memref<1x128x128xf32, #tpu.memory_space<vmem>>
      %gather3A_956 = tpu.memref_squeeze %gather3A_955 : memref<1x128x128xf32, #tpu.memory_space<vmem>> -> memref<128x128xf32, #tpu.memory_space<vmem>>
      %gather3A_957 = tpu.vector_load_idx %gather3A_956[%add3A_613, %add3A_952] : memref<128x128xf32, #tpu.memory_space<vmem>>[vector<16xi32>, vector<16xi32>], vector<16xf32>,
      %swap3A_958 = arith.constant 2 : i32
      %swap3A_959 = arith.constant 6 : i32
      %swap3A_960 = arith.index_cast %rem3A_105 : i32 to index
      %swap3A_961 = arith.index_cast %swap3A_958 : i32 to index
      %swap3A_962 = arith.index_cast %swap3A_959 : i32 to index
      %swap3A_963 = arith.constant 16 : index
      %swap3A_964 = tpu.vector_load %arg9[%swap3A_960, %swap3A_961, %swap3A_962, %swap3A_963] {strides = array<i32>} : memref<2x4x8x128xf32, #tpu.memory_space<vmem>>, vector<16xf32>,
      tpu.vector_store %arg9[%swap3A_960, %swap3A_961, %swap3A_962, %swap3A_963], %gather3A_957 {strides = array<i32>} : memref<2x4x8x128xf32, #tpu.memory_space<vmem>>, vector<16xf32>,
      %add3A_965 = arith.constant 23 : i32
      %add3A_966 = vector.broadcast %add3A_965 : i32 to vector<16xi32>
      %add3A_967 = arith.addi %mul3A_619, %add3A_966 : vector<16xi32>
      %gather3A_968 = arith.constant 0 : i32
      %gather3A_969 = arith.constant 0 : i32
      %gather3A_970 = tpu.memref_slice %arg8[%rem3A_103, %gather3A_968, %gather3A_969] : memref<4x128x128xf32, #tpu.memory_space<vmem>> -> memref<1x128x128xf32, #tpu.memory_space<vmem>>
      %gather3A_971 = tpu.memref_squeeze %gather3A_970 : memref<1x128x128xf32, #tpu.memory_space<vmem>> -> memref<128x128xf32, #tpu.memory_space<vmem>>
      %gather3A_972 = tpu.vector_load_idx %gather3A_971[%add3A_613, %add3A_967] : memref<128x128xf32, #tpu.memory_space<vmem>>[vector<16xi32>, vector<16xi32>], vector<16xf32>,
      %swap3A_973 = arith.constant 2 : i32
      %swap3A_974 = arith.constant 7 : i32
      %swap3A_975 = arith.index_cast %rem3A_105 : i32 to index
      %swap3A_976 = arith.index_cast %swap3A_973 : i32 to index
      %swap3A_977 = arith.index_cast %swap3A_974 : i32 to index
      %swap3A_978 = arith.constant 16 : index
      %swap3A_979 = tpu.vector_load %arg9[%swap3A_975, %swap3A_976, %swap3A_977, %swap3A_978] {strides = array<i32>} : memref<2x4x8x128xf32, #tpu.memory_space<vmem>>, vector<16xf32>,
      tpu.vector_store %arg9[%swap3A_975, %swap3A_976, %swap3A_977, %swap3A_978], %gather3A_972 {strides = array<i32>} : memref<2x4x8x128xf32, #tpu.memory_space<vmem>>, vector<16xf32>,
      %add3A_980 = arith.constant 24 : i32
      %add3A_981 = vector.broadcast %add3A_980 : i32 to vector<16xi32>
      %add3A_982 = arith.addi %mul3A_619, %add3A_981 : vector<16xi32>
      %gather3A_983 = arith.constant 0 : i32
      %gather3A_984 = arith.constant 0 : i32
      %gather3A_985 = tpu.memref_slice %arg8[%rem3A_103, %gather3A_983, %gather3A_984] : memref<4x128x128xf32, #tpu.memory_space<vmem>> -> memref<1x128x128xf32, #tpu.memory_space<vmem>>
      %gather3A_986 = tpu.memref_squeeze %gather3A_985 : memref<1x128x128xf32, #tpu.memory_space<vmem>> -> memref<128x128xf32, #tpu.memory_space<vmem>>
      %gather3A_987 = tpu.vector_load_idx %gather3A_986[%add3A_613, %add3A_982] : memref<128x128xf32, #tpu.memory_space<vmem>>[vector<16xi32>, vector<16xi32>], vector<16xf32>,
      %swap3A_988 = arith.constant 3 : i32
      %swap3A_989 = arith.constant 0 : i32
      %swap3A_990 = arith.index_cast %rem3A_105 : i32 to index
      %swap3A_991 = arith.index_cast %swap3A_988 : i32 to index
      %swap3A_992 = arith.index_cast %swap3A_989 : i32 to index
      %swap3A_993 = arith.constant 16 : index
      %swap3A_994 = tpu.vector_load %arg9[%swap3A_990, %swap3A_991, %swap3A_992, %swap3A_993] {strides = array<i32>} : memref<2x4x8x128xf32, #tpu.memory_space<vmem>>, vector<16xf32>,
      tpu.vector_store %arg9[%swap3A_990, %swap3A_991, %swap3A_992, %swap3A_993], %gather3A_987 {strides = array<i32>} : memref<2x4x8x128xf32, #tpu.memory_space<vmem>>, vector<16xf32>,
      %add3A_995 = arith.constant 25 : i32
      %add3A_996 = vector.broadcast %add3A_995 : i32 to vector<16xi32>
      %add3A_997 = arith.addi %mul3A_619, %add3A_996 : vector<16xi32>
      %gather3A_998 = arith.constant 0 : i32
      %gather3A_999 = arith.constant 0 : i32
      %gather3A_1000 = tpu.memref_slice %arg8[%rem3A_103, %gather3A_998, %gather3A_999] : memref<4x128x128xf32, #tpu.memory_space<vmem>> -> memref<1x128x128xf32, #tpu.memory_space<vmem>>
      %gather3A_1001 = tpu.memref_squeeze %gather3A_1000 : memref<1x128x128xf32, #tpu.memory_space<vmem>> -> memref<128x128xf32, #tpu.memory_space<vmem>>
      %gather3A_1002 = tpu.vector_load_idx %gather3A_1001[%add3A_613, %add3A_997] : memref<128x128xf32, #tpu.memory_space<vmem>>[vector<16xi32>, vector<16xi32>], vector<16xf32>,
      %swap3A_1003 = arith.constant 3 : i32
      %swap3A_1004 = arith.constant 1 : i32
      %swap3A_1005 = arith.index_cast %rem3A_105 : i32 to index
      %swap3A_1006 = arith.index_cast %swap3A_1003 : i32 to index
      %swap3A_1007 = arith.index_cast %swap3A_1004 : i32 to index
      %swap3A_1008 = arith.constant 16 : index
      %swap3A_1009 = tpu.vector_load %arg9[%swap3A_1005, %swap3A_1006, %swap3A_1007, %swap3A_1008] {strides = array<i32>} : memref<2x4x8x128xf32, #tpu.memory_space<vmem>>, vector<16xf32>,
      tpu.vector_store %arg9[%swap3A_1005, %swap3A_1006, %swap3A_1007, %swap3A_1008], %gather3A_1002 {strides = array<i32>} : memref<2x4x8x128xf32, #tpu.memory_space<vmem>>, vector<16xf32>,
      %add3A_1010 = arith.constant 26 : i32
      %add3A_1011 = vector.broadcast %add3A_1010 : i32 to vector<16xi32>
      %add3A_1012 = arith.addi %mul3A_619, %add3A_1011 : vector<16xi32>
      %gather3A_1013 = arith.constant 0 : i32
      %gather3A_1014 = arith.constant 0 : i32
      %gather3A_1015 = tpu.memref_slice %arg8[%rem3A_103, %gather3A_1013, %gather3A_1014] : memref<4x128x128xf32, #tpu.memory_space<vmem>> -> memref<1x128x128xf32, #tpu.memory_space<vmem>>
      %gather3A_1016 = tpu.memref_squeeze %gather3A_1015 : memref<1x128x128xf32, #tpu.memory_space<vmem>> -> memref<128x128xf32, #tpu.memory_space<vmem>>
      %gather3A_1017 = tpu.vector_load_idx %gather3A_1016[%add3A_613, %add3A_1012] : memref<128x128xf32, #tpu.memory_space<vmem>>[vector<16xi32>, vector<16xi32>], vector<16xf32>,
      %swap3A_1018 = arith.constant 3 : i32
      %swap3A_1019 = arith.constant 2 : i32
      %swap3A_1020 = arith.index_cast %rem3A_105 : i32 to index
      %swap3A_1021 = arith.index_cast %swap3A_1018 : i32 to index
      %swap3A_1022 = arith.index_cast %swap3A_1019 : i32 to index
      %swap3A_1023 = arith.constant 16 : index
      %swap3A_1024 = tpu.vector_load %arg9[%swap3A_1020, %swap3A_1021, %swap3A_1022, %swap3A_1023] {strides = array<i32>} : memref<2x4x8x128xf32, #tpu.memory_space<vmem>>, vector<16xf32>,
      tpu.vector_store %arg9[%swap3A_1020, %swap3A_1021, %swap3A_1022, %swap3A_1023], %gather3A_1017 {strides = array<i32>} : memref<2x4x8x128xf32, #tpu.memory_space<vmem>>, vector<16xf32>,
      %add3A_1025 = arith.constant 27 : i32
      %add3A_1026 = vector.broadcast %add3A_1025 : i32 to vector<16xi32>
      %add3A_1027 = arith.addi %mul3A_619, %add3A_1026 : vector<16xi32>
      %gather3A_1028 = arith.constant 0 : i32
      %gather3A_1029 = arith.constant 0 : i32
      %gather3A_1030 = tpu.memref_slice %arg8[%rem3A_103, %gather3A_1028, %gather3A_1029] : memref<4x128x128xf32, #tpu.memory_space<vmem>> -> memref<1x128x128xf32, #tpu.memory_space<vmem>>
      %gather3A_1031 = tpu.memref_squeeze %gather3A_1030 : memref<1x128x128xf32, #tpu.memory_space<vmem>> -> memref<128x128xf32, #tpu.memory_space<vmem>>
      %gather3A_1032 = tpu.vector_load_idx %gather3A_1031[%add3A_613, %add3A_1027] : memref<128x128xf32, #tpu.memory_space<vmem>>[vector<16xi32>, vector<16xi32>], vector<16xf32>,
      %swap3A_1033 = arith.constant 3 : i32
      %swap3A_1034 = arith.constant 3 : i32
      %swap3A_1035 = arith.index_cast %rem3A_105 : i32 to index
      %swap3A_1036 = arith.index_cast %swap3A_1033 : i32 to index
      %swap3A_1037 = arith.index_cast %swap3A_1034 : i32 to index
      %swap3A_1038 = arith.constant 16 : index
      %swap3A_1039 = tpu.vector_load %arg9[%swap3A_1035, %swap3A_1036, %swap3A_1037, %swap3A_1038] {strides = array<i32>} : memref<2x4x8x128xf32, #tpu.memory_space<vmem>>, vector<16xf32>,
      tpu.vector_store %arg9[%swap3A_1035, %swap3A_1036, %swap3A_1037, %swap3A_1038], %gather3A_1032 {strides = array<i32>} : memref<2x4x8x128xf32, #tpu.memory_space<vmem>>, vector<16xf32>,
      %add3A_1040 = arith.constant 28 : i32
      %add3A_1041 = vector.broadcast %add3A_1040 : i32 to vector<16xi32>
      %add3A_1042 = arith.addi %mul3A_619, %add3A_1041 : vector<16xi32>
      %gather3A_1043 = arith.constant 0 : i32
      %gather3A_1044 = arith.constant 0 : i32
      %gather3A_1045 = tpu.memref_slice %arg8[%rem3A_103, %gather3A_1043, %gather3A_1044] : memref<4x128x128xf32, #tpu.memory_space<vmem>> -> memref<1x128x128xf32, #tpu.memory_space<vmem>>
      %gather3A_1046 = tpu.memref_squeeze %gather3A_1045 : memref<1x128x128xf32, #tpu.memory_space<vmem>> -> memref<128x128xf32, #tpu.memory_space<vmem>>
      %gather3A_1047 = tpu.vector_load_idx %gather3A_1046[%add3A_613, %add3A_1042] : memref<128x128xf32, #tpu.memory_space<vmem>>[vector<16xi32>, vector<16xi32>], vector<16xf32>,
      %swap3A_1048 = arith.constant 3 : i32
      %swap3A_1049 = arith.constant 4 : i32
      %swap3A_1050 = arith.index_cast %rem3A_105 : i32 to index
      %swap3A_1051 = arith.index_cast %swap3A_1048 : i32 to index
      %swap3A_1052 = arith.index_cast %swap3A_1049 : i32 to index
      %swap3A_1053 = arith.constant 16 : index
      %swap3A_1054 = tpu.vector_load %arg9[%swap3A_1050, %swap3A_1051, %swap3A_1052, %swap3A_1053] {strides = array<i32>} : memref<2x4x8x128xf32, #tpu.memory_space<vmem>>, vector<16xf32>,
      tpu.vector_store %arg9[%swap3A_1050, %swap3A_1051, %swap3A_1052, %swap3A_1053], %gather3A_1047 {strides = array<i32>} : memref<2x4x8x128xf32, #tpu.memory_space<vmem>>, vector<16xf32>,
      %add3A_1055 = arith.constant 29 : i32
      %add3A_1056 = vector.broadcast %add3A_1055 : i32 to vector<16xi32>
      %add3A_1057 = arith.addi %mul3A_619, %add3A_1056 : vector<16xi32>
      %gather3A_1058 = arith.constant 0 : i32
      %gather3A_1059 = arith.constant 0 : i32
      %gather3A_1060 = tpu.memref_slice %arg8[%rem3A_103, %gather3A_1058, %gather3A_1059] : memref<4x128x128xf32, #tpu.memory_space<vmem>> -> memref<1x128x128xf32, #tpu.memory_space<vmem>>
      %gather3A_1061 = tpu.memref_squeeze %gather3A_1060 : memref<1x128x128xf32, #tpu.memory_space<vmem>> -> memref<128x128xf32, #tpu.memory_space<vmem>>
      %gather3A_1062 = tpu.vector_load_idx %gather3A_1061[%add3A_613, %add3A_1057] : memref<128x128xf32, #tpu.memory_space<vmem>>[vector<16xi32>, vector<16xi32>], vector<16xf32>,
      %swap3A_1063 = arith.constant 3 : i32
      %swap3A_1064 = arith.constant 5 : i32
      %swap3A_1065 = arith.index_cast %rem3A_105 : i32 to index
      %swap3A_1066 = arith.index_cast %swap3A_1063 : i32 to index
      %swap3A_1067 = arith.index_cast %swap3A_1064 : i32 to index
      %swap3A_1068 = arith.constant 16 : index
      %swap3A_1069 = tpu.vector_load %arg9[%swap3A_1065, %swap3A_1066, %swap3A_1067, %swap3A_1068] {strides = array<i32>} : memref<2x4x8x128xf32, #tpu.memory_space<vmem>>, vector<16xf32>,
      tpu.vector_store %arg9[%swap3A_1065, %swap3A_1066, %swap3A_1067, %swap3A_1068], %gather3A_1062 {strides = array<i32>} : memref<2x4x8x128xf32, #tpu.memory_space<vmem>>, vector<16xf32>,
      %add3A_1070 = arith.constant 30 : i32
      %add3A_1071 = vector.broadcast %add3A_1070 : i32 to vector<16xi32>
      %add3A_1072 = arith.addi %mul3A_619, %add3A_1071 : vector<16xi32>
      %gather3A_1073 = arith.constant 0 : i32
      %gather3A_1074 = arith.constant 0 : i32
      %gather3A_1075 = tpu.memref_slice %arg8[%rem3A_103, %gather3A_1073, %gather3A_1074] : memref<4x128x128xf32, #tpu.memory_space<vmem>> -> memref<1x128x128xf32, #tpu.memory_space<vmem>>
      %gather3A_1076 = tpu.memref_squeeze %gather3A_1075 : memref<1x128x128xf32, #tpu.memory_space<vmem>> -> memref<128x128xf32, #tpu.memory_space<vmem>>
      %gather3A_1077 = tpu.vector_load_idx %gather3A_1076[%add3A_613, %add3A_1072] : memref<128x128xf32, #tpu.memory_space<vmem>>[vector<16xi32>, vector<16xi32>], vector<16xf32>,
      %swap3A_1078 = arith.constant 3 : i32
      %swap3A_1079 = arith.constant 6 : i32
      %swap3A_1080 = arith.index_cast %rem3A_105 : i32 to index
      %swap3A_1081 = arith.index_cast %swap3A_1078 : i32 to index
      %swap3A_1082 = arith.index_cast %swap3A_1079 : i32 to index
      %swap3A_1083 = arith.constant 16 : index
      %swap3A_1084 = tpu.vector_load %arg9[%swap3A_1080, %swap3A_1081, %swap3A_1082, %swap3A_1083] {strides = array<i32>} : memref<2x4x8x128xf32, #tpu.memory_space<vmem>>, vector<16xf32>,
      tpu.vector_store %arg9[%swap3A_1080, %swap3A_1081, %swap3A_1082, %swap3A_1083], %gather3A_1077 {strides = array<i32>} : memref<2x4x8x128xf32, #tpu.memory_space<vmem>>, vector<16xf32>,
      %add3A_1085 = arith.constant 31 : i32
      %add3A_1086 = vector.broadcast %add3A_1085 : i32 to vector<16xi32>
      %add3A_1087 = arith.addi %mul3A_619, %add3A_1086 : vector<16xi32>
      %gather3A_1088 = arith.constant 0 : i32
      %gather3A_1089 = arith.constant 0 : i32
      %gather3A_1090 = tpu.memref_slice %arg8[%rem3A_103, %gather3A_1088, %gather3A_1089] : memref<4x128x128xf32, #tpu.memory_space<vmem>> -> memref<1x128x128xf32, #tpu.memory_space<vmem>>
      %gather3A_1091 = tpu.memref_squeeze %gather3A_1090 : memref<1x128x128xf32, #tpu.memory_space<vmem>> -> memref<128x128xf32, #tpu.memory_space<vmem>>
      %gather3A_1092 = tpu.vector_load_idx %gather3A_1091[%add3A_613, %add3A_1087] : memref<128x128xf32, #tpu.memory_space<vmem>>[vector<16xi32>, vector<16xi32>], vector<16xf32>,
      %swap3A_1093 = arith.constant 3 : i32
      %swap3A_1094 = arith.constant 7 : i32
      %swap3A_1095 = arith.index_cast %rem3A_105 : i32 to index
      %swap3A_1096 = arith.index_cast %swap3A_1093 : i32 to index
      %swap3A_1097 = arith.index_cast %swap3A_1094 : i32 to index
      %swap3A_1098 = arith.constant 16 : index
      %swap3A_1099 = tpu.vector_load %arg9[%swap3A_1095, %swap3A_1096, %swap3A_1097, %swap3A_1098] {strides = array<i32>} : memref<2x4x8x128xf32, #tpu.memory_space<vmem>>, vector<16xf32>,
      tpu.vector_store %arg9[%swap3A_1095, %swap3A_1096, %swap3A_1097, %swap3A_1098], %gather3A_1092 {strides = array<i32>} : memref<2x4x8x128xf32, #tpu.memory_space<vmem>>, vector<16xf32>,
      %iota3A_1100 = tpu.iota {dimensions = array<i32: 0>} : vector<16xi32>
      %add3A_1101 = arith.constant 32 : i32
      %add3A_1102 = vector.broadcast %add3A_1101 : i32 to vector<16xi32>
      %add3A_1103 = arith.addi %add3A_1102, %iota3A_1100 : vector<16xi32>
      %get3A_1104 = arith.index_cast %scan3A_102 : i32 to index
      %get3A_1105 = arith.constant 32 : index
      %get3A_1106 = tpu.vector_load %arg7[%get3A_1104, %get3A_1105] {strides = array<i32>} : memref<200x128xi32, #tpu.memory_space<vmem>>, vector<16xi32>,
      %mul3A_1107 = arith.constant 32 : i32
      %mul3A_1108 = vector.broadcast %mul3A_1107 : i32 to vector<16xi32>
      %mul3A_1109 = arith.muli %get3A_1106, %mul3A_1108 : vector<16xi32>
      %add3A_1110 = arith.constant 0 : i32
      %add3A_1111 = vector.broadcast %add3A_1110 : i32 to vector<16xi32>
      %add3A_1112 = arith.addi %mul3A_1109, %add3A_1111 : vector<16xi32>
      %gather3A_1113 = arith.constant 0 : i32
      %gather3A_1114 = arith.constant 0 : i32
      %gather3A_1115 = tpu.memref_slice %arg8[%rem3A_103, %gather3A_1113, %gather3A_1114] : memref<4x128x128xf32, #tpu.memory_space<vmem>> -> memref<1x128x128xf32, #tpu.memory_space<vmem>>
      %gather3A_1116 = tpu.memref_squeeze %gather3A_1115 : memref<1x128x128xf32, #tpu.memory_space<vmem>> -> memref<128x128xf32, #tpu.memory_space<vmem>>
      %gather3A_1117 = tpu.vector_load_idx %gather3A_1116[%add3A_1103, %add3A_1112] : memref<128x128xf32, #tpu.memory_space<vmem>>[vector<16xi32>, vector<16xi32>], vector<16xf32>,
      %swap3A_1118 = arith.constant 0 : i32
      %swap3A_1119 = arith.constant 0 : i32
      %swap3A_1120 = arith.index_cast %rem3A_105 : i32 to index
      %swap3A_1121 = arith.index_cast %swap3A_1118 : i32 to index
      %swap3A_1122 = arith.index_cast %swap3A_1119 : i32 to index
      %swap3A_1123 = arith.constant 32 : index
      %swap3A_1124 = tpu.vector_load %arg9[%swap3A_1120, %swap3A_1121, %swap3A_1122, %swap3A_1123] {strides = array<i32>} : memref<2x4x8x128xf32, #tpu.memory_space<vmem>>, vector<16xf32>,
      tpu.vector_store %arg9[%swap3A_1120, %swap3A_1121, %swap3A_1122, %swap3A_1123], %gather3A_1117 {strides = array<i32>} : memref<2x4x8x128xf32, #tpu.memory_space<vmem>>, vector<16xf32>,
      %add3A_1125 = arith.constant 1 : i32
      %add3A_1126 = vector.broadcast %add3A_1125 : i32 to vector<16xi32>
      %add3A_1127 = arith.addi %mul3A_1109, %add3A_1126 : vector<16xi32>
      %gather3A_1128 = arith.constant 0 : i32
      %gather3A_1129 = arith.constant 0 : i32
      %gather3A_1130 = tpu.memref_slice %arg8[%rem3A_103, %gather3A_1128, %gather3A_1129] : memref<4x128x128xf32, #tpu.memory_space<vmem>> -> memref<1x128x128xf32, #tpu.memory_space<vmem>>
      %gather3A_1131 = tpu.memref_squeeze %gather3A_1130 : memref<1x128x128xf32, #tpu.memory_space<vmem>> -> memref<128x128xf32, #tpu.memory_space<vmem>>
      %gather3A_1132 = tpu.vector_load_idx %gather3A_1131[%add3A_1103, %add3A_1127] : memref<128x128xf32, #tpu.memory_space<vmem>>[vector<16xi32>, vector<16xi32>], vector<16xf32>,
      %swap3A_1133 = arith.constant 0 : i32
      %swap3A_1134 = arith.constant 1 : i32
      %swap3A_1135 = arith.index_cast %rem3A_105 : i32 to index
      %swap3A_1136 = arith.index_cast %swap3A_1133 : i32 to index
      %swap3A_1137 = arith.index_cast %swap3A_1134 : i32 to index
      %swap3A_1138 = arith.constant 32 : index
      %swap3A_1139 = tpu.vector_load %arg9[%swap3A_1135, %swap3A_1136, %swap3A_1137, %swap3A_1138] {strides = array<i32>} : memref<2x4x8x128xf32, #tpu.memory_space<vmem>>, vector<16xf32>,
      tpu.vector_store %arg9[%swap3A_1135, %swap3A_1136, %swap3A_1137, %swap3A_1138], %gather3A_1132 {strides = array<i32>} : memref<2x4x8x128xf32, #tpu.memory_space<vmem>>, vector<16xf32>,
      %add3A_1140 = arith.constant 2 : i32
      %add3A_1141 = vector.broadcast %add3A_1140 : i32 to vector<16xi32>
      %add3A_1142 = arith.addi %mul3A_1109, %add3A_1141 : vector<16xi32>
      %gather3A_1143 = arith.constant 0 : i32
      %gather3A_1144 = arith.constant 0 : i32
      %gather3A_1145 = tpu.memref_slice %arg8[%rem3A_103, %gather3A_1143, %gather3A_1144] : memref<4x128x128xf32, #tpu.memory_space<vmem>> -> memref<1x128x128xf32, #tpu.memory_space<vmem>>
      %gather3A_1146 = tpu.memref_squeeze %gather3A_1145 : memref<1x128x128xf32, #tpu.memory_space<vmem>> -> memref<128x128xf32, #tpu.memory_space<vmem>>
      %gather3A_1147 = tpu.vector_load_idx %gather3A_1146[%add3A_1103, %add3A_1142] : memref<128x128xf32, #tpu.memory_space<vmem>>[vector<16xi32>, vector<16xi32>], vector<16xf32>,
      %swap3A_1148 = arith.constant 0 : i32
      %swap3A_1149 = arith.constant 2 : i32
      %swap3A_1150 = arith.index_cast %rem3A_105 : i32 to index
      %swap3A_1151 = arith.index_cast %swap3A_1148 : i32 to index
      %swap3A_1152 = arith.index_cast %swap3A_1149 : i32 to index
      %swap3A_1153 = arith.constant 32 : index
      %swap3A_1154 = tpu.vector_load %arg9[%swap3A_1150, %swap3A_1151, %swap3A_1152, %swap3A_1153] {strides = array<i32>} : memref<2x4x8x128xf32, #tpu.memory_space<vmem>>, vector<16xf32>,
      tpu.vector_store %arg9[%swap3A_1150, %swap3A_1151, %swap3A_1152, %swap3A_1153], %gather3A_1147 {strides = array<i32>} : memref<2x4x8x128xf32, #tpu.memory_space<vmem>>, vector<16xf32>,
      %add3A_1155 = arith.constant 3 : i32
      %add3A_1156 = vector.broadcast %add3A_1155 : i32 to vector<16xi32>
      %add3A_1157 = arith.addi %mul3A_1109, %add3A_1156 : vector<16xi32>
      %gather3A_1158 = arith.constant 0 : i32
      %gather3A_1159 = arith.constant 0 : i32
      %gather3A_1160 = tpu.memref_slice %arg8[%rem3A_103, %gather3A_1158, %gather3A_1159] : memref<4x128x128xf32, #tpu.memory_space<vmem>> -> memref<1x128x128xf32, #tpu.memory_space<vmem>>
      %gather3A_1161 = tpu.memref_squeeze %gather3A_1160 : memref<1x128x128xf32, #tpu.memory_space<vmem>> -> memref<128x128xf32, #tpu.memory_space<vmem>>
      %gather3A_1162 = tpu.vector_load_idx %gather3A_1161[%add3A_1103, %add3A_1157] : memref<128x128xf32, #tpu.memory_space<vmem>>[vector<16xi32>, vector<16xi32>], vector<16xf32>,
      %swap3A_1163 = arith.constant 0 : i32
      %swap3A_1164 = arith.constant 3 : i32
      %swap3A_1165 = arith.index_cast %rem3A_105 : i32 to index
      %swap3A_1166 = arith.index_cast %swap3A_1163 : i32 to index
      %swap3A_1167 = arith.index_cast %swap3A_1164 : i32 to index
      %swap3A_1168 = arith.constant 32 : index
      %swap3A_1169 = tpu.vector_load %arg9[%swap3A_1165, %swap3A_1166, %swap3A_1167, %swap3A_1168] {strides = array<i32>} : memref<2x4x8x128xf32, #tpu.memory_space<vmem>>, vector<16xf32>,
      tpu.vector_store %arg9[%swap3A_1165, %swap3A_1166, %swap3A_1167, %swap3A_1168], %gather3A_1162 {strides = array<i32>} : memref<2x4x8x128xf32, #tpu.memory_space<vmem>>, vector<16xf32>,
      %add3A_1170 = arith.constant 4 : i32
      %add3A_1171 = vector.broadcast %add3A_1170 : i32 to vector<16xi32>
      %add3A_1172 = arith.addi %mul3A_1109, %add3A_1171 : vector<16xi32>
      %gather3A_1173 = arith.constant 0 : i32
      %gather3A_1174 = arith.constant 0 : i32
      %gather3A_1175 = tpu.memref_slice %arg8[%rem3A_103, %gather3A_1173, %gather3A_1174] : memref<4x128x128xf32, #tpu.memory_space<vmem>> -> memref<1x128x128xf32, #tpu.memory_space<vmem>>
      %gather3A_1176 = tpu.memref_squeeze %gather3A_1175 : memref<1x128x128xf32, #tpu.memory_space<vmem>> -> memref<128x128xf32, #tpu.memory_space<vmem>>
      %gather3A_1177 = tpu.vector_load_idx %gather3A_1176[%add3A_1103, %add3A_1172] : memref<128x128xf32, #tpu.memory_space<vmem>>[vector<16xi32>, vector<16xi32>], vector<16xf32>,
      %swap3A_1178 = arith.constant 0 : i32
      %swap3A_1179 = arith.constant 4 : i32
      %swap3A_1180 = arith.index_cast %rem3A_105 : i32 to index
      %swap3A_1181 = arith.index_cast %swap3A_1178 : i32 to index
      %swap3A_1182 = arith.index_cast %swap3A_1179 : i32 to index
      %swap3A_1183 = arith.constant 32 : index
      %swap3A_1184 = tpu.vector_load %arg9[%swap3A_1180, %swap3A_1181, %swap3A_1182, %swap3A_1183] {strides = array<i32>} : memref<2x4x8x128xf32, #tpu.memory_space<vmem>>, vector<16xf32>,
      tpu.vector_store %arg9[%swap3A_1180, %swap3A_1181, %swap3A_1182, %swap3A_1183], %gather3A_1177 {strides = array<i32>} : memref<2x4x8x128xf32, #tpu.memory_space<vmem>>, vector<16xf32>,
      %add3A_1185 = arith.constant 5 : i32
      %add3A_1186 = vector.broadcast %add3A_1185 : i32 to vector<16xi32>
      %add3A_1187 = arith.addi %mul3A_1109, %add3A_1186 : vector<16xi32>
      %gather3A_1188 = arith.constant 0 : i32
      %gather3A_1189 = arith.constant 0 : i32
      %gather3A_1190 = tpu.memref_slice %arg8[%rem3A_103, %gather3A_1188, %gather3A_1189] : memref<4x128x128xf32, #tpu.memory_space<vmem>> -> memref<1x128x128xf32, #tpu.memory_space<vmem>>
      %gather3A_1191 = tpu.memref_squeeze %gather3A_1190 : memref<1x128x128xf32, #tpu.memory_space<vmem>> -> memref<128x128xf32, #tpu.memory_space<vmem>>
      %gather3A_1192 = tpu.vector_load_idx %gather3A_1191[%add3A_1103, %add3A_1187] : memref<128x128xf32, #tpu.memory_space<vmem>>[vector<16xi32>, vector<16xi32>], vector<16xf32>,
      %swap3A_1193 = arith.constant 0 : i32
      %swap3A_1194 = arith.constant 5 : i32
      %swap3A_1195 = arith.index_cast %rem3A_105 : i32 to index
      %swap3A_1196 = arith.index_cast %swap3A_1193 : i32 to index
      %swap3A_1197 = arith.index_cast %swap3A_1194 : i32 to index
      %swap3A_1198 = arith.constant 32 : index
      %swap3A_1199 = tpu.vector_load %arg9[%swap3A_1195, %swap3A_1196, %swap3A_1197, %swap3A_1198] {strides = array<i32>} : memref<2x4x8x128xf32, #tpu.memory_space<vmem>>, vector<16xf32>,
      tpu.vector_store %arg9[%swap3A_1195, %swap3A_1196, %swap3A_1197, %swap3A_1198], %gather3A_1192 {strides = array<i32>} : memref<2x4x8x128xf32, #tpu.memory_space<vmem>>, vector<16xf32>,
      %add3A_1200 = arith.constant 6 : i32
      %add3A_1201 = vector.broadcast %add3A_1200 : i32 to vector<16xi32>
      %add3A_1202 = arith.addi %mul3A_1109, %add3A_1201 : vector<16xi32>
      %gather3A_1203 = arith.constant 0 : i32
      %gather3A_1204 = arith.constant 0 : i32
      %gather3A_1205 = tpu.memref_slice %arg8[%rem3A_103, %gather3A_1203, %gather3A_1204] : memref<4x128x128xf32, #tpu.memory_space<vmem>> -> memref<1x128x128xf32, #tpu.memory_space<vmem>>
      %gather3A_1206 = tpu.memref_squeeze %gather3A_1205 : memref<1x128x128xf32, #tpu.memory_space<vmem>> -> memref<128x128xf32, #tpu.memory_space<vmem>>
      %gather3A_1207 = tpu.vector_load_idx %gather3A_1206[%add3A_1103, %add3A_1202] : memref<128x128xf32, #tpu.memory_space<vmem>>[vector<16xi32>, vector<16xi32>], vector<16xf32>,
      %swap3A_1208 = arith.constant 0 : i32
      %swap3A_1209 = arith.constant 6 : i32
      %swap3A_1210 = arith.index_cast %rem3A_105 : i32 to index
      %swap3A_1211 = arith.index_cast %swap3A_1208 : i32 to index
      %swap3A_1212 = arith.index_cast %swap3A_1209 : i32 to index
      %swap3A_1213 = arith.constant 32 : index
      %swap3A_1214 = tpu.vector_load %arg9[%swap3A_1210, %swap3A_1211, %swap3A_1212, %swap3A_1213] {strides = array<i32>} : memref<2x4x8x128xf32, #tpu.memory_space<vmem>>, vector<16xf32>,
      tpu.vector_store %arg9[%swap3A_1210, %swap3A_1211, %swap3A_1212, %swap3A_1213], %gather3A_1207 {strides = array<i32>} : memref<2x4x8x128xf32, #tpu.memory_space<vmem>>, vector<16xf32>,
      %add3A_1215 = arith.constant 7 : i32
      %add3A_1216 = vector.broadcast %add3A_1215 : i32 to vector<16xi32>
      %add3A_1217 = arith.addi %mul3A_1109, %add3A_1216 : vector<16xi32>
      %gather3A_1218 = arith.constant 0 : i32
      %gather3A_1219 = arith.constant 0 : i32
      %gather3A_1220 = tpu.memref_slice %arg8[%rem3A_103, %gather3A_1218, %gather3A_1219] : memref<4x128x128xf32, #tpu.memory_space<vmem>> -> memref<1x128x128xf32, #tpu.memory_space<vmem>>
      %gather3A_1221 = tpu.memref_squeeze %gather3A_1220 : memref<1x128x128xf32, #tpu.memory_space<vmem>> -> memref<128x128xf32, #tpu.memory_space<vmem>>
      %gather3A_1222 = tpu.vector_load_idx %gather3A_1221[%add3A_1103, %add3A_1217] : memref<128x128xf32, #tpu.memory_space<vmem>>[vector<16xi32>, vector<16xi32>], vector<16xf32>,
      %swap3A_1223 = arith.constant 0 : i32
      %swap3A_1224 = arith.constant 7 : i32
      %swap3A_1225 = arith.index_cast %rem3A_105 : i32 to index
      %swap3A_1226 = arith.index_cast %swap3A_1223 : i32 to index
      %swap3A_1227 = arith.index_cast %swap3A_1224 : i32 to index
      %swap3A_1228 = arith.constant 32 : index
      %swap3A_1229 = tpu.vector_load %arg9[%swap3A_1225, %swap3A_1226, %swap3A_1227, %swap3A_1228] {strides = array<i32>} : memref<2x4x8x128xf32, #tpu.memory_space<vmem>>, vector<16xf32>,
      tpu.vector_store %arg9[%swap3A_1225, %swap3A_1226, %swap3A_1227, %swap3A_1228], %gather3A_1222 {strides = array<i32>} : memref<2x4x8x128xf32, #tpu.memory_space<vmem>>, vector<16xf32>,
      %add3A_1230 = arith.constant 8 : i32
      %add3A_1231 = vector.broadcast %add3A_1230 : i32 to vector<16xi32>
      %add3A_1232 = arith.addi %mul3A_1109, %add3A_1231 : vector<16xi32>
      %gather3A_1233 = arith.constant 0 : i32
      %gather3A_1234 = arith.constant 0 : i32
      %gather3A_1235 = tpu.memref_slice %arg8[%rem3A_103, %gather3A_1233, %gather3A_1234] : memref<4x128x128xf32, #tpu.memory_space<vmem>> -> memref<1x128x128xf32, #tpu.memory_space<vmem>>
      %gather3A_1236 = tpu.memref_squeeze %gather3A_1235 : memref<1x128x128xf32, #tpu.memory_space<vmem>> -> memref<128x128xf32, #tpu.memory_space<vmem>>
      %gather3A_1237 = tpu.vector_load_idx %gather3A_1236[%add3A_1103, %add3A_1232] : memref<128x128xf32, #tpu.memory_space<vmem>>[vector<16xi32>, vector<16xi32>], vector<16xf32>,
      %swap3A_1238 = arith.constant 1 : i32
      %swap3A_1239 = arith.constant 0 : i32
      %swap3A_1240 = arith.index_cast %rem3A_105 : i32 to index
      %swap3A_1241 = arith.index_cast %swap3A_1238 : i32 to index
      %swap3A_1242 = arith.index_cast %swap3A_1239 : i32 to index
      %swap3A_1243 = arith.constant 32 : index
      %swap3A_1244 = tpu.vector_load %arg9[%swap3A_1240, %swap3A_1241, %swap3A_1242, %swap3A_1243] {strides = array<i32>} : memref<2x4x8x128xf32, #tpu.memory_space<vmem>>, vector<16xf32>,
      tpu.vector_store %arg9[%swap3A_1240, %swap3A_1241, %swap3A_1242, %swap3A_1243], %gather3A_1237 {strides = array<i32>} : memref<2x4x8x128xf32, #tpu.memory_space<vmem>>, vector<16xf32>,
      %add3A_1245 = arith.constant 9 : i32
      %add3A_1246 = vector.broadcast %add3A_1245 : i32 to vector<16xi32>
      %add3A_1247 = arith.addi %mul3A_1109, %add3A_1246 : vector<16xi32>
      %gather3A_1248 = arith.constant 0 : i32
      %gather3A_1249 = arith.constant 0 : i32
      %gather3A_1250 = tpu.memref_slice %arg8[%rem3A_103, %gather3A_1248, %gather3A_1249] : memref<4x128x128xf32, #tpu.memory_space<vmem>> -> memref<1x128x128xf32, #tpu.memory_space<vmem>>
      %gather3A_1251 = tpu.memref_squeeze %gather3A_1250 : memref<1x128x128xf32, #tpu.memory_space<vmem>> -> memref<128x128xf32, #tpu.memory_space<vmem>>
      %gather3A_1252 = tpu.vector_load_idx %gather3A_1251[%add3A_1103, %add3A_1247] : memref<128x128xf32, #tpu.memory_space<vmem>>[vector<16xi32>, vector<16xi32>], vector<16xf32>,
      %swap3A_1253 = arith.constant 1 : i32
      %swap3A_1254 = arith.constant 1 : i32
      %swap3A_1255 = arith.index_cast %rem3A_105 : i32 to index
      %swap3A_1256 = arith.index_cast %swap3A_1253 : i32 to index
      %swap3A_1257 = arith.index_cast %swap3A_1254 : i32 to index
      %swap3A_1258 = arith.constant 32 : index
      %swap3A_1259 = tpu.vector_load %arg9[%swap3A_1255, %swap3A_1256, %swap3A_1257, %swap3A_1258] {strides = array<i32>} : memref<2x4x8x128xf32, #tpu.memory_space<vmem>>, vector<16xf32>,
      tpu.vector_store %arg9[%swap3A_1255, %swap3A_1256, %swap3A_1257, %swap3A_1258], %gather3A_1252 {strides = array<i32>} : memref<2x4x8x128xf32, #tpu.memory_space<vmem>>, vector<16xf32>,
      %add3A_1260 = arith.constant 10 : i32
      %add3A_1261 = vector.broadcast %add3A_1260 : i32 to vector<16xi32>
      %add3A_1262 = arith.addi %mul3A_1109, %add3A_1261 : vector<16xi32>
      %gather3A_1263 = arith.constant 0 : i32
      %gather3A_1264 = arith.constant 0 : i32
      %gather3A_1265 = tpu.memref_slice %arg8[%rem3A_103, %gather3A_1263, %gather3A_1264] : memref<4x128x128xf32, #tpu.memory_space<vmem>> -> memref<1x128x128xf32, #tpu.memory_space<vmem>>
      %gather3A_1266 = tpu.memref_squeeze %gather3A_1265 : memref<1x128x128xf32, #tpu.memory_space<vmem>> -> memref<128x128xf32, #tpu.memory_space<vmem>>
      %gather3A_1267 = tpu.vector_load_idx %gather3A_1266[%add3A_1103, %add3A_1262] : memref<128x128xf32, #tpu.memory_space<vmem>>[vector<16xi32>, vector<16xi32>], vector<16xf32>,
      %swap3A_1268 = arith.constant 1 : i32
      %swap3A_1269 = arith.constant 2 : i32
      %swap3A_1270 = arith.index_cast %rem3A_105 : i32 to index
      %swap3A_1271 = arith.index_cast %swap3A_1268 : i32 to index
      %swap3A_1272 = arith.index_cast %swap3A_1269 : i32 to index
      %swap3A_1273 = arith.constant 32 : index
      %swap3A_1274 = tpu.vector_load %arg9[%swap3A_1270, %swap3A_1271, %swap3A_1272, %swap3A_1273] {strides = array<i32>} : memref<2x4x8x128xf32, #tpu.memory_space<vmem>>, vector<16xf32>,
      tpu.vector_store %arg9[%swap3A_1270, %swap3A_1271, %swap3A_1272, %swap3A_1273], %gather3A_1267 {strides = array<i32>} : memref<2x4x8x128xf32, #tpu.memory_space<vmem>>, vector<16xf32>,
      %add3A_1275 = arith.constant 11 : i32
      %add3A_1276 = vector.broadcast %add3A_1275 : i32 to vector<16xi32>
      %add3A_1277 = arith.addi %mul3A_1109, %add3A_1276 : vector<16xi32>
      %gather3A_1278 = arith.constant 0 : i32
      %gather3A_1279 = arith.constant 0 : i32
      %gather3A_1280 = tpu.memref_slice %arg8[%rem3A_103, %gather3A_1278, %gather3A_1279] : memref<4x128x128xf32, #tpu.memory_space<vmem>> -> memref<1x128x128xf32, #tpu.memory_space<vmem>>
      %gather3A_1281 = tpu.memref_squeeze %gather3A_1280 : memref<1x128x128xf32, #tpu.memory_space<vmem>> -> memref<128x128xf32, #tpu.memory_space<vmem>>
      %gather3A_1282 = tpu.vector_load_idx %gather3A_1281[%add3A_1103, %add3A_1277] : memref<128x128xf32, #tpu.memory_space<vmem>>[vector<16xi32>, vector<16xi32>], vector<16xf32>,
      %swap3A_1283 = arith.constant 1 : i32
      %swap3A_1284 = arith.constant 3 : i32
      %swap3A_1285 = arith.index_cast %rem3A_105 : i32 to index
      %swap3A_1286 = arith.index_cast %swap3A_1283 : i32 to index
      %swap3A_1287 = arith.index_cast %swap3A_1284 : i32 to index
      %swap3A_1288 = arith.constant 32 : index
      %swap3A_1289 = tpu.vector_load %arg9[%swap3A_1285, %swap3A_1286, %swap3A_1287, %swap3A_1288] {strides = array<i32>} : memref<2x4x8x128xf32, #tpu.memory_space<vmem>>, vector<16xf32>,
      tpu.vector_store %arg9[%swap3A_1285, %swap3A_1286, %swap3A_1287, %swap3A_1288], %gather3A_1282 {strides = array<i32>} : memref<2x4x8x128xf32, #tpu.memory_space<vmem>>, vector<16xf32>,
      %add3A_1290 = arith.constant 12 : i32
      %add3A_1291 = vector.broadcast %add3A_1290 : i32 to vector<16xi32>
      %add3A_1292 = arith.addi %mul3A_1109, %add3A_1291 : vector<16xi32>
      %gather3A_1293 = arith.constant 0 : i32
      %gather3A_1294 = arith.constant 0 : i32
      %gather3A_1295 = tpu.memref_slice %arg8[%rem3A_103, %gather3A_1293, %gather3A_1294] : memref<4x128x128xf32, #tpu.memory_space<vmem>> -> memref<1x128x128xf32, #tpu.memory_space<vmem>>
      %gather3A_1296 = tpu.memref_squeeze %gather3A_1295 : memref<1x128x128xf32, #tpu.memory_space<vmem>> -> memref<128x128xf32, #tpu.memory_space<vmem>>
      %gather3A_1297 = tpu.vector_load_idx %gather3A_1296[%add3A_1103, %add3A_1292] : memref<128x128xf32, #tpu.memory_space<vmem>>[vector<16xi32>, vector<16xi32>], vector<16xf32>,
      %swap3A_1298 = arith.constant 1 : i32
      %swap3A_1299 = arith.constant 4 : i32
      %swap3A_1300 = arith.index_cast %rem3A_105 : i32 to index
      %swap3A_1301 = arith.index_cast %swap3A_1298 : i32 to index
      %swap3A_1302 = arith.index_cast %swap3A_1299 : i32 to index
      %swap3A_1303 = arith.constant 32 : index
      %swap3A_1304 = tpu.vector_load %arg9[%swap3A_1300, %swap3A_1301, %swap3A_1302, %swap3A_1303] {strides = array<i32>} : memref<2x4x8x128xf32, #tpu.memory_space<vmem>>, vector<16xf32>,
      tpu.vector_store %arg9[%swap3A_1300, %swap3A_1301, %swap3A_1302, %swap3A_1303], %gather3A_1297 {strides = array<i32>} : memref<2x4x8x128xf32, #tpu.memory_space<vmem>>, vector<16xf32>,
      %add3A_1305 = arith.constant 13 : i32
      %add3A_1306 = vector.broadcast %add3A_1305 : i32 to vector<16xi32>
      %add3A_1307 = arith.addi %mul3A_1109, %add3A_1306 : vector<16xi32>
      %gather3A_1308 = arith.constant 0 : i32
      %gather3A_1309 = arith.constant 0 : i32
      %gather3A_1310 = tpu.memref_slice %arg8[%rem3A_103, %gather3A_1308, %gather3A_1309] : memref<4x128x128xf32, #tpu.memory_space<vmem>> -> memref<1x128x128xf32, #tpu.memory_space<vmem>>
      %gather3A_1311 = tpu.memref_squeeze %gather3A_1310 : memref<1x128x128xf32, #tpu.memory_space<vmem>> -> memref<128x128xf32, #tpu.memory_space<vmem>>
      %gather3A_1312 = tpu.vector_load_idx %gather3A_1311[%add3A_1103, %add3A_1307] : memref<128x128xf32, #tpu.memory_space<vmem>>[vector<16xi32>, vector<16xi32>], vector<16xf32>,
      %swap3A_1313 = arith.constant 1 : i32
      %swap3A_1314 = arith.constant 5 : i32
      %swap3A_1315 = arith.index_cast %rem3A_105 : i32 to index
      %swap3A_1316 = arith.index_cast %swap3A_1313 : i32 to index
      %swap3A_1317 = arith.index_cast %swap3A_1314 : i32 to index
      %swap3A_1318 = arith.constant 32 : index
      %swap3A_1319 = tpu.vector_load %arg9[%swap3A_1315, %swap3A_1316, %swap3A_1317, %swap3A_1318] {strides = array<i32>} : memref<2x4x8x128xf32, #tpu.memory_space<vmem>>, vector<16xf32>,
      tpu.vector_store %arg9[%swap3A_1315, %swap3A_1316, %swap3A_1317, %swap3A_1318], %gather3A_1312 {strides = array<i32>} : memref<2x4x8x128xf32, #tpu.memory_space<vmem>>, vector<16xf32>,
      %add3A_1320 = arith.constant 14 : i32
      %add3A_1321 = vector.broadcast %add3A_1320 : i32 to vector<16xi32>
      %add3A_1322 = arith.addi %mul3A_1109, %add3A_1321 : vector<16xi32>
      %gather3A_1323 = arith.constant 0 : i32
      %gather3A_1324 = arith.constant 0 : i32
      %gather3A_1325 = tpu.memref_slice %arg8[%rem3A_103, %gather3A_1323, %gather3A_1324] : memref<4x128x128xf32, #tpu.memory_space<vmem>> -> memref<1x128x128xf32, #tpu.memory_space<vmem>>
      %gather3A_1326 = tpu.memref_squeeze %gather3A_1325 : memref<1x128x128xf32, #tpu.memory_space<vmem>> -> memref<128x128xf32, #tpu.memory_space<vmem>>
      %gather3A_1327 = tpu.vector_load_idx %gather3A_1326[%add3A_1103, %add3A_1322] : memref<128x128xf32, #tpu.memory_space<vmem>>[vector<16xi32>, vector<16xi32>], vector<16xf32>,
      %swap3A_1328 = arith.constant 1 : i32
      %swap3A_1329 = arith.constant 6 : i32
      %swap3A_1330 = arith.index_cast %rem3A_105 : i32 to index
      %swap3A_1331 = arith.index_cast %swap3A_1328 : i32 to index
      %swap3A_1332 = arith.index_cast %swap3A_1329 : i32 to index
      %swap3A_1333 = arith.constant 32 : index
      %swap3A_1334 = tpu.vector_load %arg9[%swap3A_1330, %swap3A_1331, %swap3A_1332, %swap3A_1333] {strides = array<i32>} : memref<2x4x8x128xf32, #tpu.memory_space<vmem>>, vector<16xf32>,
      tpu.vector_store %arg9[%swap3A_1330, %swap3A_1331, %swap3A_1332, %swap3A_1333], %gather3A_1327 {strides = array<i32>} : memref<2x4x8x128xf32, #tpu.memory_space<vmem>>, vector<16xf32>,
      %add3A_1335 = arith.constant 15 : i32
      %add3A_1336 = vector.broadcast %add3A_1335 : i32 to vector<16xi32>
      %add3A_1337 = arith.addi %mul3A_1109, %add3A_1336 : vector<16xi32>
      %gather3A_1338 = arith.constant 0 : i32
      %gather3A_1339 = arith.constant 0 : i32
      %gather3A_1340 = tpu.memref_slice %arg8[%rem3A_103, %gather3A_1338, %gather3A_1339] : memref<4x128x128xf32, #tpu.memory_space<vmem>> -> memref<1x128x128xf32, #tpu.memory_space<vmem>>
      %gather3A_1341 = tpu.memref_squeeze %gather3A_1340 : memref<1x128x128xf32, #tpu.memory_space<vmem>> -> memref<128x128xf32, #tpu.memory_space<vmem>>
      %gather3A_1342 = tpu.vector_load_idx %gather3A_1341[%add3A_1103, %add3A_1337] : memref<128x128xf32, #tpu.memory_space<vmem>>[vector<16xi32>, vector<16xi32>], vector<16xf32>,
      %swap3A_1343 = arith.constant 1 : i32
      %swap3A_1344 = arith.constant 7 : i32
      %swap3A_1345 = arith.index_cast %rem3A_105 : i32 to index
      %swap3A_1346 = arith.index_cast %swap3A_1343 : i32 to index
      %swap3A_1347 = arith.index_cast %swap3A_1344 : i32 to index
      %swap3A_1348 = arith.constant 32 : index
      %swap3A_1349 = tpu.vector_load %arg9[%swap3A_1345, %swap3A_1346, %swap3A_1347, %swap3A_1348] {strides = array<i32>} : memref<2x4x8x128xf32, #tpu.memory_space<vmem>>, vector<16xf32>,
      tpu.vector_store %arg9[%swap3A_1345, %swap3A_1346, %swap3A_1347, %swap3A_1348], %gather3A_1342 {strides = array<i32>} : memref<2x4x8x128xf32, #tpu.memory_space<vmem>>, vector<16xf32>,
      %add3A_1350 = arith.constant 16 : i32
      %add3A_1351 = vector.broadcast %add3A_1350 : i32 to vector<16xi32>
      %add3A_1352 = arith.addi %mul3A_1109, %add3A_1351 : vector<16xi32>
      %gather3A_1353 = arith.constant 0 : i32
      %gather3A_1354 = arith.constant 0 : i32
      %gather3A_1355 = tpu.memref_slice %arg8[%rem3A_103, %gather3A_1353, %gather3A_1354] : memref<4x128x128xf32, #tpu.memory_space<vmem>> -> memref<1x128x128xf32, #tpu.memory_space<vmem>>
      %gather3A_1356 = tpu.memref_squeeze %gather3A_1355 : memref<1x128x128xf32, #tpu.memory_space<vmem>> -> memref<128x128xf32, #tpu.memory_space<vmem>>
      %gather3A_1357 = tpu.vector_load_idx %gather3A_1356[%add3A_1103, %add3A_1352] : memref<128x128xf32, #tpu.memory_space<vmem>>[vector<16xi32>, vector<16xi32>], vector<16xf32>,
      %swap3A_1358 = arith.constant 2 : i32
      %swap3A_1359 = arith.constant 0 : i32
      %swap3A_1360 = arith.index_cast %rem3A_105 : i32 to index
      %swap3A_1361 = arith.index_cast %swap3A_1358 : i32 to index
      %swap3A_1362 = arith.index_cast %swap3A_1359 : i32 to index
      %swap3A_1363 = arith.constant 32 : index
      %swap3A_1364 = tpu.vector_load %arg9[%swap3A_1360, %swap3A_1361, %swap3A_1362, %swap3A_1363] {strides = array<i32>} : memref<2x4x8x128xf32, #tpu.memory_space<vmem>>, vector<16xf32>,
      tpu.vector_store %arg9[%swap3A_1360, %swap3A_1361, %swap3A_1362, %swap3A_1363], %gather3A_1357 {strides = array<i32>} : memref<2x4x8x128xf32, #tpu.memory_space<vmem>>, vector<16xf32>,
      %add3A_1365 = arith.constant 17 : i32
      %add3A_1366 = vector.broadcast %add3A_1365 : i32 to vector<16xi32>
      %add3A_1367 = arith.addi %mul3A_1109, %add3A_1366 : vector<16xi32>
      %gather3A_1368 = arith.constant 0 : i32
      %gather3A_1369 = arith.constant 0 : i32
      %gather3A_1370 = tpu.memref_slice %arg8[%rem3A_103, %gather3A_1368, %gather3A_1369] : memref<4x128x128xf32, #tpu.memory_space<vmem>> -> memref<1x128x128xf32, #tpu.memory_space<vmem>>
      %gather3A_1371 = tpu.memref_squeeze %gather3A_1370 : memref<1x128x128xf32, #tpu.memory_space<vmem>> -> memref<128x128xf32, #tpu.memory_space<vmem>>
      %gather3A_1372 = tpu.vector_load_idx %gather3A_1371[%add3A_1103, %add3A_1367] : memref<128x128xf32, #tpu.memory_space<vmem>>[vector<16xi32>, vector<16xi32>], vector<16xf32>,
      %swap3A_1373 = arith.constant 2 : i32
      %swap3A_1374 = arith.constant 1 : i32
      %swap3A_1375 = arith.index_cast %rem3A_105 : i32 to index
      %swap3A_1376 = arith.index_cast %swap3A_1373 : i32 to index
      %swap3A_1377 = arith.index_cast %swap3A_1374 : i32 to index
      %swap3A_1378 = arith.constant 32 : index
      %swap3A_1379 = tpu.vector_load %arg9[%swap3A_1375, %swap3A_1376, %swap3A_1377, %swap3A_1378] {strides = array<i32>} : memref<2x4x8x128xf32, #tpu.memory_space<vmem>>, vector<16xf32>,
      tpu.vector_store %arg9[%swap3A_1375, %swap3A_1376, %swap3A_1377, %swap3A_1378], %gather3A_1372 {strides = array<i32>} : memref<2x4x8x128xf32, #tpu.memory_space<vmem>>, vector<16xf32>,
      %add3A_1380 = arith.constant 18 : i32
      %add3A_1381 = vector.broadcast %add3A_1380 : i32 to vector<16xi32>
      %add3A_1382 = arith.addi %mul3A_1109, %add3A_1381 : vector<16xi32>
      %gather3A_1383 = arith.constant 0 : i32
      %gather3A_1384 = arith.constant 0 : i32
      %gather3A_1385 = tpu.memref_slice %arg8[%rem3A_103, %gather3A_1383, %gather3A_1384] : memref<4x128x128xf32, #tpu.memory_space<vmem>> -> memref<1x128x128xf32, #tpu.memory_space<vmem>>
      %gather3A_1386 = tpu.memref_squeeze %gather3A_1385 : memref<1x128x128xf32, #tpu.memory_space<vmem>> -> memref<128x128xf32, #tpu.memory_space<vmem>>
      %gather3A_1387 = tpu.vector_load_idx %gather3A_1386[%add3A_1103, %add3A_1382] : memref<128x128xf32, #tpu.memory_space<vmem>>[vector<16xi32>, vector<16xi32>], vector<16xf32>,
      %swap3A_1388 = arith.constant 2 : i32
      %swap3A_1389 = arith.constant 2 : i32
      %swap3A_1390 = arith.index_cast %rem3A_105 : i32 to index
      %swap3A_1391 = arith.index_cast %swap3A_1388 : i32 to index
      %swap3A_1392 = arith.index_cast %swap3A_1389 : i32 to index
      %swap3A_1393 = arith.constant 32 : index
      %swap3A_1394 = tpu.vector_load %arg9[%swap3A_1390, %swap3A_1391, %swap3A_1392, %swap3A_1393] {strides = array<i32>} : memref<2x4x8x128xf32, #tpu.memory_space<vmem>>, vector<16xf32>,
      tpu.vector_store %arg9[%swap3A_1390, %swap3A_1391, %swap3A_1392, %swap3A_1393], %gather3A_1387 {strides = array<i32>} : memref<2x4x8x128xf32, #tpu.memory_space<vmem>>, vector<16xf32>,
      %add3A_1395 = arith.constant 19 : i32
      %add3A_1396 = vector.broadcast %add3A_1395 : i32 to vector<16xi32>
      %add3A_1397 = arith.addi %mul3A_1109, %add3A_1396 : vector<16xi32>
      %gather3A_1398 = arith.constant 0 : i32
      %gather3A_1399 = arith.constant 0 : i32
      %gather3A_1400 = tpu.memref_slice %arg8[%rem3A_103, %gather3A_1398, %gather3A_1399] : memref<4x128x128xf32, #tpu.memory_space<vmem>> -> memref<1x128x128xf32, #tpu.memory_space<vmem>>
      %gather3A_1401 = tpu.memref_squeeze %gather3A_1400 : memref<1x128x128xf32, #tpu.memory_space<vmem>> -> memref<128x128xf32, #tpu.memory_space<vmem>>
      %gather3A_1402 = tpu.vector_load_idx %gather3A_1401[%add3A_1103, %add3A_1397] : memref<128x128xf32, #tpu.memory_space<vmem>>[vector<16xi32>, vector<16xi32>], vector<16xf32>,
      %swap3A_1403 = arith.constant 2 : i32
      %swap3A_1404 = arith.constant 3 : i32
      %swap3A_1405 = arith.index_cast %rem3A_105 : i32 to index
      %swap3A_1406 = arith.index_cast %swap3A_1403 : i32 to index
      %swap3A_1407 = arith.index_cast %swap3A_1404 : i32 to index
      %swap3A_1408 = arith.constant 32 : index
      %swap3A_1409 = tpu.vector_load %arg9[%swap3A_1405, %swap3A_1406, %swap3A_1407, %swap3A_1408] {strides = array<i32>} : memref<2x4x8x128xf32, #tpu.memory_space<vmem>>, vector<16xf32>,
      tpu.vector_store %arg9[%swap3A_1405, %swap3A_1406, %swap3A_1407, %swap3A_1408], %gather3A_1402 {strides = array<i32>} : memref<2x4x8x128xf32, #tpu.memory_space<vmem>>, vector<16xf32>,
      %add3A_1410 = arith.constant 20 : i32
      %add3A_1411 = vector.broadcast %add3A_1410 : i32 to vector<16xi32>
      %add3A_1412 = arith.addi %mul3A_1109, %add3A_1411 : vector<16xi32>
      %gather3A_1413 = arith.constant 0 : i32
      %gather3A_1414 = arith.constant 0 : i32
      %gather3A_1415 = tpu.memref_slice %arg8[%rem3A_103, %gather3A_1413, %gather3A_1414] : memref<4x128x128xf32, #tpu.memory_space<vmem>> -> memref<1x128x128xf32, #tpu.memory_space<vmem>>
      %gather3A_1416 = tpu.memref_squeeze %gather3A_1415 : memref<1x128x128xf32, #tpu.memory_space<vmem>> -> memref<128x128xf32, #tpu.memory_space<vmem>>
      %gather3A_1417 = tpu.vector_load_idx %gather3A_1416[%add3A_1103, %add3A_1412] : memref<128x128xf32, #tpu.memory_space<vmem>>[vector<16xi32>, vector<16xi32>], vector<16xf32>,
      %swap3A_1418 = arith.constant 2 : i32
      %swap3A_1419 = arith.constant 4 : i32
      %swap3A_1420 = arith.index_cast %rem3A_105 : i32 to index
      %swap3A_1421 = arith.index_cast %swap3A_1418 : i32 to index
      %swap3A_1422 = arith.index_cast %swap3A_1419 : i32 to index
      %swap3A_1423 = arith.constant 32 : index
      %swap3A_1424 = tpu.vector_load %arg9[%swap3A_1420, %swap3A_1421, %swap3A_1422, %swap3A_1423] {strides = array<i32>} : memref<2x4x8x128xf32, #tpu.memory_space<vmem>>, vector<16xf32>,
      tpu.vector_store %arg9[%swap3A_1420, %swap3A_1421, %swap3A_1422, %swap3A_1423], %gather3A_1417 {strides = array<i32>} : memref<2x4x8x128xf32, #tpu.memory_space<vmem>>, vector<16xf32>,
      %add3A_1425 = arith.constant 21 : i32
      %add3A_1426 = vector.broadcast %add3A_1425 : i32 to vector<16xi32>
      %add3A_1427 = arith.addi %mul3A_1109, %add3A_1426 : vector<16xi32>
      %gather3A_1428 = arith.constant 0 : i32
      %gather3A_1429 = arith.constant 0 : i32
      %gather3A_1430 = tpu.memref_slice %arg8[%rem3A_103, %gather3A_1428, %gather3A_1429] : memref<4x128x128xf32, #tpu.memory_space<vmem>> -> memref<1x128x128xf32, #tpu.memory_space<vmem>>
      %gather3A_1431 = tpu.memref_squeeze %gather3A_1430 : memref<1x128x128xf32, #tpu.memory_space<vmem>> -> memref<128x128xf32, #tpu.memory_space<vmem>>
      %gather3A_1432 = tpu.vector_load_idx %gather3A_1431[%add3A_1103, %add3A_1427] : memref<128x128xf32, #tpu.memory_space<vmem>>[vector<16xi32>, vector<16xi32>], vector<16xf32>,
      %swap3A_1433 = arith.constant 2 : i32
      %swap3A_1434 = arith.constant 5 : i32
      %swap3A_1435 = arith.index_cast %rem3A_105 : i32 to index
      %swap3A_1436 = arith.index_cast %swap3A_1433 : i32 to index
      %swap3A_1437 = arith.index_cast %swap3A_1434 : i32 to index
      %swap3A_1438 = arith.constant 32 : index
      %swap3A_1439 = tpu.vector_load %arg9[%swap3A_1435, %swap3A_1436, %swap3A_1437, %swap3A_1438] {strides = array<i32>} : memref<2x4x8x128xf32, #tpu.memory_space<vmem>>, vector<16xf32>,
      tpu.vector_store %arg9[%swap3A_1435, %swap3A_1436, %swap3A_1437, %swap3A_1438], %gather3A_1432 {strides = array<i32>} : memref<2x4x8x128xf32, #tpu.memory_space<vmem>>, vector<16xf32>,
      %add3A_1440 = arith.constant 22 : i32
      %add3A_1441 = vector.broadcast %add3A_1440 : i32 to vector<16xi32>
      %add3A_1442 = arith.addi %mul3A_1109, %add3A_1441 : vector<16xi32>
      %gather3A_1443 = arith.constant 0 : i32
      %gather3A_1444 = arith.constant 0 : i32
      %gather3A_1445 = tpu.memref_slice %arg8[%rem3A_103, %gather3A_1443, %gather3A_1444] : memref<4x128x128xf32, #tpu.memory_space<vmem>> -> memref<1x128x128xf32, #tpu.memory_space<vmem>>
      %gather3A_1446 = tpu.memref_squeeze %gather3A_1445 : memref<1x128x128xf32, #tpu.memory_space<vmem>> -> memref<128x128xf32, #tpu.memory_space<vmem>>
      %gather3A_1447 = tpu.vector_load_idx %gather3A_1446[%add3A_1103, %add3A_1442] : memref<128x128xf32, #tpu.memory_space<vmem>>[vector<16xi32>, vector<16xi32>], vector<16xf32>,
      %swap3A_1448 = arith.constant 2 : i32
      %swap3A_1449 = arith.constant 6 : i32
      %swap3A_1450 = arith.index_cast %rem3A_105 : i32 to index
      %swap3A_1451 = arith.index_cast %swap3A_1448 : i32 to index
      %swap3A_1452 = arith.index_cast %swap3A_1449 : i32 to index
      %swap3A_1453 = arith.constant 32 : index
      %swap3A_1454 = tpu.vector_load %arg9[%swap3A_1450, %swap3A_1451, %swap3A_1452, %swap3A_1453] {strides = array<i32>} : memref<2x4x8x128xf32, #tpu.memory_space<vmem>>, vector<16xf32>,
      tpu.vector_store %arg9[%swap3A_1450, %swap3A_1451, %swap3A_1452, %swap3A_1453], %gather3A_1447 {strides = array<i32>} : memref<2x4x8x128xf32, #tpu.memory_space<vmem>>, vector<16xf32>,
      %add3A_1455 = arith.constant 23 : i32
      %add3A_1456 = vector.broadcast %add3A_1455 : i32 to vector<16xi32>
      %add3A_1457 = arith.addi %mul3A_1109, %add3A_1456 : vector<16xi32>
      %gather3A_1458 = arith.constant 0 : i32
      %gather3A_1459 = arith.constant 0 : i32
      %gather3A_1460 = tpu.memref_slice %arg8[%rem3A_103, %gather3A_1458, %gather3A_1459] : memref<4x128x128xf32, #tpu.memory_space<vmem>> -> memref<1x128x128xf32, #tpu.memory_space<vmem>>
      %gather3A_1461 = tpu.memref_squeeze %gather3A_1460 : memref<1x128x128xf32, #tpu.memory_space<vmem>> -> memref<128x128xf32, #tpu.memory_space<vmem>>
      %gather3A_1462 = tpu.vector_load_idx %gather3A_1461[%add3A_1103, %add3A_1457] : memref<128x128xf32, #tpu.memory_space<vmem>>[vector<16xi32>, vector<16xi32>], vector<16xf32>,
      %swap3A_1463 = arith.constant 2 : i32
      %swap3A_1464 = arith.constant 7 : i32
      %swap3A_1465 = arith.index_cast %rem3A_105 : i32 to index
      %swap3A_1466 = arith.index_cast %swap3A_1463 : i32 to index
      %swap3A_1467 = arith.index_cast %swap3A_1464 : i32 to index
      %swap3A_1468 = arith.constant 32 : index
      %swap3A_1469 = tpu.vector_load %arg9[%swap3A_1465, %swap3A_1466, %swap3A_1467, %swap3A_1468] {strides = array<i32>} : memref<2x4x8x128xf32, #tpu.memory_space<vmem>>, vector<16xf32>,
      tpu.vector_store %arg9[%swap3A_1465, %swap3A_1466, %swap3A_1467, %swap3A_1468], %gather3A_1462 {strides = array<i32>} : memref<2x4x8x128xf32, #tpu.memory_space<vmem>>, vector<16xf32>,
      %add3A_1470 = arith.constant 24 : i32
      %add3A_1471 = vector.broadcast %add3A_1470 : i32 to vector<16xi32>
      %add3A_1472 = arith.addi %mul3A_1109, %add3A_1471 : vector<16xi32>
      %gather3A_1473 = arith.constant 0 : i32
      %gather3A_1474 = arith.constant 0 : i32
      %gather3A_1475 = tpu.memref_slice %arg8[%rem3A_103, %gather3A_1473, %gather3A_1474] : memref<4x128x128xf32, #tpu.memory_space<vmem>> -> memref<1x128x128xf32, #tpu.memory_space<vmem>>
      %gather3A_1476 = tpu.memref_squeeze %gather3A_1475 : memref<1x128x128xf32, #tpu.memory_space<vmem>> -> memref<128x128xf32, #tpu.memory_space<vmem>>
      %gather3A_1477 = tpu.vector_load_idx %gather3A_1476[%add3A_1103, %add3A_1472] : memref<128x128xf32, #tpu.memory_space<vmem>>[vector<16xi32>, vector<16xi32>], vector<16xf32>,
      %swap3A_1478 = arith.constant 3 : i32
      %swap3A_1479 = arith.constant 0 : i32
      %swap3A_1480 = arith.index_cast %rem3A_105 : i32 to index
      %swap3A_1481 = arith.index_cast %swap3A_1478 : i32 to index
      %swap3A_1482 = arith.index_cast %swap3A_1479 : i32 to index
      %swap3A_1483 = arith.constant 32 : index
      %swap3A_1484 = tpu.vector_load %arg9[%swap3A_1480, %swap3A_1481, %swap3A_1482, %swap3A_1483] {strides = array<i32>} : memref<2x4x8x128xf32, #tpu.memory_space<vmem>>, vector<16xf32>,
      tpu.vector_store %arg9[%swap3A_1480, %swap3A_1481, %swap3A_1482, %swap3A_1483], %gather3A_1477 {strides = array<i32>} : memref<2x4x8x128xf32, #tpu.memory_space<vmem>>, vector<16xf32>,
      %add3A_1485 = arith.constant 25 : i32
      %add3A_1486 = vector.broadcast %add3A_1485 : i32 to vector<16xi32>
      %add3A_1487 = arith.addi %mul3A_1109, %add3A_1486 : vector<16xi32>
      %gather3A_1488 = arith.constant 0 : i32
      %gather3A_1489 = arith.constant 0 : i32
      %gather3A_1490 = tpu.memref_slice %arg8[%rem3A_103, %gather3A_1488, %gather3A_1489] : memref<4x128x128xf32, #tpu.memory_space<vmem>> -> memref<1x128x128xf32, #tpu.memory_space<vmem>>
      %gather3A_1491 = tpu.memref_squeeze %gather3A_1490 : memref<1x128x128xf32, #tpu.memory_space<vmem>> -> memref<128x128xf32, #tpu.memory_space<vmem>>
      %gather3A_1492 = tpu.vector_load_idx %gather3A_1491[%add3A_1103, %add3A_1487] : memref<128x128xf32, #tpu.memory_space<vmem>>[vector<16xi32>, vector<16xi32>], vector<16xf32>,
      %swap3A_1493 = arith.constant 3 : i32
      %swap3A_1494 = arith.constant 1 : i32
      %swap3A_1495 = arith.index_cast %rem3A_105 : i32 to index
      %swap3A_1496 = arith.index_cast %swap3A_1493 : i32 to index
      %swap3A_1497 = arith.index_cast %swap3A_1494 : i32 to index
      %swap3A_1498 = arith.constant 32 : index
      %swap3A_1499 = tpu.vector_load %arg9[%swap3A_1495, %swap3A_1496, %swap3A_1497, %swap3A_1498] {strides = array<i32>} : memref<2x4x8x128xf32, #tpu.memory_space<vmem>>, vector<16xf32>,
      tpu.vector_store %arg9[%swap3A_1495, %swap3A_1496, %swap3A_1497, %swap3A_1498], %gather3A_1492 {strides = array<i32>} : memref<2x4x8x128xf32, #tpu.memory_space<vmem>>, vector<16xf32>,
      %add3A_1500 = arith.constant 26 : i32
      %add3A_1501 = vector.broadcast %add3A_1500 : i32 to vector<16xi32>
      %add3A_1502 = arith.addi %mul3A_1109, %add3A_1501 : vector<16xi32>
      %gather3A_1503 = arith.constant 0 : i32
      %gather3A_1504 = arith.constant 0 : i32
      %gather3A_1505 = tpu.memref_slice %arg8[%rem3A_103, %gather3A_1503, %gather3A_1504] : memref<4x128x128xf32, #tpu.memory_space<vmem>> -> memref<1x128x128xf32, #tpu.memory_space<vmem>>
      %gather3A_1506 = tpu.memref_squeeze %gather3A_1505 : memref<1x128x128xf32, #tpu.memory_space<vmem>> -> memref<128x128xf32, #tpu.memory_space<vmem>>
      %gather3A_1507 = tpu.vector_load_idx %gather3A_1506[%add3A_1103, %add3A_1502] : memref<128x128xf32, #tpu.memory_space<vmem>>[vector<16xi32>, vector<16xi32>], vector<16xf32>,
      %swap3A_1508 = arith.constant 3 : i32
      %swap3A_1509 = arith.constant 2 : i32
      %swap3A_1510 = arith.index_cast %rem3A_105 : i32 to index
      %swap3A_1511 = arith.index_cast %swap3A_1508 : i32 to index
      %swap3A_1512 = arith.index_cast %swap3A_1509 : i32 to index
      %swap3A_1513 = arith.constant 32 : index
      %swap3A_1514 = tpu.vector_load %arg9[%swap3A_1510, %swap3A_1511, %swap3A_1512, %swap3A_1513] {strides = array<i32>} : memref<2x4x8x128xf32, #tpu.memory_space<vmem>>, vector<16xf32>,
      tpu.vector_store %arg9[%swap3A_1510, %swap3A_1511, %swap3A_1512, %swap3A_1513], %gather3A_1507 {strides = array<i32>} : memref<2x4x8x128xf32, #tpu.memory_space<vmem>>, vector<16xf32>,
      %add3A_1515 = arith.constant 27 : i32
      %add3A_1516 = vector.broadcast %add3A_1515 : i32 to vector<16xi32>
      %add3A_1517 = arith.addi %mul3A_1109, %add3A_1516 : vector<16xi32>
      %gather3A_1518 = arith.constant 0 : i32
      %gather3A_1519 = arith.constant 0 : i32
      %gather3A_1520 = tpu.memref_slice %arg8[%rem3A_103, %gather3A_1518, %gather3A_1519] : memref<4x128x128xf32, #tpu.memory_space<vmem>> -> memref<1x128x128xf32, #tpu.memory_space<vmem>>
      %gather3A_1521 = tpu.memref_squeeze %gather3A_1520 : memref<1x128x128xf32, #tpu.memory_space<vmem>> -> memref<128x128xf32, #tpu.memory_space<vmem>>
      %gather3A_1522 = tpu.vector_load_idx %gather3A_1521[%add3A_1103, %add3A_1517] : memref<128x128xf32, #tpu.memory_space<vmem>>[vector<16xi32>, vector<16xi32>], vector<16xf32>,
      %swap3A_1523 = arith.constant 3 : i32
      %swap3A_1524 = arith.constant 3 : i32
      %swap3A_1525 = arith.index_cast %rem3A_105 : i32 to index
      %swap3A_1526 = arith.index_cast %swap3A_1523 : i32 to index
      %swap3A_1527 = arith.index_cast %swap3A_1524 : i32 to index
      %swap3A_1528 = arith.constant 32 : index
      %swap3A_1529 = tpu.vector_load %arg9[%swap3A_1525, %swap3A_1526, %swap3A_1527, %swap3A_1528] {strides = array<i32>} : memref<2x4x8x128xf32, #tpu.memory_space<vmem>>, vector<16xf32>,
      tpu.vector_store %arg9[%swap3A_1525, %swap3A_1526, %swap3A_1527, %swap3A_1528], %gather3A_1522 {strides = array<i32>} : memref<2x4x8x128xf32, #tpu.memory_space<vmem>>, vector<16xf32>,
      %add3A_1530 = arith.constant 28 : i32
      %add3A_1531 = vector.broadcast %add3A_1530 : i32 to vector<16xi32>
      %add3A_1532 = arith.addi %mul3A_1109, %add3A_1531 : vector<16xi32>
      %gather3A_1533 = arith.constant 0 : i32
      %gather3A_1534 = arith.constant 0 : i32
      %gather3A_1535 = tpu.memref_slice %arg8[%rem3A_103, %gather3A_1533, %gather3A_1534] : memref<4x128x128xf32, #tpu.memory_space<vmem>> -> memref<1x128x128xf32, #tpu.memory_space<vmem>>
      %gather3A_1536 = tpu.memref_squeeze %gather3A_1535 : memref<1x128x128xf32, #tpu.memory_space<vmem>> -> memref<128x128xf32, #tpu.memory_space<vmem>>
      %gather3A_1537 = tpu.vector_load_idx %gather3A_1536[%add3A_1103, %add3A_1532] : memref<128x128xf32, #tpu.memory_space<vmem>>[vector<16xi32>, vector<16xi32>], vector<16xf32>,
      %swap3A_1538 = arith.constant 3 : i32
      %swap3A_1539 = arith.constant 4 : i32
      %swap3A_1540 = arith.index_cast %rem3A_105 : i32 to index
      %swap3A_1541 = arith.index_cast %swap3A_1538 : i32 to index
      %swap3A_1542 = arith.index_cast %swap3A_1539 : i32 to index
      %swap3A_1543 = arith.constant 32 : index
      %swap3A_1544 = tpu.vector_load %arg9[%swap3A_1540, %swap3A_1541, %swap3A_1542, %swap3A_1543] {strides = array<i32>} : memref<2x4x8x128xf32, #tpu.memory_space<vmem>>, vector<16xf32>,
      tpu.vector_store %arg9[%swap3A_1540, %swap3A_1541, %swap3A_1542, %swap3A_1543], %gather3A_1537 {strides = array<i32>} : memref<2x4x8x128xf32, #tpu.memory_space<vmem>>, vector<16xf32>,
      %add3A_1545 = arith.constant 29 : i32
      %add3A_1546 = vector.broadcast %add3A_1545 : i32 to vector<16xi32>
      %add3A_1547 = arith.addi %mul3A_1109, %add3A_1546 : vector<16xi32>
      %gather3A_1548 = arith.constant 0 : i32
      %gather3A_1549 = arith.constant 0 : i32
      %gather3A_1550 = tpu.memref_slice %arg8[%rem3A_103, %gather3A_1548, %gather3A_1549] : memref<4x128x128xf32, #tpu.memory_space<vmem>> -> memref<1x128x128xf32, #tpu.memory_space<vmem>>
      %gather3A_1551 = tpu.memref_squeeze %gather3A_1550 : memref<1x128x128xf32, #tpu.memory_space<vmem>> -> memref<128x128xf32, #tpu.memory_space<vmem>>
      %gather3A_1552 = tpu.vector_load_idx %gather3A_1551[%add3A_1103, %add3A_1547] : memref<128x128xf32, #tpu.memory_space<vmem>>[vector<16xi32>, vector<16xi32>], vector<16xf32>,
      %swap3A_1553 = arith.constant 3 : i32
      %swap3A_1554 = arith.constant 5 : i32
      %swap3A_1555 = arith.index_cast %rem3A_105 : i32 to index
      %swap3A_1556 = arith.index_cast %swap3A_1553 : i32 to index
      %swap3A_1557 = arith.index_cast %swap3A_1554 : i32 to index
      %swap3A_1558 = arith.constant 32 : index
      %swap3A_1559 = tpu.vector_load %arg9[%swap3A_1555, %swap3A_1556, %swap3A_1557, %swap3A_1558] {strides = array<i32>} : memref<2x4x8x128xf32, #tpu.memory_space<vmem>>, vector<16xf32>,
      tpu.vector_store %arg9[%swap3A_1555, %swap3A_1556, %swap3A_1557, %swap3A_1558], %gather3A_1552 {strides = array<i32>} : memref<2x4x8x128xf32, #tpu.memory_space<vmem>>, vector<16xf32>,
      %add3A_1560 = arith.constant 30 : i32
      %add3A_1561 = vector.broadcast %add3A_1560 : i32 to vector<16xi32>
      %add3A_1562 = arith.addi %mul3A_1109, %add3A_1561 : vector<16xi32>
      %gather3A_1563 = arith.constant 0 : i32
      %gather3A_1564 = arith.constant 0 : i32
      %gather3A_1565 = tpu.memref_slice %arg8[%rem3A_103, %gather3A_1563, %gather3A_1564] : memref<4x128x128xf32, #tpu.memory_space<vmem>> -> memref<1x128x128xf32, #tpu.memory_space<vmem>>
      %gather3A_1566 = tpu.memref_squeeze %gather3A_1565 : memref<1x128x128xf32, #tpu.memory_space<vmem>> -> memref<128x128xf32, #tpu.memory_space<vmem>>
      %gather3A_1567 = tpu.vector_load_idx %gather3A_1566[%add3A_1103, %add3A_1562] : memref<128x128xf32, #tpu.memory_space<vmem>>[vector<16xi32>, vector<16xi32>], vector<16xf32>,
      %swap3A_1568 = arith.constant 3 : i32
      %swap3A_1569 = arith.constant 6 : i32
      %swap3A_1570 = arith.index_cast %rem3A_105 : i32 to index
      %swap3A_1571 = arith.index_cast %swap3A_1568 : i32 to index
      %swap3A_1572 = arith.index_cast %swap3A_1569 : i32 to index
      %swap3A_1573 = arith.constant 32 : index
      %swap3A_1574 = tpu.vector_load %arg9[%swap3A_1570, %swap3A_1571, %swap3A_1572, %swap3A_1573] {strides = array<i32>} : memref<2x4x8x128xf32, #tpu.memory_space<vmem>>, vector<16xf32>,
      tpu.vector_store %arg9[%swap3A_1570, %swap3A_1571, %swap3A_1572, %swap3A_1573], %gather3A_1567 {strides = array<i32>} : memref<2x4x8x128xf32, #tpu.memory_space<vmem>>, vector<16xf32>,
      %add3A_1575 = arith.constant 31 : i32
      %add3A_1576 = vector.broadcast %add3A_1575 : i32 to vector<16xi32>
      %add3A_1577 = arith.addi %mul3A_1109, %add3A_1576 : vector<16xi32>
      %gather3A_1578 = arith.constant 0 : i32
      %gather3A_1579 = arith.constant 0 : i32
      %gather3A_1580 = tpu.memref_slice %arg8[%rem3A_103, %gather3A_1578, %gather3A_1579] : memref<4x128x128xf32, #tpu.memory_space<vmem>> -> memref<1x128x128xf32, #tpu.memory_space<vmem>>
      %gather3A_1581 = tpu.memref_squeeze %gather3A_1580 : memref<1x128x128xf32, #tpu.memory_space<vmem>> -> memref<128x128xf32, #tpu.memory_space<vmem>>
      %gather3A_1582 = tpu.vector_load_idx %gather3A_1581[%add3A_1103, %add3A_1577] : memref<128x128xf32, #tpu.memory_space<vmem>>[vector<16xi32>, vector<16xi32>], vector<16xf32>,
      %swap3A_1583 = arith.constant 3 : i32
      %swap3A_1584 = arith.constant 7 : i32
      %swap3A_1585 = arith.index_cast %rem3A_105 : i32 to index
      %swap3A_1586 = arith.index_cast %swap3A_1583 : i32 to index
      %swap3A_1587 = arith.index_cast %swap3A_1584 : i32 to index
      %swap3A_1588 = arith.constant 32 : index
      %swap3A_1589 = tpu.vector_load %arg9[%swap3A_1585, %swap3A_1586, %swap3A_1587, %swap3A_1588] {strides = array<i32>} : memref<2x4x8x128xf32, #tpu.memory_space<vmem>>, vector<16xf32>,
      tpu.vector_store %arg9[%swap3A_1585, %swap3A_1586, %swap3A_1587, %swap3A_1588], %gather3A_1582 {strides = array<i32>} : memref<2x4x8x128xf32, #tpu.memory_space<vmem>>, vector<16xf32>,
      %iota3A_1590 = tpu.iota {dimensions = array<i32: 0>} : vector<16xi32>
      %add3A_1591 = arith.constant 48 : i32
      %add3A_1592 = vector.broadcast %add3A_1591 : i32 to vector<16xi32>
      %add3A_1593 = arith.addi %add3A_1592, %iota3A_1590 : vector<16xi32>
      %get3A_1594 = arith.index_cast %scan3A_102 : i32 to index
      %get3A_1595 = arith.constant 48 : index
      %get3A_1596 = tpu.vector_load %arg7[%get3A_1594, %get3A_1595] {strides = array<i32>} : memref<200x128xi32, #tpu.memory_space<vmem>>, vector<16xi32>,
      %mul3A_1597 = arith.constant 32 : i32
      %mul3A_1598 = vector.broadcast %mul3A_1597 : i32 to vector<16xi32>
      %mul3A_1599 = arith.muli %get3A_1596, %mul3A_1598 : vector<16xi32>
      %add3A_1600 = arith.constant 0 : i32
      %add3A_1601 = vector.broadcast %add3A_1600 : i32 to vector<16xi32>
      %add3A_1602 = arith.addi %mul3A_1599, %add3A_1601 : vector<16xi32>
      %gather3A_1603 = arith.constant 0 : i32
      %gather3A_1604 = arith.constant 0 : i32
      %gather3A_1605 = tpu.memref_slice %arg8[%rem3A_103, %gather3A_1603, %gather3A_1604] : memref<4x128x128xf32, #tpu.memory_space<vmem>> -> memref<1x128x128xf32, #tpu.memory_space<vmem>>
      %gather3A_1606 = tpu.memref_squeeze %gather3A_1605 : memref<1x128x128xf32, #tpu.memory_space<vmem>> -> memref<128x128xf32, #tpu.memory_space<vmem>>
      %gather3A_1607 = tpu.vector_load_idx %gather3A_1606[%add3A_1593, %add3A_1602] : memref<128x128xf32, #tpu.memory_space<vmem>>[vector<16xi32>, vector<16xi32>], vector<16xf32>,
      %swap3A_1608 = arith.constant 0 : i32
      %swap3A_1609 = arith.constant 0 : i32
      %swap3A_1610 = arith.index_cast %rem3A_105 : i32 to index
      %swap3A_1611 = arith.index_cast %swap3A_1608 : i32 to index
      %swap3A_1612 = arith.index_cast %swap3A_1609 : i32 to index
      %swap3A_1613 = arith.constant 48 : index
      %swap3A_1614 = tpu.vector_load %arg9[%swap3A_1610, %swap3A_1611, %swap3A_1612, %swap3A_1613] {strides = array<i32>} : memref<2x4x8x128xf32, #tpu.memory_space<vmem>>, vector<16xf32>,
      tpu.vector_store %arg9[%swap3A_1610, %swap3A_1611, %swap3A_1612, %swap3A_1613], %gather3A_1607 {strides = array<i32>} : memref<2x4x8x128xf32, #tpu.memory_space<vmem>>, vector<16xf32>,
      %add3A_1615 = arith.constant 1 : i32
      %add3A_1616 = vector.broadcast %add3A_1615 : i32 to vector<16xi32>
      %add3A_1617 = arith.addi %mul3A_1599, %add3A_1616 : vector<16xi32>
      %gather3A_1618 = arith.constant 0 : i32
      %gather3A_1619 = arith.constant 0 : i32
      %gather3A_1620 = tpu.memref_slice %arg8[%rem3A_103, %gather3A_1618, %gather3A_1619] : memref<4x128x128xf32, #tpu.memory_space<vmem>> -> memref<1x128x128xf32, #tpu.memory_space<vmem>>
      %gather3A_1621 = tpu.memref_squeeze %gather3A_1620 : memref<1x128x128xf32, #tpu.memory_space<vmem>> -> memref<128x128xf32, #tpu.memory_space<vmem>>
      %gather3A_1622 = tpu.vector_load_idx %gather3A_1621[%add3A_1593, %add3A_1617] : memref<128x128xf32, #tpu.memory_space<vmem>>[vector<16xi32>, vector<16xi32>], vector<16xf32>,
      %swap3A_1623 = arith.constant 0 : i32
      %swap3A_1624 = arith.constant 1 : i32
      %swap3A_1625 = arith.index_cast %rem3A_105 : i32 to index
      %swap3A_1626 = arith.index_cast %swap3A_1623 : i32 to index
      %swap3A_1627 = arith.index_cast %swap3A_1624 : i32 to index
      %swap3A_1628 = arith.constant 48 : index
      %swap3A_1629 = tpu.vector_load %arg9[%swap3A_1625, %swap3A_1626, %swap3A_1627, %swap3A_1628] {strides = array<i32>} : memref<2x4x8x128xf32, #tpu.memory_space<vmem>>, vector<16xf32>,
      tpu.vector_store %arg9[%swap3A_1625, %swap3A_1626, %swap3A_1627, %swap3A_1628], %gather3A_1622 {strides = array<i32>} : memref<2x4x8x128xf32, #tpu.memory_space<vmem>>, vector<16xf32>,
      %add3A_1630 = arith.constant 2 : i32
      %add3A_1631 = vector.broadcast %add3A_1630 : i32 to vector<16xi32>
      %add3A_1632 = arith.addi %mul3A_1599, %add3A_1631 : vector<16xi32>
      %gather3A_1633 = arith.constant 0 : i32
      %gather3A_1634 = arith.constant 0 : i32
      %gather3A_1635 = tpu.memref_slice %arg8[%rem3A_103, %gather3A_1633, %gather3A_1634] : memref<4x128x128xf32, #tpu.memory_space<vmem>> -> memref<1x128x128xf32, #tpu.memory_space<vmem>>
      %gather3A_1636 = tpu.memref_squeeze %gather3A_1635 : memref<1x128x128xf32, #tpu.memory_space<vmem>> -> memref<128x128xf32, #tpu.memory_space<vmem>>
      %gather3A_1637 = tpu.vector_load_idx %gather3A_1636[%add3A_1593, %add3A_1632] : memref<128x128xf32, #tpu.memory_space<vmem>>[vector<16xi32>, vector<16xi32>], vector<16xf32>,
      %swap3A_1638 = arith.constant 0 : i32
      %swap3A_1639 = arith.constant 2 : i32
      %swap3A_1640 = arith.index_cast %rem3A_105 : i32 to index
      %swap3A_1641 = arith.index_cast %swap3A_1638 : i32 to index
      %swap3A_1642 = arith.index_cast %swap3A_1639 : i32 to index
      %swap3A_1643 = arith.constant 48 : index
      %swap3A_1644 = tpu.vector_load %arg9[%swap3A_1640, %swap3A_1641, %swap3A_1642, %swap3A_1643] {strides = array<i32>} : memref<2x4x8x128xf32, #tpu.memory_space<vmem>>, vector<16xf32>,
      tpu.vector_store %arg9[%swap3A_1640, %swap3A_1641, %swap3A_1642, %swap3A_1643], %gather3A_1637 {strides = array<i32>} : memref<2x4x8x128xf32, #tpu.memory_space<vmem>>, vector<16xf32>,
      %add3A_1645 = arith.constant 3 : i32
      %add3A_1646 = vector.broadcast %add3A_1645 : i32 to vector<16xi32>
      %add3A_1647 = arith.addi %mul3A_1599, %add3A_1646 : vector<16xi32>
      %gather3A_1648 = arith.constant 0 : i32
      %gather3A_1649 = arith.constant 0 : i32
      %gather3A_1650 = tpu.memref_slice %arg8[%rem3A_103, %gather3A_1648, %gather3A_1649] : memref<4x128x128xf32, #tpu.memory_space<vmem>> -> memref<1x128x128xf32, #tpu.memory_space<vmem>>
      %gather3A_1651 = tpu.memref_squeeze %gather3A_1650 : memref<1x128x128xf32, #tpu.memory_space<vmem>> -> memref<128x128xf32, #tpu.memory_space<vmem>>
      %gather3A_1652 = tpu.vector_load_idx %gather3A_1651[%add3A_1593, %add3A_1647] : memref<128x128xf32, #tpu.memory_space<vmem>>[vector<16xi32>, vector<16xi32>], vector<16xf32>,
      %swap3A_1653 = arith.constant 0 : i32
      %swap3A_1654 = arith.constant 3 : i32
      %swap3A_1655 = arith.index_cast %rem3A_105 : i32 to index
      %swap3A_1656 = arith.index_cast %swap3A_1653 : i32 to index
      %swap3A_1657 = arith.index_cast %swap3A_1654 : i32 to index
      %swap3A_1658 = arith.constant 48 : index
      %swap3A_1659 = tpu.vector_load %arg9[%swap3A_1655, %swap3A_1656, %swap3A_1657, %swap3A_1658] {strides = array<i32>} : memref<2x4x8x128xf32, #tpu.memory_space<vmem>>, vector<16xf32>,
      tpu.vector_store %arg9[%swap3A_1655, %swap3A_1656, %swap3A_1657, %swap3A_1658], %gather3A_1652 {strides = array<i32>} : memref<2x4x8x128xf32, #tpu.memory_space<vmem>>, vector<16xf32>,
      %add3A_1660 = arith.constant 4 : i32
      %add3A_1661 = vector.broadcast %add3A_1660 : i32 to vector<16xi32>
      %add3A_1662 = arith.addi %mul3A_1599, %add3A_1661 : vector<16xi32>
      %gather3A_1663 = arith.constant 0 : i32
      %gather3A_1664 = arith.constant 0 : i32
      %gather3A_1665 = tpu.memref_slice %arg8[%rem3A_103, %gather3A_1663, %gather3A_1664] : memref<4x128x128xf32, #tpu.memory_space<vmem>> -> memref<1x128x128xf32, #tpu.memory_space<vmem>>
      %gather3A_1666 = tpu.memref_squeeze %gather3A_1665 : memref<1x128x128xf32, #tpu.memory_space<vmem>> -> memref<128x128xf32, #tpu.memory_space<vmem>>
      %gather3A_1667 = tpu.vector_load_idx %gather3A_1666[%add3A_1593, %add3A_1662] : memref<128x128xf32, #tpu.memory_space<vmem>>[vector<16xi32>, vector<16xi32>], vector<16xf32>,
      %swap3A_1668 = arith.constant 0 : i32
      %swap3A_1669 = arith.constant 4 : i32
      %swap3A_1670 = arith.index_cast %rem3A_105 : i32 to index
      %swap3A_1671 = arith.index_cast %swap3A_1668 : i32 to index
      %swap3A_1672 = arith.index_cast %swap3A_1669 : i32 to index
      %swap3A_1673 = arith.constant 48 : index
      %swap3A_1674 = tpu.vector_load %arg9[%swap3A_1670, %swap3A_1671, %swap3A_1672, %swap3A_1673] {strides = array<i32>} : memref<2x4x8x128xf32, #tpu.memory_space<vmem>>, vector<16xf32>,
      tpu.vector_store %arg9[%swap3A_1670, %swap3A_1671, %swap3A_1672, %swap3A_1673], %gather3A_1667 {strides = array<i32>} : memref<2x4x8x128xf32, #tpu.memory_space<vmem>>, vector<16xf32>,
      %add3A_1675 = arith.constant 5 : i32
      %add3A_1676 = vector.broadcast %add3A_1675 : i32 to vector<16xi32>
      %add3A_1677 = arith.addi %mul3A_1599, %add3A_1676 : vector<16xi32>
      %gather3A_1678 = arith.constant 0 : i32
      %gather3A_1679 = arith.constant 0 : i32
      %gather3A_1680 = tpu.memref_slice %arg8[%rem3A_103, %gather3A_1678, %gather3A_1679] : memref<4x128x128xf32, #tpu.memory_space<vmem>> -> memref<1x128x128xf32, #tpu.memory_space<vmem>>
      %gather3A_1681 = tpu.memref_squeeze %gather3A_1680 : memref<1x128x128xf32, #tpu.memory_space<vmem>> -> memref<128x128xf32, #tpu.memory_space<vmem>>
      %gather3A_1682 = tpu.vector_load_idx %gather3A_1681[%add3A_1593, %add3A_1677] : memref<128x128xf32, #tpu.memory_space<vmem>>[vector<16xi32>, vector<16xi32>], vector<16xf32>,
      %swap3A_1683 = arith.constant 0 : i32
      %swap3A_1684 = arith.constant 5 : i32
      %swap3A_1685 = arith.index_cast %rem3A_105 : i32 to index
      %swap3A_1686 = arith.index_cast %swap3A_1683 : i32 to index
      %swap3A_1687 = arith.index_cast %swap3A_1684 : i32 to index
      %swap3A_1688 = arith.constant 48 : index
      %swap3A_1689 = tpu.vector_load %arg9[%swap3A_1685, %swap3A_1686, %swap3A_1687, %swap3A_1688] {strides = array<i32>} : memref<2x4x8x128xf32, #tpu.memory_space<vmem>>, vector<16xf32>,
      tpu.vector_store %arg9[%swap3A_1685, %swap3A_1686, %swap3A_1687, %swap3A_1688], %gather3A_1682 {strides = array<i32>} : memref<2x4x8x128xf32, #tpu.memory_space<vmem>>, vector<16xf32>,
      %add3A_1690 = arith.constant 6 : i32
      %add3A_1691 = vector.broadcast %add3A_1690 : i32 to vector<16xi32>
      %add3A_1692 = arith.addi %mul3A_1599, %add3A_1691 : vector<16xi32>
      %gather3A_1693 = arith.constant 0 : i32
      %gather3A_1694 = arith.constant 0 : i32
      %gather3A_1695 = tpu.memref_slice %arg8[%rem3A_103, %gather3A_1693, %gather3A_1694] : memref<4x128x128xf32, #tpu.memory_space<vmem>> -> memref<1x128x128xf32, #tpu.memory_space<vmem>>
      %gather3A_1696 = tpu.memref_squeeze %gather3A_1695 : memref<1x128x128xf32, #tpu.memory_space<vmem>> -> memref<128x128xf32, #tpu.memory_space<vmem>>
      %gather3A_1697 = tpu.vector_load_idx %gather3A_1696[%add3A_1593, %add3A_1692] : memref<128x128xf32, #tpu.memory_space<vmem>>[vector<16xi32>, vector<16xi32>], vector<16xf32>,
      %swap3A_1698 = arith.constant 0 : i32
      %swap3A_1699 = arith.constant 6 : i32
      %swap3A_1700 = arith.index_cast %rem3A_105 : i32 to index
      %swap3A_1701 = arith.index_cast %swap3A_1698 : i32 to index
      %swap3A_1702 = arith.index_cast %swap3A_1699 : i32 to index
      %swap3A_1703 = arith.constant 48 : index
      %swap3A_1704 = tpu.vector_load %arg9[%swap3A_1700, %swap3A_1701, %swap3A_1702, %swap3A_1703] {strides = array<i32>} : memref<2x4x8x128xf32, #tpu.memory_space<vmem>>, vector<16xf32>,
      tpu.vector_store %arg9[%swap3A_1700, %swap3A_1701, %swap3A_1702, %swap3A_1703], %gather3A_1697 {strides = array<i32>} : memref<2x4x8x128xf32, #tpu.memory_space<vmem>>, vector<16xf32>,
      %add3A_1705 = arith.constant 7 : i32
      %add3A_1706 = vector.broadcast %add3A_1705 : i32 to vector<16xi32>
      %add3A_1707 = arith.addi %mul3A_1599, %add3A_1706 : vector<16xi32>
      %gather3A_1708 = arith.constant 0 : i32
      %gather3A_1709 = arith.constant 0 : i32
      %gather3A_1710 = tpu.memref_slice %arg8[%rem3A_103, %gather3A_1708, %gather3A_1709] : memref<4x128x128xf32, #tpu.memory_space<vmem>> -> memref<1x128x128xf32, #tpu.memory_space<vmem>>
      %gather3A_1711 = tpu.memref_squeeze %gather3A_1710 : memref<1x128x128xf32, #tpu.memory_space<vmem>> -> memref<128x128xf32, #tpu.memory_space<vmem>>
      %gather3A_1712 = tpu.vector_load_idx %gather3A_1711[%add3A_1593, %add3A_1707] : memref<128x128xf32, #tpu.memory_space<vmem>>[vector<16xi32>, vector<16xi32>], vector<16xf32>,
      %swap3A_1713 = arith.constant 0 : i32
      %swap3A_1714 = arith.constant 7 : i32
      %swap3A_1715 = arith.index_cast %rem3A_105 : i32 to index
      %swap3A_1716 = arith.index_cast %swap3A_1713 : i32 to index
      %swap3A_1717 = arith.index_cast %swap3A_1714 : i32 to index
      %swap3A_1718 = arith.constant 48 : index
      %swap3A_1719 = tpu.vector_load %arg9[%swap3A_1715, %swap3A_1716, %swap3A_1717, %swap3A_1718] {strides = array<i32>} : memref<2x4x8x128xf32, #tpu.memory_space<vmem>>, vector<16xf32>,
      tpu.vector_store %arg9[%swap3A_1715, %swap3A_1716, %swap3A_1717, %swap3A_1718], %gather3A_1712 {strides = array<i32>} : memref<2x4x8x128xf32, #tpu.memory_space<vmem>>, vector<16xf32>,
      %add3A_1720 = arith.constant 8 : i32
      %add3A_1721 = vector.broadcast %add3A_1720 : i32 to vector<16xi32>
      %add3A_1722 = arith.addi %mul3A_1599, %add3A_1721 : vector<16xi32>
      %gather3A_1723 = arith.constant 0 : i32
      %gather3A_1724 = arith.constant 0 : i32
      %gather3A_1725 = tpu.memref_slice %arg8[%rem3A_103, %gather3A_1723, %gather3A_1724] : memref<4x128x128xf32, #tpu.memory_space<vmem>> -> memref<1x128x128xf32, #tpu.memory_space<vmem>>
      %gather3A_1726 = tpu.memref_squeeze %gather3A_1725 : memref<1x128x128xf32, #tpu.memory_space<vmem>> -> memref<128x128xf32, #tpu.memory_space<vmem>>
      %gather3A_1727 = tpu.vector_load_idx %gather3A_1726[%add3A_1593, %add3A_1722] : memref<128x128xf32, #tpu.memory_space<vmem>>[vector<16xi32>, vector<16xi32>], vector<16xf32>,
      %swap3A_1728 = arith.constant 1 : i32
      %swap3A_1729 = arith.constant 0 : i32
      %swap3A_1730 = arith.index_cast %rem3A_105 : i32 to index
      %swap3A_1731 = arith.index_cast %swap3A_1728 : i32 to index
      %swap3A_1732 = arith.index_cast %swap3A_1729 : i32 to index
      %swap3A_1733 = arith.constant 48 : index
      %swap3A_1734 = tpu.vector_load %arg9[%swap3A_1730, %swap3A_1731, %swap3A_1732, %swap3A_1733] {strides = array<i32>} : memref<2x4x8x128xf32, #tpu.memory_space<vmem>>, vector<16xf32>,
      tpu.vector_store %arg9[%swap3A_1730, %swap3A_1731, %swap3A_1732, %swap3A_1733], %gather3A_1727 {strides = array<i32>} : memref<2x4x8x128xf32, #tpu.memory_space<vmem>>, vector<16xf32>,
      %add3A_1735 = arith.constant 9 : i32
      %add3A_1736 = vector.broadcast %add3A_1735 : i32 to vector<16xi32>
      %add3A_1737 = arith.addi %mul3A_1599, %add3A_1736 : vector<16xi32>
      %gather3A_1738 = arith.constant 0 : i32
      %gather3A_1739 = arith.constant 0 : i32
      %gather3A_1740 = tpu.memref_slice %arg8[%rem3A_103, %gather3A_1738, %gather3A_1739] : memref<4x128x128xf32, #tpu.memory_space<vmem>> -> memref<1x128x128xf32, #tpu.memory_space<vmem>>
      %gather3A_1741 = tpu.memref_squeeze %gather3A_1740 : memref<1x128x128xf32, #tpu.memory_space<vmem>> -> memref<128x128xf32, #tpu.memory_space<vmem>>
      %gather3A_1742 = tpu.vector_load_idx %gather3A_1741[%add3A_1593, %add3A_1737] : memref<128x128xf32, #tpu.memory_space<vmem>>[vector<16xi32>, vector<16xi32>], vector<16xf32>,
      %swap3A_1743 = arith.constant 1 : i32
      %swap3A_1744 = arith.constant 1 : i32
      %swap3A_1745 = arith.index_cast %rem3A_105 : i32 to index
      %swap3A_1746 = arith.index_cast %swap3A_1743 : i32 to index
      %swap3A_1747 = arith.index_cast %swap3A_1744 : i32 to index
      %swap3A_1748 = arith.constant 48 : index
      %swap3A_1749 = tpu.vector_load %arg9[%swap3A_1745, %swap3A_1746, %swap3A_1747, %swap3A_1748] {strides = array<i32>} : memref<2x4x8x128xf32, #tpu.memory_space<vmem>>, vector<16xf32>,
      tpu.vector_store %arg9[%swap3A_1745, %swap3A_1746, %swap3A_1747, %swap3A_1748], %gather3A_1742 {strides = array<i32>} : memref<2x4x8x128xf32, #tpu.memory_space<vmem>>, vector<16xf32>,
      %add3A_1750 = arith.constant 10 : i32
      %add3A_1751 = vector.broadcast %add3A_1750 : i32 to vector<16xi32>
      %add3A_1752 = arith.addi %mul3A_1599, %add3A_1751 : vector<16xi32>
      %gather3A_1753 = arith.constant 0 : i32
      %gather3A_1754 = arith.constant 0 : i32
      %gather3A_1755 = tpu.memref_slice %arg8[%rem3A_103, %gather3A_1753, %gather3A_1754] : memref<4x128x128xf32, #tpu.memory_space<vmem>> -> memref<1x128x128xf32, #tpu.memory_space<vmem>>
      %gather3A_1756 = tpu.memref_squeeze %gather3A_1755 : memref<1x128x128xf32, #tpu.memory_space<vmem>> -> memref<128x128xf32, #tpu.memory_space<vmem>>
      %gather3A_1757 = tpu.vector_load_idx %gather3A_1756[%add3A_1593, %add3A_1752] : memref<128x128xf32, #tpu.memory_space<vmem>>[vector<16xi32>, vector<16xi32>], vector<16xf32>,
      %swap3A_1758 = arith.constant 1 : i32
      %swap3A_1759 = arith.constant 2 : i32
      %swap3A_1760 = arith.index_cast %rem3A_105 : i32 to index
      %swap3A_1761 = arith.index_cast %swap3A_1758 : i32 to index
      %swap3A_1762 = arith.index_cast %swap3A_1759 : i32 to index
      %swap3A_1763 = arith.constant 48 : index
      %swap3A_1764 = tpu.vector_load %arg9[%swap3A_1760, %swap3A_1761, %swap3A_1762, %swap3A_1763] {strides = array<i32>} : memref<2x4x8x128xf32, #tpu.memory_space<vmem>>, vector<16xf32>,
      tpu.vector_store %arg9[%swap3A_1760, %swap3A_1761, %swap3A_1762, %swap3A_1763], %gather3A_1757 {strides = array<i32>} : memref<2x4x8x128xf32, #tpu.memory_space<vmem>>, vector<16xf32>,
      %add3A_1765 = arith.constant 11 : i32
      %add3A_1766 = vector.broadcast %add3A_1765 : i32 to vector<16xi32>
      %add3A_1767 = arith.addi %mul3A_1599, %add3A_1766 : vector<16xi32>
      %gather3A_1768 = arith.constant 0 : i32
      %gather3A_1769 = arith.constant 0 : i32
      %gather3A_1770 = tpu.memref_slice %arg8[%rem3A_103, %gather3A_1768, %gather3A_1769] : memref<4x128x128xf32, #tpu.memory_space<vmem>> -> memref<1x128x128xf32, #tpu.memory_space<vmem>>
      %gather3A_1771 = tpu.memref_squeeze %gather3A_1770 : memref<1x128x128xf32, #tpu.memory_space<vmem>> -> memref<128x128xf32, #tpu.memory_space<vmem>>
      %gather3A_1772 = tpu.vector_load_idx %gather3A_1771[%add3A_1593, %add3A_1767] : memref<128x128xf32, #tpu.memory_space<vmem>>[vector<16xi32>, vector<16xi32>], vector<16xf32>,
      %swap3A_1773 = arith.constant 1 : i32
      %swap3A_1774 = arith.constant 3 : i32
      %swap3A_1775 = arith.index_cast %rem3A_105 : i32 to index
      %swap3A_1776 = arith.index_cast %swap3A_1773 : i32 to index
      %swap3A_1777 = arith.index_cast %swap3A_1774 : i32 to index
      %swap3A_1778 = arith.constant 48 : index
      %swap3A_1779 = tpu.vector_load %arg9[%swap3A_1775, %swap3A_1776, %swap3A_1777, %swap3A_1778] {strides = array<i32>} : memref<2x4x8x128xf32, #tpu.memory_space<vmem>>, vector<16xf32>,
      tpu.vector_store %arg9[%swap3A_1775, %swap3A_1776, %swap3A_1777, %swap3A_1778], %gather3A_1772 {strides = array<i32>} : memref<2x4x8x128xf32, #tpu.memory_space<vmem>>, vector<16xf32>,
      %add3A_1780 = arith.constant 12 : i32
      %add3A_1781 = vector.broadcast %add3A_1780 : i32 to vector<16xi32>
      %add3A_1782 = arith.addi %mul3A_1599, %add3A_1781 : vector<16xi32>
      %gather3A_1783 = arith.constant 0 : i32
      %gather3A_1784 = arith.constant 0 : i32
      %gather3A_1785 = tpu.memref_slice %arg8[%rem3A_103, %gather3A_1783, %gather3A_1784] : memref<4x128x128xf32, #tpu.memory_space<vmem>> -> memref<1x128x128xf32, #tpu.memory_space<vmem>>
      %gather3A_1786 = tpu.memref_squeeze %gather3A_1785 : memref<1x128x128xf32, #tpu.memory_space<vmem>> -> memref<128x128xf32, #tpu.memory_space<vmem>>
      %gather3A_1787 = tpu.vector_load_idx %gather3A_1786[%add3A_1593, %add3A_1782] : memref<128x128xf32, #tpu.memory_space<vmem>>[vector<16xi32>, vector<16xi32>], vector<16xf32>,
      %swap3A_1788 = arith.constant 1 : i32
      %swap3A_1789 = arith.constant 4 : i32
      %swap3A_1790 = arith.index_cast %rem3A_105 : i32 to index
      %swap3A_1791 = arith.index_cast %swap3A_1788 : i32 to index
      %swap3A_1792 = arith.index_cast %swap3A_1789 : i32 to index
      %swap3A_1793 = arith.constant 48 : index
      %swap3A_1794 = tpu.vector_load %arg9[%swap3A_1790, %swap3A_1791, %swap3A_1792, %swap3A_1793] {strides = array<i32>} : memref<2x4x8x128xf32, #tpu.memory_space<vmem>>, vector<16xf32>,
      tpu.vector_store %arg9[%swap3A_1790, %swap3A_1791, %swap3A_1792, %swap3A_1793], %gather3A_1787 {strides = array<i32>} : memref<2x4x8x128xf32, #tpu.memory_space<vmem>>, vector<16xf32>,
      %add3A_1795 = arith.constant 13 : i32
      %add3A_1796 = vector.broadcast %add3A_1795 : i32 to vector<16xi32>
      %add3A_1797 = arith.addi %mul3A_1599, %add3A_1796 : vector<16xi32>
      %gather3A_1798 = arith.constant 0 : i32
      %gather3A_1799 = arith.constant 0 : i32
      %gather3A_1800 = tpu.memref_slice %arg8[%rem3A_103, %gather3A_1798, %gather3A_1799] : memref<4x128x128xf32, #tpu.memory_space<vmem>> -> memref<1x128x128xf32, #tpu.memory_space<vmem>>
      %gather3A_1801 = tpu.memref_squeeze %gather3A_1800 : memref<1x128x128xf32, #tpu.memory_space<vmem>> -> memref<128x128xf32, #tpu.memory_space<vmem>>
      %gather3A_1802 = tpu.vector_load_idx %gather3A_1801[%add3A_1593, %add3A_1797] : memref<128x128xf32, #tpu.memory_space<vmem>>[vector<16xi32>, vector<16xi32>], vector<16xf32>,
      %swap3A_1803 = arith.constant 1 : i32
      %swap3A_1804 = arith.constant 5 : i32
      %swap3A_1805 = arith.index_cast %rem3A_105 : i32 to index
      %swap3A_1806 = arith.index_cast %swap3A_1803 : i32 to index
      %swap3A_1807 = arith.index_cast %swap3A_1804 : i32 to index
      %swap3A_1808 = arith.constant 48 : index
      %swap3A_1809 = tpu.vector_load %arg9[%swap3A_1805, %swap3A_1806, %swap3A_1807, %swap3A_1808] {strides = array<i32>} : memref<2x4x8x128xf32, #tpu.memory_space<vmem>>, vector<16xf32>,
      tpu.vector_store %arg9[%swap3A_1805, %swap3A_1806, %swap3A_1807, %swap3A_1808], %gather3A_1802 {strides = array<i32>} : memref<2x4x8x128xf32, #tpu.memory_space<vmem>>, vector<16xf32>,
      %add3A_1810 = arith.constant 14 : i32
      %add3A_1811 = vector.broadcast %add3A_1810 : i32 to vector<16xi32>
      %add3A_1812 = arith.addi %mul3A_1599, %add3A_1811 : vector<16xi32>
      %gather3A_1813 = arith.constant 0 : i32
      %gather3A_1814 = arith.constant 0 : i32
      %gather3A_1815 = tpu.memref_slice %arg8[%rem3A_103, %gather3A_1813, %gather3A_1814] : memref<4x128x128xf32, #tpu.memory_space<vmem>> -> memref<1x128x128xf32, #tpu.memory_space<vmem>>
      %gather3A_1816 = tpu.memref_squeeze %gather3A_1815 : memref<1x128x128xf32, #tpu.memory_space<vmem>> -> memref<128x128xf32, #tpu.memory_space<vmem>>
      %gather3A_1817 = tpu.vector_load_idx %gather3A_1816[%add3A_1593, %add3A_1812] : memref<128x128xf32, #tpu.memory_space<vmem>>[vector<16xi32>, vector<16xi32>], vector<16xf32>,
      %swap3A_1818 = arith.constant 1 : i32
      %swap3A_1819 = arith.constant 6 : i32
      %swap3A_1820 = arith.index_cast %rem3A_105 : i32 to index
      %swap3A_1821 = arith.index_cast %swap3A_1818 : i32 to index
      %swap3A_1822 = arith.index_cast %swap3A_1819 : i32 to index
      %swap3A_1823 = arith.constant 48 : index
      %swap3A_1824 = tpu.vector_load %arg9[%swap3A_1820, %swap3A_1821, %swap3A_1822, %swap3A_1823] {strides = array<i32>} : memref<2x4x8x128xf32, #tpu.memory_space<vmem>>, vector<16xf32>,
      tpu.vector_store %arg9[%swap3A_1820, %swap3A_1821, %swap3A_1822, %swap3A_1823], %gather3A_1817 {strides = array<i32>} : memref<2x4x8x128xf32, #tpu.memory_space<vmem>>, vector<16xf32>,
      %add3A_1825 = arith.constant 15 : i32
      %add3A_1826 = vector.broadcast %add3A_1825 : i32 to vector<16xi32>
      %add3A_1827 = arith.addi %mul3A_1599, %add3A_1826 : vector<16xi32>
      %gather3A_1828 = arith.constant 0 : i32
      %gather3A_1829 = arith.constant 0 : i32
      %gather3A_1830 = tpu.memref_slice %arg8[%rem3A_103, %gather3A_1828, %gather3A_1829] : memref<4x128x128xf32, #tpu.memory_space<vmem>> -> memref<1x128x128xf32, #tpu.memory_space<vmem>>
      %gather3A_1831 = tpu.memref_squeeze %gather3A_1830 : memref<1x128x128xf32, #tpu.memory_space<vmem>> -> memref<128x128xf32, #tpu.memory_space<vmem>>
      %gather3A_1832 = tpu.vector_load_idx %gather3A_1831[%add3A_1593, %add3A_1827] : memref<128x128xf32, #tpu.memory_space<vmem>>[vector<16xi32>, vector<16xi32>], vector<16xf32>,
      %swap3A_1833 = arith.constant 1 : i32
      %swap3A_1834 = arith.constant 7 : i32
      %swap3A_1835 = arith.index_cast %rem3A_105 : i32 to index
      %swap3A_1836 = arith.index_cast %swap3A_1833 : i32 to index
      %swap3A_1837 = arith.index_cast %swap3A_1834 : i32 to index
      %swap3A_1838 = arith.constant 48 : index
      %swap3A_1839 = tpu.vector_load %arg9[%swap3A_1835, %swap3A_1836, %swap3A_1837, %swap3A_1838] {strides = array<i32>} : memref<2x4x8x128xf32, #tpu.memory_space<vmem>>, vector<16xf32>,
      tpu.vector_store %arg9[%swap3A_1835, %swap3A_1836, %swap3A_1837, %swap3A_1838], %gather3A_1832 {strides = array<i32>} : memref<2x4x8x128xf32, #tpu.memory_space<vmem>>, vector<16xf32>,
      %add3A_1840 = arith.constant 16 : i32
      %add3A_1841 = vector.broadcast %add3A_1840 : i32 to vector<16xi32>
      %add3A_1842 = arith.addi %mul3A_1599, %add3A_1841 : vector<16xi32>
      %gather3A_1843 = arith.constant 0 : i32
      %gather3A_1844 = arith.constant 0 : i32
      %gather3A_1845 = tpu.memref_slice %arg8[%rem3A_103, %gather3A_1843, %gather3A_1844] : memref<4x128x128xf32, #tpu.memory_space<vmem>> -> memref<1x128x128xf32, #tpu.memory_space<vmem>>
      %gather3A_1846 = tpu.memref_squeeze %gather3A_1845 : memref<1x128x128xf32, #tpu.memory_space<vmem>> -> memref<128x128xf32, #tpu.memory_space<vmem>>
      %gather3A_1847 = tpu.vector_load_idx %gather3A_1846[%add3A_1593, %add3A_1842] : memref<128x128xf32, #tpu.memory_space<vmem>>[vector<16xi32>, vector<16xi32>], vector<16xf32>,
      %swap3A_1848 = arith.constant 2 : i32
      %swap3A_1849 = arith.constant 0 : i32
      %swap3A_1850 = arith.index_cast %rem3A_105 : i32 to index
      %swap3A_1851 = arith.index_cast %swap3A_1848 : i32 to index
      %swap3A_1852 = arith.index_cast %swap3A_1849 : i32 to index
      %swap3A_1853 = arith.constant 48 : index
      %swap3A_1854 = tpu.vector_load %arg9[%swap3A_1850, %swap3A_1851, %swap3A_1852, %swap3A_1853] {strides = array<i32>} : memref<2x4x8x128xf32, #tpu.memory_space<vmem>>, vector<16xf32>,
      tpu.vector_store %arg9[%swap3A_1850, %swap3A_1851, %swap3A_1852, %swap3A_1853], %gather3A_1847 {strides = array<i32>} : memref<2x4x8x128xf32, #tpu.memory_space<vmem>>, vector<16xf32>,
      %add3A_1855 = arith.constant 17 : i32
      %add3A_1856 = vector.broadcast %add3A_1855 : i32 to vector<16xi32>
      %add3A_1857 = arith.addi %mul3A_1599, %add3A_1856 : vector<16xi32>
      %gather3A_1858 = arith.constant 0 : i32
      %gather3A_1859 = arith.constant 0 : i32
      %gather3A_1860 = tpu.memref_slice %arg8[%rem3A_103, %gather3A_1858, %gather3A_1859] : memref<4x128x128xf32, #tpu.memory_space<vmem>> -> memref<1x128x128xf32, #tpu.memory_space<vmem>>
      %gather3A_1861 = tpu.memref_squeeze %gather3A_1860 : memref<1x128x128xf32, #tpu.memory_space<vmem>> -> memref<128x128xf32, #tpu.memory_space<vmem>>
      %gather3A_1862 = tpu.vector_load_idx %gather3A_1861[%add3A_1593, %add3A_1857] : memref<128x128xf32, #tpu.memory_space<vmem>>[vector<16xi32>, vector<16xi32>], vector<16xf32>,
      %swap3A_1863 = arith.constant 2 : i32
      %swap3A_1864 = arith.constant 1 : i32
      %swap3A_1865 = arith.index_cast %rem3A_105 : i32 to index
      %swap3A_1866 = arith.index_cast %swap3A_1863 : i32 to index
      %swap3A_1867 = arith.index_cast %swap3A_1864 : i32 to index
      %swap3A_1868 = arith.constant 48 : index
      %swap3A_1869 = tpu.vector_load %arg9[%swap3A_1865, %swap3A_1866, %swap3A_1867, %swap3A_1868] {strides = array<i32>} : memref<2x4x8x128xf32, #tpu.memory_space<vmem>>, vector<16xf32>,
      tpu.vector_store %arg9[%swap3A_1865, %swap3A_1866, %swap3A_1867, %swap3A_1868], %gather3A_1862 {strides = array<i32>} : memref<2x4x8x128xf32, #tpu.memory_space<vmem>>, vector<16xf32>,
      %add3A_1870 = arith.constant 18 : i32
      %add3A_1871 = vector.broadcast %add3A_1870 : i32 to vector<16xi32>
      %add3A_1872 = arith.addi %mul3A_1599, %add3A_1871 : vector<16xi32>
      %gather3A_1873 = arith.constant 0 : i32
      %gather3A_1874 = arith.constant 0 : i32
      %gather3A_1875 = tpu.memref_slice %arg8[%rem3A_103, %gather3A_1873, %gather3A_1874] : memref<4x128x128xf32, #tpu.memory_space<vmem>> -> memref<1x128x128xf32, #tpu.memory_space<vmem>>
      %gather3A_1876 = tpu.memref_squeeze %gather3A_1875 : memref<1x128x128xf32, #tpu.memory_space<vmem>> -> memref<128x128xf32, #tpu.memory_space<vmem>>
      %gather3A_1877 = tpu.vector_load_idx %gather3A_1876[%add3A_1593, %add3A_1872] : memref<128x128xf32, #tpu.memory_space<vmem>>[vector<16xi32>, vector<16xi32>], vector<16xf32>,
      %swap3A_1878 = arith.constant 2 : i32
      %swap3A_1879 = arith.constant 2 : i32
      %swap3A_1880 = arith.index_cast %rem3A_105 : i32 to index
      %swap3A_1881 = arith.index_cast %swap3A_1878 : i32 to index
      %swap3A_1882 = arith.index_cast %swap3A_1879 : i32 to index
      %swap3A_1883 = arith.constant 48 : index
      %swap3A_1884 = tpu.vector_load %arg9[%swap3A_1880, %swap3A_1881, %swap3A_1882, %swap3A_1883] {strides = array<i32>} : memref<2x4x8x128xf32, #tpu.memory_space<vmem>>, vector<16xf32>,
      tpu.vector_store %arg9[%swap3A_1880, %swap3A_1881, %swap3A_1882, %swap3A_1883], %gather3A_1877 {strides = array<i32>} : memref<2x4x8x128xf32, #tpu.memory_space<vmem>>, vector<16xf32>,
      %add3A_1885 = arith.constant 19 : i32
      %add3A_1886 = vector.broadcast %add3A_1885 : i32 to vector<16xi32>
      %add3A_1887 = arith.addi %mul3A_1599, %add3A_1886 : vector<16xi32>
      %gather3A_1888 = arith.constant 0 : i32
      %gather3A_1889 = arith.constant 0 : i32
      %gather3A_1890 = tpu.memref_slice %arg8[%rem3A_103, %gather3A_1888, %gather3A_1889] : memref<4x128x128xf32, #tpu.memory_space<vmem>> -> memref<1x128x128xf32, #tpu.memory_space<vmem>>
      %gather3A_1891 = tpu.memref_squeeze %gather3A_1890 : memref<1x128x128xf32, #tpu.memory_space<vmem>> -> memref<128x128xf32, #tpu.memory_space<vmem>>
      %gather3A_1892 = tpu.vector_load_idx %gather3A_1891[%add3A_1593, %add3A_1887] : memref<128x128xf32, #tpu.memory_space<vmem>>[vector<16xi32>, vector<16xi32>], vector<16xf32>,
      %swap3A_1893 = arith.constant 2 : i32
      %swap3A_1894 = arith.constant 3 : i32
      %swap3A_1895 = arith.index_cast %rem3A_105 : i32 to index
      %swap3A_1896 = arith.index_cast %swap3A_1893 : i32 to index
      %swap3A_1897 = arith.index_cast %swap3A_1894 : i32 to index
      %swap3A_1898 = arith.constant 48 : index
      %swap3A_1899 = tpu.vector_load %arg9[%swap3A_1895, %swap3A_1896, %swap3A_1897, %swap3A_1898] {strides = array<i32>} : memref<2x4x8x128xf32, #tpu.memory_space<vmem>>, vector<16xf32>,
      tpu.vector_store %arg9[%swap3A_1895, %swap3A_1896, %swap3A_1897, %swap3A_1898], %gather3A_1892 {strides = array<i32>} : memref<2x4x8x128xf32, #tpu.memory_space<vmem>>, vector<16xf32>,
      %add3A_1900 = arith.constant 20 : i32
      %add3A_1901 = vector.broadcast %add3A_1900 : i32 to vector<16xi32>
      %add3A_1902 = arith.addi %mul3A_1599, %add3A_1901 : vector<16xi32>
      %gather3A_1903 = arith.constant 0 : i32
      %gather3A_1904 = arith.constant 0 : i32
      %gather3A_1905 = tpu.memref_slice %arg8[%rem3A_103, %gather3A_1903, %gather3A_1904] : memref<4x128x128xf32, #tpu.memory_space<vmem>> -> memref<1x128x128xf32, #tpu.memory_space<vmem>>
      %gather3A_1906 = tpu.memref_squeeze %gather3A_1905 : memref<1x128x128xf32, #tpu.memory_space<vmem>> -> memref<128x128xf32, #tpu.memory_space<vmem>>
      %gather3A_1907 = tpu.vector_load_idx %gather3A_1906[%add3A_1593, %add3A_1902] : memref<128x128xf32, #tpu.memory_space<vmem>>[vector<16xi32>, vector<16xi32>], vector<16xf32>,
      %swap3A_1908 = arith.constant 2 : i32
      %swap3A_1909 = arith.constant 4 : i32
      %swap3A_1910 = arith.index_cast %rem3A_105 : i32 to index
      %swap3A_1911 = arith.index_cast %swap3A_1908 : i32 to index
      %swap3A_1912 = arith.index_cast %swap3A_1909 : i32 to index
      %swap3A_1913 = arith.constant 48 : index
      %swap3A_1914 = tpu.vector_load %arg9[%swap3A_1910, %swap3A_1911, %swap3A_1912, %swap3A_1913] {strides = array<i32>} : memref<2x4x8x128xf32, #tpu.memory_space<vmem>>, vector<16xf32>,
      tpu.vector_store %arg9[%swap3A_1910, %swap3A_1911, %swap3A_1912, %swap3A_1913], %gather3A_1907 {strides = array<i32>} : memref<2x4x8x128xf32, #tpu.memory_space<vmem>>, vector<16xf32>,
      %add3A_1915 = arith.constant 21 : i32
      %add3A_1916 = vector.broadcast %add3A_1915 : i32 to vector<16xi32>
      %add3A_1917 = arith.addi %mul3A_1599, %add3A_1916 : vector<16xi32>
      %gather3A_1918 = arith.constant 0 : i32
      %gather3A_1919 = arith.constant 0 : i32
      %gather3A_1920 = tpu.memref_slice %arg8[%rem3A_103, %gather3A_1918, %gather3A_1919] : memref<4x128x128xf32, #tpu.memory_space<vmem>> -> memref<1x128x128xf32, #tpu.memory_space<vmem>>
      %gather3A_1921 = tpu.memref_squeeze %gather3A_1920 : memref<1x128x128xf32, #tpu.memory_space<vmem>> -> memref<128x128xf32, #tpu.memory_space<vmem>>
      %gather3A_1922 = tpu.vector_load_idx %gather3A_1921[%add3A_1593, %add3A_1917] : memref<128x128xf32, #tpu.memory_space<vmem>>[vector<16xi32>, vector<16xi32>], vector<16xf32>,
      %swap3A_1923 = arith.constant 2 : i32
      %swap3A_1924 = arith.constant 5 : i32
      %swap3A_1925 = arith.index_cast %rem3A_105 : i32 to index
      %swap3A_1926 = arith.index_cast %swap3A_1923 : i32 to index
      %swap3A_1927 = arith.index_cast %swap3A_1924 : i32 to index
      %swap3A_1928 = arith.constant 48 : index
      %swap3A_1929 = tpu.vector_load %arg9[%swap3A_1925, %swap3A_1926, %swap3A_1927, %swap3A_1928] {strides = array<i32>} : memref<2x4x8x128xf32, #tpu.memory_space<vmem>>, vector<16xf32>,
      tpu.vector_store %arg9[%swap3A_1925, %swap3A_1926, %swap3A_1927, %swap3A_1928], %gather3A_1922 {strides = array<i32>} : memref<2x4x8x128xf32, #tpu.memory_space<vmem>>, vector<16xf32>,
      %add3A_1930 = arith.constant 22 : i32
      %add3A_1931 = vector.broadcast %add3A_1930 : i32 to vector<16xi32>
      %add3A_1932 = arith.addi %mul3A_1599, %add3A_1931 : vector<16xi32>
      %gather3A_1933 = arith.constant 0 : i32
      %gather3A_1934 = arith.constant 0 : i32
      %gather3A_1935 = tpu.memref_slice %arg8[%rem3A_103, %gather3A_1933, %gather3A_1934] : memref<4x128x128xf32, #tpu.memory_space<vmem>> -> memref<1x128x128xf32, #tpu.memory_space<vmem>>
      %gather3A_1936 = tpu.memref_squeeze %gather3A_1935 : memref<1x128x128xf32, #tpu.memory_space<vmem>> -> memref<128x128xf32, #tpu.memory_space<vmem>>
      %gather3A_1937 = tpu.vector_load_idx %gather3A_1936[%add3A_1593, %add3A_1932] : memref<128x128xf32, #tpu.memory_space<vmem>>[vector<16xi32>, vector<16xi32>], vector<16xf32>,
      %swap3A_1938 = arith.constant 2 : i32
      %swap3A_1939 = arith.constant 6 : i32
      %swap3A_1940 = arith.index_cast %rem3A_105 : i32 to index
      %swap3A_1941 = arith.index_cast %swap3A_1938 : i32 to index
      %swap3A_1942 = arith.index_cast %swap3A_1939 : i32 to index
      %swap3A_1943 = arith.constant 48 : index
      %swap3A_1944 = tpu.vector_load %arg9[%swap3A_1940, %swap3A_1941, %swap3A_1942, %swap3A_1943] {strides = array<i32>} : memref<2x4x8x128xf32, #tpu.memory_space<vmem>>, vector<16xf32>,
      tpu.vector_store %arg9[%swap3A_1940, %swap3A_1941, %swap3A_1942, %swap3A_1943], %gather3A_1937 {strides = array<i32>} : memref<2x4x8x128xf32, #tpu.memory_space<vmem>>, vector<16xf32>,
      %add3A_1945 = arith.constant 23 : i32
      %add3A_1946 = vector.broadcast %add3A_1945 : i32 to vector<16xi32>
      %add3A_1947 = arith.addi %mul3A_1599, %add3A_1946 : vector<16xi32>
      %gather3A_1948 = arith.constant 0 : i32
      %gather3A_1949 = arith.constant 0 : i32
      %gather3A_1950 = tpu.memref_slice %arg8[%rem3A_103, %gather3A_1948, %gather3A_1949] : memref<4x128x128xf32, #tpu.memory_space<vmem>> -> memref<1x128x128xf32, #tpu.memory_space<vmem>>
      %gather3A_1951 = tpu.memref_squeeze %gather3A_1950 : memref<1x128x128xf32, #tpu.memory_space<vmem>> -> memref<128x128xf32, #tpu.memory_space<vmem>>
      %gather3A_1952 = tpu.vector_load_idx %gather3A_1951[%add3A_1593, %add3A_1947] : memref<128x128xf32, #tpu.memory_space<vmem>>[vector<16xi32>, vector<16xi32>], vector<16xf32>,
      %swap3A_1953 = arith.constant 2 : i32
      %swap3A_1954 = arith.constant 7 : i32
      %swap3A_1955 = arith.index_cast %rem3A_105 : i32 to index
      %swap3A_1956 = arith.index_cast %swap3A_1953 : i32 to index
      %swap3A_1957 = arith.index_cast %swap3A_1954 : i32 to index
      %swap3A_1958 = arith.constant 48 : index
      %swap3A_1959 = tpu.vector_load %arg9[%swap3A_1955, %swap3A_1956, %swap3A_1957, %swap3A_1958] {strides = array<i32>} : memref<2x4x8x128xf32, #tpu.memory_space<vmem>>, vector<16xf32>,
      tpu.vector_store %arg9[%swap3A_1955, %swap3A_1956, %swap3A_1957, %swap3A_1958], %gather3A_1952 {strides = array<i32>} : memref<2x4x8x128xf32, #tpu.memory_space<vmem>>, vector<16xf32>,
      %add3A_1960 = arith.constant 24 : i32
      %add3A_1961 = vector.broadcast %add3A_1960 : i32 to vector<16xi32>
      %add3A_1962 = arith.addi %mul3A_1599, %add3A_1961 : vector<16xi32>
      %gather3A_1963 = arith.constant 0 : i32
      %gather3A_1964 = arith.constant 0 : i32
      %gather3A_1965 = tpu.memref_slice %arg8[%rem3A_103, %gather3A_1963, %gather3A_1964] : memref<4x128x128xf32, #tpu.memory_space<vmem>> -> memref<1x128x128xf32, #tpu.memory_space<vmem>>
      %gather3A_1966 = tpu.memref_squeeze %gather3A_1965 : memref<1x128x128xf32, #tpu.memory_space<vmem>> -> memref<128x128xf32, #tpu.memory_space<vmem>>
      %gather3A_1967 = tpu.vector_load_idx %gather3A_1966[%add3A_1593, %add3A_1962] : memref<128x128xf32, #tpu.memory_space<vmem>>[vector<16xi32>, vector<16xi32>], vector<16xf32>,
      %swap3A_1968 = arith.constant 3 : i32
      %swap3A_1969 = arith.constant 0 : i32
      %swap3A_1970 = arith.index_cast %rem3A_105 : i32 to index
      %swap3A_1971 = arith.index_cast %swap3A_1968 : i32 to index
      %swap3A_1972 = arith.index_cast %swap3A_1969 : i32 to index
      %swap3A_1973 = arith.constant 48 : index
      %swap3A_1974 = tpu.vector_load %arg9[%swap3A_1970, %swap3A_1971, %swap3A_1972, %swap3A_1973] {strides = array<i32>} : memref<2x4x8x128xf32, #tpu.memory_space<vmem>>, vector<16xf32>,
      tpu.vector_store %arg9[%swap3A_1970, %swap3A_1971, %swap3A_1972, %swap3A_1973], %gather3A_1967 {strides = array<i32>} : memref<2x4x8x128xf32, #tpu.memory_space<vmem>>, vector<16xf32>,
      %add3A_1975 = arith.constant 25 : i32
      %add3A_1976 = vector.broadcast %add3A_1975 : i32 to vector<16xi32>
      %add3A_1977 = arith.addi %mul3A_1599, %add3A_1976 : vector<16xi32>
      %gather3A_1978 = arith.constant 0 : i32
      %gather3A_1979 = arith.constant 0 : i32
      %gather3A_1980 = tpu.memref_slice %arg8[%rem3A_103, %gather3A_1978, %gather3A_1979] : memref<4x128x128xf32, #tpu.memory_space<vmem>> -> memref<1x128x128xf32, #tpu.memory_space<vmem>>
      %gather3A_1981 = tpu.memref_squeeze %gather3A_1980 : memref<1x128x128xf32, #tpu.memory_space<vmem>> -> memref<128x128xf32, #tpu.memory_space<vmem>>
      %gather3A_1982 = tpu.vector_load_idx %gather3A_1981[%add3A_1593, %add3A_1977] : memref<128x128xf32, #tpu.memory_space<vmem>>[vector<16xi32>, vector<16xi32>], vector<16xf32>,
      %swap3A_1983 = arith.constant 3 : i32
      %swap3A_1984 = arith.constant 1 : i32
      %swap3A_1985 = arith.index_cast %rem3A_105 : i32 to index
      %swap3A_1986 = arith.index_cast %swap3A_1983 : i32 to index
      %swap3A_1987 = arith.index_cast %swap3A_1984 : i32 to index
      %swap3A_1988 = arith.constant 48 : index
      %swap3A_1989 = tpu.vector_load %arg9[%swap3A_1985, %swap3A_1986, %swap3A_1987, %swap3A_1988] {strides = array<i32>} : memref<2x4x8x128xf32, #tpu.memory_space<vmem>>, vector<16xf32>,
      tpu.vector_store %arg9[%swap3A_1985, %swap3A_1986, %swap3A_1987, %swap3A_1988], %gather3A_1982 {strides = array<i32>} : memref<2x4x8x128xf32, #tpu.memory_space<vmem>>, vector<16xf32>,
      %add3A_1990 = arith.constant 26 : i32
      %add3A_1991 = vector.broadcast %add3A_1990 : i32 to vector<16xi32>
      %add3A_1992 = arith.addi %mul3A_1599, %add3A_1991 : vector<16xi32>
      %gather3A_1993 = arith.constant 0 : i32
      %gather3A_1994 = arith.constant 0 : i32
      %gather3A_1995 = tpu.memref_slice %arg8[%rem3A_103, %gather3A_1993, %gather3A_1994] : memref<4x128x128xf32, #tpu.memory_space<vmem>> -> memref<1x128x128xf32, #tpu.memory_space<vmem>>
      %gather3A_1996 = tpu.memref_squeeze %gather3A_1995 : memref<1x128x128xf32, #tpu.memory_space<vmem>> -> memref<128x128xf32, #tpu.memory_space<vmem>>
      %gather3A_1997 = tpu.vector_load_idx %gather3A_1996[%add3A_1593, %add3A_1992] : memref<128x128xf32, #tpu.memory_space<vmem>>[vector<16xi32>, vector<16xi32>], vector<16xf32>,
      %swap3A_1998 = arith.constant 3 : i32
      %swap3A_1999 = arith.constant 2 : i32
      %swap3A_2000 = arith.index_cast %rem3A_105 : i32 to index
      %swap3A_2001 = arith.index_cast %swap3A_1998 : i32 to index
      %swap3A_2002 = arith.index_cast %swap3A_1999 : i32 to index
      %swap3A_2003 = arith.constant 48 : index
      %swap3A_2004 = tpu.vector_load %arg9[%swap3A_2000, %swap3A_2001, %swap3A_2002, %swap3A_2003] {strides = array<i32>} : memref<2x4x8x128xf32, #tpu.memory_space<vmem>>, vector<16xf32>,
      tpu.vector_store %arg9[%swap3A_2000, %swap3A_2001, %swap3A_2002, %swap3A_2003], %gather3A_1997 {strides = array<i32>} : memref<2x4x8x128xf32, #tpu.memory_space<vmem>>, vector<16xf32>,
      %add3A_2005 = arith.constant 27 : i32
      %add3A_2006 = vector.broadcast %add3A_2005 : i32 to vector<16xi32>
      %add3A_2007 = arith.addi %mul3A_1599, %add3A_2006 : vector<16xi32>
      %gather3A_2008 = arith.constant 0 : i32
      %gather3A_2009 = arith.constant 0 : i32
      %gather3A_2010 = tpu.memref_slice %arg8[%rem3A_103, %gather3A_2008, %gather3A_2009] : memref<4x128x128xf32, #tpu.memory_space<vmem>> -> memref<1x128x128xf32, #tpu.memory_space<vmem>>
      %gather3A_2011 = tpu.memref_squeeze %gather3A_2010 : memref<1x128x128xf32, #tpu.memory_space<vmem>> -> memref<128x128xf32, #tpu.memory_space<vmem>>
      %gather3A_2012 = tpu.vector_load_idx %gather3A_2011[%add3A_1593, %add3A_2007] : memref<128x128xf32, #tpu.memory_space<vmem>>[vector<16xi32>, vector<16xi32>], vector<16xf32>,
      %swap3A_2013 = arith.constant 3 : i32
      %swap3A_2014 = arith.constant 3 : i32
      %swap3A_2015 = arith.index_cast %rem3A_105 : i32 to index
      %swap3A_2016 = arith.index_cast %swap3A_2013 : i32 to index
      %swap3A_2017 = arith.index_cast %swap3A_2014 : i32 to index
      %swap3A_2018 = arith.constant 48 : index
      %swap3A_2019 = tpu.vector_load %arg9[%swap3A_2015, %swap3A_2016, %swap3A_2017, %swap3A_2018] {strides = array<i32>} : memref<2x4x8x128xf32, #tpu.memory_space<vmem>>, vector<16xf32>,
      tpu.vector_store %arg9[%swap3A_2015, %swap3A_2016, %swap3A_2017, %swap3A_2018], %gather3A_2012 {strides = array<i32>} : memref<2x4x8x128xf32, #tpu.memory_space<vmem>>, vector<16xf32>,
      %add3A_2020 = arith.constant 28 : i32
      %add3A_2021 = vector.broadcast %add3A_2020 : i32 to vector<16xi32>
      %add3A_2022 = arith.addi %mul3A_1599, %add3A_2021 : vector<16xi32>
      %gather3A_2023 = arith.constant 0 : i32
      %gather3A_2024 = arith.constant 0 : i32
      %gather3A_2025 = tpu.memref_slice %arg8[%rem3A_103, %gather3A_2023, %gather3A_2024] : memref<4x128x128xf32, #tpu.memory_space<vmem>> -> memref<1x128x128xf32, #tpu.memory_space<vmem>>
      %gather3A_2026 = tpu.memref_squeeze %gather3A_2025 : memref<1x128x128xf32, #tpu.memory_space<vmem>> -> memref<128x128xf32, #tpu.memory_space<vmem>>
      %gather3A_2027 = tpu.vector_load_idx %gather3A_2026[%add3A_1593, %add3A_2022] : memref<128x128xf32, #tpu.memory_space<vmem>>[vector<16xi32>, vector<16xi32>], vector<16xf32>,
      %swap3A_2028 = arith.constant 3 : i32
      %swap3A_2029 = arith.constant 4 : i32
      %swap3A_2030 = arith.index_cast %rem3A_105 : i32 to index
      %swap3A_2031 = arith.index_cast %swap3A_2028 : i32 to index
      %swap3A_2032 = arith.index_cast %swap3A_2029 : i32 to index
      %swap3A_2033 = arith.constant 48 : index
      %swap3A_2034 = tpu.vector_load %arg9[%swap3A_2030, %swap3A_2031, %swap3A_2032, %swap3A_2033] {strides = array<i32>} : memref<2x4x8x128xf32, #tpu.memory_space<vmem>>, vector<16xf32>,
      tpu.vector_store %arg9[%swap3A_2030, %swap3A_2031, %swap3A_2032, %swap3A_2033], %gather3A_2027 {strides = array<i32>} : memref<2x4x8x128xf32, #tpu.memory_space<vmem>>, vector<16xf32>,
      %add3A_2035 = arith.constant 29 : i32
      %add3A_2036 = vector.broadcast %add3A_2035 : i32 to vector<16xi32>
      %add3A_2037 = arith.addi %mul3A_1599, %add3A_2036 : vector<16xi32>
      %gather3A_2038 = arith.constant 0 : i32
      %gather3A_2039 = arith.constant 0 : i32
      %gather3A_2040 = tpu.memref_slice %arg8[%rem3A_103, %gather3A_2038, %gather3A_2039] : memref<4x128x128xf32, #tpu.memory_space<vmem>> -> memref<1x128x128xf32, #tpu.memory_space<vmem>>
      %gather3A_2041 = tpu.memref_squeeze %gather3A_2040 : memref<1x128x128xf32, #tpu.memory_space<vmem>> -> memref<128x128xf32, #tpu.memory_space<vmem>>
      %gather3A_2042 = tpu.vector_load_idx %gather3A_2041[%add3A_1593, %add3A_2037] : memref<128x128xf32, #tpu.memory_space<vmem>>[vector<16xi32>, vector<16xi32>], vector<16xf32>,
      %swap3A_2043 = arith.constant 3 : i32
      %swap3A_2044 = arith.constant 5 : i32
      %swap3A_2045 = arith.index_cast %rem3A_105 : i32 to index
      %swap3A_2046 = arith.index_cast %swap3A_2043 : i32 to index
      %swap3A_2047 = arith.index_cast %swap3A_2044 : i32 to index
      %swap3A_2048 = arith.constant 48 : index
      %swap3A_2049 = tpu.vector_load %arg9[%swap3A_2045, %swap3A_2046, %swap3A_2047, %swap3A_2048] {strides = array<i32>} : memref<2x4x8x128xf32, #tpu.memory_space<vmem>>, vector<16xf32>,
      tpu.vector_store %arg9[%swap3A_2045, %swap3A_2046, %swap3A_2047, %swap3A_2048], %gather3A_2042 {strides = array<i32>} : memref<2x4x8x128xf32, #tpu.memory_space<vmem>>, vector<16xf32>,
      %add3A_2050 = arith.constant 30 : i32
      %add3A_2051 = vector.broadcast %add3A_2050 : i32 to vector<16xi32>
      %add3A_2052 = arith.addi %mul3A_1599, %add3A_2051 : vector<16xi32>
      %gather3A_2053 = arith.constant 0 : i32
      %gather3A_2054 = arith.constant 0 : i32
      %gather3A_2055 = tpu.memref_slice %arg8[%rem3A_103, %gather3A_2053, %gather3A_2054] : memref<4x128x128xf32, #tpu.memory_space<vmem>> -> memref<1x128x128xf32, #tpu.memory_space<vmem>>
      %gather3A_2056 = tpu.memref_squeeze %gather3A_2055 : memref<1x128x128xf32, #tpu.memory_space<vmem>> -> memref<128x128xf32, #tpu.memory_space<vmem>>
      %gather3A_2057 = tpu.vector_load_idx %gather3A_2056[%add3A_1593, %add3A_2052] : memref<128x128xf32, #tpu.memory_space<vmem>>[vector<16xi32>, vector<16xi32>], vector<16xf32>,
      %swap3A_2058 = arith.constant 3 : i32
      %swap3A_2059 = arith.constant 6 : i32
      %swap3A_2060 = arith.index_cast %rem3A_105 : i32 to index
      %swap3A_2061 = arith.index_cast %swap3A_2058 : i32 to index
      %swap3A_2062 = arith.index_cast %swap3A_2059 : i32 to index
      %swap3A_2063 = arith.constant 48 : index
      %swap3A_2064 = tpu.vector_load %arg9[%swap3A_2060, %swap3A_2061, %swap3A_2062, %swap3A_2063] {strides = array<i32>} : memref<2x4x8x128xf32, #tpu.memory_space<vmem>>, vector<16xf32>,
      tpu.vector_store %arg9[%swap3A_2060, %swap3A_2061, %swap3A_2062, %swap3A_2063], %gather3A_2057 {strides = array<i32>} : memref<2x4x8x128xf32, #tpu.memory_space<vmem>>, vector<16xf32>,
      %add3A_2065 = arith.constant 31 : i32
      %add3A_2066 = vector.broadcast %add3A_2065 : i32 to vector<16xi32>
      %add3A_2067 = arith.addi %mul3A_1599, %add3A_2066 : vector<16xi32>
      %gather3A_2068 = arith.constant 0 : i32
      %gather3A_2069 = arith.constant 0 : i32
      %gather3A_2070 = tpu.memref_slice %arg8[%rem3A_103, %gather3A_2068, %gather3A_2069] : memref<4x128x128xf32, #tpu.memory_space<vmem>> -> memref<1x128x128xf32, #tpu.memory_space<vmem>>
      %gather3A_2071 = tpu.memref_squeeze %gather3A_2070 : memref<1x128x128xf32, #tpu.memory_space<vmem>> -> memref<128x128xf32, #tpu.memory_space<vmem>>
      %gather3A_2072 = tpu.vector_load_idx %gather3A_2071[%add3A_1593, %add3A_2067] : memref<128x128xf32, #tpu.memory_space<vmem>>[vector<16xi32>, vector<16xi32>], vector<16xf32>,
      %swap3A_2073 = arith.constant 3 : i32
      %swap3A_2074 = arith.constant 7 : i32
      %swap3A_2075 = arith.index_cast %rem3A_105 : i32 to index
      %swap3A_2076 = arith.index_cast %swap3A_2073 : i32 to index
      %swap3A_2077 = arith.index_cast %swap3A_2074 : i32 to index
      %swap3A_2078 = arith.constant 48 : index
      %swap3A_2079 = tpu.vector_load %arg9[%swap3A_2075, %swap3A_2076, %swap3A_2077, %swap3A_2078] {strides = array<i32>} : memref<2x4x8x128xf32, #tpu.memory_space<vmem>>, vector<16xf32>,
      tpu.vector_store %arg9[%swap3A_2075, %swap3A_2076, %swap3A_2077, %swap3A_2078], %gather3A_2072 {strides = array<i32>} : memref<2x4x8x128xf32, #tpu.memory_space<vmem>>, vector<16xf32>,
      %iota3A_2080 = tpu.iota {dimensions = array<i32: 0>} : vector<16xi32>
      %add3A_2081 = arith.constant 64 : i32
      %add3A_2082 = vector.broadcast %add3A_2081 : i32 to vector<16xi32>
      %add3A_2083 = arith.addi %add3A_2082, %iota3A_2080 : vector<16xi32>
      %get3A_2084 = arith.index_cast %scan3A_102 : i32 to index
      %get3A_2085 = arith.constant 64 : index
      %get3A_2086 = tpu.vector_load %arg7[%get3A_2084, %get3A_2085] {strides = array<i32>} : memref<200x128xi32, #tpu.memory_space<vmem>>, vector<16xi32>,
      %mul3A_2087 = arith.constant 32 : i32
      %mul3A_2088 = vector.broadcast %mul3A_2087 : i32 to vector<16xi32>
      %mul3A_2089 = arith.muli %get3A_2086, %mul3A_2088 : vector<16xi32>
      %add3A_2090 = arith.constant 0 : i32
      %add3A_2091 = vector.broadcast %add3A_2090 : i32 to vector<16xi32>
      %add3A_2092 = arith.addi %mul3A_2089, %add3A_2091 : vector<16xi32>
      %gather3A_2093 = arith.constant 0 : i32
      %gather3A_2094 = arith.constant 0 : i32
      %gather3A_2095 = tpu.memref_slice %arg8[%rem3A_103, %gather3A_2093, %gather3A_2094] : memref<4x128x128xf32, #tpu.memory_space<vmem>> -> memref<1x128x128xf32, #tpu.memory_space<vmem>>
      %gather3A_2096 = tpu.memref_squeeze %gather3A_2095 : memref<1x128x128xf32, #tpu.memory_space<vmem>> -> memref<128x128xf32, #tpu.memory_space<vmem>>
      %gather3A_2097 = tpu.vector_load_idx %gather3A_2096[%add3A_2083, %add3A_2092] : memref<128x128xf32, #tpu.memory_space<vmem>>[vector<16xi32>, vector<16xi32>], vector<16xf32>,
      %swap3A_2098 = arith.constant 0 : i32
      %swap3A_2099 = arith.constant 0 : i32
      %swap3A_2100 = arith.index_cast %rem3A_105 : i32 to index
      %swap3A_2101 = arith.index_cast %swap3A_2098 : i32 to index
      %swap3A_2102 = arith.index_cast %swap3A_2099 : i32 to index
      %swap3A_2103 = arith.constant 64 : index
      %swap3A_2104 = tpu.vector_load %arg9[%swap3A_2100, %swap3A_2101, %swap3A_2102, %swap3A_2103] {strides = array<i32>} : memref<2x4x8x128xf32, #tpu.memory_space<vmem>>, vector<16xf32>,
      tpu.vector_store %arg9[%swap3A_2100, %swap3A_2101, %swap3A_2102, %swap3A_2103], %gather3A_2097 {strides = array<i32>} : memref<2x4x8x128xf32, #tpu.memory_space<vmem>>, vector<16xf32>,
      %add3A_2105 = arith.constant 1 : i32
      %add3A_2106 = vector.broadcast %add3A_2105 : i32 to vector<16xi32>
      %add3A_2107 = arith.addi %mul3A_2089, %add3A_2106 : vector<16xi32>
      %gather3A_2108 = arith.constant 0 : i32
      %gather3A_2109 = arith.constant 0 : i32
      %gather3A_2110 = tpu.memref_slice %arg8[%rem3A_103, %gather3A_2108, %gather3A_2109] : memref<4x128x128xf32, #tpu.memory_space<vmem>> -> memref<1x128x128xf32, #tpu.memory_space<vmem>>
      %gather3A_2111 = tpu.memref_squeeze %gather3A_2110 : memref<1x128x128xf32, #tpu.memory_space<vmem>> -> memref<128x128xf32, #tpu.memory_space<vmem>>
      %gather3A_2112 = tpu.vector_load_idx %gather3A_2111[%add3A_2083, %add3A_2107] : memref<128x128xf32, #tpu.memory_space<vmem>>[vector<16xi32>, vector<16xi32>], vector<16xf32>,
      %swap3A_2113 = arith.constant 0 : i32
      %swap3A_2114 = arith.constant 1 : i32
      %swap3A_2115 = arith.index_cast %rem3A_105 : i32 to index
      %swap3A_2116 = arith.index_cast %swap3A_2113 : i32 to index
      %swap3A_2117 = arith.index_cast %swap3A_2114 : i32 to index
      %swap3A_2118 = arith.constant 64 : index
      %swap3A_2119 = tpu.vector_load %arg9[%swap3A_2115, %swap3A_2116, %swap3A_2117, %swap3A_2118] {strides = array<i32>} : memref<2x4x8x128xf32, #tpu.memory_space<vmem>>, vector<16xf32>,
      tpu.vector_store %arg9[%swap3A_2115, %swap3A_2116, %swap3A_2117, %swap3A_2118], %gather3A_2112 {strides = array<i32>} : memref<2x4x8x128xf32, #tpu.memory_space<vmem>>, vector<16xf32>,
      %add3A_2120 = arith.constant 2 : i32
      %add3A_2121 = vector.broadcast %add3A_2120 : i32 to vector<16xi32>
      %add3A_2122 = arith.addi %mul3A_2089, %add3A_2121 : vector<16xi32>
      %gather3A_2123 = arith.constant 0 : i32
      %gather3A_2124 = arith.constant 0 : i32
      %gather3A_2125 = tpu.memref_slice %arg8[%rem3A_103, %gather3A_2123, %gather3A_2124] : memref<4x128x128xf32, #tpu.memory_space<vmem>> -> memref<1x128x128xf32, #tpu.memory_space<vmem>>
      %gather3A_2126 = tpu.memref_squeeze %gather3A_2125 : memref<1x128x128xf32, #tpu.memory_space<vmem>> -> memref<128x128xf32, #tpu.memory_space<vmem>>
      %gather3A_2127 = tpu.vector_load_idx %gather3A_2126[%add3A_2083, %add3A_2122] : memref<128x128xf32, #tpu.memory_space<vmem>>[vector<16xi32>, vector<16xi32>], vector<16xf32>,
      %swap3A_2128 = arith.constant 0 : i32
      %swap3A_2129 = arith.constant 2 : i32
      %swap3A_2130 = arith.index_cast %rem3A_105 : i32 to index
      %swap3A_2131 = arith.index_cast %swap3A_2128 : i32 to index
      %swap3A_2132 = arith.index_cast %swap3A_2129 : i32 to index
      %swap3A_2133 = arith.constant 64 : index
      %swap3A_2134 = tpu.vector_load %arg9[%swap3A_2130, %swap3A_2131, %swap3A_2132, %swap3A_2133] {strides = array<i32>} : memref<2x4x8x128xf32, #tpu.memory_space<vmem>>, vector<16xf32>,
      tpu.vector_store %arg9[%swap3A_2130, %swap3A_2131, %swap3A_2132, %swap3A_2133], %gather3A_2127 {strides = array<i32>} : memref<2x4x8x128xf32, #tpu.memory_space<vmem>>, vector<16xf32>,
      %add3A_2135 = arith.constant 3 : i32
      %add3A_2136 = vector.broadcast %add3A_2135 : i32 to vector<16xi32>
      %add3A_2137 = arith.addi %mul3A_2089, %add3A_2136 : vector<16xi32>
      %gather3A_2138 = arith.constant 0 : i32
      %gather3A_2139 = arith.constant 0 : i32
      %gather3A_2140 = tpu.memref_slice %arg8[%rem3A_103, %gather3A_2138, %gather3A_2139] : memref<4x128x128xf32, #tpu.memory_space<vmem>> -> memref<1x128x128xf32, #tpu.memory_space<vmem>>
      %gather3A_2141 = tpu.memref_squeeze %gather3A_2140 : memref<1x128x128xf32, #tpu.memory_space<vmem>> -> memref<128x128xf32, #tpu.memory_space<vmem>>
      %gather3A_2142 = tpu.vector_load_idx %gather3A_2141[%add3A_2083, %add3A_2137] : memref<128x128xf32, #tpu.memory_space<vmem>>[vector<16xi32>, vector<16xi32>], vector<16xf32>,
      %swap3A_2143 = arith.constant 0 : i32
      %swap3A_2144 = arith.constant 3 : i32
      %swap3A_2145 = arith.index_cast %rem3A_105 : i32 to index
      %swap3A_2146 = arith.index_cast %swap3A_2143 : i32 to index
      %swap3A_2147 = arith.index_cast %swap3A_2144 : i32 to index
      %swap3A_2148 = arith.constant 64 : index
      %swap3A_2149 = tpu.vector_load %arg9[%swap3A_2145, %swap3A_2146, %swap3A_2147, %swap3A_2148] {strides = array<i32>} : memref<2x4x8x128xf32, #tpu.memory_space<vmem>>, vector<16xf32>,
      tpu.vector_store %arg9[%swap3A_2145, %swap3A_2146, %swap3A_2147, %swap3A_2148], %gather3A_2142 {strides = array<i32>} : memref<2x4x8x128xf32, #tpu.memory_space<vmem>>, vector<16xf32>,
      %add3A_2150 = arith.constant 4 : i32
      %add3A_2151 = vector.broadcast %add3A_2150 : i32 to vector<16xi32>
      %add3A_2152 = arith.addi %mul3A_2089, %add3A_2151 : vector<16xi32>
      %gather3A_2153 = arith.constant 0 : i32
      %gather3A_2154 = arith.constant 0 : i32
      %gather3A_2155 = tpu.memref_slice %arg8[%rem3A_103, %gather3A_2153, %gather3A_2154] : memref<4x128x128xf32, #tpu.memory_space<vmem>> -> memref<1x128x128xf32, #tpu.memory_space<vmem>>
      %gather3A_2156 = tpu.memref_squeeze %gather3A_2155 : memref<1x128x128xf32, #tpu.memory_space<vmem>> -> memref<128x128xf32, #tpu.memory_space<vmem>>
      %gather3A_2157 = tpu.vector_load_idx %gather3A_2156[%add3A_2083, %add3A_2152] : memref<128x128xf32, #tpu.memory_space<vmem>>[vector<16xi32>, vector<16xi32>], vector<16xf32>,
      %swap3A_2158 = arith.constant 0 : i32
      %swap3A_2159 = arith.constant 4 : i32
      %swap3A_2160 = arith.index_cast %rem3A_105 : i32 to index
      %swap3A_2161 = arith.index_cast %swap3A_2158 : i32 to index
      %swap3A_2162 = arith.index_cast %swap3A_2159 : i32 to index
      %swap3A_2163 = arith.constant 64 : index
      %swap3A_2164 = tpu.vector_load %arg9[%swap3A_2160, %swap3A_2161, %swap3A_2162, %swap3A_2163] {strides = array<i32>} : memref<2x4x8x128xf32, #tpu.memory_space<vmem>>, vector<16xf32>,
      tpu.vector_store %arg9[%swap3A_2160, %swap3A_2161, %swap3A_2162, %swap3A_2163], %gather3A_2157 {strides = array<i32>} : memref<2x4x8x128xf32, #tpu.memory_space<vmem>>, vector<16xf32>,
      %add3A_2165 = arith.constant 5 : i32
      %add3A_2166 = vector.broadcast %add3A_2165 : i32 to vector<16xi32>
      %add3A_2167 = arith.addi %mul3A_2089, %add3A_2166 : vector<16xi32>
      %gather3A_2168 = arith.constant 0 : i32
      %gather3A_2169 = arith.constant 0 : i32
      %gather3A_2170 = tpu.memref_slice %arg8[%rem3A_103, %gather3A_2168, %gather3A_2169] : memref<4x128x128xf32, #tpu.memory_space<vmem>> -> memref<1x128x128xf32, #tpu.memory_space<vmem>>
      %gather3A_2171 = tpu.memref_squeeze %gather3A_2170 : memref<1x128x128xf32, #tpu.memory_space<vmem>> -> memref<128x128xf32, #tpu.memory_space<vmem>>
      %gather3A_2172 = tpu.vector_load_idx %gather3A_2171[%add3A_2083, %add3A_2167] : memref<128x128xf32, #tpu.memory_space<vmem>>[vector<16xi32>, vector<16xi32>], vector<16xf32>,
      %swap3A_2173 = arith.constant 0 : i32
      %swap3A_2174 = arith.constant 5 : i32
      %swap3A_2175 = arith.index_cast %rem3A_105 : i32 to index
      %swap3A_2176 = arith.index_cast %swap3A_2173 : i32 to index
      %swap3A_2177 = arith.index_cast %swap3A_2174 : i32 to index
      %swap3A_2178 = arith.constant 64 : index
      %swap3A_2179 = tpu.vector_load %arg9[%swap3A_2175, %swap3A_2176, %swap3A_2177, %swap3A_2178] {strides = array<i32>} : memref<2x4x8x128xf32, #tpu.memory_space<vmem>>, vector<16xf32>,
      tpu.vector_store %arg9[%swap3A_2175, %swap3A_2176, %swap3A_2177, %swap3A_2178], %gather3A_2172 {strides = array<i32>} : memref<2x4x8x128xf32, #tpu.memory_space<vmem>>, vector<16xf32>,
      %add3A_2180 = arith.constant 6 : i32
      %add3A_2181 = vector.broadcast %add3A_2180 : i32 to vector<16xi32>
      %add3A_2182 = arith.addi %mul3A_2089, %add3A_2181 : vector<16xi32>
      %gather3A_2183 = arith.constant 0 : i32
      %gather3A_2184 = arith.constant 0 : i32
      %gather3A_2185 = tpu.memref_slice %arg8[%rem3A_103, %gather3A_2183, %gather3A_2184] : memref<4x128x128xf32, #tpu.memory_space<vmem>> -> memref<1x128x128xf32, #tpu.memory_space<vmem>>
      %gather3A_2186 = tpu.memref_squeeze %gather3A_2185 : memref<1x128x128xf32, #tpu.memory_space<vmem>> -> memref<128x128xf32, #tpu.memory_space<vmem>>
      %gather3A_2187 = tpu.vector_load_idx %gather3A_2186[%add3A_2083, %add3A_2182] : memref<128x128xf32, #tpu.memory_space<vmem>>[vector<16xi32>, vector<16xi32>], vector<16xf32>,
      %swap3A_2188 = arith.constant 0 : i32
      %swap3A_2189 = arith.constant 6 : i32
      %swap3A_2190 = arith.index_cast %rem3A_105 : i32 to index
      %swap3A_2191 = arith.index_cast %swap3A_2188 : i32 to index
      %swap3A_2192 = arith.index_cast %swap3A_2189 : i32 to index
      %swap3A_2193 = arith.constant 64 : index
      %swap3A_2194 = tpu.vector_load %arg9[%swap3A_2190, %swap3A_2191, %swap3A_2192, %swap3A_2193] {strides = array<i32>} : memref<2x4x8x128xf32, #tpu.memory_space<vmem>>, vector<16xf32>,
      tpu.vector_store %arg9[%swap3A_2190, %swap3A_2191, %swap3A_2192, %swap3A_2193], %gather3A_2187 {strides = array<i32>} : memref<2x4x8x128xf32, #tpu.memory_space<vmem>>, vector<16xf32>,
      %add3A_2195 = arith.constant 7 : i32
      %add3A_2196 = vector.broadcast %add3A_2195 : i32 to vector<16xi32>
      %add3A_2197 = arith.addi %mul3A_2089, %add3A_2196 : vector<16xi32>
      %gather3A_2198 = arith.constant 0 : i32
      %gather3A_2199 = arith.constant 0 : i32
      %gather3A_2200 = tpu.memref_slice %arg8[%rem3A_103, %gather3A_2198, %gather3A_2199] : memref<4x128x128xf32, #tpu.memory_space<vmem>> -> memref<1x128x128xf32, #tpu.memory_space<vmem>>
      %gather3A_2201 = tpu.memref_squeeze %gather3A_2200 : memref<1x128x128xf32, #tpu.memory_space<vmem>> -> memref<128x128xf32, #tpu.memory_space<vmem>>
      %gather3A_2202 = tpu.vector_load_idx %gather3A_2201[%add3A_2083, %add3A_2197] : memref<128x128xf32, #tpu.memory_space<vmem>>[vector<16xi32>, vector<16xi32>], vector<16xf32>,
      %swap3A_2203 = arith.constant 0 : i32
      %swap3A_2204 = arith.constant 7 : i32
      %swap3A_2205 = arith.index_cast %rem3A_105 : i32 to index
      %swap3A_2206 = arith.index_cast %swap3A_2203 : i32 to index
      %swap3A_2207 = arith.index_cast %swap3A_2204 : i32 to index
      %swap3A_2208 = arith.constant 64 : index
      %swap3A_2209 = tpu.vector_load %arg9[%swap3A_2205, %swap3A_2206, %swap3A_2207, %swap3A_2208] {strides = array<i32>} : memref<2x4x8x128xf32, #tpu.memory_space<vmem>>, vector<16xf32>,
      tpu.vector_store %arg9[%swap3A_2205, %swap3A_2206, %swap3A_2207, %swap3A_2208], %gather3A_2202 {strides = array<i32>} : memref<2x4x8x128xf32, #tpu.memory_space<vmem>>, vector<16xf32>,
      %add3A_2210 = arith.constant 8 : i32
      %add3A_2211 = vector.broadcast %add3A_2210 : i32 to vector<16xi32>
      %add3A_2212 = arith.addi %mul3A_2089, %add3A_2211 : vector<16xi32>
      %gather3A_2213 = arith.constant 0 : i32
      %gather3A_2214 = arith.constant 0 : i32
      %gather3A_2215 = tpu.memref_slice %arg8[%rem3A_103, %gather3A_2213, %gather3A_2214] : memref<4x128x128xf32, #tpu.memory_space<vmem>> -> memref<1x128x128xf32, #tpu.memory_space<vmem>>
      %gather3A_2216 = tpu.memref_squeeze %gather3A_2215 : memref<1x128x128xf32, #tpu.memory_space<vmem>> -> memref<128x128xf32, #tpu.memory_space<vmem>>
      %gather3A_2217 = tpu.vector_load_idx %gather3A_2216[%add3A_2083, %add3A_2212] : memref<128x128xf32, #tpu.memory_space<vmem>>[vector<16xi32>, vector<16xi32>], vector<16xf32>,
      %swap3A_2218 = arith.constant 1 : i32
      %swap3A_2219 = arith.constant 0 : i32
      %swap3A_2220 = arith.index_cast %rem3A_105 : i32 to index
      %swap3A_2221 = arith.index_cast %swap3A_2218 : i32 to index
      %swap3A_2222 = arith.index_cast %swap3A_2219 : i32 to index
      %swap3A_2223 = arith.constant 64 : index
      %swap3A_2224 = tpu.vector_load %arg9[%swap3A_2220, %swap3A_2221, %swap3A_2222, %swap3A_2223] {strides = array<i32>} : memref<2x4x8x128xf32, #tpu.memory_space<vmem>>, vector<16xf32>,
      tpu.vector_store %arg9[%swap3A_2220, %swap3A_2221, %swap3A_2222, %swap3A_2223], %gather3A_2217 {strides = array<i32>} : memref<2x4x8x128xf32, #tpu.memory_space<vmem>>, vector<16xf32>,
      %add3A_2225 = arith.constant 9 : i32
      %add3A_2226 = vector.broadcast %add3A_2225 : i32 to vector<16xi32>
      %add3A_2227 = arith.addi %mul3A_2089, %add3A_2226 : vector<16xi32>
      %gather3A_2228 = arith.constant 0 : i32
      %gather3A_2229 = arith.constant 0 : i32
      %gather3A_2230 = tpu.memref_slice %arg8[%rem3A_103, %gather3A_2228, %gather3A_2229] : memref<4x128x128xf32, #tpu.memory_space<vmem>> -> memref<1x128x128xf32, #tpu.memory_space<vmem>>
      %gather3A_2231 = tpu.memref_squeeze %gather3A_2230 : memref<1x128x128xf32, #tpu.memory_space<vmem>> -> memref<128x128xf32, #tpu.memory_space<vmem>>
      %gather3A_2232 = tpu.vector_load_idx %gather3A_2231[%add3A_2083, %add3A_2227] : memref<128x128xf32, #tpu.memory_space<vmem>>[vector<16xi32>, vector<16xi32>], vector<16xf32>,
      %swap3A_2233 = arith.constant 1 : i32
      %swap3A_2234 = arith.constant 1 : i32
      %swap3A_2235 = arith.index_cast %rem3A_105 : i32 to index
      %swap3A_2236 = arith.index_cast %swap3A_2233 : i32 to index
      %swap3A_2237 = arith.index_cast %swap3A_2234 : i32 to index
      %swap3A_2238 = arith.constant 64 : index
      %swap3A_2239 = tpu.vector_load %arg9[%swap3A_2235, %swap3A_2236, %swap3A_2237, %swap3A_2238] {strides = array<i32>} : memref<2x4x8x128xf32, #tpu.memory_space<vmem>>, vector<16xf32>,
      tpu.vector_store %arg9[%swap3A_2235, %swap3A_2236, %swap3A_2237, %swap3A_2238], %gather3A_2232 {strides = array<i32>} : memref<2x4x8x128xf32, #tpu.memory_space<vmem>>, vector<16xf32>,
      %add3A_2240 = arith.constant 10 : i32
      %add3A_2241 = vector.broadcast %add3A_2240 : i32 to vector<16xi32>
      %add3A_2242 = arith.addi %mul3A_2089, %add3A_2241 : vector<16xi32>
      %gather3A_2243 = arith.constant 0 : i32
      %gather3A_2244 = arith.constant 0 : i32
      %gather3A_2245 = tpu.memref_slice %arg8[%rem3A_103, %gather3A_2243, %gather3A_2244] : memref<4x128x128xf32, #tpu.memory_space<vmem>> -> memref<1x128x128xf32, #tpu.memory_space<vmem>>
      %gather3A_2246 = tpu.memref_squeeze %gather3A_2245 : memref<1x128x128xf32, #tpu.memory_space<vmem>> -> memref<128x128xf32, #tpu.memory_space<vmem>>
      %gather3A_2247 = tpu.vector_load_idx %gather3A_2246[%add3A_2083, %add3A_2242] : memref<128x128xf32, #tpu.memory_space<vmem>>[vector<16xi32>, vector<16xi32>], vector<16xf32>,
      %swap3A_2248 = arith.constant 1 : i32
      %swap3A_2249 = arith.constant 2 : i32
      %swap3A_2250 = arith.index_cast %rem3A_105 : i32 to index
      %swap3A_2251 = arith.index_cast %swap3A_2248 : i32 to index
      %swap3A_2252 = arith.index_cast %swap3A_2249 : i32 to index
      %swap3A_2253 = arith.constant 64 : index
      %swap3A_2254 = tpu.vector_load %arg9[%swap3A_2250, %swap3A_2251, %swap3A_2252, %swap3A_2253] {strides = array<i32>} : memref<2x4x8x128xf32, #tpu.memory_space<vmem>>, vector<16xf32>,
      tpu.vector_store %arg9[%swap3A_2250, %swap3A_2251, %swap3A_2252, %swap3A_2253], %gather3A_2247 {strides = array<i32>} : memref<2x4x8x128xf32, #tpu.memory_space<vmem>>, vector<16xf32>,
      %add3A_2255 = arith.constant 11 : i32
      %add3A_2256 = vector.broadcast %add3A_2255 : i32 to vector<16xi32>
      %add3A_2257 = arith.addi %mul3A_2089, %add3A_2256 : vector<16xi32>
      %gather3A_2258 = arith.constant 0 : i32
      %gather3A_2259 = arith.constant 0 : i32
      %gather3A_2260 = tpu.memref_slice %arg8[%rem3A_103, %gather3A_2258, %gather3A_2259] : memref<4x128x128xf32, #tpu.memory_space<vmem>> -> memref<1x128x128xf32, #tpu.memory_space<vmem>>
      %gather3A_2261 = tpu.memref_squeeze %gather3A_2260 : memref<1x128x128xf32, #tpu.memory_space<vmem>> -> memref<128x128xf32, #tpu.memory_space<vmem>>
      %gather3A_2262 = tpu.vector_load_idx %gather3A_2261[%add3A_2083, %add3A_2257] : memref<128x128xf32, #tpu.memory_space<vmem>>[vector<16xi32>, vector<16xi32>], vector<16xf32>,
      %swap3A_2263 = arith.constant 1 : i32
      %swap3A_2264 = arith.constant 3 : i32
      %swap3A_2265 = arith.index_cast %rem3A_105 : i32 to index
      %swap3A_2266 = arith.index_cast %swap3A_2263 : i32 to index
      %swap3A_2267 = arith.index_cast %swap3A_2264 : i32 to index
      %swap3A_2268 = arith.constant 64 : index
      %swap3A_2269 = tpu.vector_load %arg9[%swap3A_2265, %swap3A_2266, %swap3A_2267, %swap3A_2268] {strides = array<i32>} : memref<2x4x8x128xf32, #tpu.memory_space<vmem>>, vector<16xf32>,
      tpu.vector_store %arg9[%swap3A_2265, %swap3A_2266, %swap3A_2267, %swap3A_2268], %gather3A_2262 {strides = array<i32>} : memref<2x4x8x128xf32, #tpu.memory_space<vmem>>, vector<16xf32>,
      %add3A_2270 = arith.constant 12 : i32
      %add3A_2271 = vector.broadcast %add3A_2270 : i32 to vector<16xi32>
      %add3A_2272 = arith.addi %mul3A_2089, %add3A_2271 : vector<16xi32>
      %gather3A_2273 = arith.constant 0 : i32
      %gather3A_2274 = arith.constant 0 : i32
      %gather3A_2275 = tpu.memref_slice %arg8[%rem3A_103, %gather3A_2273, %gather3A_2274] : memref<4x128x128xf32, #tpu.memory_space<vmem>> -> memref<1x128x128xf32, #tpu.memory_space<vmem>>
      %gather3A_2276 = tpu.memref_squeeze %gather3A_2275 : memref<1x128x128xf32, #tpu.memory_space<vmem>> -> memref<128x128xf32, #tpu.memory_space<vmem>>
      %gather3A_2277 = tpu.vector_load_idx %gather3A_2276[%add3A_2083, %add3A_2272] : memref<128x128xf32, #tpu.memory_space<vmem>>[vector<16xi32>, vector<16xi32>], vector<16xf32>,
      %swap3A_2278 = arith.constant 1 : i32
      %swap3A_2279 = arith.constant 4 : i32
      %swap3A_2280 = arith.index_cast %rem3A_105 : i32 to index
      %swap3A_2281 = arith.index_cast %swap3A_2278 : i32 to index
      %swap3A_2282 = arith.index_cast %swap3A_2279 : i32 to index
      %swap3A_2283 = arith.constant 64 : index
      %swap3A_2284 = tpu.vector_load %arg9[%swap3A_2280, %swap3A_2281, %swap3A_2282, %swap3A_2283] {strides = array<i32>} : memref<2x4x8x128xf32, #tpu.memory_space<vmem>>, vector<16xf32>,
      tpu.vector_store %arg9[%swap3A_2280, %swap3A_2281, %swap3A_2282, %swap3A_2283], %gather3A_2277 {strides = array<i32>} : memref<2x4x8x128xf32, #tpu.memory_space<vmem>>, vector<16xf32>,
      %add3A_2285 = arith.constant 13 : i32
      %add3A_2286 = vector.broadcast %add3A_2285 : i32 to vector<16xi32>
      %add3A_2287 = arith.addi %mul3A_2089, %add3A_2286 : vector<16xi32>
      %gather3A_2288 = arith.constant 0 : i32
      %gather3A_2289 = arith.constant 0 : i32
      %gather3A_2290 = tpu.memref_slice %arg8[%rem3A_103, %gather3A_2288, %gather3A_2289] : memref<4x128x128xf32, #tpu.memory_space<vmem>> -> memref<1x128x128xf32, #tpu.memory_space<vmem>>
      %gather3A_2291 = tpu.memref_squeeze %gather3A_2290 : memref<1x128x128xf32, #tpu.memory_space<vmem>> -> memref<128x128xf32, #tpu.memory_space<vmem>>
      %gather3A_2292 = tpu.vector_load_idx %gather3A_2291[%add3A_2083, %add3A_2287] : memref<128x128xf32, #tpu.memory_space<vmem>>[vector<16xi32>, vector<16xi32>], vector<16xf32>,
      %swap3A_2293 = arith.constant 1 : i32
      %swap3A_2294 = arith.constant 5 : i32
      %swap3A_2295 = arith.index_cast %rem3A_105 : i32 to index
      %swap3A_2296 = arith.index_cast %swap3A_2293 : i32 to index
      %swap3A_2297 = arith.index_cast %swap3A_2294 : i32 to index
      %swap3A_2298 = arith.constant 64 : index
      %swap3A_2299 = tpu.vector_load %arg9[%swap3A_2295, %swap3A_2296, %swap3A_2297, %swap3A_2298] {strides = array<i32>} : memref<2x4x8x128xf32, #tpu.memory_space<vmem>>, vector<16xf32>,
      tpu.vector_store %arg9[%swap3A_2295, %swap3A_2296, %swap3A_2297, %swap3A_2298], %gather3A_2292 {strides = array<i32>} : memref<2x4x8x128xf32, #tpu.memory_space<vmem>>, vector<16xf32>,
      %add3A_2300 = arith.constant 14 : i32
      %add3A_2301 = vector.broadcast %add3A_2300 : i32 to vector<16xi32>
      %add3A_2302 = arith.addi %mul3A_2089, %add3A_2301 : vector<16xi32>
      %gather3A_2303 = arith.constant 0 : i32
      %gather3A_2304 = arith.constant 0 : i32
      %gather3A_2305 = tpu.memref_slice %arg8[%rem3A_103, %gather3A_2303, %gather3A_2304] : memref<4x128x128xf32, #tpu.memory_space<vmem>> -> memref<1x128x128xf32, #tpu.memory_space<vmem>>
      %gather3A_2306 = tpu.memref_squeeze %gather3A_2305 : memref<1x128x128xf32, #tpu.memory_space<vmem>> -> memref<128x128xf32, #tpu.memory_space<vmem>>
      %gather3A_2307 = tpu.vector_load_idx %gather3A_2306[%add3A_2083, %add3A_2302] : memref<128x128xf32, #tpu.memory_space<vmem>>[vector<16xi32>, vector<16xi32>], vector<16xf32>,
      %swap3A_2308 = arith.constant 1 : i32
      %swap3A_2309 = arith.constant 6 : i32
      %swap3A_2310 = arith.index_cast %rem3A_105 : i32 to index
      %swap3A_2311 = arith.index_cast %swap3A_2308 : i32 to index
      %swap3A_2312 = arith.index_cast %swap3A_2309 : i32 to index
      %swap3A_2313 = arith.constant 64 : index
      %swap3A_2314 = tpu.vector_load %arg9[%swap3A_2310, %swap3A_2311, %swap3A_2312, %swap3A_2313] {strides = array<i32>} : memref<2x4x8x128xf32, #tpu.memory_space<vmem>>, vector<16xf32>,
      tpu.vector_store %arg9[%swap3A_2310, %swap3A_2311, %swap3A_2312, %swap3A_2313], %gather3A_2307 {strides = array<i32>} : memref<2x4x8x128xf32, #tpu.memory_space<vmem>>, vector<16xf32>,
      %add3A_2315 = arith.constant 15 : i32
      %add3A_2316 = vector.broadcast %add3A_2315 : i32 to vector<16xi32>
      %add3A_2317 = arith.addi %mul3A_2089, %add3A_2316 : vector<16xi32>
      %gather3A_2318 = arith.constant 0 : i32
      %gather3A_2319 = arith.constant 0 : i32
      %gather3A_2320 = tpu.memref_slice %arg8[%rem3A_103, %gather3A_2318, %gather3A_2319] : memref<4x128x128xf32, #tpu.memory_space<vmem>> -> memref<1x128x128xf32, #tpu.memory_space<vmem>>
      %gather3A_2321 = tpu.memref_squeeze %gather3A_2320 : memref<1x128x128xf32, #tpu.memory_space<vmem>> -> memref<128x128xf32, #tpu.memory_space<vmem>>
      %gather3A_2322 = tpu.vector_load_idx %gather3A_2321[%add3A_2083, %add3A_2317] : memref<128x128xf32, #tpu.memory_space<vmem>>[vector<16xi32>, vector<16xi32>], vector<16xf32>,
      %swap3A_2323 = arith.constant 1 : i32
      %swap3A_2324 = arith.constant 7 : i32
      %swap3A_2325 = arith.index_cast %rem3A_105 : i32 to index
      %swap3A_2326 = arith.index_cast %swap3A_2323 : i32 to index
      %swap3A_2327 = arith.index_cast %swap3A_2324 : i32 to index
      %swap3A_2328 = arith.constant 64 : index
      %swap3A_2329 = tpu.vector_load %arg9[%swap3A_2325, %swap3A_2326, %swap3A_2327, %swap3A_2328] {strides = array<i32>} : memref<2x4x8x128xf32, #tpu.memory_space<vmem>>, vector<16xf32>,
      tpu.vector_store %arg9[%swap3A_2325, %swap3A_2326, %swap3A_2327, %swap3A_2328], %gather3A_2322 {strides = array<i32>} : memref<2x4x8x128xf32, #tpu.memory_space<vmem>>, vector<16xf32>,
      %add3A_2330 = arith.constant 16 : i32
      %add3A_2331 = vector.broadcast %add3A_2330 : i32 to vector<16xi32>
      %add3A_2332 = arith.addi %mul3A_2089, %add3A_2331 : vector<16xi32>
      %gather3A_2333 = arith.constant 0 : i32
      %gather3A_2334 = arith.constant 0 : i32
      %gather3A_2335 = tpu.memref_slice %arg8[%rem3A_103, %gather3A_2333, %gather3A_2334] : memref<4x128x128xf32, #tpu.memory_space<vmem>> -> memref<1x128x128xf32, #tpu.memory_space<vmem>>
      %gather3A_2336 = tpu.memref_squeeze %gather3A_2335 : memref<1x128x128xf32, #tpu.memory_space<vmem>> -> memref<128x128xf32, #tpu.memory_space<vmem>>
      %gather3A_2337 = tpu.vector_load_idx %gather3A_2336[%add3A_2083, %add3A_2332] : memref<128x128xf32, #tpu.memory_space<vmem>>[vector<16xi32>, vector<16xi32>], vector<16xf32>,
      %swap3A_2338 = arith.constant 2 : i32
      %swap3A_2339 = arith.constant 0 : i32
      %swap3A_2340 = arith.index_cast %rem3A_105 : i32 to index
      %swap3A_2341 = arith.index_cast %swap3A_2338 : i32 to index
      %swap3A_2342 = arith.index_cast %swap3A_2339 : i32 to index
      %swap3A_2343 = arith.constant 64 : index
      %swap3A_2344 = tpu.vector_load %arg9[%swap3A_2340, %swap3A_2341, %swap3A_2342, %swap3A_2343] {strides = array<i32>} : memref<2x4x8x128xf32, #tpu.memory_space<vmem>>, vector<16xf32>,
      tpu.vector_store %arg9[%swap3A_2340, %swap3A_2341, %swap3A_2342, %swap3A_2343], %gather3A_2337 {strides = array<i32>} : memref<2x4x8x128xf32, #tpu.memory_space<vmem>>, vector<16xf32>,
      %add3A_2345 = arith.constant 17 : i32
      %add3A_2346 = vector.broadcast %add3A_2345 : i32 to vector<16xi32>
      %add3A_2347 = arith.addi %mul3A_2089, %add3A_2346 : vector<16xi32>
      %gather3A_2348 = arith.constant 0 : i32
      %gather3A_2349 = arith.constant 0 : i32
      %gather3A_2350 = tpu.memref_slice %arg8[%rem3A_103, %gather3A_2348, %gather3A_2349] : memref<4x128x128xf32, #tpu.memory_space<vmem>> -> memref<1x128x128xf32, #tpu.memory_space<vmem>>
      %gather3A_2351 = tpu.memref_squeeze %gather3A_2350 : memref<1x128x128xf32, #tpu.memory_space<vmem>> -> memref<128x128xf32, #tpu.memory_space<vmem>>
      %gather3A_2352 = tpu.vector_load_idx %gather3A_2351[%add3A_2083, %add3A_2347] : memref<128x128xf32, #tpu.memory_space<vmem>>[vector<16xi32>, vector<16xi32>], vector<16xf32>,
      %swap3A_2353 = arith.constant 2 : i32
      %swap3A_2354 = arith.constant 1 : i32
      %swap3A_2355 = arith.index_cast %rem3A_105 : i32 to index
      %swap3A_2356 = arith.index_cast %swap3A_2353 : i32 to index
      %swap3A_2357 = arith.index_cast %swap3A_2354 : i32 to index
      %swap3A_2358 = arith.constant 64 : index
      %swap3A_2359 = tpu.vector_load %arg9[%swap3A_2355, %swap3A_2356, %swap3A_2357, %swap3A_2358] {strides = array<i32>} : memref<2x4x8x128xf32, #tpu.memory_space<vmem>>, vector<16xf32>,
      tpu.vector_store %arg9[%swap3A_2355, %swap3A_2356, %swap3A_2357, %swap3A_2358], %gather3A_2352 {strides = array<i32>} : memref<2x4x8x128xf32, #tpu.memory_space<vmem>>, vector<16xf32>,
      %add3A_2360 = arith.constant 18 : i32
      %add3A_2361 = vector.broadcast %add3A_2360 : i32 to vector<16xi32>
      %add3A_2362 = arith.addi %mul3A_2089, %add3A_2361 : vector<16xi32>
      %gather3A_2363 = arith.constant 0 : i32
      %gather3A_2364 = arith.constant 0 : i32
      %gather3A_2365 = tpu.memref_slice %arg8[%rem3A_103, %gather3A_2363, %gather3A_2364] : memref<4x128x128xf32, #tpu.memory_space<vmem>> -> memref<1x128x128xf32, #tpu.memory_space<vmem>>
      %gather3A_2366 = tpu.memref_squeeze %gather3A_2365 : memref<1x128x128xf32, #tpu.memory_space<vmem>> -> memref<128x128xf32, #tpu.memory_space<vmem>>
      %gather3A_2367 = tpu.vector_load_idx %gather3A_2366[%add3A_2083, %add3A_2362] : memref<128x128xf32, #tpu.memory_space<vmem>>[vector<16xi32>, vector<16xi32>], vector<16xf32>,
      %swap3A_2368 = arith.constant 2 : i32
      %swap3A_2369 = arith.constant 2 : i32
      %swap3A_2370 = arith.index_cast %rem3A_105 : i32 to index
      %swap3A_2371 = arith.index_cast %swap3A_2368 : i32 to index
      %swap3A_2372 = arith.index_cast %swap3A_2369 : i32 to index
      %swap3A_2373 = arith.constant 64 : index
      %swap3A_2374 = tpu.vector_load %arg9[%swap3A_2370, %swap3A_2371, %swap3A_2372, %swap3A_2373] {strides = array<i32>} : memref<2x4x8x128xf32, #tpu.memory_space<vmem>>, vector<16xf32>,
      tpu.vector_store %arg9[%swap3A_2370, %swap3A_2371, %swap3A_2372, %swap3A_2373], %gather3A_2367 {strides = array<i32>} : memref<2x4x8x128xf32, #tpu.memory_space<vmem>>, vector<16xf32>,
      %add3A_2375 = arith.constant 19 : i32
      %add3A_2376 = vector.broadcast %add3A_2375 : i32 to vector<16xi32>
      %add3A_2377 = arith.addi %mul3A_2089, %add3A_2376 : vector<16xi32>
      %gather3A_2378 = arith.constant 0 : i32
      %gather3A_2379 = arith.constant 0 : i32
      %gather3A_2380 = tpu.memref_slice %arg8[%rem3A_103, %gather3A_2378, %gather3A_2379] : memref<4x128x128xf32, #tpu.memory_space<vmem>> -> memref<1x128x128xf32, #tpu.memory_space<vmem>>
      %gather3A_2381 = tpu.memref_squeeze %gather3A_2380 : memref<1x128x128xf32, #tpu.memory_space<vmem>> -> memref<128x128xf32, #tpu.memory_space<vmem>>
      %gather3A_2382 = tpu.vector_load_idx %gather3A_2381[%add3A_2083, %add3A_2377] : memref<128x128xf32, #tpu.memory_space<vmem>>[vector<16xi32>, vector<16xi32>], vector<16xf32>,
      %swap3A_2383 = arith.constant 2 : i32
      %swap3A_2384 = arith.constant 3 : i32
      %swap3A_2385 = arith.index_cast %rem3A_105 : i32 to index
      %swap3A_2386 = arith.index_cast %swap3A_2383 : i32 to index
      %swap3A_2387 = arith.index_cast %swap3A_2384 : i32 to index
      %swap3A_2388 = arith.constant 64 : index
      %swap3A_2389 = tpu.vector_load %arg9[%swap3A_2385, %swap3A_2386, %swap3A_2387, %swap3A_2388] {strides = array<i32>} : memref<2x4x8x128xf32, #tpu.memory_space<vmem>>, vector<16xf32>,
      tpu.vector_store %arg9[%swap3A_2385, %swap3A_2386, %swap3A_2387, %swap3A_2388], %gather3A_2382 {strides = array<i32>} : memref<2x4x8x128xf32, #tpu.memory_space<vmem>>, vector<16xf32>,
      %add3A_2390 = arith.constant 20 : i32
      %add3A_2391 = vector.broadcast %add3A_2390 : i32 to vector<16xi32>
      %add3A_2392 = arith.addi %mul3A_2089, %add3A_2391 : vector<16xi32>
      %gather3A_2393 = arith.constant 0 : i32
      %gather3A_2394 = arith.constant 0 : i32
      %gather3A_2395 = tpu.memref_slice %arg8[%rem3A_103, %gather3A_2393, %gather3A_2394] : memref<4x128x128xf32, #tpu.memory_space<vmem>> -> memref<1x128x128xf32, #tpu.memory_space<vmem>>
      %gather3A_2396 = tpu.memref_squeeze %gather3A_2395 : memref<1x128x128xf32, #tpu.memory_space<vmem>> -> memref<128x128xf32, #tpu.memory_space<vmem>>
      %gather3A_2397 = tpu.vector_load_idx %gather3A_2396[%add3A_2083, %add3A_2392] : memref<128x128xf32, #tpu.memory_space<vmem>>[vector<16xi32>, vector<16xi32>], vector<16xf32>,
      %swap3A_2398 = arith.constant 2 : i32
      %swap3A_2399 = arith.constant 4 : i32
      %swap3A_2400 = arith.index_cast %rem3A_105 : i32 to index
      %swap3A_2401 = arith.index_cast %swap3A_2398 : i32 to index
      %swap3A_2402 = arith.index_cast %swap3A_2399 : i32 to index
      %swap3A_2403 = arith.constant 64 : index
      %swap3A_2404 = tpu.vector_load %arg9[%swap3A_2400, %swap3A_2401, %swap3A_2402, %swap3A_2403] {strides = array<i32>} : memref<2x4x8x128xf32, #tpu.memory_space<vmem>>, vector<16xf32>,
      tpu.vector_store %arg9[%swap3A_2400, %swap3A_2401, %swap3A_2402, %swap3A_2403], %gather3A_2397 {strides = array<i32>} : memref<2x4x8x128xf32, #tpu.memory_space<vmem>>, vector<16xf32>,
      %add3A_2405 = arith.constant 21 : i32
      %add3A_2406 = vector.broadcast %add3A_2405 : i32 to vector<16xi32>
      %add3A_2407 = arith.addi %mul3A_2089, %add3A_2406 : vector<16xi32>
      %gather3A_2408 = arith.constant 0 : i32
      %gather3A_2409 = arith.constant 0 : i32
      %gather3A_2410 = tpu.memref_slice %arg8[%rem3A_103, %gather3A_2408, %gather3A_2409] : memref<4x128x128xf32, #tpu.memory_space<vmem>> -> memref<1x128x128xf32, #tpu.memory_space<vmem>>
      %gather3A_2411 = tpu.memref_squeeze %gather3A_2410 : memref<1x128x128xf32, #tpu.memory_space<vmem>> -> memref<128x128xf32, #tpu.memory_space<vmem>>
      %gather3A_2412 = tpu.vector_load_idx %gather3A_2411[%add3A_2083, %add3A_2407] : memref<128x128xf32, #tpu.memory_space<vmem>>[vector<16xi32>, vector<16xi32>], vector<16xf32>,
      %swap3A_2413 = arith.constant 2 : i32
      %swap3A_2414 = arith.constant 5 : i32
      %swap3A_2415 = arith.index_cast %rem3A_105 : i32 to index
      %swap3A_2416 = arith.index_cast %swap3A_2413 : i32 to index
      %swap3A_2417 = arith.index_cast %swap3A_2414 : i32 to index
      %swap3A_2418 = arith.constant 64 : index
      %swap3A_2419 = tpu.vector_load %arg9[%swap3A_2415, %swap3A_2416, %swap3A_2417, %swap3A_2418] {strides = array<i32>} : memref<2x4x8x128xf32, #tpu.memory_space<vmem>>, vector<16xf32>,
      tpu.vector_store %arg9[%swap3A_2415, %swap3A_2416, %swap3A_2417, %swap3A_2418], %gather3A_2412 {strides = array<i32>} : memref<2x4x8x128xf32, #tpu.memory_space<vmem>>, vector<16xf32>,
      %add3A_2420 = arith.constant 22 : i32
      %add3A_2421 = vector.broadcast %add3A_2420 : i32 to vector<16xi32>
      %add3A_2422 = arith.addi %mul3A_2089, %add3A_2421 : vector<16xi32>
      %gather3A_2423 = arith.constant 0 : i32
      %gather3A_2424 = arith.constant 0 : i32
      %gather3A_2425 = tpu.memref_slice %arg8[%rem3A_103, %gather3A_2423, %gather3A_2424] : memref<4x128x128xf32, #tpu.memory_space<vmem>> -> memref<1x128x128xf32, #tpu.memory_space<vmem>>
      %gather3A_2426 = tpu.memref_squeeze %gather3A_2425 : memref<1x128x128xf32, #tpu.memory_space<vmem>> -> memref<128x128xf32, #tpu.memory_space<vmem>>
      %gather3A_2427 = tpu.vector_load_idx %gather3A_2426[%add3A_2083, %add3A_2422] : memref<128x128xf32, #tpu.memory_space<vmem>>[vector<16xi32>, vector<16xi32>], vector<16xf32>,
      %swap3A_2428 = arith.constant 2 : i32
      %swap3A_2429 = arith.constant 6 : i32
      %swap3A_2430 = arith.index_cast %rem3A_105 : i32 to index
      %swap3A_2431 = arith.index_cast %swap3A_2428 : i32 to index
      %swap3A_2432 = arith.index_cast %swap3A_2429 : i32 to index
      %swap3A_2433 = arith.constant 64 : index
      %swap3A_2434 = tpu.vector_load %arg9[%swap3A_2430, %swap3A_2431, %swap3A_2432, %swap3A_2433] {strides = array<i32>} : memref<2x4x8x128xf32, #tpu.memory_space<vmem>>, vector<16xf32>,
      tpu.vector_store %arg9[%swap3A_2430, %swap3A_2431, %swap3A_2432, %swap3A_2433], %gather3A_2427 {strides = array<i32>} : memref<2x4x8x128xf32, #tpu.memory_space<vmem>>, vector<16xf32>,
      %add3A_2435 = arith.constant 23 : i32
      %add3A_2436 = vector.broadcast %add3A_2435 : i32 to vector<16xi32>
      %add3A_2437 = arith.addi %mul3A_2089, %add3A_2436 : vector<16xi32>
      %gather3A_2438 = arith.constant 0 : i32
      %gather3A_2439 = arith.constant 0 : i32
      %gather3A_2440 = tpu.memref_slice %arg8[%rem3A_103, %gather3A_2438, %gather3A_2439] : memref<4x128x128xf32, #tpu.memory_space<vmem>> -> memref<1x128x128xf32, #tpu.memory_space<vmem>>
      %gather3A_2441 = tpu.memref_squeeze %gather3A_2440 : memref<1x128x128xf32, #tpu.memory_space<vmem>> -> memref<128x128xf32, #tpu.memory_space<vmem>>
      %gather3A_2442 = tpu.vector_load_idx %gather3A_2441[%add3A_2083, %add3A_2437] : memref<128x128xf32, #tpu.memory_space<vmem>>[vector<16xi32>, vector<16xi32>], vector<16xf32>,
      %swap3A_2443 = arith.constant 2 : i32
      %swap3A_2444 = arith.constant 7 : i32
      %swap3A_2445 = arith.index_cast %rem3A_105 : i32 to index
      %swap3A_2446 = arith.index_cast %swap3A_2443 : i32 to index
      %swap3A_2447 = arith.index_cast %swap3A_2444 : i32 to index
      %swap3A_2448 = arith.constant 64 : index
      %swap3A_2449 = tpu.vector_load %arg9[%swap3A_2445, %swap3A_2446, %swap3A_2447, %swap3A_2448] {strides = array<i32>} : memref<2x4x8x128xf32, #tpu.memory_space<vmem>>, vector<16xf32>,
      tpu.vector_store %arg9[%swap3A_2445, %swap3A_2446, %swap3A_2447, %swap3A_2448], %gather3A_2442 {strides = array<i32>} : memref<2x4x8x128xf32, #tpu.memory_space<vmem>>, vector<16xf32>,
      %add3A_2450 = arith.constant 24 : i32
      %add3A_2451 = vector.broadcast %add3A_2450 : i32 to vector<16xi32>
      %add3A_2452 = arith.addi %mul3A_2089, %add3A_2451 : vector<16xi32>
      %gather3A_2453 = arith.constant 0 : i32
      %gather3A_2454 = arith.constant 0 : i32
      %gather3A_2455 = tpu.memref_slice %arg8[%rem3A_103, %gather3A_2453, %gather3A_2454] : memref<4x128x128xf32, #tpu.memory_space<vmem>> -> memref<1x128x128xf32, #tpu.memory_space<vmem>>
      %gather3A_2456 = tpu.memref_squeeze %gather3A_2455 : memref<1x128x128xf32, #tpu.memory_space<vmem>> -> memref<128x128xf32, #tpu.memory_space<vmem>>
      %gather3A_2457 = tpu.vector_load_idx %gather3A_2456[%add3A_2083, %add3A_2452] : memref<128x128xf32, #tpu.memory_space<vmem>>[vector<16xi32>, vector<16xi32>], vector<16xf32>,
      %swap3A_2458 = arith.constant 3 : i32
      %swap3A_2459 = arith.constant 0 : i32
      %swap3A_2460 = arith.index_cast %rem3A_105 : i32 to index
      %swap3A_2461 = arith.index_cast %swap3A_2458 : i32 to index
      %swap3A_2462 = arith.index_cast %swap3A_2459 : i32 to index
      %swap3A_2463 = arith.constant 64 : index
      %swap3A_2464 = tpu.vector_load %arg9[%swap3A_2460, %swap3A_2461, %swap3A_2462, %swap3A_2463] {strides = array<i32>} : memref<2x4x8x128xf32, #tpu.memory_space<vmem>>, vector<16xf32>,
      tpu.vector_store %arg9[%swap3A_2460, %swap3A_2461, %swap3A_2462, %swap3A_2463], %gather3A_2457 {strides = array<i32>} : memref<2x4x8x128xf32, #tpu.memory_space<vmem>>, vector<16xf32>,
      %add3A_2465 = arith.constant 25 : i32
      %add3A_2466 = vector.broadcast %add3A_2465 : i32 to vector<16xi32>
      %add3A_2467 = arith.addi %mul3A_2089, %add3A_2466 : vector<16xi32>
      %gather3A_2468 = arith.constant 0 : i32
      %gather3A_2469 = arith.constant 0 : i32
      %gather3A_2470 = tpu.memref_slice %arg8[%rem3A_103, %gather3A_2468, %gather3A_2469] : memref<4x128x128xf32, #tpu.memory_space<vmem>> -> memref<1x128x128xf32, #tpu.memory_space<vmem>>
      %gather3A_2471 = tpu.memref_squeeze %gather3A_2470 : memref<1x128x128xf32, #tpu.memory_space<vmem>> -> memref<128x128xf32, #tpu.memory_space<vmem>>
      %gather3A_2472 = tpu.vector_load_idx %gather3A_2471[%add3A_2083, %add3A_2467] : memref<128x128xf32, #tpu.memory_space<vmem>>[vector<16xi32>, vector<16xi32>], vector<16xf32>,
      %swap3A_2473 = arith.constant 3 : i32
      %swap3A_2474 = arith.constant 1 : i32
      %swap3A_2475 = arith.index_cast %rem3A_105 : i32 to index
      %swap3A_2476 = arith.index_cast %swap3A_2473 : i32 to index
      %swap3A_2477 = arith.index_cast %swap3A_2474 : i32 to index
      %swap3A_2478 = arith.constant 64 : index
      %swap3A_2479 = tpu.vector_load %arg9[%swap3A_2475, %swap3A_2476, %swap3A_2477, %swap3A_2478] {strides = array<i32>} : memref<2x4x8x128xf32, #tpu.memory_space<vmem>>, vector<16xf32>,
      tpu.vector_store %arg9[%swap3A_2475, %swap3A_2476, %swap3A_2477, %swap3A_2478], %gather3A_2472 {strides = array<i32>} : memref<2x4x8x128xf32, #tpu.memory_space<vmem>>, vector<16xf32>,
      %add3A_2480 = arith.constant 26 : i32
      %add3A_2481 = vector.broadcast %add3A_2480 : i32 to vector<16xi32>
      %add3A_2482 = arith.addi %mul3A_2089, %add3A_2481 : vector<16xi32>
      %gather3A_2483 = arith.constant 0 : i32
      %gather3A_2484 = arith.constant 0 : i32
      %gather3A_2485 = tpu.memref_slice %arg8[%rem3A_103, %gather3A_2483, %gather3A_2484] : memref<4x128x128xf32, #tpu.memory_space<vmem>> -> memref<1x128x128xf32, #tpu.memory_space<vmem>>
      %gather3A_2486 = tpu.memref_squeeze %gather3A_2485 : memref<1x128x128xf32, #tpu.memory_space<vmem>> -> memref<128x128xf32, #tpu.memory_space<vmem>>
      %gather3A_2487 = tpu.vector_load_idx %gather3A_2486[%add3A_2083, %add3A_2482] : memref<128x128xf32, #tpu.memory_space<vmem>>[vector<16xi32>, vector<16xi32>], vector<16xf32>,
      %swap3A_2488 = arith.constant 3 : i32
      %swap3A_2489 = arith.constant 2 : i32
      %swap3A_2490 = arith.index_cast %rem3A_105 : i32 to index
      %swap3A_2491 = arith.index_cast %swap3A_2488 : i32 to index
      %swap3A_2492 = arith.index_cast %swap3A_2489 : i32 to index
      %swap3A_2493 = arith.constant 64 : index
      %swap3A_2494 = tpu.vector_load %arg9[%swap3A_2490, %swap3A_2491, %swap3A_2492, %swap3A_2493] {strides = array<i32>} : memref<2x4x8x128xf32, #tpu.memory_space<vmem>>, vector<16xf32>,
      tpu.vector_store %arg9[%swap3A_2490, %swap3A_2491, %swap3A_2492, %swap3A_2493], %gather3A_2487 {strides = array<i32>} : memref<2x4x8x128xf32, #tpu.memory_space<vmem>>, vector<16xf32>,
      %add3A_2495 = arith.constant 27 : i32
      %add3A_2496 = vector.broadcast %add3A_2495 : i32 to vector<16xi32>
      %add3A_2497 = arith.addi %mul3A_2089, %add3A_2496 : vector<16xi32>
      %gather3A_2498 = arith.constant 0 : i32
      %gather3A_2499 = arith.constant 0 : i32
      %gather3A_2500 = tpu.memref_slice %arg8[%rem3A_103, %gather3A_2498, %gather3A_2499] : memref<4x128x128xf32, #tpu.memory_space<vmem>> -> memref<1x128x128xf32, #tpu.memory_space<vmem>>
      %gather3A_2501 = tpu.memref_squeeze %gather3A_2500 : memref<1x128x128xf32, #tpu.memory_space<vmem>> -> memref<128x128xf32, #tpu.memory_space<vmem>>
      %gather3A_2502 = tpu.vector_load_idx %gather3A_2501[%add3A_2083, %add3A_2497] : memref<128x128xf32, #tpu.memory_space<vmem>>[vector<16xi32>, vector<16xi32>], vector<16xf32>,
      %swap3A_2503 = arith.constant 3 : i32
      %swap3A_2504 = arith.constant 3 : i32
      %swap3A_2505 = arith.index_cast %rem3A_105 : i32 to index
      %swap3A_2506 = arith.index_cast %swap3A_2503 : i32 to index
      %swap3A_2507 = arith.index_cast %swap3A_2504 : i32 to index
      %swap3A_2508 = arith.constant 64 : index
      %swap3A_2509 = tpu.vector_load %arg9[%swap3A_2505, %swap3A_2506, %swap3A_2507, %swap3A_2508] {strides = array<i32>} : memref<2x4x8x128xf32, #tpu.memory_space<vmem>>, vector<16xf32>,
      tpu.vector_store %arg9[%swap3A_2505, %swap3A_2506, %swap3A_2507, %swap3A_2508], %gather3A_2502 {strides = array<i32>} : memref<2x4x8x128xf32, #tpu.memory_space<vmem>>, vector<16xf32>,
      %add3A_2510 = arith.constant 28 : i32
      %add3A_2511 = vector.broadcast %add3A_2510 : i32 to vector<16xi32>
      %add3A_2512 = arith.addi %mul3A_2089, %add3A_2511 : vector<16xi32>
      %gather3A_2513 = arith.constant 0 : i32
      %gather3A_2514 = arith.constant 0 : i32
      %gather3A_2515 = tpu.memref_slice %arg8[%rem3A_103, %gather3A_2513, %gather3A_2514] : memref<4x128x128xf32, #tpu.memory_space<vmem>> -> memref<1x128x128xf32, #tpu.memory_space<vmem>>
      %gather3A_2516 = tpu.memref_squeeze %gather3A_2515 : memref<1x128x128xf32, #tpu.memory_space<vmem>> -> memref<128x128xf32, #tpu.memory_space<vmem>>
      %gather3A_2517 = tpu.vector_load_idx %gather3A_2516[%add3A_2083, %add3A_2512] : memref<128x128xf32, #tpu.memory_space<vmem>>[vector<16xi32>, vector<16xi32>], vector<16xf32>,
      %swap3A_2518 = arith.constant 3 : i32
      %swap3A_2519 = arith.constant 4 : i32
      %swap3A_2520 = arith.index_cast %rem3A_105 : i32 to index
      %swap3A_2521 = arith.index_cast %swap3A_2518 : i32 to index
      %swap3A_2522 = arith.index_cast %swap3A_2519 : i32 to index
      %swap3A_2523 = arith.constant 64 : index
      %swap3A_2524 = tpu.vector_load %arg9[%swap3A_2520, %swap3A_2521, %swap3A_2522, %swap3A_2523] {strides = array<i32>} : memref<2x4x8x128xf32, #tpu.memory_space<vmem>>, vector<16xf32>,
      tpu.vector_store %arg9[%swap3A_2520, %swap3A_2521, %swap3A_2522, %swap3A_2523], %gather3A_2517 {strides = array<i32>} : memref<2x4x8x128xf32, #tpu.memory_space<vmem>>, vector<16xf32>,
      %add3A_2525 = arith.constant 29 : i32
      %add3A_2526 = vector.broadcast %add3A_2525 : i32 to vector<16xi32>
      %add3A_2527 = arith.addi %mul3A_2089, %add3A_2526 : vector<16xi32>
      %gather3A_2528 = arith.constant 0 : i32
      %gather3A_2529 = arith.constant 0 : i32
      %gather3A_2530 = tpu.memref_slice %arg8[%rem3A_103, %gather3A_2528, %gather3A_2529] : memref<4x128x128xf32, #tpu.memory_space<vmem>> -> memref<1x128x128xf32, #tpu.memory_space<vmem>>
      %gather3A_2531 = tpu.memref_squeeze %gather3A_2530 : memref<1x128x128xf32, #tpu.memory_space<vmem>> -> memref<128x128xf32, #tpu.memory_space<vmem>>
      %gather3A_2532 = tpu.vector_load_idx %gather3A_2531[%add3A_2083, %add3A_2527] : memref<128x128xf32, #tpu.memory_space<vmem>>[vector<16xi32>, vector<16xi32>], vector<16xf32>,
      %swap3A_2533 = arith.constant 3 : i32
      %swap3A_2534 = arith.constant 5 : i32
      %swap3A_2535 = arith.index_cast %rem3A_105 : i32 to index
      %swap3A_2536 = arith.index_cast %swap3A_2533 : i32 to index
      %swap3A_2537 = arith.index_cast %swap3A_2534 : i32 to index
      %swap3A_2538 = arith.constant 64 : index
      %swap3A_2539 = tpu.vector_load %arg9[%swap3A_2535, %swap3A_2536, %swap3A_2537, %swap3A_2538] {strides = array<i32>} : memref<2x4x8x128xf32, #tpu.memory_space<vmem>>, vector<16xf32>,
      tpu.vector_store %arg9[%swap3A_2535, %swap3A_2536, %swap3A_2537, %swap3A_2538], %gather3A_2532 {strides = array<i32>} : memref<2x4x8x128xf32, #tpu.memory_space<vmem>>, vector<16xf32>,
      %add3A_2540 = arith.constant 30 : i32
      %add3A_2541 = vector.broadcast %add3A_2540 : i32 to vector<16xi32>
      %add3A_2542 = arith.addi %mul3A_2089, %add3A_2541 : vector<16xi32>
      %gather3A_2543 = arith.constant 0 : i32
      %gather3A_2544 = arith.constant 0 : i32
      %gather3A_2545 = tpu.memref_slice %arg8[%rem3A_103, %gather3A_2543, %gather3A_2544] : memref<4x128x128xf32, #tpu.memory_space<vmem>> -> memref<1x128x128xf32, #tpu.memory_space<vmem>>
      %gather3A_2546 = tpu.memref_squeeze %gather3A_2545 : memref<1x128x128xf32, #tpu.memory_space<vmem>> -> memref<128x128xf32, #tpu.memory_space<vmem>>
      %gather3A_2547 = tpu.vector_load_idx %gather3A_2546[%add3A_2083, %add3A_2542] : memref<128x128xf32, #tpu.memory_space<vmem>>[vector<16xi32>, vector<16xi32>], vector<16xf32>,
      %swap3A_2548 = arith.constant 3 : i32
      %swap3A_2549 = arith.constant 6 : i32
      %swap3A_2550 = arith.index_cast %rem3A_105 : i32 to index
      %swap3A_2551 = arith.index_cast %swap3A_2548 : i32 to index
      %swap3A_2552 = arith.index_cast %swap3A_2549 : i32 to index
      %swap3A_2553 = arith.constant 64 : index
      %swap3A_2554 = tpu.vector_load %arg9[%swap3A_2550, %swap3A_2551, %swap3A_2552, %swap3A_2553] {strides = array<i32>} : memref<2x4x8x128xf32, #tpu.memory_space<vmem>>, vector<16xf32>,
      tpu.vector_store %arg9[%swap3A_2550, %swap3A_2551, %swap3A_2552, %swap3A_2553], %gather3A_2547 {strides = array<i32>} : memref<2x4x8x128xf32, #tpu.memory_space<vmem>>, vector<16xf32>,
      %add3A_2555 = arith.constant 31 : i32
      %add3A_2556 = vector.broadcast %add3A_2555 : i32 to vector<16xi32>
      %add3A_2557 = arith.addi %mul3A_2089, %add3A_2556 : vector<16xi32>
      %gather3A_2558 = arith.constant 0 : i32
      %gather3A_2559 = arith.constant 0 : i32
      %gather3A_2560 = tpu.memref_slice %arg8[%rem3A_103, %gather3A_2558, %gather3A_2559] : memref<4x128x128xf32, #tpu.memory_space<vmem>> -> memref<1x128x128xf32, #tpu.memory_space<vmem>>
      %gather3A_2561 = tpu.memref_squeeze %gather3A_2560 : memref<1x128x128xf32, #tpu.memory_space<vmem>> -> memref<128x128xf32, #tpu.memory_space<vmem>>
      %gather3A_2562 = tpu.vector_load_idx %gather3A_2561[%add3A_2083, %add3A_2557] : memref<128x128xf32, #tpu.memory_space<vmem>>[vector<16xi32>, vector<16xi32>], vector<16xf32>,
      %swap3A_2563 = arith.constant 3 : i32
      %swap3A_2564 = arith.constant 7 : i32
      %swap3A_2565 = arith.index_cast %rem3A_105 : i32 to index
      %swap3A_2566 = arith.index_cast %swap3A_2563 : i32 to index
      %swap3A_2567 = arith.index_cast %swap3A_2564 : i32 to index
      %swap3A_2568 = arith.constant 64 : index
      %swap3A_2569 = tpu.vector_load %arg9[%swap3A_2565, %swap3A_2566, %swap3A_2567, %swap3A_2568] {strides = array<i32>} : memref<2x4x8x128xf32, #tpu.memory_space<vmem>>, vector<16xf32>,
      tpu.vector_store %arg9[%swap3A_2565, %swap3A_2566, %swap3A_2567, %swap3A_2568], %gather3A_2562 {strides = array<i32>} : memref<2x4x8x128xf32, #tpu.memory_space<vmem>>, vector<16xf32>,
      %iota3A_2570 = tpu.iota {dimensions = array<i32: 0>} : vector<16xi32>
      %add3A_2571 = arith.constant 80 : i32
      %add3A_2572 = vector.broadcast %add3A_2571 : i32 to vector<16xi32>
      %add3A_2573 = arith.addi %add3A_2572, %iota3A_2570 : vector<16xi32>
      %get3A_2574 = arith.index_cast %scan3A_102 : i32 to index
      %get3A_2575 = arith.constant 80 : index
      %get3A_2576 = tpu.vector_load %arg7[%get3A_2574, %get3A_2575] {strides = array<i32>} : memref<200x128xi32, #tpu.memory_space<vmem>>, vector<16xi32>,
      %mul3A_2577 = arith.constant 32 : i32
      %mul3A_2578 = vector.broadcast %mul3A_2577 : i32 to vector<16xi32>
      %mul3A_2579 = arith.muli %get3A_2576, %mul3A_2578 : vector<16xi32>
      %add3A_2580 = arith.constant 0 : i32
      %add3A_2581 = vector.broadcast %add3A_2580 : i32 to vector<16xi32>
      %add3A_2582 = arith.addi %mul3A_2579, %add3A_2581 : vector<16xi32>
      %gather3A_2583 = arith.constant 0 : i32
      %gather3A_2584 = arith.constant 0 : i32
      %gather3A_2585 = tpu.memref_slice %arg8[%rem3A_103, %gather3A_2583, %gather3A_2584] : memref<4x128x128xf32, #tpu.memory_space<vmem>> -> memref<1x128x128xf32, #tpu.memory_space<vmem>>
      %gather3A_2586 = tpu.memref_squeeze %gather3A_2585 : memref<1x128x128xf32, #tpu.memory_space<vmem>> -> memref<128x128xf32, #tpu.memory_space<vmem>>
      %gather3A_2587 = tpu.vector_load_idx %gather3A_2586[%add3A_2573, %add3A_2582] : memref<128x128xf32, #tpu.memory_space<vmem>>[vector<16xi32>, vector<16xi32>], vector<16xf32>,
      %swap3A_2588 = arith.constant 0 : i32
      %swap3A_2589 = arith.constant 0 : i32
      %swap3A_2590 = arith.index_cast %rem3A_105 : i32 to index
      %swap3A_2591 = arith.index_cast %swap3A_2588 : i32 to index
      %swap3A_2592 = arith.index_cast %swap3A_2589 : i32 to index
      %swap3A_2593 = arith.constant 80 : index
      %swap3A_2594 = tpu.vector_load %arg9[%swap3A_2590, %swap3A_2591, %swap3A_2592, %swap3A_2593] {strides = array<i32>} : memref<2x4x8x128xf32, #tpu.memory_space<vmem>>, vector<16xf32>,
      tpu.vector_store %arg9[%swap3A_2590, %swap3A_2591, %swap3A_2592, %swap3A_2593], %gather3A_2587 {strides = array<i32>} : memref<2x4x8x128xf32, #tpu.memory_space<vmem>>, vector<16xf32>,
      %add3A_2595 = arith.constant 1 : i32
      %add3A_2596 = vector.broadcast %add3A_2595 : i32 to vector<16xi32>
      %add3A_2597 = arith.addi %mul3A_2579, %add3A_2596 : vector<16xi32>
      %gather3A_2598 = arith.constant 0 : i32
      %gather3A_2599 = arith.constant 0 : i32
      %gather3A_2600 = tpu.memref_slice %arg8[%rem3A_103, %gather3A_2598, %gather3A_2599] : memref<4x128x128xf32, #tpu.memory_space<vmem>> -> memref<1x128x128xf32, #tpu.memory_space<vmem>>
      %gather3A_2601 = tpu.memref_squeeze %gather3A_2600 : memref<1x128x128xf32, #tpu.memory_space<vmem>> -> memref<128x128xf32, #tpu.memory_space<vmem>>
      %gather3A_2602 = tpu.vector_load_idx %gather3A_2601[%add3A_2573, %add3A_2597] : memref<128x128xf32, #tpu.memory_space<vmem>>[vector<16xi32>, vector<16xi32>], vector<16xf32>,
      %swap3A_2603 = arith.constant 0 : i32
      %swap3A_2604 = arith.constant 1 : i32
      %swap3A_2605 = arith.index_cast %rem3A_105 : i32 to index
      %swap3A_2606 = arith.index_cast %swap3A_2603 : i32 to index
      %swap3A_2607 = arith.index_cast %swap3A_2604 : i32 to index
      %swap3A_2608 = arith.constant 80 : index
      %swap3A_2609 = tpu.vector_load %arg9[%swap3A_2605, %swap3A_2606, %swap3A_2607, %swap3A_2608] {strides = array<i32>} : memref<2x4x8x128xf32, #tpu.memory_space<vmem>>, vector<16xf32>,
      tpu.vector_store %arg9[%swap3A_2605, %swap3A_2606, %swap3A_2607, %swap3A_2608], %gather3A_2602 {strides = array<i32>} : memref<2x4x8x128xf32, #tpu.memory_space<vmem>>, vector<16xf32>,
      %add3A_2610 = arith.constant 2 : i32
      %add3A_2611 = vector.broadcast %add3A_2610 : i32 to vector<16xi32>
      %add3A_2612 = arith.addi %mul3A_2579, %add3A_2611 : vector<16xi32>
      %gather3A_2613 = arith.constant 0 : i32
      %gather3A_2614 = arith.constant 0 : i32
      %gather3A_2615 = tpu.memref_slice %arg8[%rem3A_103, %gather3A_2613, %gather3A_2614] : memref<4x128x128xf32, #tpu.memory_space<vmem>> -> memref<1x128x128xf32, #tpu.memory_space<vmem>>
      %gather3A_2616 = tpu.memref_squeeze %gather3A_2615 : memref<1x128x128xf32, #tpu.memory_space<vmem>> -> memref<128x128xf32, #tpu.memory_space<vmem>>
      %gather3A_2617 = tpu.vector_load_idx %gather3A_2616[%add3A_2573, %add3A_2612] : memref<128x128xf32, #tpu.memory_space<vmem>>[vector<16xi32>, vector<16xi32>], vector<16xf32>,
      %swap3A_2618 = arith.constant 0 : i32
      %swap3A_2619 = arith.constant 2 : i32
      %swap3A_2620 = arith.index_cast %rem3A_105 : i32 to index
      %swap3A_2621 = arith.index_cast %swap3A_2618 : i32 to index
      %swap3A_2622 = arith.index_cast %swap3A_2619 : i32 to index
      %swap3A_2623 = arith.constant 80 : index
      %swap3A_2624 = tpu.vector_load %arg9[%swap3A_2620, %swap3A_2621, %swap3A_2622, %swap3A_2623] {strides = array<i32>} : memref<2x4x8x128xf32, #tpu.memory_space<vmem>>, vector<16xf32>,
      tpu.vector_store %arg9[%swap3A_2620, %swap3A_2621, %swap3A_2622, %swap3A_2623], %gather3A_2617 {strides = array<i32>} : memref<2x4x8x128xf32, #tpu.memory_space<vmem>>, vector<16xf32>,
      %add3A_2625 = arith.constant 3 : i32
      %add3A_2626 = vector.broadcast %add3A_2625 : i32 to vector<16xi32>
      %add3A_2627 = arith.addi %mul3A_2579, %add3A_2626 : vector<16xi32>
      %gather3A_2628 = arith.constant 0 : i32
      %gather3A_2629 = arith.constant 0 : i32
      %gather3A_2630 = tpu.memref_slice %arg8[%rem3A_103, %gather3A_2628, %gather3A_2629] : memref<4x128x128xf32, #tpu.memory_space<vmem>> -> memref<1x128x128xf32, #tpu.memory_space<vmem>>
      %gather3A_2631 = tpu.memref_squeeze %gather3A_2630 : memref<1x128x128xf32, #tpu.memory_space<vmem>> -> memref<128x128xf32, #tpu.memory_space<vmem>>
      %gather3A_2632 = tpu.vector_load_idx %gather3A_2631[%add3A_2573, %add3A_2627] : memref<128x128xf32, #tpu.memory_space<vmem>>[vector<16xi32>, vector<16xi32>], vector<16xf32>,
      %swap3A_2633 = arith.constant 0 : i32
      %swap3A_2634 = arith.constant 3 : i32
      %swap3A_2635 = arith.index_cast %rem3A_105 : i32 to index
      %swap3A_2636 = arith.index_cast %swap3A_2633 : i32 to index
      %swap3A_2637 = arith.index_cast %swap3A_2634 : i32 to index
      %swap3A_2638 = arith.constant 80 : index
      %swap3A_2639 = tpu.vector_load %arg9[%swap3A_2635, %swap3A_2636, %swap3A_2637, %swap3A_2638] {strides = array<i32>} : memref<2x4x8x128xf32, #tpu.memory_space<vmem>>, vector<16xf32>,
      tpu.vector_store %arg9[%swap3A_2635, %swap3A_2636, %swap3A_2637, %swap3A_2638], %gather3A_2632 {strides = array<i32>} : memref<2x4x8x128xf32, #tpu.memory_space<vmem>>, vector<16xf32>,
      %add3A_2640 = arith.constant 4 : i32
      %add3A_2641 = vector.broadcast %add3A_2640 : i32 to vector<16xi32>
      %add3A_2642 = arith.addi %mul3A_2579, %add3A_2641 : vector<16xi32>
      %gather3A_2643 = arith.constant 0 : i32
      %gather3A_2644 = arith.constant 0 : i32
      %gather3A_2645 = tpu.memref_slice %arg8[%rem3A_103, %gather3A_2643, %gather3A_2644] : memref<4x128x128xf32, #tpu.memory_space<vmem>> -> memref<1x128x128xf32, #tpu.memory_space<vmem>>
      %gather3A_2646 = tpu.memref_squeeze %gather3A_2645 : memref<1x128x128xf32, #tpu.memory_space<vmem>> -> memref<128x128xf32, #tpu.memory_space<vmem>>
      %gather3A_2647 = tpu.vector_load_idx %gather3A_2646[%add3A_2573, %add3A_2642] : memref<128x128xf32, #tpu.memory_space<vmem>>[vector<16xi32>, vector<16xi32>], vector<16xf32>,
      %swap3A_2648 = arith.constant 0 : i32
      %swap3A_2649 = arith.constant 4 : i32
      %swap3A_2650 = arith.index_cast %rem3A_105 : i32 to index
      %swap3A_2651 = arith.index_cast %swap3A_2648 : i32 to index
      %swap3A_2652 = arith.index_cast %swap3A_2649 : i32 to index
      %swap3A_2653 = arith.constant 80 : index
      %swap3A_2654 = tpu.vector_load %arg9[%swap3A_2650, %swap3A_2651, %swap3A_2652, %swap3A_2653] {strides = array<i32>} : memref<2x4x8x128xf32, #tpu.memory_space<vmem>>, vector<16xf32>,
      tpu.vector_store %arg9[%swap3A_2650, %swap3A_2651, %swap3A_2652, %swap3A_2653], %gather3A_2647 {strides = array<i32>} : memref<2x4x8x128xf32, #tpu.memory_space<vmem>>, vector<16xf32>,
      %add3A_2655 = arith.constant 5 : i32
      %add3A_2656 = vector.broadcast %add3A_2655 : i32 to vector<16xi32>
      %add3A_2657 = arith.addi %mul3A_2579, %add3A_2656 : vector<16xi32>
      %gather3A_2658 = arith.constant 0 : i32
      %gather3A_2659 = arith.constant 0 : i32
      %gather3A_2660 = tpu.memref_slice %arg8[%rem3A_103, %gather3A_2658, %gather3A_2659] : memref<4x128x128xf32, #tpu.memory_space<vmem>> -> memref<1x128x128xf32, #tpu.memory_space<vmem>>
      %gather3A_2661 = tpu.memref_squeeze %gather3A_2660 : memref<1x128x128xf32, #tpu.memory_space<vmem>> -> memref<128x128xf32, #tpu.memory_space<vmem>>
      %gather3A_2662 = tpu.vector_load_idx %gather3A_2661[%add3A_2573, %add3A_2657] : memref<128x128xf32, #tpu.memory_space<vmem>>[vector<16xi32>, vector<16xi32>], vector<16xf32>,
      %swap3A_2663 = arith.constant 0 : i32
      %swap3A_2664 = arith.constant 5 : i32
      %swap3A_2665 = arith.index_cast %rem3A_105 : i32 to index
      %swap3A_2666 = arith.index_cast %swap3A_2663 : i32 to index
      %swap3A_2667 = arith.index_cast %swap3A_2664 : i32 to index
      %swap3A_2668 = arith.constant 80 : index
      %swap3A_2669 = tpu.vector_load %arg9[%swap3A_2665, %swap3A_2666, %swap3A_2667, %swap3A_2668] {strides = array<i32>} : memref<2x4x8x128xf32, #tpu.memory_space<vmem>>, vector<16xf32>,
      tpu.vector_store %arg9[%swap3A_2665, %swap3A_2666, %swap3A_2667, %swap3A_2668], %gather3A_2662 {strides = array<i32>} : memref<2x4x8x128xf32, #tpu.memory_space<vmem>>, vector<16xf32>,
      %add3A_2670 = arith.constant 6 : i32
      %add3A_2671 = vector.broadcast %add3A_2670 : i32 to vector<16xi32>
      %add3A_2672 = arith.addi %mul3A_2579, %add3A_2671 : vector<16xi32>
      %gather3A_2673 = arith.constant 0 : i32
      %gather3A_2674 = arith.constant 0 : i32
      %gather3A_2675 = tpu.memref_slice %arg8[%rem3A_103, %gather3A_2673, %gather3A_2674] : memref<4x128x128xf32, #tpu.memory_space<vmem>> -> memref<1x128x128xf32, #tpu.memory_space<vmem>>
      %gather3A_2676 = tpu.memref_squeeze %gather3A_2675 : memref<1x128x128xf32, #tpu.memory_space<vmem>> -> memref<128x128xf32, #tpu.memory_space<vmem>>
      %gather3A_2677 = tpu.vector_load_idx %gather3A_2676[%add3A_2573, %add3A_2672] : memref<128x128xf32, #tpu.memory_space<vmem>>[vector<16xi32>, vector<16xi32>], vector<16xf32>,
      %swap3A_2678 = arith.constant 0 : i32
      %swap3A_2679 = arith.constant 6 : i32
      %swap3A_2680 = arith.index_cast %rem3A_105 : i32 to index
      %swap3A_2681 = arith.index_cast %swap3A_2678 : i32 to index
      %swap3A_2682 = arith.index_cast %swap3A_2679 : i32 to index
      %swap3A_2683 = arith.constant 80 : index
      %swap3A_2684 = tpu.vector_load %arg9[%swap3A_2680, %swap3A_2681, %swap3A_2682, %swap3A_2683] {strides = array<i32>} : memref<2x4x8x128xf32, #tpu.memory_space<vmem>>, vector<16xf32>,
      tpu.vector_store %arg9[%swap3A_2680, %swap3A_2681, %swap3A_2682, %swap3A_2683], %gather3A_2677 {strides = array<i32>} : memref<2x4x8x128xf32, #tpu.memory_space<vmem>>, vector<16xf32>,
      %add3A_2685 = arith.constant 7 : i32
      %add3A_2686 = vector.broadcast %add3A_2685 : i32 to vector<16xi32>
      %add3A_2687 = arith.addi %mul3A_2579, %add3A_2686 : vector<16xi32>
      %gather3A_2688 = arith.constant 0 : i32
      %gather3A_2689 = arith.constant 0 : i32
      %gather3A_2690 = tpu.memref_slice %arg8[%rem3A_103, %gather3A_2688, %gather3A_2689] : memref<4x128x128xf32, #tpu.memory_space<vmem>> -> memref<1x128x128xf32, #tpu.memory_space<vmem>>
      %gather3A_2691 = tpu.memref_squeeze %gather3A_2690 : memref<1x128x128xf32, #tpu.memory_space<vmem>> -> memref<128x128xf32, #tpu.memory_space<vmem>>
      %gather3A_2692 = tpu.vector_load_idx %gather3A_2691[%add3A_2573, %add3A_2687] : memref<128x128xf32, #tpu.memory_space<vmem>>[vector<16xi32>, vector<16xi32>], vector<16xf32>,
      %swap3A_2693 = arith.constant 0 : i32
      %swap3A_2694 = arith.constant 7 : i32
      %swap3A_2695 = arith.index_cast %rem3A_105 : i32 to index
      %swap3A_2696 = arith.index_cast %swap3A_2693 : i32 to index
      %swap3A_2697 = arith.index_cast %swap3A_2694 : i32 to index
      %swap3A_2698 = arith.constant 80 : index
      %swap3A_2699 = tpu.vector_load %arg9[%swap3A_2695, %swap3A_2696, %swap3A_2697, %swap3A_2698] {strides = array<i32>} : memref<2x4x8x128xf32, #tpu.memory_space<vmem>>, vector<16xf32>,
      tpu.vector_store %arg9[%swap3A_2695, %swap3A_2696, %swap3A_2697, %swap3A_2698], %gather3A_2692 {strides = array<i32>} : memref<2x4x8x128xf32, #tpu.memory_space<vmem>>, vector<16xf32>,
      %add3A_2700 = arith.constant 8 : i32
      %add3A_2701 = vector.broadcast %add3A_2700 : i32 to vector<16xi32>
      %add3A_2702 = arith.addi %mul3A_2579, %add3A_2701 : vector<16xi32>
      %gather3A_2703 = arith.constant 0 : i32
      %gather3A_2704 = arith.constant 0 : i32
      %gather3A_2705 = tpu.memref_slice %arg8[%rem3A_103, %gather3A_2703, %gather3A_2704] : memref<4x128x128xf32, #tpu.memory_space<vmem>> -> memref<1x128x128xf32, #tpu.memory_space<vmem>>
      %gather3A_2706 = tpu.memref_squeeze %gather3A_2705 : memref<1x128x128xf32, #tpu.memory_space<vmem>> -> memref<128x128xf32, #tpu.memory_space<vmem>>
      %gather3A_2707 = tpu.vector_load_idx %gather3A_2706[%add3A_2573, %add3A_2702] : memref<128x128xf32, #tpu.memory_space<vmem>>[vector<16xi32>, vector<16xi32>], vector<16xf32>,
      %swap3A_2708 = arith.constant 1 : i32
      %swap3A_2709 = arith.constant 0 : i32
      %swap3A_2710 = arith.index_cast %rem3A_105 : i32 to index
      %swap3A_2711 = arith.index_cast %swap3A_2708 : i32 to index
      %swap3A_2712 = arith.index_cast %swap3A_2709 : i32 to index
      %swap3A_2713 = arith.constant 80 : index
      %swap3A_2714 = tpu.vector_load %arg9[%swap3A_2710, %swap3A_2711, %swap3A_2712, %swap3A_2713] {strides = array<i32>} : memref<2x4x8x128xf32, #tpu.memory_space<vmem>>, vector<16xf32>,
      tpu.vector_store %arg9[%swap3A_2710, %swap3A_2711, %swap3A_2712, %swap3A_2713], %gather3A_2707 {strides = array<i32>} : memref<2x4x8x128xf32, #tpu.memory_space<vmem>>, vector<16xf32>,
      %add3A_2715 = arith.constant 9 : i32
      %add3A_2716 = vector.broadcast %add3A_2715 : i32 to vector<16xi32>
      %add3A_2717 = arith.addi %mul3A_2579, %add3A_2716 : vector<16xi32>
      %gather3A_2718 = arith.constant 0 : i32
      %gather3A_2719 = arith.constant 0 : i32
      %gather3A_2720 = tpu.memref_slice %arg8[%rem3A_103, %gather3A_2718, %gather3A_2719] : memref<4x128x128xf32, #tpu.memory_space<vmem>> -> memref<1x128x128xf32, #tpu.memory_space<vmem>>
      %gather3A_2721 = tpu.memref_squeeze %gather3A_2720 : memref<1x128x128xf32, #tpu.memory_space<vmem>> -> memref<128x128xf32, #tpu.memory_space<vmem>>
      %gather3A_2722 = tpu.vector_load_idx %gather3A_2721[%add3A_2573, %add3A_2717] : memref<128x128xf32, #tpu.memory_space<vmem>>[vector<16xi32>, vector<16xi32>], vector<16xf32>,
      %swap3A_2723 = arith.constant 1 : i32
      %swap3A_2724 = arith.constant 1 : i32
      %swap3A_2725 = arith.index_cast %rem3A_105 : i32 to index
      %swap3A_2726 = arith.index_cast %swap3A_2723 : i32 to index
      %swap3A_2727 = arith.index_cast %swap3A_2724 : i32 to index
      %swap3A_2728 = arith.constant 80 : index
      %swap3A_2729 = tpu.vector_load %arg9[%swap3A_2725, %swap3A_2726, %swap3A_2727, %swap3A_2728] {strides = array<i32>} : memref<2x4x8x128xf32, #tpu.memory_space<vmem>>, vector<16xf32>,
      tpu.vector_store %arg9[%swap3A_2725, %swap3A_2726, %swap3A_2727, %swap3A_2728], %gather3A_2722 {strides = array<i32>} : memref<2x4x8x128xf32, #tpu.memory_space<vmem>>, vector<16xf32>,
      %add3A_2730 = arith.constant 10 : i32
      %add3A_2731 = vector.broadcast %add3A_2730 : i32 to vector<16xi32>
      %add3A_2732 = arith.addi %mul3A_2579, %add3A_2731 : vector<16xi32>
      %gather3A_2733 = arith.constant 0 : i32
      %gather3A_2734 = arith.constant 0 : i32
      %gather3A_2735 = tpu.memref_slice %arg8[%rem3A_103, %gather3A_2733, %gather3A_2734] : memref<4x128x128xf32, #tpu.memory_space<vmem>> -> memref<1x128x128xf32, #tpu.memory_space<vmem>>
      %gather3A_2736 = tpu.memref_squeeze %gather3A_2735 : memref<1x128x128xf32, #tpu.memory_space<vmem>> -> memref<128x128xf32, #tpu.memory_space<vmem>>
      %gather3A_2737 = tpu.vector_load_idx %gather3A_2736[%add3A_2573, %add3A_2732] : memref<128x128xf32, #tpu.memory_space<vmem>>[vector<16xi32>, vector<16xi32>], vector<16xf32>,
      %swap3A_2738 = arith.constant 1 : i32
      %swap3A_2739 = arith.constant 2 : i32
      %swap3A_2740 = arith.index_cast %rem3A_105 : i32 to index
      %swap3A_2741 = arith.index_cast %swap3A_2738 : i32 to index
      %swap3A_2742 = arith.index_cast %swap3A_2739 : i32 to index
      %swap3A_2743 = arith.constant 80 : index
      %swap3A_2744 = tpu.vector_load %arg9[%swap3A_2740, %swap3A_2741, %swap3A_2742, %swap3A_2743] {strides = array<i32>} : memref<2x4x8x128xf32, #tpu.memory_space<vmem>>, vector<16xf32>,
      tpu.vector_store %arg9[%swap3A_2740, %swap3A_2741, %swap3A_2742, %swap3A_2743], %gather3A_2737 {strides = array<i32>} : memref<2x4x8x128xf32, #tpu.memory_space<vmem>>, vector<16xf32>,
      %add3A_2745 = arith.constant 11 : i32
      %add3A_2746 = vector.broadcast %add3A_2745 : i32 to vector<16xi32>
      %add3A_2747 = arith.addi %mul3A_2579, %add3A_2746 : vector<16xi32>
      %gather3A_2748 = arith.constant 0 : i32
      %gather3A_2749 = arith.constant 0 : i32
      %gather3A_2750 = tpu.memref_slice %arg8[%rem3A_103, %gather3A_2748, %gather3A_2749] : memref<4x128x128xf32, #tpu.memory_space<vmem>> -> memref<1x128x128xf32, #tpu.memory_space<vmem>>
      %gather3A_2751 = tpu.memref_squeeze %gather3A_2750 : memref<1x128x128xf32, #tpu.memory_space<vmem>> -> memref<128x128xf32, #tpu.memory_space<vmem>>
      %gather3A_2752 = tpu.vector_load_idx %gather3A_2751[%add3A_2573, %add3A_2747] : memref<128x128xf32, #tpu.memory_space<vmem>>[vector<16xi32>, vector<16xi32>], vector<16xf32>,
      %swap3A_2753 = arith.constant 1 : i32
      %swap3A_2754 = arith.constant 3 : i32
      %swap3A_2755 = arith.index_cast %rem3A_105 : i32 to index
      %swap3A_2756 = arith.index_cast %swap3A_2753 : i32 to index
      %swap3A_2757 = arith.index_cast %swap3A_2754 : i32 to index
      %swap3A_2758 = arith.constant 80 : index
      %swap3A_2759 = tpu.vector_load %arg9[%swap3A_2755, %swap3A_2756, %swap3A_2757, %swap3A_2758] {strides = array<i32>} : memref<2x4x8x128xf32, #tpu.memory_space<vmem>>, vector<16xf32>,
      tpu.vector_store %arg9[%swap3A_2755, %swap3A_2756, %swap3A_2757, %swap3A_2758], %gather3A_2752 {strides = array<i32>} : memref<2x4x8x128xf32, #tpu.memory_space<vmem>>, vector<16xf32>,
      %add3A_2760 = arith.constant 12 : i32
      %add3A_2761 = vector.broadcast %add3A_2760 : i32 to vector<16xi32>
      %add3A_2762 = arith.addi %mul3A_2579, %add3A_2761 : vector<16xi32>
      %gather3A_2763 = arith.constant 0 : i32
      %gather3A_2764 = arith.constant 0 : i32
      %gather3A_2765 = tpu.memref_slice %arg8[%rem3A_103, %gather3A_2763, %gather3A_2764] : memref<4x128x128xf32, #tpu.memory_space<vmem>> -> memref<1x128x128xf32, #tpu.memory_space<vmem>>
      %gather3A_2766 = tpu.memref_squeeze %gather3A_2765 : memref<1x128x128xf32, #tpu.memory_space<vmem>> -> memref<128x128xf32, #tpu.memory_space<vmem>>
      %gather3A_2767 = tpu.vector_load_idx %gather3A_2766[%add3A_2573, %add3A_2762] : memref<128x128xf32, #tpu.memory_space<vmem>>[vector<16xi32>, vector<16xi32>], vector<16xf32>,
      %swap3A_2768 = arith.constant 1 : i32
      %swap3A_2769 = arith.constant 4 : i32
      %swap3A_2770 = arith.index_cast %rem3A_105 : i32 to index
      %swap3A_2771 = arith.index_cast %swap3A_2768 : i32 to index
      %swap3A_2772 = arith.index_cast %swap3A_2769 : i32 to index
      %swap3A_2773 = arith.constant 80 : index
      %swap3A_2774 = tpu.vector_load %arg9[%swap3A_2770, %swap3A_2771, %swap3A_2772, %swap3A_2773] {strides = array<i32>} : memref<2x4x8x128xf32, #tpu.memory_space<vmem>>, vector<16xf32>,
      tpu.vector_store %arg9[%swap3A_2770, %swap3A_2771, %swap3A_2772, %swap3A_2773], %gather3A_2767 {strides = array<i32>} : memref<2x4x8x128xf32, #tpu.memory_space<vmem>>, vector<16xf32>,
      %add3A_2775 = arith.constant 13 : i32
      %add3A_2776 = vector.broadcast %add3A_2775 : i32 to vector<16xi32>
      %add3A_2777 = arith.addi %mul3A_2579, %add3A_2776 : vector<16xi32>
      %gather3A_2778 = arith.constant 0 : i32
      %gather3A_2779 = arith.constant 0 : i32
      %gather3A_2780 = tpu.memref_slice %arg8[%rem3A_103, %gather3A_2778, %gather3A_2779] : memref<4x128x128xf32, #tpu.memory_space<vmem>> -> memref<1x128x128xf32, #tpu.memory_space<vmem>>
      %gather3A_2781 = tpu.memref_squeeze %gather3A_2780 : memref<1x128x128xf32, #tpu.memory_space<vmem>> -> memref<128x128xf32, #tpu.memory_space<vmem>>
      %gather3A_2782 = tpu.vector_load_idx %gather3A_2781[%add3A_2573, %add3A_2777] : memref<128x128xf32, #tpu.memory_space<vmem>>[vector<16xi32>, vector<16xi32>], vector<16xf32>,
      %swap3A_2783 = arith.constant 1 : i32
      %swap3A_2784 = arith.constant 5 : i32
      %swap3A_2785 = arith.index_cast %rem3A_105 : i32 to index
      %swap3A_2786 = arith.index_cast %swap3A_2783 : i32 to index
      %swap3A_2787 = arith.index_cast %swap3A_2784 : i32 to index
      %swap3A_2788 = arith.constant 80 : index
      %swap3A_2789 = tpu.vector_load %arg9[%swap3A_2785, %swap3A_2786, %swap3A_2787, %swap3A_2788] {strides = array<i32>} : memref<2x4x8x128xf32, #tpu.memory_space<vmem>>, vector<16xf32>,
      tpu.vector_store %arg9[%swap3A_2785, %swap3A_2786, %swap3A_2787, %swap3A_2788], %gather3A_2782 {strides = array<i32>} : memref<2x4x8x128xf32, #tpu.memory_space<vmem>>, vector<16xf32>,
      %add3A_2790 = arith.constant 14 : i32
      %add3A_2791 = vector.broadcast %add3A_2790 : i32 to vector<16xi32>
      %add3A_2792 = arith.addi %mul3A_2579, %add3A_2791 : vector<16xi32>
      %gather3A_2793 = arith.constant 0 : i32
      %gather3A_2794 = arith.constant 0 : i32
      %gather3A_2795 = tpu.memref_slice %arg8[%rem3A_103, %gather3A_2793, %gather3A_2794] : memref<4x128x128xf32, #tpu.memory_space<vmem>> -> memref<1x128x128xf32, #tpu.memory_space<vmem>>
      %gather3A_2796 = tpu.memref_squeeze %gather3A_2795 : memref<1x128x128xf32, #tpu.memory_space<vmem>> -> memref<128x128xf32, #tpu.memory_space<vmem>>
      %gather3A_2797 = tpu.vector_load_idx %gather3A_2796[%add3A_2573, %add3A_2792] : memref<128x128xf32, #tpu.memory_space<vmem>>[vector<16xi32>, vector<16xi32>], vector<16xf32>,
      %swap3A_2798 = arith.constant 1 : i32
      %swap3A_2799 = arith.constant 6 : i32
      %swap3A_2800 = arith.index_cast %rem3A_105 : i32 to index
      %swap3A_2801 = arith.index_cast %swap3A_2798 : i32 to index
      %swap3A_2802 = arith.index_cast %swap3A_2799 : i32 to index
      %swap3A_2803 = arith.constant 80 : index
      %swap3A_2804 = tpu.vector_load %arg9[%swap3A_2800, %swap3A_2801, %swap3A_2802, %swap3A_2803] {strides = array<i32>} : memref<2x4x8x128xf32, #tpu.memory_space<vmem>>, vector<16xf32>,
      tpu.vector_store %arg9[%swap3A_2800, %swap3A_2801, %swap3A_2802, %swap3A_2803], %gather3A_2797 {strides = array<i32>} : memref<2x4x8x128xf32, #tpu.memory_space<vmem>>, vector<16xf32>,
      %add3A_2805 = arith.constant 15 : i32
      %add3A_2806 = vector.broadcast %add3A_2805 : i32 to vector<16xi32>
      %add3A_2807 = arith.addi %mul3A_2579, %add3A_2806 : vector<16xi32>
      %gather3A_2808 = arith.constant 0 : i32
      %gather3A_2809 = arith.constant 0 : i32
      %gather3A_2810 = tpu.memref_slice %arg8[%rem3A_103, %gather3A_2808, %gather3A_2809] : memref<4x128x128xf32, #tpu.memory_space<vmem>> -> memref<1x128x128xf32, #tpu.memory_space<vmem>>
      %gather3A_2811 = tpu.memref_squeeze %gather3A_2810 : memref<1x128x128xf32, #tpu.memory_space<vmem>> -> memref<128x128xf32, #tpu.memory_space<vmem>>
      %gather3A_2812 = tpu.vector_load_idx %gather3A_2811[%add3A_2573, %add3A_2807] : memref<128x128xf32, #tpu.memory_space<vmem>>[vector<16xi32>, vector<16xi32>], vector<16xf32>,
      %swap3A_2813 = arith.constant 1 : i32
      %swap3A_2814 = arith.constant 7 : i32
      %swap3A_2815 = arith.index_cast %rem3A_105 : i32 to index
      %swap3A_2816 = arith.index_cast %swap3A_2813 : i32 to index
      %swap3A_2817 = arith.index_cast %swap3A_2814 : i32 to index
      %swap3A_2818 = arith.constant 80 : index
      %swap3A_2819 = tpu.vector_load %arg9[%swap3A_2815, %swap3A_2816, %swap3A_2817, %swap3A_2818] {strides = array<i32>} : memref<2x4x8x128xf32, #tpu.memory_space<vmem>>, vector<16xf32>,
      tpu.vector_store %arg9[%swap3A_2815, %swap3A_2816, %swap3A_2817, %swap3A_2818], %gather3A_2812 {strides = array<i32>} : memref<2x4x8x128xf32, #tpu.memory_space<vmem>>, vector<16xf32>,
      %add3A_2820 = arith.constant 16 : i32
      %add3A_2821 = vector.broadcast %add3A_2820 : i32 to vector<16xi32>
      %add3A_2822 = arith.addi %mul3A_2579, %add3A_2821 : vector<16xi32>
      %gather3A_2823 = arith.constant 0 : i32
      %gather3A_2824 = arith.constant 0 : i32
      %gather3A_2825 = tpu.memref_slice %arg8[%rem3A_103, %gather3A_2823, %gather3A_2824] : memref<4x128x128xf32, #tpu.memory_space<vmem>> -> memref<1x128x128xf32, #tpu.memory_space<vmem>>
      %gather3A_2826 = tpu.memref_squeeze %gather3A_2825 : memref<1x128x128xf32, #tpu.memory_space<vmem>> -> memref<128x128xf32, #tpu.memory_space<vmem>>
      %gather3A_2827 = tpu.vector_load_idx %gather3A_2826[%add3A_2573, %add3A_2822] : memref<128x128xf32, #tpu.memory_space<vmem>>[vector<16xi32>, vector<16xi32>], vector<16xf32>,
      %swap3A_2828 = arith.constant 2 : i32
      %swap3A_2829 = arith.constant 0 : i32
      %swap3A_2830 = arith.index_cast %rem3A_105 : i32 to index
      %swap3A_2831 = arith.index_cast %swap3A_2828 : i32 to index
      %swap3A_2832 = arith.index_cast %swap3A_2829 : i32 to index
      %swap3A_2833 = arith.constant 80 : index
      %swap3A_2834 = tpu.vector_load %arg9[%swap3A_2830, %swap3A_2831, %swap3A_2832, %swap3A_2833] {strides = array<i32>} : memref<2x4x8x128xf32, #tpu.memory_space<vmem>>, vector<16xf32>,
      tpu.vector_store %arg9[%swap3A_2830, %swap3A_2831, %swap3A_2832, %swap3A_2833], %gather3A_2827 {strides = array<i32>} : memref<2x4x8x128xf32, #tpu.memory_space<vmem>>, vector<16xf32>,
      %add3A_2835 = arith.constant 17 : i32
      %add3A_2836 = vector.broadcast %add3A_2835 : i32 to vector<16xi32>
      %add3A_2837 = arith.addi %mul3A_2579, %add3A_2836 : vector<16xi32>
      %gather3A_2838 = arith.constant 0 : i32
      %gather3A_2839 = arith.constant 0 : i32
      %gather3A_2840 = tpu.memref_slice %arg8[%rem3A_103, %gather3A_2838, %gather3A_2839] : memref<4x128x128xf32, #tpu.memory_space<vmem>> -> memref<1x128x128xf32, #tpu.memory_space<vmem>>
      %gather3A_2841 = tpu.memref_squeeze %gather3A_2840 : memref<1x128x128xf32, #tpu.memory_space<vmem>> -> memref<128x128xf32, #tpu.memory_space<vmem>>
      %gather3A_2842 = tpu.vector_load_idx %gather3A_2841[%add3A_2573, %add3A_2837] : memref<128x128xf32, #tpu.memory_space<vmem>>[vector<16xi32>, vector<16xi32>], vector<16xf32>,
      %swap3A_2843 = arith.constant 2 : i32
      %swap3A_2844 = arith.constant 1 : i32
      %swap3A_2845 = arith.index_cast %rem3A_105 : i32 to index
      %swap3A_2846 = arith.index_cast %swap3A_2843 : i32 to index
      %swap3A_2847 = arith.index_cast %swap3A_2844 : i32 to index
      %swap3A_2848 = arith.constant 80 : index
      %swap3A_2849 = tpu.vector_load %arg9[%swap3A_2845, %swap3A_2846, %swap3A_2847, %swap3A_2848] {strides = array<i32>} : memref<2x4x8x128xf32, #tpu.memory_space<vmem>>, vector<16xf32>,
      tpu.vector_store %arg9[%swap3A_2845, %swap3A_2846, %swap3A_2847, %swap3A_2848], %gather3A_2842 {strides = array<i32>} : memref<2x4x8x128xf32, #tpu.memory_space<vmem>>, vector<16xf32>,
      %add3A_2850 = arith.constant 18 : i32
      %add3A_2851 = vector.broadcast %add3A_2850 : i32 to vector<16xi32>
      %add3A_2852 = arith.addi %mul3A_2579, %add3A_2851 : vector<16xi32>
      %gather3A_2853 = arith.constant 0 : i32
      %gather3A_2854 = arith.constant 0 : i32
      %gather3A_2855 = tpu.memref_slice %arg8[%rem3A_103, %gather3A_2853, %gather3A_2854] : memref<4x128x128xf32, #tpu.memory_space<vmem>> -> memref<1x128x128xf32, #tpu.memory_space<vmem>>
      %gather3A_2856 = tpu.memref_squeeze %gather3A_2855 : memref<1x128x128xf32, #tpu.memory_space<vmem>> -> memref<128x128xf32, #tpu.memory_space<vmem>>
      %gather3A_2857 = tpu.vector_load_idx %gather3A_2856[%add3A_2573, %add3A_2852] : memref<128x128xf32, #tpu.memory_space<vmem>>[vector<16xi32>, vector<16xi32>], vector<16xf32>,
      %swap3A_2858 = arith.constant 2 : i32
      %swap3A_2859 = arith.constant 2 : i32
      %swap3A_2860 = arith.index_cast %rem3A_105 : i32 to index
      %swap3A_2861 = arith.index_cast %swap3A_2858 : i32 to index
      %swap3A_2862 = arith.index_cast %swap3A_2859 : i32 to index
      %swap3A_2863 = arith.constant 80 : index
      %swap3A_2864 = tpu.vector_load %arg9[%swap3A_2860, %swap3A_2861, %swap3A_2862, %swap3A_2863] {strides = array<i32>} : memref<2x4x8x128xf32, #tpu.memory_space<vmem>>, vector<16xf32>,
      tpu.vector_store %arg9[%swap3A_2860, %swap3A_2861, %swap3A_2862, %swap3A_2863], %gather3A_2857 {strides = array<i32>} : memref<2x4x8x128xf32, #tpu.memory_space<vmem>>, vector<16xf32>,
      %add3A_2865 = arith.constant 19 : i32
      %add3A_2866 = vector.broadcast %add3A_2865 : i32 to vector<16xi32>
      %add3A_2867 = arith.addi %mul3A_2579, %add3A_2866 : vector<16xi32>
      %gather3A_2868 = arith.constant 0 : i32
      %gather3A_2869 = arith.constant 0 : i32
      %gather3A_2870 = tpu.memref_slice %arg8[%rem3A_103, %gather3A_2868, %gather3A_2869] : memref<4x128x128xf32, #tpu.memory_space<vmem>> -> memref<1x128x128xf32, #tpu.memory_space<vmem>>
      %gather3A_2871 = tpu.memref_squeeze %gather3A_2870 : memref<1x128x128xf32, #tpu.memory_space<vmem>> -> memref<128x128xf32, #tpu.memory_space<vmem>>
      %gather3A_2872 = tpu.vector_load_idx %gather3A_2871[%add3A_2573, %add3A_2867] : memref<128x128xf32, #tpu.memory_space<vmem>>[vector<16xi32>, vector<16xi32>], vector<16xf32>,
      %swap3A_2873 = arith.constant 2 : i32
      %swap3A_2874 = arith.constant 3 : i32
      %swap3A_2875 = arith.index_cast %rem3A_105 : i32 to index
      %swap3A_2876 = arith.index_cast %swap3A_2873 : i32 to index
      %swap3A_2877 = arith.index_cast %swap3A_2874 : i32 to index
      %swap3A_2878 = arith.constant 80 : index
      %swap3A_2879 = tpu.vector_load %arg9[%swap3A_2875, %swap3A_2876, %swap3A_2877, %swap3A_2878] {strides = array<i32>} : memref<2x4x8x128xf32, #tpu.memory_space<vmem>>, vector<16xf32>,
      tpu.vector_store %arg9[%swap3A_2875, %swap3A_2876, %swap3A_2877, %swap3A_2878], %gather3A_2872 {strides = array<i32>} : memref<2x4x8x128xf32, #tpu.memory_space<vmem>>, vector<16xf32>,
      %add3A_2880 = arith.constant 20 : i32
      %add3A_2881 = vector.broadcast %add3A_2880 : i32 to vector<16xi32>
      %add3A_2882 = arith.addi %mul3A_2579, %add3A_2881 : vector<16xi32>
      %gather3A_2883 = arith.constant 0 : i32
      %gather3A_2884 = arith.constant 0 : i32
      %gather3A_2885 = tpu.memref_slice %arg8[%rem3A_103, %gather3A_2883, %gather3A_2884] : memref<4x128x128xf32, #tpu.memory_space<vmem>> -> memref<1x128x128xf32, #tpu.memory_space<vmem>>
      %gather3A_2886 = tpu.memref_squeeze %gather3A_2885 : memref<1x128x128xf32, #tpu.memory_space<vmem>> -> memref<128x128xf32, #tpu.memory_space<vmem>>
      %gather3A_2887 = tpu.vector_load_idx %gather3A_2886[%add3A_2573, %add3A_2882] : memref<128x128xf32, #tpu.memory_space<vmem>>[vector<16xi32>, vector<16xi32>], vector<16xf32>,
      %swap3A_2888 = arith.constant 2 : i32
      %swap3A_2889 = arith.constant 4 : i32
      %swap3A_2890 = arith.index_cast %rem3A_105 : i32 to index
      %swap3A_2891 = arith.index_cast %swap3A_2888 : i32 to index
      %swap3A_2892 = arith.index_cast %swap3A_2889 : i32 to index
      %swap3A_2893 = arith.constant 80 : index
      %swap3A_2894 = tpu.vector_load %arg9[%swap3A_2890, %swap3A_2891, %swap3A_2892, %swap3A_2893] {strides = array<i32>} : memref<2x4x8x128xf32, #tpu.memory_space<vmem>>, vector<16xf32>,
      tpu.vector_store %arg9[%swap3A_2890, %swap3A_2891, %swap3A_2892, %swap3A_2893], %gather3A_2887 {strides = array<i32>} : memref<2x4x8x128xf32, #tpu.memory_space<vmem>>, vector<16xf32>,
      %add3A_2895 = arith.constant 21 : i32
      %add3A_2896 = vector.broadcast %add3A_2895 : i32 to vector<16xi32>
      %add3A_2897 = arith.addi %mul3A_2579, %add3A_2896 : vector<16xi32>
      %gather3A_2898 = arith.constant 0 : i32
      %gather3A_2899 = arith.constant 0 : i32
      %gather3A_2900 = tpu.memref_slice %arg8[%rem3A_103, %gather3A_2898, %gather3A_2899] : memref<4x128x128xf32, #tpu.memory_space<vmem>> -> memref<1x128x128xf32, #tpu.memory_space<vmem>>
      %gather3A_2901 = tpu.memref_squeeze %gather3A_2900 : memref<1x128x128xf32, #tpu.memory_space<vmem>> -> memref<128x128xf32, #tpu.memory_space<vmem>>
      %gather3A_2902 = tpu.vector_load_idx %gather3A_2901[%add3A_2573, %add3A_2897] : memref<128x128xf32, #tpu.memory_space<vmem>>[vector<16xi32>, vector<16xi32>], vector<16xf32>,
      %swap3A_2903 = arith.constant 2 : i32
      %swap3A_2904 = arith.constant 5 : i32
      %swap3A_2905 = arith.index_cast %rem3A_105 : i32 to index
      %swap3A_2906 = arith.index_cast %swap3A_2903 : i32 to index
      %swap3A_2907 = arith.index_cast %swap3A_2904 : i32 to index
      %swap3A_2908 = arith.constant 80 : index
      %swap3A_2909 = tpu.vector_load %arg9[%swap3A_2905, %swap3A_2906, %swap3A_2907, %swap3A_2908] {strides = array<i32>} : memref<2x4x8x128xf32, #tpu.memory_space<vmem>>, vector<16xf32>,
      tpu.vector_store %arg9[%swap3A_2905, %swap3A_2906, %swap3A_2907, %swap3A_2908], %gather3A_2902 {strides = array<i32>} : memref<2x4x8x128xf32, #tpu.memory_space<vmem>>, vector<16xf32>,
      %add3A_2910 = arith.constant 22 : i32
      %add3A_2911 = vector.broadcast %add3A_2910 : i32 to vector<16xi32>
      %add3A_2912 = arith.addi %mul3A_2579, %add3A_2911 : vector<16xi32>
      %gather3A_2913 = arith.constant 0 : i32
      %gather3A_2914 = arith.constant 0 : i32
      %gather3A_2915 = tpu.memref_slice %arg8[%rem3A_103, %gather3A_2913, %gather3A_2914] : memref<4x128x128xf32, #tpu.memory_space<vmem>> -> memref<1x128x128xf32, #tpu.memory_space<vmem>>
      %gather3A_2916 = tpu.memref_squeeze %gather3A_2915 : memref<1x128x128xf32, #tpu.memory_space<vmem>> -> memref<128x128xf32, #tpu.memory_space<vmem>>
      %gather3A_2917 = tpu.vector_load_idx %gather3A_2916[%add3A_2573, %add3A_2912] : memref<128x128xf32, #tpu.memory_space<vmem>>[vector<16xi32>, vector<16xi32>], vector<16xf32>,
      %swap3A_2918 = arith.constant 2 : i32
      %swap3A_2919 = arith.constant 6 : i32
      %swap3A_2920 = arith.index_cast %rem3A_105 : i32 to index
      %swap3A_2921 = arith.index_cast %swap3A_2918 : i32 to index
      %swap3A_2922 = arith.index_cast %swap3A_2919 : i32 to index
      %swap3A_2923 = arith.constant 80 : index
      %swap3A_2924 = tpu.vector_load %arg9[%swap3A_2920, %swap3A_2921, %swap3A_2922, %swap3A_2923] {strides = array<i32>} : memref<2x4x8x128xf32, #tpu.memory_space<vmem>>, vector<16xf32>,
      tpu.vector_store %arg9[%swap3A_2920, %swap3A_2921, %swap3A_2922, %swap3A_2923], %gather3A_2917 {strides = array<i32>} : memref<2x4x8x128xf32, #tpu.memory_space<vmem>>, vector<16xf32>,
      %add3A_2925 = arith.constant 23 : i32
      %add3A_2926 = vector.broadcast %add3A_2925 : i32 to vector<16xi32>
      %add3A_2927 = arith.addi %mul3A_2579, %add3A_2926 : vector<16xi32>
      %gather3A_2928 = arith.constant 0 : i32
      %gather3A_2929 = arith.constant 0 : i32
      %gather3A_2930 = tpu.memref_slice %arg8[%rem3A_103, %gather3A_2928, %gather3A_2929] : memref<4x128x128xf32, #tpu.memory_space<vmem>> -> memref<1x128x128xf32, #tpu.memory_space<vmem>>
      %gather3A_2931 = tpu.memref_squeeze %gather3A_2930 : memref<1x128x128xf32, #tpu.memory_space<vmem>> -> memref<128x128xf32, #tpu.memory_space<vmem>>
      %gather3A_2932 = tpu.vector_load_idx %gather3A_2931[%add3A_2573, %add3A_2927] : memref<128x128xf32, #tpu.memory_space<vmem>>[vector<16xi32>, vector<16xi32>], vector<16xf32>,
      %swap3A_2933 = arith.constant 2 : i32
      %swap3A_2934 = arith.constant 7 : i32
      %swap3A_2935 = arith.index_cast %rem3A_105 : i32 to index
      %swap3A_2936 = arith.index_cast %swap3A_2933 : i32 to index
      %swap3A_2937 = arith.index_cast %swap3A_2934 : i32 to index
      %swap3A_2938 = arith.constant 80 : index
      %swap3A_2939 = tpu.vector_load %arg9[%swap3A_2935, %swap3A_2936, %swap3A_2937, %swap3A_2938] {strides = array<i32>} : memref<2x4x8x128xf32, #tpu.memory_space<vmem>>, vector<16xf32>,
      tpu.vector_store %arg9[%swap3A_2935, %swap3A_2936, %swap3A_2937, %swap3A_2938], %gather3A_2932 {strides = array<i32>} : memref<2x4x8x128xf32, #tpu.memory_space<vmem>>, vector<16xf32>,
      %add3A_2940 = arith.constant 24 : i32
      %add3A_2941 = vector.broadcast %add3A_2940 : i32 to vector<16xi32>
      %add3A_2942 = arith.addi %mul3A_2579, %add3A_2941 : vector<16xi32>
      %gather3A_2943 = arith.constant 0 : i32
      %gather3A_2944 = arith.constant 0 : i32
      %gather3A_2945 = tpu.memref_slice %arg8[%rem3A_103, %gather3A_2943, %gather3A_2944] : memref<4x128x128xf32, #tpu.memory_space<vmem>> -> memref<1x128x128xf32, #tpu.memory_space<vmem>>
      %gather3A_2946 = tpu.memref_squeeze %gather3A_2945 : memref<1x128x128xf32, #tpu.memory_space<vmem>> -> memref<128x128xf32, #tpu.memory_space<vmem>>
      %gather3A_2947 = tpu.vector_load_idx %gather3A_2946[%add3A_2573, %add3A_2942] : memref<128x128xf32, #tpu.memory_space<vmem>>[vector<16xi32>, vector<16xi32>], vector<16xf32>,
      %swap3A_2948 = arith.constant 3 : i32
      %swap3A_2949 = arith.constant 0 : i32
      %swap3A_2950 = arith.index_cast %rem3A_105 : i32 to index
      %swap3A_2951 = arith.index_cast %swap3A_2948 : i32 to index
      %swap3A_2952 = arith.index_cast %swap3A_2949 : i32 to index
      %swap3A_2953 = arith.constant 80 : index
      %swap3A_2954 = tpu.vector_load %arg9[%swap3A_2950, %swap3A_2951, %swap3A_2952, %swap3A_2953] {strides = array<i32>} : memref<2x4x8x128xf32, #tpu.memory_space<vmem>>, vector<16xf32>,
      tpu.vector_store %arg9[%swap3A_2950, %swap3A_2951, %swap3A_2952, %swap3A_2953], %gather3A_2947 {strides = array<i32>} : memref<2x4x8x128xf32, #tpu.memory_space<vmem>>, vector<16xf32>,
      %add3A_2955 = arith.constant 25 : i32
      %add3A_2956 = vector.broadcast %add3A_2955 : i32 to vector<16xi32>
      %add3A_2957 = arith.addi %mul3A_2579, %add3A_2956 : vector<16xi32>
      %gather3A_2958 = arith.constant 0 : i32
      %gather3A_2959 = arith.constant 0 : i32
      %gather3A_2960 = tpu.memref_slice %arg8[%rem3A_103, %gather3A_2958, %gather3A_2959] : memref<4x128x128xf32, #tpu.memory_space<vmem>> -> memref<1x128x128xf32, #tpu.memory_space<vmem>>
      %gather3A_2961 = tpu.memref_squeeze %gather3A_2960 : memref<1x128x128xf32, #tpu.memory_space<vmem>> -> memref<128x128xf32, #tpu.memory_space<vmem>>
      %gather3A_2962 = tpu.vector_load_idx %gather3A_2961[%add3A_2573, %add3A_2957] : memref<128x128xf32, #tpu.memory_space<vmem>>[vector<16xi32>, vector<16xi32>], vector<16xf32>,
      %swap3A_2963 = arith.constant 3 : i32
      %swap3A_2964 = arith.constant 1 : i32
      %swap3A_2965 = arith.index_cast %rem3A_105 : i32 to index
      %swap3A_2966 = arith.index_cast %swap3A_2963 : i32 to index
      %swap3A_2967 = arith.index_cast %swap3A_2964 : i32 to index
      %swap3A_2968 = arith.constant 80 : index
      %swap3A_2969 = tpu.vector_load %arg9[%swap3A_2965, %swap3A_2966, %swap3A_2967, %swap3A_2968] {strides = array<i32>} : memref<2x4x8x128xf32, #tpu.memory_space<vmem>>, vector<16xf32>,
      tpu.vector_store %arg9[%swap3A_2965, %swap3A_2966, %swap3A_2967, %swap3A_2968], %gather3A_2962 {strides = array<i32>} : memref<2x4x8x128xf32, #tpu.memory_space<vmem>>, vector<16xf32>,
      %add3A_2970 = arith.constant 26 : i32
      %add3A_2971 = vector.broadcast %add3A_2970 : i32 to vector<16xi32>
      %add3A_2972 = arith.addi %mul3A_2579, %add3A_2971 : vector<16xi32>
      %gather3A_2973 = arith.constant 0 : i32
      %gather3A_2974 = arith.constant 0 : i32
      %gather3A_2975 = tpu.memref_slice %arg8[%rem3A_103, %gather3A_2973, %gather3A_2974] : memref<4x128x128xf32, #tpu.memory_space<vmem>> -> memref<1x128x128xf32, #tpu.memory_space<vmem>>
      %gather3A_2976 = tpu.memref_squeeze %gather3A_2975 : memref<1x128x128xf32, #tpu.memory_space<vmem>> -> memref<128x128xf32, #tpu.memory_space<vmem>>
      %gather3A_2977 = tpu.vector_load_idx %gather3A_2976[%add3A_2573, %add3A_2972] : memref<128x128xf32, #tpu.memory_space<vmem>>[vector<16xi32>, vector<16xi32>], vector<16xf32>,
      %swap3A_2978 = arith.constant 3 : i32
      %swap3A_2979 = arith.constant 2 : i32
      %swap3A_2980 = arith.index_cast %rem3A_105 : i32 to index
      %swap3A_2981 = arith.index_cast %swap3A_2978 : i32 to index
      %swap3A_2982 = arith.index_cast %swap3A_2979 : i32 to index
      %swap3A_2983 = arith.constant 80 : index
      %swap3A_2984 = tpu.vector_load %arg9[%swap3A_2980, %swap3A_2981, %swap3A_2982, %swap3A_2983] {strides = array<i32>} : memref<2x4x8x128xf32, #tpu.memory_space<vmem>>, vector<16xf32>,
      tpu.vector_store %arg9[%swap3A_2980, %swap3A_2981, %swap3A_2982, %swap3A_2983], %gather3A_2977 {strides = array<i32>} : memref<2x4x8x128xf32, #tpu.memory_space<vmem>>, vector<16xf32>,
      %add3A_2985 = arith.constant 27 : i32
      %add3A_2986 = vector.broadcast %add3A_2985 : i32 to vector<16xi32>
      %add3A_2987 = arith.addi %mul3A_2579, %add3A_2986 : vector<16xi32>
      %gather3A_2988 = arith.constant 0 : i32
      %gather3A_2989 = arith.constant 0 : i32
      %gather3A_2990 = tpu.memref_slice %arg8[%rem3A_103, %gather3A_2988, %gather3A_2989] : memref<4x128x128xf32, #tpu.memory_space<vmem>> -> memref<1x128x128xf32, #tpu.memory_space<vmem>>
      %gather3A_2991 = tpu.memref_squeeze %gather3A_2990 : memref<1x128x128xf32, #tpu.memory_space<vmem>> -> memref<128x128xf32, #tpu.memory_space<vmem>>
      %gather3A_2992 = tpu.vector_load_idx %gather3A_2991[%add3A_2573, %add3A_2987] : memref<128x128xf32, #tpu.memory_space<vmem>>[vector<16xi32>, vector<16xi32>], vector<16xf32>,
      %swap3A_2993 = arith.constant 3 : i32
      %swap3A_2994 = arith.constant 3 : i32
      %swap3A_2995 = arith.index_cast %rem3A_105 : i32 to index
      %swap3A_2996 = arith.index_cast %swap3A_2993 : i32 to index
      %swap3A_2997 = arith.index_cast %swap3A_2994 : i32 to index
      %swap3A_2998 = arith.constant 80 : index
      %swap3A_2999 = tpu.vector_load %arg9[%swap3A_2995, %swap3A_2996, %swap3A_2997, %swap3A_2998] {strides = array<i32>} : memref<2x4x8x128xf32, #tpu.memory_space<vmem>>, vector<16xf32>,
      tpu.vector_store %arg9[%swap3A_2995, %swap3A_2996, %swap3A_2997, %swap3A_2998], %gather3A_2992 {strides = array<i32>} : memref<2x4x8x128xf32, #tpu.memory_space<vmem>>, vector<16xf32>,
      %add3A_3000 = arith.constant 28 : i32
      %add3A_3001 = vector.broadcast %add3A_3000 : i32 to vector<16xi32>
      %add3A_3002 = arith.addi %mul3A_2579, %add3A_3001 : vector<16xi32>
      %gather3A_3003 = arith.constant 0 : i32
      %gather3A_3004 = arith.constant 0 : i32
      %gather3A_3005 = tpu.memref_slice %arg8[%rem3A_103, %gather3A_3003, %gather3A_3004] : memref<4x128x128xf32, #tpu.memory_space<vmem>> -> memref<1x128x128xf32, #tpu.memory_space<vmem>>
      %gather3A_3006 = tpu.memref_squeeze %gather3A_3005 : memref<1x128x128xf32, #tpu.memory_space<vmem>> -> memref<128x128xf32, #tpu.memory_space<vmem>>
      %gather3A_3007 = tpu.vector_load_idx %gather3A_3006[%add3A_2573, %add3A_3002] : memref<128x128xf32, #tpu.memory_space<vmem>>[vector<16xi32>, vector<16xi32>], vector<16xf32>,
      %swap3A_3008 = arith.constant 3 : i32
      %swap3A_3009 = arith.constant 4 : i32
      %swap3A_3010 = arith.index_cast %rem3A_105 : i32 to index
      %swap3A_3011 = arith.index_cast %swap3A_3008 : i32 to index
      %swap3A_3012 = arith.index_cast %swap3A_3009 : i32 to index
      %swap3A_3013 = arith.constant 80 : index
      %swap3A_3014 = tpu.vector_load %arg9[%swap3A_3010, %swap3A_3011, %swap3A_3012, %swap3A_3013] {strides = array<i32>} : memref<2x4x8x128xf32, #tpu.memory_space<vmem>>, vector<16xf32>,
      tpu.vector_store %arg9[%swap3A_3010, %swap3A_3011, %swap3A_3012, %swap3A_3013], %gather3A_3007 {strides = array<i32>} : memref<2x4x8x128xf32, #tpu.memory_space<vmem>>, vector<16xf32>,
      %add3A_3015 = arith.constant 29 : i32
      %add3A_3016 = vector.broadcast %add3A_3015 : i32 to vector<16xi32>
      %add3A_3017 = arith.addi %mul3A_2579, %add3A_3016 : vector<16xi32>
      %gather3A_3018 = arith.constant 0 : i32
      %gather3A_3019 = arith.constant 0 : i32
      %gather3A_3020 = tpu.memref_slice %arg8[%rem3A_103, %gather3A_3018, %gather3A_3019] : memref<4x128x128xf32, #tpu.memory_space<vmem>> -> memref<1x128x128xf32, #tpu.memory_space<vmem>>
      %gather3A_3021 = tpu.memref_squeeze %gather3A_3020 : memref<1x128x128xf32, #tpu.memory_space<vmem>> -> memref<128x128xf32, #tpu.memory_space<vmem>>
      %gather3A_3022 = tpu.vector_load_idx %gather3A_3021[%add3A_2573, %add3A_3017] : memref<128x128xf32, #tpu.memory_space<vmem>>[vector<16xi32>, vector<16xi32>], vector<16xf32>,
      %swap3A_3023 = arith.constant 3 : i32
      %swap3A_3024 = arith.constant 5 : i32
      %swap3A_3025 = arith.index_cast %rem3A_105 : i32 to index
      %swap3A_3026 = arith.index_cast %swap3A_3023 : i32 to index
      %swap3A_3027 = arith.index_cast %swap3A_3024 : i32 to index
      %swap3A_3028 = arith.constant 80 : index
      %swap3A_3029 = tpu.vector_load %arg9[%swap3A_3025, %swap3A_3026, %swap3A_3027, %swap3A_3028] {strides = array<i32>} : memref<2x4x8x128xf32, #tpu.memory_space<vmem>>, vector<16xf32>,
      tpu.vector_store %arg9[%swap3A_3025, %swap3A_3026, %swap3A_3027, %swap3A_3028], %gather3A_3022 {strides = array<i32>} : memref<2x4x8x128xf32, #tpu.memory_space<vmem>>, vector<16xf32>,
      %add3A_3030 = arith.constant 30 : i32
      %add3A_3031 = vector.broadcast %add3A_3030 : i32 to vector<16xi32>
      %add3A_3032 = arith.addi %mul3A_2579, %add3A_3031 : vector<16xi32>
      %gather3A_3033 = arith.constant 0 : i32
      %gather3A_3034 = arith.constant 0 : i32
      %gather3A_3035 = tpu.memref_slice %arg8[%rem3A_103, %gather3A_3033, %gather3A_3034] : memref<4x128x128xf32, #tpu.memory_space<vmem>> -> memref<1x128x128xf32, #tpu.memory_space<vmem>>
      %gather3A_3036 = tpu.memref_squeeze %gather3A_3035 : memref<1x128x128xf32, #tpu.memory_space<vmem>> -> memref<128x128xf32, #tpu.memory_space<vmem>>
      %gather3A_3037 = tpu.vector_load_idx %gather3A_3036[%add3A_2573, %add3A_3032] : memref<128x128xf32, #tpu.memory_space<vmem>>[vector<16xi32>, vector<16xi32>], vector<16xf32>,
      %swap3A_3038 = arith.constant 3 : i32
      %swap3A_3039 = arith.constant 6 : i32
      %swap3A_3040 = arith.index_cast %rem3A_105 : i32 to index
      %swap3A_3041 = arith.index_cast %swap3A_3038 : i32 to index
      %swap3A_3042 = arith.index_cast %swap3A_3039 : i32 to index
      %swap3A_3043 = arith.constant 80 : index
      %swap3A_3044 = tpu.vector_load %arg9[%swap3A_3040, %swap3A_3041, %swap3A_3042, %swap3A_3043] {strides = array<i32>} : memref<2x4x8x128xf32, #tpu.memory_space<vmem>>, vector<16xf32>,
      tpu.vector_store %arg9[%swap3A_3040, %swap3A_3041, %swap3A_3042, %swap3A_3043], %gather3A_3037 {strides = array<i32>} : memref<2x4x8x128xf32, #tpu.memory_space<vmem>>, vector<16xf32>,
      %add3A_3045 = arith.constant 31 : i32
      %add3A_3046 = vector.broadcast %add3A_3045 : i32 to vector<16xi32>
      %add3A_3047 = arith.addi %mul3A_2579, %add3A_3046 : vector<16xi32>
      %gather3A_3048 = arith.constant 0 : i32
      %gather3A_3049 = arith.constant 0 : i32
      %gather3A_3050 = tpu.memref_slice %arg8[%rem3A_103, %gather3A_3048, %gather3A_3049] : memref<4x128x128xf32, #tpu.memory_space<vmem>> -> memref<1x128x128xf32, #tpu.memory_space<vmem>>
      %gather3A_3051 = tpu.memref_squeeze %gather3A_3050 : memref<1x128x128xf32, #tpu.memory_space<vmem>> -> memref<128x128xf32, #tpu.memory_space<vmem>>
      %gather3A_3052 = tpu.vector_load_idx %gather3A_3051[%add3A_2573, %add3A_3047] : memref<128x128xf32, #tpu.memory_space<vmem>>[vector<16xi32>, vector<16xi32>], vector<16xf32>,
      %swap3A_3053 = arith.constant 3 : i32
      %swap3A_3054 = arith.constant 7 : i32
      %swap3A_3055 = arith.index_cast %rem3A_105 : i32 to index
      %swap3A_3056 = arith.index_cast %swap3A_3053 : i32 to index
      %swap3A_3057 = arith.index_cast %swap3A_3054 : i32 to index
      %swap3A_3058 = arith.constant 80 : index
      %swap3A_3059 = tpu.vector_load %arg9[%swap3A_3055, %swap3A_3056, %swap3A_3057, %swap3A_3058] {strides = array<i32>} : memref<2x4x8x128xf32, #tpu.memory_space<vmem>>, vector<16xf32>,
      tpu.vector_store %arg9[%swap3A_3055, %swap3A_3056, %swap3A_3057, %swap3A_3058], %gather3A_3052 {strides = array<i32>} : memref<2x4x8x128xf32, #tpu.memory_space<vmem>>, vector<16xf32>,
      %iota3A_3060 = tpu.iota {dimensions = array<i32: 0>} : vector<16xi32>
      %add3A_3061 = arith.constant 96 : i32
      %add3A_3062 = vector.broadcast %add3A_3061 : i32 to vector<16xi32>
      %add3A_3063 = arith.addi %add3A_3062, %iota3A_3060 : vector<16xi32>
      %get3A_3064 = arith.index_cast %scan3A_102 : i32 to index
      %get3A_3065 = arith.constant 96 : index
      %get3A_3066 = tpu.vector_load %arg7[%get3A_3064, %get3A_3065] {strides = array<i32>} : memref<200x128xi32, #tpu.memory_space<vmem>>, vector<16xi32>,
      %mul3A_3067 = arith.constant 32 : i32
      %mul3A_3068 = vector.broadcast %mul3A_3067 : i32 to vector<16xi32>
      %mul3A_3069 = arith.muli %get3A_3066, %mul3A_3068 : vector<16xi32>
      %add3A_3070 = arith.constant 0 : i32
      %add3A_3071 = vector.broadcast %add3A_3070 : i32 to vector<16xi32>
      %add3A_3072 = arith.addi %mul3A_3069, %add3A_3071 : vector<16xi32>
      %gather3A_3073 = arith.constant 0 : i32
      %gather3A_3074 = arith.constant 0 : i32
      %gather3A_3075 = tpu.memref_slice %arg8[%rem3A_103, %gather3A_3073, %gather3A_3074] : memref<4x128x128xf32, #tpu.memory_space<vmem>> -> memref<1x128x128xf32, #tpu.memory_space<vmem>>
      %gather3A_3076 = tpu.memref_squeeze %gather3A_3075 : memref<1x128x128xf32, #tpu.memory_space<vmem>> -> memref<128x128xf32, #tpu.memory_space<vmem>>
      %gather3A_3077 = tpu.vector_load_idx %gather3A_3076[%add3A_3063, %add3A_3072] : memref<128x128xf32, #tpu.memory_space<vmem>>[vector<16xi32>, vector<16xi32>], vector<16xf32>,
      %swap3A_3078 = arith.constant 0 : i32
      %swap3A_3079 = arith.constant 0 : i32
      %swap3A_3080 = arith.index_cast %rem3A_105 : i32 to index
      %swap3A_3081 = arith.index_cast %swap3A_3078 : i32 to index
      %swap3A_3082 = arith.index_cast %swap3A_3079 : i32 to index
      %swap3A_3083 = arith.constant 96 : index
      %swap3A_3084 = tpu.vector_load %arg9[%swap3A_3080, %swap3A_3081, %swap3A_3082, %swap3A_3083] {strides = array<i32>} : memref<2x4x8x128xf32, #tpu.memory_space<vmem>>, vector<16xf32>,
      tpu.vector_store %arg9[%swap3A_3080, %swap3A_3081, %swap3A_3082, %swap3A_3083], %gather3A_3077 {strides = array<i32>} : memref<2x4x8x128xf32, #tpu.memory_space<vmem>>, vector<16xf32>,
      %add3A_3085 = arith.constant 1 : i32
      %add3A_3086 = vector.broadcast %add3A_3085 : i32 to vector<16xi32>
      %add3A_3087 = arith.addi %mul3A_3069, %add3A_3086 : vector<16xi32>
      %gather3A_3088 = arith.constant 0 : i32
      %gather3A_3089 = arith.constant 0 : i32
      %gather3A_3090 = tpu.memref_slice %arg8[%rem3A_103, %gather3A_3088, %gather3A_3089] : memref<4x128x128xf32, #tpu.memory_space<vmem>> -> memref<1x128x128xf32, #tpu.memory_space<vmem>>
      %gather3A_3091 = tpu.memref_squeeze %gather3A_3090 : memref<1x128x128xf32, #tpu.memory_space<vmem>> -> memref<128x128xf32, #tpu.memory_space<vmem>>
      %gather3A_3092 = tpu.vector_load_idx %gather3A_3091[%add3A_3063, %add3A_3087] : memref<128x128xf32, #tpu.memory_space<vmem>>[vector<16xi32>, vector<16xi32>], vector<16xf32>,
      %swap3A_3093 = arith.constant 0 : i32
      %swap3A_3094 = arith.constant 1 : i32
      %swap3A_3095 = arith.index_cast %rem3A_105 : i32 to index
      %swap3A_3096 = arith.index_cast %swap3A_3093 : i32 to index
      %swap3A_3097 = arith.index_cast %swap3A_3094 : i32 to index
      %swap3A_3098 = arith.constant 96 : index
      %swap3A_3099 = tpu.vector_load %arg9[%swap3A_3095, %swap3A_3096, %swap3A_3097, %swap3A_3098] {strides = array<i32>} : memref<2x4x8x128xf32, #tpu.memory_space<vmem>>, vector<16xf32>,
      tpu.vector_store %arg9[%swap3A_3095, %swap3A_3096, %swap3A_3097, %swap3A_3098], %gather3A_3092 {strides = array<i32>} : memref<2x4x8x128xf32, #tpu.memory_space<vmem>>, vector<16xf32>,
      %add3A_3100 = arith.constant 2 : i32
      %add3A_3101 = vector.broadcast %add3A_3100 : i32 to vector<16xi32>
      %add3A_3102 = arith.addi %mul3A_3069, %add3A_3101 : vector<16xi32>
      %gather3A_3103 = arith.constant 0 : i32
      %gather3A_3104 = arith.constant 0 : i32
      %gather3A_3105 = tpu.memref_slice %arg8[%rem3A_103, %gather3A_3103, %gather3A_3104] : memref<4x128x128xf32, #tpu.memory_space<vmem>> -> memref<1x128x128xf32, #tpu.memory_space<vmem>>
      %gather3A_3106 = tpu.memref_squeeze %gather3A_3105 : memref<1x128x128xf32, #tpu.memory_space<vmem>> -> memref<128x128xf32, #tpu.memory_space<vmem>>
      %gather3A_3107 = tpu.vector_load_idx %gather3A_3106[%add3A_3063, %add3A_3102] : memref<128x128xf32, #tpu.memory_space<vmem>>[vector<16xi32>, vector<16xi32>], vector<16xf32>,
      %swap3A_3108 = arith.constant 0 : i32
      %swap3A_3109 = arith.constant 2 : i32
      %swap3A_3110 = arith.index_cast %rem3A_105 : i32 to index
      %swap3A_3111 = arith.index_cast %swap3A_3108 : i32 to index
      %swap3A_3112 = arith.index_cast %swap3A_3109 : i32 to index
      %swap3A_3113 = arith.constant 96 : index
      %swap3A_3114 = tpu.vector_load %arg9[%swap3A_3110, %swap3A_3111, %swap3A_3112, %swap3A_3113] {strides = array<i32>} : memref<2x4x8x128xf32, #tpu.memory_space<vmem>>, vector<16xf32>,
      tpu.vector_store %arg9[%swap3A_3110, %swap3A_3111, %swap3A_3112, %swap3A_3113], %gather3A_3107 {strides = array<i32>} : memref<2x4x8x128xf32, #tpu.memory_space<vmem>>, vector<16xf32>,
      %add3A_3115 = arith.constant 3 : i32
      %add3A_3116 = vector.broadcast %add3A_3115 : i32 to vector<16xi32>
      %add3A_3117 = arith.addi %mul3A_3069, %add3A_3116 : vector<16xi32>
      %gather3A_3118 = arith.constant 0 : i32
      %gather3A_3119 = arith.constant 0 : i32
      %gather3A_3120 = tpu.memref_slice %arg8[%rem3A_103, %gather3A_3118, %gather3A_3119] : memref<4x128x128xf32, #tpu.memory_space<vmem>> -> memref<1x128x128xf32, #tpu.memory_space<vmem>>
      %gather3A_3121 = tpu.memref_squeeze %gather3A_3120 : memref<1x128x128xf32, #tpu.memory_space<vmem>> -> memref<128x128xf32, #tpu.memory_space<vmem>>
      %gather3A_3122 = tpu.vector_load_idx %gather3A_3121[%add3A_3063, %add3A_3117] : memref<128x128xf32, #tpu.memory_space<vmem>>[vector<16xi32>, vector<16xi32>], vector<16xf32>,
      %swap3A_3123 = arith.constant 0 : i32
      %swap3A_3124 = arith.constant 3 : i32
      %swap3A_3125 = arith.index_cast %rem3A_105 : i32 to index
      %swap3A_3126 = arith.index_cast %swap3A_3123 : i32 to index
      %swap3A_3127 = arith.index_cast %swap3A_3124 : i32 to index
      %swap3A_3128 = arith.constant 96 : index
      %swap3A_3129 = tpu.vector_load %arg9[%swap3A_3125, %swap3A_3126, %swap3A_3127, %swap3A_3128] {strides = array<i32>} : memref<2x4x8x128xf32, #tpu.memory_space<vmem>>, vector<16xf32>,
      tpu.vector_store %arg9[%swap3A_3125, %swap3A_3126, %swap3A_3127, %swap3A_3128], %gather3A_3122 {strides = array<i32>} : memref<2x4x8x128xf32, #tpu.memory_space<vmem>>, vector<16xf32>,
      %add3A_3130 = arith.constant 4 : i32
      %add3A_3131 = vector.broadcast %add3A_3130 : i32 to vector<16xi32>
      %add3A_3132 = arith.addi %mul3A_3069, %add3A_3131 : vector<16xi32>
      %gather3A_3133 = arith.constant 0 : i32
      %gather3A_3134 = arith.constant 0 : i32
      %gather3A_3135 = tpu.memref_slice %arg8[%rem3A_103, %gather3A_3133, %gather3A_3134] : memref<4x128x128xf32, #tpu.memory_space<vmem>> -> memref<1x128x128xf32, #tpu.memory_space<vmem>>
      %gather3A_3136 = tpu.memref_squeeze %gather3A_3135 : memref<1x128x128xf32, #tpu.memory_space<vmem>> -> memref<128x128xf32, #tpu.memory_space<vmem>>
      %gather3A_3137 = tpu.vector_load_idx %gather3A_3136[%add3A_3063, %add3A_3132] : memref<128x128xf32, #tpu.memory_space<vmem>>[vector<16xi32>, vector<16xi32>], vector<16xf32>,
      %swap3A_3138 = arith.constant 0 : i32
      %swap3A_3139 = arith.constant 4 : i32
      %swap3A_3140 = arith.index_cast %rem3A_105 : i32 to index
      %swap3A_3141 = arith.index_cast %swap3A_3138 : i32 to index
      %swap3A_3142 = arith.index_cast %swap3A_3139 : i32 to index
      %swap3A_3143 = arith.constant 96 : index
      %swap3A_3144 = tpu.vector_load %arg9[%swap3A_3140, %swap3A_3141, %swap3A_3142, %swap3A_3143] {strides = array<i32>} : memref<2x4x8x128xf32, #tpu.memory_space<vmem>>, vector<16xf32>,
      tpu.vector_store %arg9[%swap3A_3140, %swap3A_3141, %swap3A_3142, %swap3A_3143], %gather3A_3137 {strides = array<i32>} : memref<2x4x8x128xf32, #tpu.memory_space<vmem>>, vector<16xf32>,
      %add3A_3145 = arith.constant 5 : i32
      %add3A_3146 = vector.broadcast %add3A_3145 : i32 to vector<16xi32>
      %add3A_3147 = arith.addi %mul3A_3069, %add3A_3146 : vector<16xi32>
      %gather3A_3148 = arith.constant 0 : i32
      %gather3A_3149 = arith.constant 0 : i32
      %gather3A_3150 = tpu.memref_slice %arg8[%rem3A_103, %gather3A_3148, %gather3A_3149] : memref<4x128x128xf32, #tpu.memory_space<vmem>> -> memref<1x128x128xf32, #tpu.memory_space<vmem>>
      %gather3A_3151 = tpu.memref_squeeze %gather3A_3150 : memref<1x128x128xf32, #tpu.memory_space<vmem>> -> memref<128x128xf32, #tpu.memory_space<vmem>>
      %gather3A_3152 = tpu.vector_load_idx %gather3A_3151[%add3A_3063, %add3A_3147] : memref<128x128xf32, #tpu.memory_space<vmem>>[vector<16xi32>, vector<16xi32>], vector<16xf32>,
      %swap3A_3153 = arith.constant 0 : i32
      %swap3A_3154 = arith.constant 5 : i32
      %swap3A_3155 = arith.index_cast %rem3A_105 : i32 to index
      %swap3A_3156 = arith.index_cast %swap3A_3153 : i32 to index
      %swap3A_3157 = arith.index_cast %swap3A_3154 : i32 to index
      %swap3A_3158 = arith.constant 96 : index
      %swap3A_3159 = tpu.vector_load %arg9[%swap3A_3155, %swap3A_3156, %swap3A_3157, %swap3A_3158] {strides = array<i32>} : memref<2x4x8x128xf32, #tpu.memory_space<vmem>>, vector<16xf32>,
      tpu.vector_store %arg9[%swap3A_3155, %swap3A_3156, %swap3A_3157, %swap3A_3158], %gather3A_3152 {strides = array<i32>} : memref<2x4x8x128xf32, #tpu.memory_space<vmem>>, vector<16xf32>,
      %add3A_3160 = arith.constant 6 : i32
      %add3A_3161 = vector.broadcast %add3A_3160 : i32 to vector<16xi32>
      %add3A_3162 = arith.addi %mul3A_3069, %add3A_3161 : vector<16xi32>
      %gather3A_3163 = arith.constant 0 : i32
      %gather3A_3164 = arith.constant 0 : i32
      %gather3A_3165 = tpu.memref_slice %arg8[%rem3A_103, %gather3A_3163, %gather3A_3164] : memref<4x128x128xf32, #tpu.memory_space<vmem>> -> memref<1x128x128xf32, #tpu.memory_space<vmem>>
      %gather3A_3166 = tpu.memref_squeeze %gather3A_3165 : memref<1x128x128xf32, #tpu.memory_space<vmem>> -> memref<128x128xf32, #tpu.memory_space<vmem>>
      %gather3A_3167 = tpu.vector_load_idx %gather3A_3166[%add3A_3063, %add3A_3162] : memref<128x128xf32, #tpu.memory_space<vmem>>[vector<16xi32>, vector<16xi32>], vector<16xf32>,
      %swap3A_3168 = arith.constant 0 : i32
      %swap3A_3169 = arith.constant 6 : i32
      %swap3A_3170 = arith.index_cast %rem3A_105 : i32 to index
      %swap3A_3171 = arith.index_cast %swap3A_3168 : i32 to index
      %swap3A_3172 = arith.index_cast %swap3A_3169 : i32 to index
      %swap3A_3173 = arith.constant 96 : index
      %swap3A_3174 = tpu.vector_load %arg9[%swap3A_3170, %swap3A_3171, %swap3A_3172, %swap3A_3173] {strides = array<i32>} : memref<2x4x8x128xf32, #tpu.memory_space<vmem>>, vector<16xf32>,
      tpu.vector_store %arg9[%swap3A_3170, %swap3A_3171, %swap3A_3172, %swap3A_3173], %gather3A_3167 {strides = array<i32>} : memref<2x4x8x128xf32, #tpu.memory_space<vmem>>, vector<16xf32>,
      %add3A_3175 = arith.constant 7 : i32
      %add3A_3176 = vector.broadcast %add3A_3175 : i32 to vector<16xi32>
      %add3A_3177 = arith.addi %mul3A_3069, %add3A_3176 : vector<16xi32>
      %gather3A_3178 = arith.constant 0 : i32
      %gather3A_3179 = arith.constant 0 : i32
      %gather3A_3180 = tpu.memref_slice %arg8[%rem3A_103, %gather3A_3178, %gather3A_3179] : memref<4x128x128xf32, #tpu.memory_space<vmem>> -> memref<1x128x128xf32, #tpu.memory_space<vmem>>
      %gather3A_3181 = tpu.memref_squeeze %gather3A_3180 : memref<1x128x128xf32, #tpu.memory_space<vmem>> -> memref<128x128xf32, #tpu.memory_space<vmem>>
      %gather3A_3182 = tpu.vector_load_idx %gather3A_3181[%add3A_3063, %add3A_3177] : memref<128x128xf32, #tpu.memory_space<vmem>>[vector<16xi32>, vector<16xi32>], vector<16xf32>,
      %swap3A_3183 = arith.constant 0 : i32
      %swap3A_3184 = arith.constant 7 : i32
      %swap3A_3185 = arith.index_cast %rem3A_105 : i32 to index
      %swap3A_3186 = arith.index_cast %swap3A_3183 : i32 to index
      %swap3A_3187 = arith.index_cast %swap3A_3184 : i32 to index
      %swap3A_3188 = arith.constant 96 : index
      %swap3A_3189 = tpu.vector_load %arg9[%swap3A_3185, %swap3A_3186, %swap3A_3187, %swap3A_3188] {strides = array<i32>} : memref<2x4x8x128xf32, #tpu.memory_space<vmem>>, vector<16xf32>,
      tpu.vector_store %arg9[%swap3A_3185, %swap3A_3186, %swap3A_3187, %swap3A_3188], %gather3A_3182 {strides = array<i32>} : memref<2x4x8x128xf32, #tpu.memory_space<vmem>>, vector<16xf32>,
      %add3A_3190 = arith.constant 8 : i32
      %add3A_3191 = vector.broadcast %add3A_3190 : i32 to vector<16xi32>
      %add3A_3192 = arith.addi %mul3A_3069, %add3A_3191 : vector<16xi32>
      %gather3A_3193 = arith.constant 0 : i32
      %gather3A_3194 = arith.constant 0 : i32
      %gather3A_3195 = tpu.memref_slice %arg8[%rem3A_103, %gather3A_3193, %gather3A_3194] : memref<4x128x128xf32, #tpu.memory_space<vmem>> -> memref<1x128x128xf32, #tpu.memory_space<vmem>>
      %gather3A_3196 = tpu.memref_squeeze %gather3A_3195 : memref<1x128x128xf32, #tpu.memory_space<vmem>> -> memref<128x128xf32, #tpu.memory_space<vmem>>
      %gather3A_3197 = tpu.vector_load_idx %gather3A_3196[%add3A_3063, %add3A_3192] : memref<128x128xf32, #tpu.memory_space<vmem>>[vector<16xi32>, vector<16xi32>], vector<16xf32>,
      %swap3A_3198 = arith.constant 1 : i32
      %swap3A_3199 = arith.constant 0 : i32
      %swap3A_3200 = arith.index_cast %rem3A_105 : i32 to index
      %swap3A_3201 = arith.index_cast %swap3A_3198 : i32 to index
      %swap3A_3202 = arith.index_cast %swap3A_3199 : i32 to index
      %swap3A_3203 = arith.constant 96 : index
      %swap3A_3204 = tpu.vector_load %arg9[%swap3A_3200, %swap3A_3201, %swap3A_3202, %swap3A_3203] {strides = array<i32>} : memref<2x4x8x128xf32, #tpu.memory_space<vmem>>, vector<16xf32>,
      tpu.vector_store %arg9[%swap3A_3200, %swap3A_3201, %swap3A_3202, %swap3A_3203], %gather3A_3197 {strides = array<i32>} : memref<2x4x8x128xf32, #tpu.memory_space<vmem>>, vector<16xf32>,
      %add3A_3205 = arith.constant 9 : i32
      %add3A_3206 = vector.broadcast %add3A_3205 : i32 to vector<16xi32>
      %add3A_3207 = arith.addi %mul3A_3069, %add3A_3206 : vector<16xi32>
      %gather3A_3208 = arith.constant 0 : i32
      %gather3A_3209 = arith.constant 0 : i32
      %gather3A_3210 = tpu.memref_slice %arg8[%rem3A_103, %gather3A_3208, %gather3A_3209] : memref<4x128x128xf32, #tpu.memory_space<vmem>> -> memref<1x128x128xf32, #tpu.memory_space<vmem>>
      %gather3A_3211 = tpu.memref_squeeze %gather3A_3210 : memref<1x128x128xf32, #tpu.memory_space<vmem>> -> memref<128x128xf32, #tpu.memory_space<vmem>>
      %gather3A_3212 = tpu.vector_load_idx %gather3A_3211[%add3A_3063, %add3A_3207] : memref<128x128xf32, #tpu.memory_space<vmem>>[vector<16xi32>, vector<16xi32>], vector<16xf32>,
      %swap3A_3213 = arith.constant 1 : i32
      %swap3A_3214 = arith.constant 1 : i32
      %swap3A_3215 = arith.index_cast %rem3A_105 : i32 to index
      %swap3A_3216 = arith.index_cast %swap3A_3213 : i32 to index
      %swap3A_3217 = arith.index_cast %swap3A_3214 : i32 to index
      %swap3A_3218 = arith.constant 96 : index
      %swap3A_3219 = tpu.vector_load %arg9[%swap3A_3215, %swap3A_3216, %swap3A_3217, %swap3A_3218] {strides = array<i32>} : memref<2x4x8x128xf32, #tpu.memory_space<vmem>>, vector<16xf32>,
      tpu.vector_store %arg9[%swap3A_3215, %swap3A_3216, %swap3A_3217, %swap3A_3218], %gather3A_3212 {strides = array<i32>} : memref<2x4x8x128xf32, #tpu.memory_space<vmem>>, vector<16xf32>,
      %add3A_3220 = arith.constant 10 : i32
      %add3A_3221 = vector.broadcast %add3A_3220 : i32 to vector<16xi32>
      %add3A_3222 = arith.addi %mul3A_3069, %add3A_3221 : vector<16xi32>
      %gather3A_3223 = arith.constant 0 : i32
      %gather3A_3224 = arith.constant 0 : i32
      %gather3A_3225 = tpu.memref_slice %arg8[%rem3A_103, %gather3A_3223, %gather3A_3224] : memref<4x128x128xf32, #tpu.memory_space<vmem>> -> memref<1x128x128xf32, #tpu.memory_space<vmem>>
      %gather3A_3226 = tpu.memref_squeeze %gather3A_3225 : memref<1x128x128xf32, #tpu.memory_space<vmem>> -> memref<128x128xf32, #tpu.memory_space<vmem>>
      %gather3A_3227 = tpu.vector_load_idx %gather3A_3226[%add3A_3063, %add3A_3222] : memref<128x128xf32, #tpu.memory_space<vmem>>[vector<16xi32>, vector<16xi32>], vector<16xf32>,
      %swap3A_3228 = arith.constant 1 : i32
      %swap3A_3229 = arith.constant 2 : i32
      %swap3A_3230 = arith.index_cast %rem3A_105 : i32 to index
      %swap3A_3231 = arith.index_cast %swap3A_3228 : i32 to index
      %swap3A_3232 = arith.index_cast %swap3A_3229 : i32 to index
      %swap3A_3233 = arith.constant 96 : index
      %swap3A_3234 = tpu.vector_load %arg9[%swap3A_3230, %swap3A_3231, %swap3A_3232, %swap3A_3233] {strides = array<i32>} : memref<2x4x8x128xf32, #tpu.memory_space<vmem>>, vector<16xf32>,
      tpu.vector_store %arg9[%swap3A_3230, %swap3A_3231, %swap3A_3232, %swap3A_3233], %gather3A_3227 {strides = array<i32>} : memref<2x4x8x128xf32, #tpu.memory_space<vmem>>, vector<16xf32>,
      %add3A_3235 = arith.constant 11 : i32
      %add3A_3236 = vector.broadcast %add3A_3235 : i32 to vector<16xi32>
      %add3A_3237 = arith.addi %mul3A_3069, %add3A_3236 : vector<16xi32>
      %gather3A_3238 = arith.constant 0 : i32
      %gather3A_3239 = arith.constant 0 : i32
      %gather3A_3240 = tpu.memref_slice %arg8[%rem3A_103, %gather3A_3238, %gather3A_3239] : memref<4x128x128xf32, #tpu.memory_space<vmem>> -> memref<1x128x128xf32, #tpu.memory_space<vmem>>
      %gather3A_3241 = tpu.memref_squeeze %gather3A_3240 : memref<1x128x128xf32, #tpu.memory_space<vmem>> -> memref<128x128xf32, #tpu.memory_space<vmem>>
      %gather3A_3242 = tpu.vector_load_idx %gather3A_3241[%add3A_3063, %add3A_3237] : memref<128x128xf32, #tpu.memory_space<vmem>>[vector<16xi32>, vector<16xi32>], vector<16xf32>,
      %swap3A_3243 = arith.constant 1 : i32
      %swap3A_3244 = arith.constant 3 : i32
      %swap3A_3245 = arith.index_cast %rem3A_105 : i32 to index
      %swap3A_3246 = arith.index_cast %swap3A_3243 : i32 to index
      %swap3A_3247 = arith.index_cast %swap3A_3244 : i32 to index
      %swap3A_3248 = arith.constant 96 : index
      %swap3A_3249 = tpu.vector_load %arg9[%swap3A_3245, %swap3A_3246, %swap3A_3247, %swap3A_3248] {strides = array<i32>} : memref<2x4x8x128xf32, #tpu.memory_space<vmem>>, vector<16xf32>,
      tpu.vector_store %arg9[%swap3A_3245, %swap3A_3246, %swap3A_3247, %swap3A_3248], %gather3A_3242 {strides = array<i32>} : memref<2x4x8x128xf32, #tpu.memory_space<vmem>>, vector<16xf32>,
      %add3A_3250 = arith.constant 12 : i32
      %add3A_3251 = vector.broadcast %add3A_3250 : i32 to vector<16xi32>
      %add3A_3252 = arith.addi %mul3A_3069, %add3A_3251 : vector<16xi32>
      %gather3A_3253 = arith.constant 0 : i32
      %gather3A_3254 = arith.constant 0 : i32
      %gather3A_3255 = tpu.memref_slice %arg8[%rem3A_103, %gather3A_3253, %gather3A_3254] : memref<4x128x128xf32, #tpu.memory_space<vmem>> -> memref<1x128x128xf32, #tpu.memory_space<vmem>>
      %gather3A_3256 = tpu.memref_squeeze %gather3A_3255 : memref<1x128x128xf32, #tpu.memory_space<vmem>> -> memref<128x128xf32, #tpu.memory_space<vmem>>
      %gather3A_3257 = tpu.vector_load_idx %gather3A_3256[%add3A_3063, %add3A_3252] : memref<128x128xf32, #tpu.memory_space<vmem>>[vector<16xi32>, vector<16xi32>], vector<16xf32>,
      %swap3A_3258 = arith.constant 1 : i32
      %swap3A_3259 = arith.constant 4 : i32
      %swap3A_3260 = arith.index_cast %rem3A_105 : i32 to index
      %swap3A_3261 = arith.index_cast %swap3A_3258 : i32 to index
      %swap3A_3262 = arith.index_cast %swap3A_3259 : i32 to index
      %swap3A_3263 = arith.constant 96 : index
      %swap3A_3264 = tpu.vector_load %arg9[%swap3A_3260, %swap3A_3261, %swap3A_3262, %swap3A_3263] {strides = array<i32>} : memref<2x4x8x128xf32, #tpu.memory_space<vmem>>, vector<16xf32>,
      tpu.vector_store %arg9[%swap3A_3260, %swap3A_3261, %swap3A_3262, %swap3A_3263], %gather3A_3257 {strides = array<i32>} : memref<2x4x8x128xf32, #tpu.memory_space<vmem>>, vector<16xf32>,
      %add3A_3265 = arith.constant 13 : i32
      %add3A_3266 = vector.broadcast %add3A_3265 : i32 to vector<16xi32>
      %add3A_3267 = arith.addi %mul3A_3069, %add3A_3266 : vector<16xi32>
      %gather3A_3268 = arith.constant 0 : i32
      %gather3A_3269 = arith.constant 0 : i32
      %gather3A_3270 = tpu.memref_slice %arg8[%rem3A_103, %gather3A_3268, %gather3A_3269] : memref<4x128x128xf32, #tpu.memory_space<vmem>> -> memref<1x128x128xf32, #tpu.memory_space<vmem>>
      %gather3A_3271 = tpu.memref_squeeze %gather3A_3270 : memref<1x128x128xf32, #tpu.memory_space<vmem>> -> memref<128x128xf32, #tpu.memory_space<vmem>>
      %gather3A_3272 = tpu.vector_load_idx %gather3A_3271[%add3A_3063, %add3A_3267] : memref<128x128xf32, #tpu.memory_space<vmem>>[vector<16xi32>, vector<16xi32>], vector<16xf32>,
      %swap3A_3273 = arith.constant 1 : i32
      %swap3A_3274 = arith.constant 5 : i32
      %swap3A_3275 = arith.index_cast %rem3A_105 : i32 to index
      %swap3A_3276 = arith.index_cast %swap3A_3273 : i32 to index
      %swap3A_3277 = arith.index_cast %swap3A_3274 : i32 to index
      %swap3A_3278 = arith.constant 96 : index
      %swap3A_3279 = tpu.vector_load %arg9[%swap3A_3275, %swap3A_3276, %swap3A_3277, %swap3A_3278] {strides = array<i32>} : memref<2x4x8x128xf32, #tpu.memory_space<vmem>>, vector<16xf32>,
      tpu.vector_store %arg9[%swap3A_3275, %swap3A_3276, %swap3A_3277, %swap3A_3278], %gather3A_3272 {strides = array<i32>} : memref<2x4x8x128xf32, #tpu.memory_space<vmem>>, vector<16xf32>,
      %add3A_3280 = arith.constant 14 : i32
      %add3A_3281 = vector.broadcast %add3A_3280 : i32 to vector<16xi32>
      %add3A_3282 = arith.addi %mul3A_3069, %add3A_3281 : vector<16xi32>
      %gather3A_3283 = arith.constant 0 : i32
      %gather3A_3284 = arith.constant 0 : i32
      %gather3A_3285 = tpu.memref_slice %arg8[%rem3A_103, %gather3A_3283, %gather3A_3284] : memref<4x128x128xf32, #tpu.memory_space<vmem>> -> memref<1x128x128xf32, #tpu.memory_space<vmem>>
      %gather3A_3286 = tpu.memref_squeeze %gather3A_3285 : memref<1x128x128xf32, #tpu.memory_space<vmem>> -> memref<128x128xf32, #tpu.memory_space<vmem>>
      %gather3A_3287 = tpu.vector_load_idx %gather3A_3286[%add3A_3063, %add3A_3282] : memref<128x128xf32, #tpu.memory_space<vmem>>[vector<16xi32>, vector<16xi32>], vector<16xf32>,
      %swap3A_3288 = arith.constant 1 : i32
      %swap3A_3289 = arith.constant 6 : i32
      %swap3A_3290 = arith.index_cast %rem3A_105 : i32 to index
      %swap3A_3291 = arith.index_cast %swap3A_3288 : i32 to index
      %swap3A_3292 = arith.index_cast %swap3A_3289 : i32 to index
      %swap3A_3293 = arith.constant 96 : index
      %swap3A_3294 = tpu.vector_load %arg9[%swap3A_3290, %swap3A_3291, %swap3A_3292, %swap3A_3293] {strides = array<i32>} : memref<2x4x8x128xf32, #tpu.memory_space<vmem>>, vector<16xf32>,
      tpu.vector_store %arg9[%swap3A_3290, %swap3A_3291, %swap3A_3292, %swap3A_3293], %gather3A_3287 {strides = array<i32>} : memref<2x4x8x128xf32, #tpu.memory_space<vmem>>, vector<16xf32>,
      %add3A_3295 = arith.constant 15 : i32
      %add3A_3296 = vector.broadcast %add3A_3295 : i32 to vector<16xi32>
      %add3A_3297 = arith.addi %mul3A_3069, %add3A_3296 : vector<16xi32>
      %gather3A_3298 = arith.constant 0 : i32
      %gather3A_3299 = arith.constant 0 : i32
      %gather3A_3300 = tpu.memref_slice %arg8[%rem3A_103, %gather3A_3298, %gather3A_3299] : memref<4x128x128xf32, #tpu.memory_space<vmem>> -> memref<1x128x128xf32, #tpu.memory_space<vmem>>
      %gather3A_3301 = tpu.memref_squeeze %gather3A_3300 : memref<1x128x128xf32, #tpu.memory_space<vmem>> -> memref<128x128xf32, #tpu.memory_space<vmem>>
      %gather3A_3302 = tpu.vector_load_idx %gather3A_3301[%add3A_3063, %add3A_3297] : memref<128x128xf32, #tpu.memory_space<vmem>>[vector<16xi32>, vector<16xi32>], vector<16xf32>,
      %swap3A_3303 = arith.constant 1 : i32
      %swap3A_3304 = arith.constant 7 : i32
      %swap3A_3305 = arith.index_cast %rem3A_105 : i32 to index
      %swap3A_3306 = arith.index_cast %swap3A_3303 : i32 to index
      %swap3A_3307 = arith.index_cast %swap3A_3304 : i32 to index
      %swap3A_3308 = arith.constant 96 : index
      %swap3A_3309 = tpu.vector_load %arg9[%swap3A_3305, %swap3A_3306, %swap3A_3307, %swap3A_3308] {strides = array<i32>} : memref<2x4x8x128xf32, #tpu.memory_space<vmem>>, vector<16xf32>,
      tpu.vector_store %arg9[%swap3A_3305, %swap3A_3306, %swap3A_3307, %swap3A_3308], %gather3A_3302 {strides = array<i32>} : memref<2x4x8x128xf32, #tpu.memory_space<vmem>>, vector<16xf32>,
      %add3A_3310 = arith.constant 16 : i32
      %add3A_3311 = vector.broadcast %add3A_3310 : i32 to vector<16xi32>
      %add3A_3312 = arith.addi %mul3A_3069, %add3A_3311 : vector<16xi32>
      %gather3A_3313 = arith.constant 0 : i32
      %gather3A_3314 = arith.constant 0 : i32
      %gather3A_3315 = tpu.memref_slice %arg8[%rem3A_103, %gather3A_3313, %gather3A_3314] : memref<4x128x128xf32, #tpu.memory_space<vmem>> -> memref<1x128x128xf32, #tpu.memory_space<vmem>>
      %gather3A_3316 = tpu.memref_squeeze %gather3A_3315 : memref<1x128x128xf32, #tpu.memory_space<vmem>> -> memref<128x128xf32, #tpu.memory_space<vmem>>
      %gather3A_3317 = tpu.vector_load_idx %gather3A_3316[%add3A_3063, %add3A_3312] : memref<128x128xf32, #tpu.memory_space<vmem>>[vector<16xi32>, vector<16xi32>], vector<16xf32>,
      %swap3A_3318 = arith.constant 2 : i32
      %swap3A_3319 = arith.constant 0 : i32
      %swap3A_3320 = arith.index_cast %rem3A_105 : i32 to index
      %swap3A_3321 = arith.index_cast %swap3A_3318 : i32 to index
      %swap3A_3322 = arith.index_cast %swap3A_3319 : i32 to index
      %swap3A_3323 = arith.constant 96 : index
      %swap3A_3324 = tpu.vector_load %arg9[%swap3A_3320, %swap3A_3321, %swap3A_3322, %swap3A_3323] {strides = array<i32>} : memref<2x4x8x128xf32, #tpu.memory_space<vmem>>, vector<16xf32>,
      tpu.vector_store %arg9[%swap3A_3320, %swap3A_3321, %swap3A_3322, %swap3A_3323], %gather3A_3317 {strides = array<i32>} : memref<2x4x8x128xf32, #tpu.memory_space<vmem>>, vector<16xf32>,
      %add3A_3325 = arith.constant 17 : i32
      %add3A_3326 = vector.broadcast %add3A_3325 : i32 to vector<16xi32>
      %add3A_3327 = arith.addi %mul3A_3069, %add3A_3326 : vector<16xi32>
      %gather3A_3328 = arith.constant 0 : i32
      %gather3A_3329 = arith.constant 0 : i32
      %gather3A_3330 = tpu.memref_slice %arg8[%rem3A_103, %gather3A_3328, %gather3A_3329] : memref<4x128x128xf32, #tpu.memory_space<vmem>> -> memref<1x128x128xf32, #tpu.memory_space<vmem>>
      %gather3A_3331 = tpu.memref_squeeze %gather3A_3330 : memref<1x128x128xf32, #tpu.memory_space<vmem>> -> memref<128x128xf32, #tpu.memory_space<vmem>>
      %gather3A_3332 = tpu.vector_load_idx %gather3A_3331[%add3A_3063, %add3A_3327] : memref<128x128xf32, #tpu.memory_space<vmem>>[vector<16xi32>, vector<16xi32>], vector<16xf32>,
      %swap3A_3333 = arith.constant 2 : i32
      %swap3A_3334 = arith.constant 1 : i32
      %swap3A_3335 = arith.index_cast %rem3A_105 : i32 to index
      %swap3A_3336 = arith.index_cast %swap3A_3333 : i32 to index
      %swap3A_3337 = arith.index_cast %swap3A_3334 : i32 to index
      %swap3A_3338 = arith.constant 96 : index
      %swap3A_3339 = tpu.vector_load %arg9[%swap3A_3335, %swap3A_3336, %swap3A_3337, %swap3A_3338] {strides = array<i32>} : memref<2x4x8x128xf32, #tpu.memory_space<vmem>>, vector<16xf32>,
      tpu.vector_store %arg9[%swap3A_3335, %swap3A_3336, %swap3A_3337, %swap3A_3338], %gather3A_3332 {strides = array<i32>} : memref<2x4x8x128xf32, #tpu.memory_space<vmem>>, vector<16xf32>,
      %add3A_3340 = arith.constant 18 : i32
      %add3A_3341 = vector.broadcast %add3A_3340 : i32 to vector<16xi32>
      %add3A_3342 = arith.addi %mul3A_3069, %add3A_3341 : vector<16xi32>
      %gather3A_3343 = arith.constant 0 : i32
      %gather3A_3344 = arith.constant 0 : i32
      %gather3A_3345 = tpu.memref_slice %arg8[%rem3A_103, %gather3A_3343, %gather3A_3344] : memref<4x128x128xf32, #tpu.memory_space<vmem>> -> memref<1x128x128xf32, #tpu.memory_space<vmem>>
      %gather3A_3346 = tpu.memref_squeeze %gather3A_3345 : memref<1x128x128xf32, #tpu.memory_space<vmem>> -> memref<128x128xf32, #tpu.memory_space<vmem>>
      %gather3A_3347 = tpu.vector_load_idx %gather3A_3346[%add3A_3063, %add3A_3342] : memref<128x128xf32, #tpu.memory_space<vmem>>[vector<16xi32>, vector<16xi32>], vector<16xf32>,
      %swap3A_3348 = arith.constant 2 : i32
      %swap3A_3349 = arith.constant 2 : i32
      %swap3A_3350 = arith.index_cast %rem3A_105 : i32 to index
      %swap3A_3351 = arith.index_cast %swap3A_3348 : i32 to index
      %swap3A_3352 = arith.index_cast %swap3A_3349 : i32 to index
      %swap3A_3353 = arith.constant 96 : index
      %swap3A_3354 = tpu.vector_load %arg9[%swap3A_3350, %swap3A_3351, %swap3A_3352, %swap3A_3353] {strides = array<i32>} : memref<2x4x8x128xf32, #tpu.memory_space<vmem>>, vector<16xf32>,
      tpu.vector_store %arg9[%swap3A_3350, %swap3A_3351, %swap3A_3352, %swap3A_3353], %gather3A_3347 {strides = array<i32>} : memref<2x4x8x128xf32, #tpu.memory_space<vmem>>, vector<16xf32>,
      %add3A_3355 = arith.constant 19 : i32
      %add3A_3356 = vector.broadcast %add3A_3355 : i32 to vector<16xi32>
      %add3A_3357 = arith.addi %mul3A_3069, %add3A_3356 : vector<16xi32>
      %gather3A_3358 = arith.constant 0 : i32
      %gather3A_3359 = arith.constant 0 : i32
      %gather3A_3360 = tpu.memref_slice %arg8[%rem3A_103, %gather3A_3358, %gather3A_3359] : memref<4x128x128xf32, #tpu.memory_space<vmem>> -> memref<1x128x128xf32, #tpu.memory_space<vmem>>
      %gather3A_3361 = tpu.memref_squeeze %gather3A_3360 : memref<1x128x128xf32, #tpu.memory_space<vmem>> -> memref<128x128xf32, #tpu.memory_space<vmem>>
      %gather3A_3362 = tpu.vector_load_idx %gather3A_3361[%add3A_3063, %add3A_3357] : memref<128x128xf32, #tpu.memory_space<vmem>>[vector<16xi32>, vector<16xi32>], vector<16xf32>,
      %swap3A_3363 = arith.constant 2 : i32
      %swap3A_3364 = arith.constant 3 : i32
      %swap3A_3365 = arith.index_cast %rem3A_105 : i32 to index
      %swap3A_3366 = arith.index_cast %swap3A_3363 : i32 to index
      %swap3A_3367 = arith.index_cast %swap3A_3364 : i32 to index
      %swap3A_3368 = arith.constant 96 : index
      %swap3A_3369 = tpu.vector_load %arg9[%swap3A_3365, %swap3A_3366, %swap3A_3367, %swap3A_3368] {strides = array<i32>} : memref<2x4x8x128xf32, #tpu.memory_space<vmem>>, vector<16xf32>,
      tpu.vector_store %arg9[%swap3A_3365, %swap3A_3366, %swap3A_3367, %swap3A_3368], %gather3A_3362 {strides = array<i32>} : memref<2x4x8x128xf32, #tpu.memory_space<vmem>>, vector<16xf32>,
      %add3A_3370 = arith.constant 20 : i32
      %add3A_3371 = vector.broadcast %add3A_3370 : i32 to vector<16xi32>
      %add3A_3372 = arith.addi %mul3A_3069, %add3A_3371 : vector<16xi32>
      %gather3A_3373 = arith.constant 0 : i32
      %gather3A_3374 = arith.constant 0 : i32
      %gather3A_3375 = tpu.memref_slice %arg8[%rem3A_103, %gather3A_3373, %gather3A_3374] : memref<4x128x128xf32, #tpu.memory_space<vmem>> -> memref<1x128x128xf32, #tpu.memory_space<vmem>>
      %gather3A_3376 = tpu.memref_squeeze %gather3A_3375 : memref<1x128x128xf32, #tpu.memory_space<vmem>> -> memref<128x128xf32, #tpu.memory_space<vmem>>
      %gather3A_3377 = tpu.vector_load_idx %gather3A_3376[%add3A_3063, %add3A_3372] : memref<128x128xf32, #tpu.memory_space<vmem>>[vector<16xi32>, vector<16xi32>], vector<16xf32>,
      %swap3A_3378 = arith.constant 2 : i32
      %swap3A_3379 = arith.constant 4 : i32
      %swap3A_3380 = arith.index_cast %rem3A_105 : i32 to index
      %swap3A_3381 = arith.index_cast %swap3A_3378 : i32 to index
      %swap3A_3382 = arith.index_cast %swap3A_3379 : i32 to index
      %swap3A_3383 = arith.constant 96 : index
      %swap3A_3384 = tpu.vector_load %arg9[%swap3A_3380, %swap3A_3381, %swap3A_3382, %swap3A_3383] {strides = array<i32>} : memref<2x4x8x128xf32, #tpu.memory_space<vmem>>, vector<16xf32>,
      tpu.vector_store %arg9[%swap3A_3380, %swap3A_3381, %swap3A_3382, %swap3A_3383], %gather3A_3377 {strides = array<i32>} : memref<2x4x8x128xf32, #tpu.memory_space<vmem>>, vector<16xf32>,
      %add3A_3385 = arith.constant 21 : i32
      %add3A_3386 = vector.broadcast %add3A_3385 : i32 to vector<16xi32>
      %add3A_3387 = arith.addi %mul3A_3069, %add3A_3386 : vector<16xi32>
      %gather3A_3388 = arith.constant 0 : i32
      %gather3A_3389 = arith.constant 0 : i32
      %gather3A_3390 = tpu.memref_slice %arg8[%rem3A_103, %gather3A_3388, %gather3A_3389] : memref<4x128x128xf32, #tpu.memory_space<vmem>> -> memref<1x128x128xf32, #tpu.memory_space<vmem>>
      %gather3A_3391 = tpu.memref_squeeze %gather3A_3390 : memref<1x128x128xf32, #tpu.memory_space<vmem>> -> memref<128x128xf32, #tpu.memory_space<vmem>>
      %gather3A_3392 = tpu.vector_load_idx %gather3A_3391[%add3A_3063, %add3A_3387] : memref<128x128xf32, #tpu.memory_space<vmem>>[vector<16xi32>, vector<16xi32>], vector<16xf32>,
      %swap3A_3393 = arith.constant 2 : i32
      %swap3A_3394 = arith.constant 5 : i32
      %swap3A_3395 = arith.index_cast %rem3A_105 : i32 to index
      %swap3A_3396 = arith.index_cast %swap3A_3393 : i32 to index
      %swap3A_3397 = arith.index_cast %swap3A_3394 : i32 to index
      %swap3A_3398 = arith.constant 96 : index
      %swap3A_3399 = tpu.vector_load %arg9[%swap3A_3395, %swap3A_3396, %swap3A_3397, %swap3A_3398] {strides = array<i32>} : memref<2x4x8x128xf32, #tpu.memory_space<vmem>>, vector<16xf32>,
      tpu.vector_store %arg9[%swap3A_3395, %swap3A_3396, %swap3A_3397, %swap3A_3398], %gather3A_3392 {strides = array<i32>} : memref<2x4x8x128xf32, #tpu.memory_space<vmem>>, vector<16xf32>,
      %add3A_3400 = arith.constant 22 : i32
      %add3A_3401 = vector.broadcast %add3A_3400 : i32 to vector<16xi32>
      %add3A_3402 = arith.addi %mul3A_3069, %add3A_3401 : vector<16xi32>
      %gather3A_3403 = arith.constant 0 : i32
      %gather3A_3404 = arith.constant 0 : i32
      %gather3A_3405 = tpu.memref_slice %arg8[%rem3A_103, %gather3A_3403, %gather3A_3404] : memref<4x128x128xf32, #tpu.memory_space<vmem>> -> memref<1x128x128xf32, #tpu.memory_space<vmem>>
      %gather3A_3406 = tpu.memref_squeeze %gather3A_3405 : memref<1x128x128xf32, #tpu.memory_space<vmem>> -> memref<128x128xf32, #tpu.memory_space<vmem>>
      %gather3A_3407 = tpu.vector_load_idx %gather3A_3406[%add3A_3063, %add3A_3402] : memref<128x128xf32, #tpu.memory_space<vmem>>[vector<16xi32>, vector<16xi32>], vector<16xf32>,
      %swap3A_3408 = arith.constant 2 : i32
      %swap3A_3409 = arith.constant 6 : i32
      %swap3A_3410 = arith.index_cast %rem3A_105 : i32 to index
      %swap3A_3411 = arith.index_cast %swap3A_3408 : i32 to index
      %swap3A_3412 = arith.index_cast %swap3A_3409 : i32 to index
      %swap3A_3413 = arith.constant 96 : index
      %swap3A_3414 = tpu.vector_load %arg9[%swap3A_3410, %swap3A_3411, %swap3A_3412, %swap3A_3413] {strides = array<i32>} : memref<2x4x8x128xf32, #tpu.memory_space<vmem>>, vector<16xf32>,
      tpu.vector_store %arg9[%swap3A_3410, %swap3A_3411, %swap3A_3412, %swap3A_3413], %gather3A_3407 {strides = array<i32>} : memref<2x4x8x128xf32, #tpu.memory_space<vmem>>, vector<16xf32>,
      %add3A_3415 = arith.constant 23 : i32
      %add3A_3416 = vector.broadcast %add3A_3415 : i32 to vector<16xi32>
      %add3A_3417 = arith.addi %mul3A_3069, %add3A_3416 : vector<16xi32>
      %gather3A_3418 = arith.constant 0 : i32
      %gather3A_3419 = arith.constant 0 : i32
      %gather3A_3420 = tpu.memref_slice %arg8[%rem3A_103, %gather3A_3418, %gather3A_3419] : memref<4x128x128xf32, #tpu.memory_space<vmem>> -> memref<1x128x128xf32, #tpu.memory_space<vmem>>
      %gather3A_3421 = tpu.memref_squeeze %gather3A_3420 : memref<1x128x128xf32, #tpu.memory_space<vmem>> -> memref<128x128xf32, #tpu.memory_space<vmem>>
      %gather3A_3422 = tpu.vector_load_idx %gather3A_3421[%add3A_3063, %add3A_3417] : memref<128x128xf32, #tpu.memory_space<vmem>>[vector<16xi32>, vector<16xi32>], vector<16xf32>,
      %swap3A_3423 = arith.constant 2 : i32
      %swap3A_3424 = arith.constant 7 : i32
      %swap3A_3425 = arith.index_cast %rem3A_105 : i32 to index
      %swap3A_3426 = arith.index_cast %swap3A_3423 : i32 to index
      %swap3A_3427 = arith.index_cast %swap3A_3424 : i32 to index
      %swap3A_3428 = arith.constant 96 : index
      %swap3A_3429 = tpu.vector_load %arg9[%swap3A_3425, %swap3A_3426, %swap3A_3427, %swap3A_3428] {strides = array<i32>} : memref<2x4x8x128xf32, #tpu.memory_space<vmem>>, vector<16xf32>,
      tpu.vector_store %arg9[%swap3A_3425, %swap3A_3426, %swap3A_3427, %swap3A_3428], %gather3A_3422 {strides = array<i32>} : memref<2x4x8x128xf32, #tpu.memory_space<vmem>>, vector<16xf32>,
      %add3A_3430 = arith.constant 24 : i32
      %add3A_3431 = vector.broadcast %add3A_3430 : i32 to vector<16xi32>
      %add3A_3432 = arith.addi %mul3A_3069, %add3A_3431 : vector<16xi32>
      %gather3A_3433 = arith.constant 0 : i32
      %gather3A_3434 = arith.constant 0 : i32
      %gather3A_3435 = tpu.memref_slice %arg8[%rem3A_103, %gather3A_3433, %gather3A_3434] : memref<4x128x128xf32, #tpu.memory_space<vmem>> -> memref<1x128x128xf32, #tpu.memory_space<vmem>>
      %gather3A_3436 = tpu.memref_squeeze %gather3A_3435 : memref<1x128x128xf32, #tpu.memory_space<vmem>> -> memref<128x128xf32, #tpu.memory_space<vmem>>
      %gather3A_3437 = tpu.vector_load_idx %gather3A_3436[%add3A_3063, %add3A_3432] : memref<128x128xf32, #tpu.memory_space<vmem>>[vector<16xi32>, vector<16xi32>], vector<16xf32>,
      %swap3A_3438 = arith.constant 3 : i32
      %swap3A_3439 = arith.constant 0 : i32
      %swap3A_3440 = arith.index_cast %rem3A_105 : i32 to index
      %swap3A_3441 = arith.index_cast %swap3A_3438 : i32 to index
      %swap3A_3442 = arith.index_cast %swap3A_3439 : i32 to index
      %swap3A_3443 = arith.constant 96 : index
      %swap3A_3444 = tpu.vector_load %arg9[%swap3A_3440, %swap3A_3441, %swap3A_3442, %swap3A_3443] {strides = array<i32>} : memref<2x4x8x128xf32, #tpu.memory_space<vmem>>, vector<16xf32>,
      tpu.vector_store %arg9[%swap3A_3440, %swap3A_3441, %swap3A_3442, %swap3A_3443], %gather3A_3437 {strides = array<i32>} : memref<2x4x8x128xf32, #tpu.memory_space<vmem>>, vector<16xf32>,
      %add3A_3445 = arith.constant 25 : i32
      %add3A_3446 = vector.broadcast %add3A_3445 : i32 to vector<16xi32>
      %add3A_3447 = arith.addi %mul3A_3069, %add3A_3446 : vector<16xi32>
      %gather3A_3448 = arith.constant 0 : i32
      %gather3A_3449 = arith.constant 0 : i32
      %gather3A_3450 = tpu.memref_slice %arg8[%rem3A_103, %gather3A_3448, %gather3A_3449] : memref<4x128x128xf32, #tpu.memory_space<vmem>> -> memref<1x128x128xf32, #tpu.memory_space<vmem>>
      %gather3A_3451 = tpu.memref_squeeze %gather3A_3450 : memref<1x128x128xf32, #tpu.memory_space<vmem>> -> memref<128x128xf32, #tpu.memory_space<vmem>>
      %gather3A_3452 = tpu.vector_load_idx %gather3A_3451[%add3A_3063, %add3A_3447] : memref<128x128xf32, #tpu.memory_space<vmem>>[vector<16xi32>, vector<16xi32>], vector<16xf32>,
      %swap3A_3453 = arith.constant 3 : i32
      %swap3A_3454 = arith.constant 1 : i32
      %swap3A_3455 = arith.index_cast %rem3A_105 : i32 to index
      %swap3A_3456 = arith.index_cast %swap3A_3453 : i32 to index
      %swap3A_3457 = arith.index_cast %swap3A_3454 : i32 to index
      %swap3A_3458 = arith.constant 96 : index
      %swap3A_3459 = tpu.vector_load %arg9[%swap3A_3455, %swap3A_3456, %swap3A_3457, %swap3A_3458] {strides = array<i32>} : memref<2x4x8x128xf32, #tpu.memory_space<vmem>>, vector<16xf32>,
      tpu.vector_store %arg9[%swap3A_3455, %swap3A_3456, %swap3A_3457, %swap3A_3458], %gather3A_3452 {strides = array<i32>} : memref<2x4x8x128xf32, #tpu.memory_space<vmem>>, vector<16xf32>,
      %add3A_3460 = arith.constant 26 : i32
      %add3A_3461 = vector.broadcast %add3A_3460 : i32 to vector<16xi32>
      %add3A_3462 = arith.addi %mul3A_3069, %add3A_3461 : vector<16xi32>
      %gather3A_3463 = arith.constant 0 : i32
      %gather3A_3464 = arith.constant 0 : i32
      %gather3A_3465 = tpu.memref_slice %arg8[%rem3A_103, %gather3A_3463, %gather3A_3464] : memref<4x128x128xf32, #tpu.memory_space<vmem>> -> memref<1x128x128xf32, #tpu.memory_space<vmem>>
      %gather3A_3466 = tpu.memref_squeeze %gather3A_3465 : memref<1x128x128xf32, #tpu.memory_space<vmem>> -> memref<128x128xf32, #tpu.memory_space<vmem>>
      %gather3A_3467 = tpu.vector_load_idx %gather3A_3466[%add3A_3063, %add3A_3462] : memref<128x128xf32, #tpu.memory_space<vmem>>[vector<16xi32>, vector<16xi32>], vector<16xf32>,
      %swap3A_3468 = arith.constant 3 : i32
      %swap3A_3469 = arith.constant 2 : i32
      %swap3A_3470 = arith.index_cast %rem3A_105 : i32 to index
      %swap3A_3471 = arith.index_cast %swap3A_3468 : i32 to index
      %swap3A_3472 = arith.index_cast %swap3A_3469 : i32 to index
      %swap3A_3473 = arith.constant 96 : index
      %swap3A_3474 = tpu.vector_load %arg9[%swap3A_3470, %swap3A_3471, %swap3A_3472, %swap3A_3473] {strides = array<i32>} : memref<2x4x8x128xf32, #tpu.memory_space<vmem>>, vector<16xf32>,
      tpu.vector_store %arg9[%swap3A_3470, %swap3A_3471, %swap3A_3472, %swap3A_3473], %gather3A_3467 {strides = array<i32>} : memref<2x4x8x128xf32, #tpu.memory_space<vmem>>, vector<16xf32>,
      %add3A_3475 = arith.constant 27 : i32
      %add3A_3476 = vector.broadcast %add3A_3475 : i32 to vector<16xi32>
      %add3A_3477 = arith.addi %mul3A_3069, %add3A_3476 : vector<16xi32>
      %gather3A_3478 = arith.constant 0 : i32
      %gather3A_3479 = arith.constant 0 : i32
      %gather3A_3480 = tpu.memref_slice %arg8[%rem3A_103, %gather3A_3478, %gather3A_3479] : memref<4x128x128xf32, #tpu.memory_space<vmem>> -> memref<1x128x128xf32, #tpu.memory_space<vmem>>
      %gather3A_3481 = tpu.memref_squeeze %gather3A_3480 : memref<1x128x128xf32, #tpu.memory_space<vmem>> -> memref<128x128xf32, #tpu.memory_space<vmem>>
      %gather3A_3482 = tpu.vector_load_idx %gather3A_3481[%add3A_3063, %add3A_3477] : memref<128x128xf32, #tpu.memory_space<vmem>>[vector<16xi32>, vector<16xi32>], vector<16xf32>,
      %swap3A_3483 = arith.constant 3 : i32
      %swap3A_3484 = arith.constant 3 : i32
      %swap3A_3485 = arith.index_cast %rem3A_105 : i32 to index
      %swap3A_3486 = arith.index_cast %swap3A_3483 : i32 to index
      %swap3A_3487 = arith.index_cast %swap3A_3484 : i32 to index
      %swap3A_3488 = arith.constant 96 : index
      %swap3A_3489 = tpu.vector_load %arg9[%swap3A_3485, %swap3A_3486, %swap3A_3487, %swap3A_3488] {strides = array<i32>} : memref<2x4x8x128xf32, #tpu.memory_space<vmem>>, vector<16xf32>,
      tpu.vector_store %arg9[%swap3A_3485, %swap3A_3486, %swap3A_3487, %swap3A_3488], %gather3A_3482 {strides = array<i32>} : memref<2x4x8x128xf32, #tpu.memory_space<vmem>>, vector<16xf32>,
      %add3A_3490 = arith.constant 28 : i32
      %add3A_3491 = vector.broadcast %add3A_3490 : i32 to vector<16xi32>
      %add3A_3492 = arith.addi %mul3A_3069, %add3A_3491 : vector<16xi32>
      %gather3A_3493 = arith.constant 0 : i32
      %gather3A_3494 = arith.constant 0 : i32
      %gather3A_3495 = tpu.memref_slice %arg8[%rem3A_103, %gather3A_3493, %gather3A_3494] : memref<4x128x128xf32, #tpu.memory_space<vmem>> -> memref<1x128x128xf32, #tpu.memory_space<vmem>>
      %gather3A_3496 = tpu.memref_squeeze %gather3A_3495 : memref<1x128x128xf32, #tpu.memory_space<vmem>> -> memref<128x128xf32, #tpu.memory_space<vmem>>
      %gather3A_3497 = tpu.vector_load_idx %gather3A_3496[%add3A_3063, %add3A_3492] : memref<128x128xf32, #tpu.memory_space<vmem>>[vector<16xi32>, vector<16xi32>], vector<16xf32>,
      %swap3A_3498 = arith.constant 3 : i32
      %swap3A_3499 = arith.constant 4 : i32
      %swap3A_3500 = arith.index_cast %rem3A_105 : i32 to index
      %swap3A_3501 = arith.index_cast %swap3A_3498 : i32 to index
      %swap3A_3502 = arith.index_cast %swap3A_3499 : i32 to index
      %swap3A_3503 = arith.constant 96 : index
      %swap3A_3504 = tpu.vector_load %arg9[%swap3A_3500, %swap3A_3501, %swap3A_3502, %swap3A_3503] {strides = array<i32>} : memref<2x4x8x128xf32, #tpu.memory_space<vmem>>, vector<16xf32>,
      tpu.vector_store %arg9[%swap3A_3500, %swap3A_3501, %swap3A_3502, %swap3A_3503], %gather3A_3497 {strides = array<i32>} : memref<2x4x8x128xf32, #tpu.memory_space<vmem>>, vector<16xf32>,
      %add3A_3505 = arith.constant 29 : i32
      %add3A_3506 = vector.broadcast %add3A_3505 : i32 to vector<16xi32>
      %add3A_3507 = arith.addi %mul3A_3069, %add3A_3506 : vector<16xi32>
      %gather3A_3508 = arith.constant 0 : i32
      %gather3A_3509 = arith.constant 0 : i32
      %gather3A_3510 = tpu.memref_slice %arg8[%rem3A_103, %gather3A_3508, %gather3A_3509] : memref<4x128x128xf32, #tpu.memory_space<vmem>> -> memref<1x128x128xf32, #tpu.memory_space<vmem>>
      %gather3A_3511 = tpu.memref_squeeze %gather3A_3510 : memref<1x128x128xf32, #tpu.memory_space<vmem>> -> memref<128x128xf32, #tpu.memory_space<vmem>>
      %gather3A_3512 = tpu.vector_load_idx %gather3A_3511[%add3A_3063, %add3A_3507] : memref<128x128xf32, #tpu.memory_space<vmem>>[vector<16xi32>, vector<16xi32>], vector<16xf32>,
      %swap3A_3513 = arith.constant 3 : i32
      %swap3A_3514 = arith.constant 5 : i32
      %swap3A_3515 = arith.index_cast %rem3A_105 : i32 to index
      %swap3A_3516 = arith.index_cast %swap3A_3513 : i32 to index
      %swap3A_3517 = arith.index_cast %swap3A_3514 : i32 to index
      %swap3A_3518 = arith.constant 96 : index
      %swap3A_3519 = tpu.vector_load %arg9[%swap3A_3515, %swap3A_3516, %swap3A_3517, %swap3A_3518] {strides = array<i32>} : memref<2x4x8x128xf32, #tpu.memory_space<vmem>>, vector<16xf32>,
      tpu.vector_store %arg9[%swap3A_3515, %swap3A_3516, %swap3A_3517, %swap3A_3518], %gather3A_3512 {strides = array<i32>} : memref<2x4x8x128xf32, #tpu.memory_space<vmem>>, vector<16xf32>,
      %add3A_3520 = arith.constant 30 : i32
      %add3A_3521 = vector.broadcast %add3A_3520 : i32 to vector<16xi32>
      %add3A_3522 = arith.addi %mul3A_3069, %add3A_3521 : vector<16xi32>
      %gather3A_3523 = arith.constant 0 : i32
      %gather3A_3524 = arith.constant 0 : i32
      %gather3A_3525 = tpu.memref_slice %arg8[%rem3A_103, %gather3A_3523, %gather3A_3524] : memref<4x128x128xf32, #tpu.memory_space<vmem>> -> memref<1x128x128xf32, #tpu.memory_space<vmem>>
      %gather3A_3526 = tpu.memref_squeeze %gather3A_3525 : memref<1x128x128xf32, #tpu.memory_space<vmem>> -> memref<128x128xf32, #tpu.memory_space<vmem>>
      %gather3A_3527 = tpu.vector_load_idx %gather3A_3526[%add3A_3063, %add3A_3522] : memref<128x128xf32, #tpu.memory_space<vmem>>[vector<16xi32>, vector<16xi32>], vector<16xf32>,
      %swap3A_3528 = arith.constant 3 : i32
      %swap3A_3529 = arith.constant 6 : i32
      %swap3A_3530 = arith.index_cast %rem3A_105 : i32 to index
      %swap3A_3531 = arith.index_cast %swap3A_3528 : i32 to index
      %swap3A_3532 = arith.index_cast %swap3A_3529 : i32 to index
      %swap3A_3533 = arith.constant 96 : index
      %swap3A_3534 = tpu.vector_load %arg9[%swap3A_3530, %swap3A_3531, %swap3A_3532, %swap3A_3533] {strides = array<i32>} : memref<2x4x8x128xf32, #tpu.memory_space<vmem>>, vector<16xf32>,
      tpu.vector_store %arg9[%swap3A_3530, %swap3A_3531, %swap3A_3532, %swap3A_3533], %gather3A_3527 {strides = array<i32>} : memref<2x4x8x128xf32, #tpu.memory_space<vmem>>, vector<16xf32>,
      %add3A_3535 = arith.constant 31 : i32
      %add3A_3536 = vector.broadcast %add3A_3535 : i32 to vector<16xi32>
      %add3A_3537 = arith.addi %mul3A_3069, %add3A_3536 : vector<16xi32>
      %gather3A_3538 = arith.constant 0 : i32
      %gather3A_3539 = arith.constant 0 : i32
      %gather3A_3540 = tpu.memref_slice %arg8[%rem3A_103, %gather3A_3538, %gather3A_3539] : memref<4x128x128xf32, #tpu.memory_space<vmem>> -> memref<1x128x128xf32, #tpu.memory_space<vmem>>
      %gather3A_3541 = tpu.memref_squeeze %gather3A_3540 : memref<1x128x128xf32, #tpu.memory_space<vmem>> -> memref<128x128xf32, #tpu.memory_space<vmem>>
      %gather3A_3542 = tpu.vector_load_idx %gather3A_3541[%add3A_3063, %add3A_3537] : memref<128x128xf32, #tpu.memory_space<vmem>>[vector<16xi32>, vector<16xi32>], vector<16xf32>,
      %swap3A_3543 = arith.constant 3 : i32
      %swap3A_3544 = arith.constant 7 : i32
      %swap3A_3545 = arith.index_cast %rem3A_105 : i32 to index
      %swap3A_3546 = arith.index_cast %swap3A_3543 : i32 to index
      %swap3A_3547 = arith.index_cast %swap3A_3544 : i32 to index
      %swap3A_3548 = arith.constant 96 : index
      %swap3A_3549 = tpu.vector_load %arg9[%swap3A_3545, %swap3A_3546, %swap3A_3547, %swap3A_3548] {strides = array<i32>} : memref<2x4x8x128xf32, #tpu.memory_space<vmem>>, vector<16xf32>,
      tpu.vector_store %arg9[%swap3A_3545, %swap3A_3546, %swap3A_3547, %swap3A_3548], %gather3A_3542 {strides = array<i32>} : memref<2x4x8x128xf32, #tpu.memory_space<vmem>>, vector<16xf32>,
      %iota3A_3550 = tpu.iota {dimensions = array<i32: 0>} : vector<16xi32>
      %add3A_3551 = arith.constant 112 : i32
      %add3A_3552 = vector.broadcast %add3A_3551 : i32 to vector<16xi32>
      %add3A_3553 = arith.addi %add3A_3552, %iota3A_3550 : vector<16xi32>
      %get3A_3554 = arith.index_cast %scan3A_102 : i32 to index
      %get3A_3555 = arith.constant 112 : index
      %get3A_3556 = tpu.vector_load %arg7[%get3A_3554, %get3A_3555] {strides = array<i32>} : memref<200x128xi32, #tpu.memory_space<vmem>>, vector<16xi32>,
      %mul3A_3557 = arith.constant 32 : i32
      %mul3A_3558 = vector.broadcast %mul3A_3557 : i32 to vector<16xi32>
      %mul3A_3559 = arith.muli %get3A_3556, %mul3A_3558 : vector<16xi32>
      %add3A_3560 = arith.constant 0 : i32
      %add3A_3561 = vector.broadcast %add3A_3560 : i32 to vector<16xi32>
      %add3A_3562 = arith.addi %mul3A_3559, %add3A_3561 : vector<16xi32>
      %gather3A_3563 = arith.constant 0 : i32
      %gather3A_3564 = arith.constant 0 : i32
      %gather3A_3565 = tpu.memref_slice %arg8[%rem3A_103, %gather3A_3563, %gather3A_3564] : memref<4x128x128xf32, #tpu.memory_space<vmem>> -> memref<1x128x128xf32, #tpu.memory_space<vmem>>
      %gather3A_3566 = tpu.memref_squeeze %gather3A_3565 : memref<1x128x128xf32, #tpu.memory_space<vmem>> -> memref<128x128xf32, #tpu.memory_space<vmem>>
      %gather3A_3567 = tpu.vector_load_idx %gather3A_3566[%add3A_3553, %add3A_3562] : memref<128x128xf32, #tpu.memory_space<vmem>>[vector<16xi32>, vector<16xi32>], vector<16xf32>,
      %swap3A_3568 = arith.constant 0 : i32
      %swap3A_3569 = arith.constant 0 : i32
      %swap3A_3570 = arith.index_cast %rem3A_105 : i32 to index
      %swap3A_3571 = arith.index_cast %swap3A_3568 : i32 to index
      %swap3A_3572 = arith.index_cast %swap3A_3569 : i32 to index
      %swap3A_3573 = arith.constant 112 : index
      %swap3A_3574 = tpu.vector_load %arg9[%swap3A_3570, %swap3A_3571, %swap3A_3572, %swap3A_3573] {strides = array<i32>} : memref<2x4x8x128xf32, #tpu.memory_space<vmem>>, vector<16xf32>,
      tpu.vector_store %arg9[%swap3A_3570, %swap3A_3571, %swap3A_3572, %swap3A_3573], %gather3A_3567 {strides = array<i32>} : memref<2x4x8x128xf32, #tpu.memory_space<vmem>>, vector<16xf32>,
      %add3A_3575 = arith.constant 1 : i32
      %add3A_3576 = vector.broadcast %add3A_3575 : i32 to vector<16xi32>
      %add3A_3577 = arith.addi %mul3A_3559, %add3A_3576 : vector<16xi32>
      %gather3A_3578 = arith.constant 0 : i32
      %gather3A_3579 = arith.constant 0 : i32
      %gather3A_3580 = tpu.memref_slice %arg8[%rem3A_103, %gather3A_3578, %gather3A_3579] : memref<4x128x128xf32, #tpu.memory_space<vmem>> -> memref<1x128x128xf32, #tpu.memory_space<vmem>>
      %gather3A_3581 = tpu.memref_squeeze %gather3A_3580 : memref<1x128x128xf32, #tpu.memory_space<vmem>> -> memref<128x128xf32, #tpu.memory_space<vmem>>
      %gather3A_3582 = tpu.vector_load_idx %gather3A_3581[%add3A_3553, %add3A_3577] : memref<128x128xf32, #tpu.memory_space<vmem>>[vector<16xi32>, vector<16xi32>], vector<16xf32>,
      %swap3A_3583 = arith.constant 0 : i32
      %swap3A_3584 = arith.constant 1 : i32
      %swap3A_3585 = arith.index_cast %rem3A_105 : i32 to index
      %swap3A_3586 = arith.index_cast %swap3A_3583 : i32 to index
      %swap3A_3587 = arith.index_cast %swap3A_3584 : i32 to index
      %swap3A_3588 = arith.constant 112 : index
      %swap3A_3589 = tpu.vector_load %arg9[%swap3A_3585, %swap3A_3586, %swap3A_3587, %swap3A_3588] {strides = array<i32>} : memref<2x4x8x128xf32, #tpu.memory_space<vmem>>, vector<16xf32>,
      tpu.vector_store %arg9[%swap3A_3585, %swap3A_3586, %swap3A_3587, %swap3A_3588], %gather3A_3582 {strides = array<i32>} : memref<2x4x8x128xf32, #tpu.memory_space<vmem>>, vector<16xf32>,
      %add3A_3590 = arith.constant 2 : i32
      %add3A_3591 = vector.broadcast %add3A_3590 : i32 to vector<16xi32>
      %add3A_3592 = arith.addi %mul3A_3559, %add3A_3591 : vector<16xi32>
      %gather3A_3593 = arith.constant 0 : i32
      %gather3A_3594 = arith.constant 0 : i32
      %gather3A_3595 = tpu.memref_slice %arg8[%rem3A_103, %gather3A_3593, %gather3A_3594] : memref<4x128x128xf32, #tpu.memory_space<vmem>> -> memref<1x128x128xf32, #tpu.memory_space<vmem>>
      %gather3A_3596 = tpu.memref_squeeze %gather3A_3595 : memref<1x128x128xf32, #tpu.memory_space<vmem>> -> memref<128x128xf32, #tpu.memory_space<vmem>>
      %gather3A_3597 = tpu.vector_load_idx %gather3A_3596[%add3A_3553, %add3A_3592] : memref<128x128xf32, #tpu.memory_space<vmem>>[vector<16xi32>, vector<16xi32>], vector<16xf32>,
      %swap3A_3598 = arith.constant 0 : i32
      %swap3A_3599 = arith.constant 2 : i32
      %swap3A_3600 = arith.index_cast %rem3A_105 : i32 to index
      %swap3A_3601 = arith.index_cast %swap3A_3598 : i32 to index
      %swap3A_3602 = arith.index_cast %swap3A_3599 : i32 to index
      %swap3A_3603 = arith.constant 112 : index
      %swap3A_3604 = tpu.vector_load %arg9[%swap3A_3600, %swap3A_3601, %swap3A_3602, %swap3A_3603] {strides = array<i32>} : memref<2x4x8x128xf32, #tpu.memory_space<vmem>>, vector<16xf32>,
      tpu.vector_store %arg9[%swap3A_3600, %swap3A_3601, %swap3A_3602, %swap3A_3603], %gather3A_3597 {strides = array<i32>} : memref<2x4x8x128xf32, #tpu.memory_space<vmem>>, vector<16xf32>,
      %add3A_3605 = arith.constant 3 : i32
      %add3A_3606 = vector.broadcast %add3A_3605 : i32 to vector<16xi32>
      %add3A_3607 = arith.addi %mul3A_3559, %add3A_3606 : vector<16xi32>
      %gather3A_3608 = arith.constant 0 : i32
      %gather3A_3609 = arith.constant 0 : i32
      %gather3A_3610 = tpu.memref_slice %arg8[%rem3A_103, %gather3A_3608, %gather3A_3609] : memref<4x128x128xf32, #tpu.memory_space<vmem>> -> memref<1x128x128xf32, #tpu.memory_space<vmem>>
      %gather3A_3611 = tpu.memref_squeeze %gather3A_3610 : memref<1x128x128xf32, #tpu.memory_space<vmem>> -> memref<128x128xf32, #tpu.memory_space<vmem>>
      %gather3A_3612 = tpu.vector_load_idx %gather3A_3611[%add3A_3553, %add3A_3607] : memref<128x128xf32, #tpu.memory_space<vmem>>[vector<16xi32>, vector<16xi32>], vector<16xf32>,
      %swap3A_3613 = arith.constant 0 : i32
      %swap3A_3614 = arith.constant 3 : i32
      %swap3A_3615 = arith.index_cast %rem3A_105 : i32 to index
      %swap3A_3616 = arith.index_cast %swap3A_3613 : i32 to index
      %swap3A_3617 = arith.index_cast %swap3A_3614 : i32 to index
      %swap3A_3618 = arith.constant 112 : index
      %swap3A_3619 = tpu.vector_load %arg9[%swap3A_3615, %swap3A_3616, %swap3A_3617, %swap3A_3618] {strides = array<i32>} : memref<2x4x8x128xf32, #tpu.memory_space<vmem>>, vector<16xf32>,
      tpu.vector_store %arg9[%swap3A_3615, %swap3A_3616, %swap3A_3617, %swap3A_3618], %gather3A_3612 {strides = array<i32>} : memref<2x4x8x128xf32, #tpu.memory_space<vmem>>, vector<16xf32>,
      %add3A_3620 = arith.constant 4 : i32
      %add3A_3621 = vector.broadcast %add3A_3620 : i32 to vector<16xi32>
      %add3A_3622 = arith.addi %mul3A_3559, %add3A_3621 : vector<16xi32>
      %gather3A_3623 = arith.constant 0 : i32
      %gather3A_3624 = arith.constant 0 : i32
      %gather3A_3625 = tpu.memref_slice %arg8[%rem3A_103, %gather3A_3623, %gather3A_3624] : memref<4x128x128xf32, #tpu.memory_space<vmem>> -> memref<1x128x128xf32, #tpu.memory_space<vmem>>
      %gather3A_3626 = tpu.memref_squeeze %gather3A_3625 : memref<1x128x128xf32, #tpu.memory_space<vmem>> -> memref<128x128xf32, #tpu.memory_space<vmem>>
      %gather3A_3627 = tpu.vector_load_idx %gather3A_3626[%add3A_3553, %add3A_3622] : memref<128x128xf32, #tpu.memory_space<vmem>>[vector<16xi32>, vector<16xi32>], vector<16xf32>,
      %swap3A_3628 = arith.constant 0 : i32
      %swap3A_3629 = arith.constant 4 : i32
      %swap3A_3630 = arith.index_cast %rem3A_105 : i32 to index
      %swap3A_3631 = arith.index_cast %swap3A_3628 : i32 to index
      %swap3A_3632 = arith.index_cast %swap3A_3629 : i32 to index
      %swap3A_3633 = arith.constant 112 : index
      %swap3A_3634 = tpu.vector_load %arg9[%swap3A_3630, %swap3A_3631, %swap3A_3632, %swap3A_3633] {strides = array<i32>} : memref<2x4x8x128xf32, #tpu.memory_space<vmem>>, vector<16xf32>,
      tpu.vector_store %arg9[%swap3A_3630, %swap3A_3631, %swap3A_3632, %swap3A_3633], %gather3A_3627 {strides = array<i32>} : memref<2x4x8x128xf32, #tpu.memory_space<vmem>>, vector<16xf32>,
      %add3A_3635 = arith.constant 5 : i32
      %add3A_3636 = vector.broadcast %add3A_3635 : i32 to vector<16xi32>
      %add3A_3637 = arith.addi %mul3A_3559, %add3A_3636 : vector<16xi32>
      %gather3A_3638 = arith.constant 0 : i32
      %gather3A_3639 = arith.constant 0 : i32
      %gather3A_3640 = tpu.memref_slice %arg8[%rem3A_103, %gather3A_3638, %gather3A_3639] : memref<4x128x128xf32, #tpu.memory_space<vmem>> -> memref<1x128x128xf32, #tpu.memory_space<vmem>>
      %gather3A_3641 = tpu.memref_squeeze %gather3A_3640 : memref<1x128x128xf32, #tpu.memory_space<vmem>> -> memref<128x128xf32, #tpu.memory_space<vmem>>
      %gather3A_3642 = tpu.vector_load_idx %gather3A_3641[%add3A_3553, %add3A_3637] : memref<128x128xf32, #tpu.memory_space<vmem>>[vector<16xi32>, vector<16xi32>], vector<16xf32>,
      %swap3A_3643 = arith.constant 0 : i32
      %swap3A_3644 = arith.constant 5 : i32
      %swap3A_3645 = arith.index_cast %rem3A_105 : i32 to index
      %swap3A_3646 = arith.index_cast %swap3A_3643 : i32 to index
      %swap3A_3647 = arith.index_cast %swap3A_3644 : i32 to index
      %swap3A_3648 = arith.constant 112 : index
      %swap3A_3649 = tpu.vector_load %arg9[%swap3A_3645, %swap3A_3646, %swap3A_3647, %swap3A_3648] {strides = array<i32>} : memref<2x4x8x128xf32, #tpu.memory_space<vmem>>, vector<16xf32>,
      tpu.vector_store %arg9[%swap3A_3645, %swap3A_3646, %swap3A_3647, %swap3A_3648], %gather3A_3642 {strides = array<i32>} : memref<2x4x8x128xf32, #tpu.memory_space<vmem>>, vector<16xf32>,
      %add3A_3650 = arith.constant 6 : i32
      %add3A_3651 = vector.broadcast %add3A_3650 : i32 to vector<16xi32>
      %add3A_3652 = arith.addi %mul3A_3559, %add3A_3651 : vector<16xi32>
      %gather3A_3653 = arith.constant 0 : i32
      %gather3A_3654 = arith.constant 0 : i32
      %gather3A_3655 = tpu.memref_slice %arg8[%rem3A_103, %gather3A_3653, %gather3A_3654] : memref<4x128x128xf32, #tpu.memory_space<vmem>> -> memref<1x128x128xf32, #tpu.memory_space<vmem>>
      %gather3A_3656 = tpu.memref_squeeze %gather3A_3655 : memref<1x128x128xf32, #tpu.memory_space<vmem>> -> memref<128x128xf32, #tpu.memory_space<vmem>>
      %gather3A_3657 = tpu.vector_load_idx %gather3A_3656[%add3A_3553, %add3A_3652] : memref<128x128xf32, #tpu.memory_space<vmem>>[vector<16xi32>, vector<16xi32>], vector<16xf32>,
      %swap3A_3658 = arith.constant 0 : i32
      %swap3A_3659 = arith.constant 6 : i32
      %swap3A_3660 = arith.index_cast %rem3A_105 : i32 to index
      %swap3A_3661 = arith.index_cast %swap3A_3658 : i32 to index
      %swap3A_3662 = arith.index_cast %swap3A_3659 : i32 to index
      %swap3A_3663 = arith.constant 112 : index
      %swap3A_3664 = tpu.vector_load %arg9[%swap3A_3660, %swap3A_3661, %swap3A_3662, %swap3A_3663] {strides = array<i32>} : memref<2x4x8x128xf32, #tpu.memory_space<vmem>>, vector<16xf32>,
      tpu.vector_store %arg9[%swap3A_3660, %swap3A_3661, %swap3A_3662, %swap3A_3663], %gather3A_3657 {strides = array<i32>} : memref<2x4x8x128xf32, #tpu.memory_space<vmem>>, vector<16xf32>,
      %add3A_3665 = arith.constant 7 : i32
      %add3A_3666 = vector.broadcast %add3A_3665 : i32 to vector<16xi32>
      %add3A_3667 = arith.addi %mul3A_3559, %add3A_3666 : vector<16xi32>
      %gather3A_3668 = arith.constant 0 : i32
      %gather3A_3669 = arith.constant 0 : i32
      %gather3A_3670 = tpu.memref_slice %arg8[%rem3A_103, %gather3A_3668, %gather3A_3669] : memref<4x128x128xf32, #tpu.memory_space<vmem>> -> memref<1x128x128xf32, #tpu.memory_space<vmem>>
      %gather3A_3671 = tpu.memref_squeeze %gather3A_3670 : memref<1x128x128xf32, #tpu.memory_space<vmem>> -> memref<128x128xf32, #tpu.memory_space<vmem>>
      %gather3A_3672 = tpu.vector_load_idx %gather3A_3671[%add3A_3553, %add3A_3667] : memref<128x128xf32, #tpu.memory_space<vmem>>[vector<16xi32>, vector<16xi32>], vector<16xf32>,
      %swap3A_3673 = arith.constant 0 : i32
      %swap3A_3674 = arith.constant 7 : i32
      %swap3A_3675 = arith.index_cast %rem3A_105 : i32 to index
      %swap3A_3676 = arith.index_cast %swap3A_3673 : i32 to index
      %swap3A_3677 = arith.index_cast %swap3A_3674 : i32 to index
      %swap3A_3678 = arith.constant 112 : index
      %swap3A_3679 = tpu.vector_load %arg9[%swap3A_3675, %swap3A_3676, %swap3A_3677, %swap3A_3678] {strides = array<i32>} : memref<2x4x8x128xf32, #tpu.memory_space<vmem>>, vector<16xf32>,
      tpu.vector_store %arg9[%swap3A_3675, %swap3A_3676, %swap3A_3677, %swap3A_3678], %gather3A_3672 {strides = array<i32>} : memref<2x4x8x128xf32, #tpu.memory_space<vmem>>, vector<16xf32>,
      %add3A_3680 = arith.constant 8 : i32
      %add3A_3681 = vector.broadcast %add3A_3680 : i32 to vector<16xi32>
      %add3A_3682 = arith.addi %mul3A_3559, %add3A_3681 : vector<16xi32>
      %gather3A_3683 = arith.constant 0 : i32
      %gather3A_3684 = arith.constant 0 : i32
      %gather3A_3685 = tpu.memref_slice %arg8[%rem3A_103, %gather3A_3683, %gather3A_3684] : memref<4x128x128xf32, #tpu.memory_space<vmem>> -> memref<1x128x128xf32, #tpu.memory_space<vmem>>
      %gather3A_3686 = tpu.memref_squeeze %gather3A_3685 : memref<1x128x128xf32, #tpu.memory_space<vmem>> -> memref<128x128xf32, #tpu.memory_space<vmem>>
      %gather3A_3687 = tpu.vector_load_idx %gather3A_3686[%add3A_3553, %add3A_3682] : memref<128x128xf32, #tpu.memory_space<vmem>>[vector<16xi32>, vector<16xi32>], vector<16xf32>,
      %swap3A_3688 = arith.constant 1 : i32
      %swap3A_3689 = arith.constant 0 : i32
      %swap3A_3690 = arith.index_cast %rem3A_105 : i32 to index
      %swap3A_3691 = arith.index_cast %swap3A_3688 : i32 to index
      %swap3A_3692 = arith.index_cast %swap3A_3689 : i32 to index
      %swap3A_3693 = arith.constant 112 : index
      %swap3A_3694 = tpu.vector_load %arg9[%swap3A_3690, %swap3A_3691, %swap3A_3692, %swap3A_3693] {strides = array<i32>} : memref<2x4x8x128xf32, #tpu.memory_space<vmem>>, vector<16xf32>,
      tpu.vector_store %arg9[%swap3A_3690, %swap3A_3691, %swap3A_3692, %swap3A_3693], %gather3A_3687 {strides = array<i32>} : memref<2x4x8x128xf32, #tpu.memory_space<vmem>>, vector<16xf32>,
      %add3A_3695 = arith.constant 9 : i32
      %add3A_3696 = vector.broadcast %add3A_3695 : i32 to vector<16xi32>
      %add3A_3697 = arith.addi %mul3A_3559, %add3A_3696 : vector<16xi32>
      %gather3A_3698 = arith.constant 0 : i32
      %gather3A_3699 = arith.constant 0 : i32
      %gather3A_3700 = tpu.memref_slice %arg8[%rem3A_103, %gather3A_3698, %gather3A_3699] : memref<4x128x128xf32, #tpu.memory_space<vmem>> -> memref<1x128x128xf32, #tpu.memory_space<vmem>>
      %gather3A_3701 = tpu.memref_squeeze %gather3A_3700 : memref<1x128x128xf32, #tpu.memory_space<vmem>> -> memref<128x128xf32, #tpu.memory_space<vmem>>
      %gather3A_3702 = tpu.vector_load_idx %gather3A_3701[%add3A_3553, %add3A_3697] : memref<128x128xf32, #tpu.memory_space<vmem>>[vector<16xi32>, vector<16xi32>], vector<16xf32>,
      %swap3A_3703 = arith.constant 1 : i32
      %swap3A_3704 = arith.constant 1 : i32
      %swap3A_3705 = arith.index_cast %rem3A_105 : i32 to index
      %swap3A_3706 = arith.index_cast %swap3A_3703 : i32 to index
      %swap3A_3707 = arith.index_cast %swap3A_3704 : i32 to index
      %swap3A_3708 = arith.constant 112 : index
      %swap3A_3709 = tpu.vector_load %arg9[%swap3A_3705, %swap3A_3706, %swap3A_3707, %swap3A_3708] {strides = array<i32>} : memref<2x4x8x128xf32, #tpu.memory_space<vmem>>, vector<16xf32>,
      tpu.vector_store %arg9[%swap3A_3705, %swap3A_3706, %swap3A_3707, %swap3A_3708], %gather3A_3702 {strides = array<i32>} : memref<2x4x8x128xf32, #tpu.memory_space<vmem>>, vector<16xf32>,
      %add3A_3710 = arith.constant 10 : i32
      %add3A_3711 = vector.broadcast %add3A_3710 : i32 to vector<16xi32>
      %add3A_3712 = arith.addi %mul3A_3559, %add3A_3711 : vector<16xi32>
      %gather3A_3713 = arith.constant 0 : i32
      %gather3A_3714 = arith.constant 0 : i32
      %gather3A_3715 = tpu.memref_slice %arg8[%rem3A_103, %gather3A_3713, %gather3A_3714] : memref<4x128x128xf32, #tpu.memory_space<vmem>> -> memref<1x128x128xf32, #tpu.memory_space<vmem>>
      %gather3A_3716 = tpu.memref_squeeze %gather3A_3715 : memref<1x128x128xf32, #tpu.memory_space<vmem>> -> memref<128x128xf32, #tpu.memory_space<vmem>>
      %gather3A_3717 = tpu.vector_load_idx %gather3A_3716[%add3A_3553, %add3A_3712] : memref<128x128xf32, #tpu.memory_space<vmem>>[vector<16xi32>, vector<16xi32>], vector<16xf32>,
      %swap3A_3718 = arith.constant 1 : i32
      %swap3A_3719 = arith.constant 2 : i32
      %swap3A_3720 = arith.index_cast %rem3A_105 : i32 to index
      %swap3A_3721 = arith.index_cast %swap3A_3718 : i32 to index
      %swap3A_3722 = arith.index_cast %swap3A_3719 : i32 to index
      %swap3A_3723 = arith.constant 112 : index
      %swap3A_3724 = tpu.vector_load %arg9[%swap3A_3720, %swap3A_3721, %swap3A_3722, %swap3A_3723] {strides = array<i32>} : memref<2x4x8x128xf32, #tpu.memory_space<vmem>>, vector<16xf32>,
      tpu.vector_store %arg9[%swap3A_3720, %swap3A_3721, %swap3A_3722, %swap3A_3723], %gather3A_3717 {strides = array<i32>} : memref<2x4x8x128xf32, #tpu.memory_space<vmem>>, vector<16xf32>,
      %add3A_3725 = arith.constant 11 : i32
      %add3A_3726 = vector.broadcast %add3A_3725 : i32 to vector<16xi32>
      %add3A_3727 = arith.addi %mul3A_3559, %add3A_3726 : vector<16xi32>
      %gather3A_3728 = arith.constant 0 : i32
      %gather3A_3729 = arith.constant 0 : i32
      %gather3A_3730 = tpu.memref_slice %arg8[%rem3A_103, %gather3A_3728, %gather3A_3729] : memref<4x128x128xf32, #tpu.memory_space<vmem>> -> memref<1x128x128xf32, #tpu.memory_space<vmem>>
      %gather3A_3731 = tpu.memref_squeeze %gather3A_3730 : memref<1x128x128xf32, #tpu.memory_space<vmem>> -> memref<128x128xf32, #tpu.memory_space<vmem>>
      %gather3A_3732 = tpu.vector_load_idx %gather3A_3731[%add3A_3553, %add3A_3727] : memref<128x128xf32, #tpu.memory_space<vmem>>[vector<16xi32>, vector<16xi32>], vector<16xf32>,
      %swap3A_3733 = arith.constant 1 : i32
      %swap3A_3734 = arith.constant 3 : i32
      %swap3A_3735 = arith.index_cast %rem3A_105 : i32 to index
      %swap3A_3736 = arith.index_cast %swap3A_3733 : i32 to index
      %swap3A_3737 = arith.index_cast %swap3A_3734 : i32 to index
      %swap3A_3738 = arith.constant 112 : index
      %swap3A_3739 = tpu.vector_load %arg9[%swap3A_3735, %swap3A_3736, %swap3A_3737, %swap3A_3738] {strides = array<i32>} : memref<2x4x8x128xf32, #tpu.memory_space<vmem>>, vector<16xf32>,
      tpu.vector_store %arg9[%swap3A_3735, %swap3A_3736, %swap3A_3737, %swap3A_3738], %gather3A_3732 {strides = array<i32>} : memref<2x4x8x128xf32, #tpu.memory_space<vmem>>, vector<16xf32>,
      %add3A_3740 = arith.constant 12 : i32
      %add3A_3741 = vector.broadcast %add3A_3740 : i32 to vector<16xi32>
      %add3A_3742 = arith.addi %mul3A_3559, %add3A_3741 : vector<16xi32>
      %gather3A_3743 = arith.constant 0 : i32
      %gather3A_3744 = arith.constant 0 : i32
      %gather3A_3745 = tpu.memref_slice %arg8[%rem3A_103, %gather3A_3743, %gather3A_3744] : memref<4x128x128xf32, #tpu.memory_space<vmem>> -> memref<1x128x128xf32, #tpu.memory_space<vmem>>
      %gather3A_3746 = tpu.memref_squeeze %gather3A_3745 : memref<1x128x128xf32, #tpu.memory_space<vmem>> -> memref<128x128xf32, #tpu.memory_space<vmem>>
      %gather3A_3747 = tpu.vector_load_idx %gather3A_3746[%add3A_3553, %add3A_3742] : memref<128x128xf32, #tpu.memory_space<vmem>>[vector<16xi32>, vector<16xi32>], vector<16xf32>,
      %swap3A_3748 = arith.constant 1 : i32
      %swap3A_3749 = arith.constant 4 : i32
      %swap3A_3750 = arith.index_cast %rem3A_105 : i32 to index
      %swap3A_3751 = arith.index_cast %swap3A_3748 : i32 to index
      %swap3A_3752 = arith.index_cast %swap3A_3749 : i32 to index
      %swap3A_3753 = arith.constant 112 : index
      %swap3A_3754 = tpu.vector_load %arg9[%swap3A_3750, %swap3A_3751, %swap3A_3752, %swap3A_3753] {strides = array<i32>} : memref<2x4x8x128xf32, #tpu.memory_space<vmem>>, vector<16xf32>,
      tpu.vector_store %arg9[%swap3A_3750, %swap3A_3751, %swap3A_3752, %swap3A_3753], %gather3A_3747 {strides = array<i32>} : memref<2x4x8x128xf32, #tpu.memory_space<vmem>>, vector<16xf32>,
      %add3A_3755 = arith.constant 13 : i32
      %add3A_3756 = vector.broadcast %add3A_3755 : i32 to vector<16xi32>
      %add3A_3757 = arith.addi %mul3A_3559, %add3A_3756 : vector<16xi32>
      %gather3A_3758 = arith.constant 0 : i32
      %gather3A_3759 = arith.constant 0 : i32
      %gather3A_3760 = tpu.memref_slice %arg8[%rem3A_103, %gather3A_3758, %gather3A_3759] : memref<4x128x128xf32, #tpu.memory_space<vmem>> -> memref<1x128x128xf32, #tpu.memory_space<vmem>>
      %gather3A_3761 = tpu.memref_squeeze %gather3A_3760 : memref<1x128x128xf32, #tpu.memory_space<vmem>> -> memref<128x128xf32, #tpu.memory_space<vmem>>
      %gather3A_3762 = tpu.vector_load_idx %gather3A_3761[%add3A_3553, %add3A_3757] : memref<128x128xf32, #tpu.memory_space<vmem>>[vector<16xi32>, vector<16xi32>], vector<16xf32>,
      %swap3A_3763 = arith.constant 1 : i32
      %swap3A_3764 = arith.constant 5 : i32
      %swap3A_3765 = arith.index_cast %rem3A_105 : i32 to index
      %swap3A_3766 = arith.index_cast %swap3A_3763 : i32 to index
      %swap3A_3767 = arith.index_cast %swap3A_3764 : i32 to index
      %swap3A_3768 = arith.constant 112 : index
      %swap3A_3769 = tpu.vector_load %arg9[%swap3A_3765, %swap3A_3766, %swap3A_3767, %swap3A_3768] {strides = array<i32>} : memref<2x4x8x128xf32, #tpu.memory_space<vmem>>, vector<16xf32>,
      tpu.vector_store %arg9[%swap3A_3765, %swap3A_3766, %swap3A_3767, %swap3A_3768], %gather3A_3762 {strides = array<i32>} : memref<2x4x8x128xf32, #tpu.memory_space<vmem>>, vector<16xf32>,
      %add3A_3770 = arith.constant 14 : i32
      %add3A_3771 = vector.broadcast %add3A_3770 : i32 to vector<16xi32>
      %add3A_3772 = arith.addi %mul3A_3559, %add3A_3771 : vector<16xi32>
      %gather3A_3773 = arith.constant 0 : i32
      %gather3A_3774 = arith.constant 0 : i32
      %gather3A_3775 = tpu.memref_slice %arg8[%rem3A_103, %gather3A_3773, %gather3A_3774] : memref<4x128x128xf32, #tpu.memory_space<vmem>> -> memref<1x128x128xf32, #tpu.memory_space<vmem>>
      %gather3A_3776 = tpu.memref_squeeze %gather3A_3775 : memref<1x128x128xf32, #tpu.memory_space<vmem>> -> memref<128x128xf32, #tpu.memory_space<vmem>>
      %gather3A_3777 = tpu.vector_load_idx %gather3A_3776[%add3A_3553, %add3A_3772] : memref<128x128xf32, #tpu.memory_space<vmem>>[vector<16xi32>, vector<16xi32>], vector<16xf32>,
      %swap3A_3778 = arith.constant 1 : i32
      %swap3A_3779 = arith.constant 6 : i32
      %swap3A_3780 = arith.index_cast %rem3A_105 : i32 to index
      %swap3A_3781 = arith.index_cast %swap3A_3778 : i32 to index
      %swap3A_3782 = arith.index_cast %swap3A_3779 : i32 to index
      %swap3A_3783 = arith.constant 112 : index
      %swap3A_3784 = tpu.vector_load %arg9[%swap3A_3780, %swap3A_3781, %swap3A_3782, %swap3A_3783] {strides = array<i32>} : memref<2x4x8x128xf32, #tpu.memory_space<vmem>>, vector<16xf32>,
      tpu.vector_store %arg9[%swap3A_3780, %swap3A_3781, %swap3A_3782, %swap3A_3783], %gather3A_3777 {strides = array<i32>} : memref<2x4x8x128xf32, #tpu.memory_space<vmem>>, vector<16xf32>,
      %add3A_3785 = arith.constant 15 : i32
      %add3A_3786 = vector.broadcast %add3A_3785 : i32 to vector<16xi32>
      %add3A_3787 = arith.addi %mul3A_3559, %add3A_3786 : vector<16xi32>
      %gather3A_3788 = arith.constant 0 : i32
      %gather3A_3789 = arith.constant 0 : i32
      %gather3A_3790 = tpu.memref_slice %arg8[%rem3A_103, %gather3A_3788, %gather3A_3789] : memref<4x128x128xf32, #tpu.memory_space<vmem>> -> memref<1x128x128xf32, #tpu.memory_space<vmem>>
      %gather3A_3791 = tpu.memref_squeeze %gather3A_3790 : memref<1x128x128xf32, #tpu.memory_space<vmem>> -> memref<128x128xf32, #tpu.memory_space<vmem>>
      %gather3A_3792 = tpu.vector_load_idx %gather3A_3791[%add3A_3553, %add3A_3787] : memref<128x128xf32, #tpu.memory_space<vmem>>[vector<16xi32>, vector<16xi32>], vector<16xf32>,
      %swap3A_3793 = arith.constant 1 : i32
      %swap3A_3794 = arith.constant 7 : i32
      %swap3A_3795 = arith.index_cast %rem3A_105 : i32 to index
      %swap3A_3796 = arith.index_cast %swap3A_3793 : i32 to index
      %swap3A_3797 = arith.index_cast %swap3A_3794 : i32 to index
      %swap3A_3798 = arith.constant 112 : index
      %swap3A_3799 = tpu.vector_load %arg9[%swap3A_3795, %swap3A_3796, %swap3A_3797, %swap3A_3798] {strides = array<i32>} : memref<2x4x8x128xf32, #tpu.memory_space<vmem>>, vector<16xf32>,
      tpu.vector_store %arg9[%swap3A_3795, %swap3A_3796, %swap3A_3797, %swap3A_3798], %gather3A_3792 {strides = array<i32>} : memref<2x4x8x128xf32, #tpu.memory_space<vmem>>, vector<16xf32>,
      %add3A_3800 = arith.constant 16 : i32
      %add3A_3801 = vector.broadcast %add3A_3800 : i32 to vector<16xi32>
      %add3A_3802 = arith.addi %mul3A_3559, %add3A_3801 : vector<16xi32>
      %gather3A_3803 = arith.constant 0 : i32
      %gather3A_3804 = arith.constant 0 : i32
      %gather3A_3805 = tpu.memref_slice %arg8[%rem3A_103, %gather3A_3803, %gather3A_3804] : memref<4x128x128xf32, #tpu.memory_space<vmem>> -> memref<1x128x128xf32, #tpu.memory_space<vmem>>
      %gather3A_3806 = tpu.memref_squeeze %gather3A_3805 : memref<1x128x128xf32, #tpu.memory_space<vmem>> -> memref<128x128xf32, #tpu.memory_space<vmem>>
      %gather3A_3807 = tpu.vector_load_idx %gather3A_3806[%add3A_3553, %add3A_3802] : memref<128x128xf32, #tpu.memory_space<vmem>>[vector<16xi32>, vector<16xi32>], vector<16xf32>,
      %swap3A_3808 = arith.constant 2 : i32
      %swap3A_3809 = arith.constant 0 : i32
      %swap3A_3810 = arith.index_cast %rem3A_105 : i32 to index
      %swap3A_3811 = arith.index_cast %swap3A_3808 : i32 to index
      %swap3A_3812 = arith.index_cast %swap3A_3809 : i32 to index
      %swap3A_3813 = arith.constant 112 : index
      %swap3A_3814 = tpu.vector_load %arg9[%swap3A_3810, %swap3A_3811, %swap3A_3812, %swap3A_3813] {strides = array<i32>} : memref<2x4x8x128xf32, #tpu.memory_space<vmem>>, vector<16xf32>,
      tpu.vector_store %arg9[%swap3A_3810, %swap3A_3811, %swap3A_3812, %swap3A_3813], %gather3A_3807 {strides = array<i32>} : memref<2x4x8x128xf32, #tpu.memory_space<vmem>>, vector<16xf32>,
      %add3A_3815 = arith.constant 17 : i32
      %add3A_3816 = vector.broadcast %add3A_3815 : i32 to vector<16xi32>
      %add3A_3817 = arith.addi %mul3A_3559, %add3A_3816 : vector<16xi32>
      %gather3A_3818 = arith.constant 0 : i32
      %gather3A_3819 = arith.constant 0 : i32
      %gather3A_3820 = tpu.memref_slice %arg8[%rem3A_103, %gather3A_3818, %gather3A_3819] : memref<4x128x128xf32, #tpu.memory_space<vmem>> -> memref<1x128x128xf32, #tpu.memory_space<vmem>>
      %gather3A_3821 = tpu.memref_squeeze %gather3A_3820 : memref<1x128x128xf32, #tpu.memory_space<vmem>> -> memref<128x128xf32, #tpu.memory_space<vmem>>
      %gather3A_3822 = tpu.vector_load_idx %gather3A_3821[%add3A_3553, %add3A_3817] : memref<128x128xf32, #tpu.memory_space<vmem>>[vector<16xi32>, vector<16xi32>], vector<16xf32>,
      %swap3A_3823 = arith.constant 2 : i32
      %swap3A_3824 = arith.constant 1 : i32
      %swap3A_3825 = arith.index_cast %rem3A_105 : i32 to index
      %swap3A_3826 = arith.index_cast %swap3A_3823 : i32 to index
      %swap3A_3827 = arith.index_cast %swap3A_3824 : i32 to index
      %swap3A_3828 = arith.constant 112 : index
      %swap3A_3829 = tpu.vector_load %arg9[%swap3A_3825, %swap3A_3826, %swap3A_3827, %swap3A_3828] {strides = array<i32>} : memref<2x4x8x128xf32, #tpu.memory_space<vmem>>, vector<16xf32>,
      tpu.vector_store %arg9[%swap3A_3825, %swap3A_3826, %swap3A_3827, %swap3A_3828], %gather3A_3822 {strides = array<i32>} : memref<2x4x8x128xf32, #tpu.memory_space<vmem>>, vector<16xf32>,
      %add3A_3830 = arith.constant 18 : i32
      %add3A_3831 = vector.broadcast %add3A_3830 : i32 to vector<16xi32>
      %add3A_3832 = arith.addi %mul3A_3559, %add3A_3831 : vector<16xi32>
      %gather3A_3833 = arith.constant 0 : i32
      %gather3A_3834 = arith.constant 0 : i32
      %gather3A_3835 = tpu.memref_slice %arg8[%rem3A_103, %gather3A_3833, %gather3A_3834] : memref<4x128x128xf32, #tpu.memory_space<vmem>> -> memref<1x128x128xf32, #tpu.memory_space<vmem>>
      %gather3A_3836 = tpu.memref_squeeze %gather3A_3835 : memref<1x128x128xf32, #tpu.memory_space<vmem>> -> memref<128x128xf32, #tpu.memory_space<vmem>>
      %gather3A_3837 = tpu.vector_load_idx %gather3A_3836[%add3A_3553, %add3A_3832] : memref<128x128xf32, #tpu.memory_space<vmem>>[vector<16xi32>, vector<16xi32>], vector<16xf32>,
      %swap3A_3838 = arith.constant 2 : i32
      %swap3A_3839 = arith.constant 2 : i32
      %swap3A_3840 = arith.index_cast %rem3A_105 : i32 to index
      %swap3A_3841 = arith.index_cast %swap3A_3838 : i32 to index
      %swap3A_3842 = arith.index_cast %swap3A_3839 : i32 to index
      %swap3A_3843 = arith.constant 112 : index
      %swap3A_3844 = tpu.vector_load %arg9[%swap3A_3840, %swap3A_3841, %swap3A_3842, %swap3A_3843] {strides = array<i32>} : memref<2x4x8x128xf32, #tpu.memory_space<vmem>>, vector<16xf32>,
      tpu.vector_store %arg9[%swap3A_3840, %swap3A_3841, %swap3A_3842, %swap3A_3843], %gather3A_3837 {strides = array<i32>} : memref<2x4x8x128xf32, #tpu.memory_space<vmem>>, vector<16xf32>,
      %add3A_3845 = arith.constant 19 : i32
      %add3A_3846 = vector.broadcast %add3A_3845 : i32 to vector<16xi32>
      %add3A_3847 = arith.addi %mul3A_3559, %add3A_3846 : vector<16xi32>
      %gather3A_3848 = arith.constant 0 : i32
      %gather3A_3849 = arith.constant 0 : i32
      %gather3A_3850 = tpu.memref_slice %arg8[%rem3A_103, %gather3A_3848, %gather3A_3849] : memref<4x128x128xf32, #tpu.memory_space<vmem>> -> memref<1x128x128xf32, #tpu.memory_space<vmem>>
      %gather3A_3851 = tpu.memref_squeeze %gather3A_3850 : memref<1x128x128xf32, #tpu.memory_space<vmem>> -> memref<128x128xf32, #tpu.memory_space<vmem>>
      %gather3A_3852 = tpu.vector_load_idx %gather3A_3851[%add3A_3553, %add3A_3847] : memref<128x128xf32, #tpu.memory_space<vmem>>[vector<16xi32>, vector<16xi32>], vector<16xf32>,
      %swap3A_3853 = arith.constant 2 : i32
      %swap3A_3854 = arith.constant 3 : i32
      %swap3A_3855 = arith.index_cast %rem3A_105 : i32 to index
      %swap3A_3856 = arith.index_cast %swap3A_3853 : i32 to index
      %swap3A_3857 = arith.index_cast %swap3A_3854 : i32 to index
      %swap3A_3858 = arith.constant 112 : index
      %swap3A_3859 = tpu.vector_load %arg9[%swap3A_3855, %swap3A_3856, %swap3A_3857, %swap3A_3858] {strides = array<i32>} : memref<2x4x8x128xf32, #tpu.memory_space<vmem>>, vector<16xf32>,
      tpu.vector_store %arg9[%swap3A_3855, %swap3A_3856, %swap3A_3857, %swap3A_3858], %gather3A_3852 {strides = array<i32>} : memref<2x4x8x128xf32, #tpu.memory_space<vmem>>, vector<16xf32>,
      %add3A_3860 = arith.constant 20 : i32
      %add3A_3861 = vector.broadcast %add3A_3860 : i32 to vector<16xi32>
      %add3A_3862 = arith.addi %mul3A_3559, %add3A_3861 : vector<16xi32>
      %gather3A_3863 = arith.constant 0 : i32
      %gather3A_3864 = arith.constant 0 : i32
      %gather3A_3865 = tpu.memref_slice %arg8[%rem3A_103, %gather3A_3863, %gather3A_3864] : memref<4x128x128xf32, #tpu.memory_space<vmem>> -> memref<1x128x128xf32, #tpu.memory_space<vmem>>
      %gather3A_3866 = tpu.memref_squeeze %gather3A_3865 : memref<1x128x128xf32, #tpu.memory_space<vmem>> -> memref<128x128xf32, #tpu.memory_space<vmem>>
      %gather3A_3867 = tpu.vector_load_idx %gather3A_3866[%add3A_3553, %add3A_3862] : memref<128x128xf32, #tpu.memory_space<vmem>>[vector<16xi32>, vector<16xi32>], vector<16xf32>,
      %swap3A_3868 = arith.constant 2 : i32
      %swap3A_3869 = arith.constant 4 : i32
      %swap3A_3870 = arith.index_cast %rem3A_105 : i32 to index
      %swap3A_3871 = arith.index_cast %swap3A_3868 : i32 to index
      %swap3A_3872 = arith.index_cast %swap3A_3869 : i32 to index
      %swap3A_3873 = arith.constant 112 : index
      %swap3A_3874 = tpu.vector_load %arg9[%swap3A_3870, %swap3A_3871, %swap3A_3872, %swap3A_3873] {strides = array<i32>} : memref<2x4x8x128xf32, #tpu.memory_space<vmem>>, vector<16xf32>,
      tpu.vector_store %arg9[%swap3A_3870, %swap3A_3871, %swap3A_3872, %swap3A_3873], %gather3A_3867 {strides = array<i32>} : memref<2x4x8x128xf32, #tpu.memory_space<vmem>>, vector<16xf32>,
      %add3A_3875 = arith.constant 21 : i32
      %add3A_3876 = vector.broadcast %add3A_3875 : i32 to vector<16xi32>
      %add3A_3877 = arith.addi %mul3A_3559, %add3A_3876 : vector<16xi32>
      %gather3A_3878 = arith.constant 0 : i32
      %gather3A_3879 = arith.constant 0 : i32
      %gather3A_3880 = tpu.memref_slice %arg8[%rem3A_103, %gather3A_3878, %gather3A_3879] : memref<4x128x128xf32, #tpu.memory_space<vmem>> -> memref<1x128x128xf32, #tpu.memory_space<vmem>>
      %gather3A_3881 = tpu.memref_squeeze %gather3A_3880 : memref<1x128x128xf32, #tpu.memory_space<vmem>> -> memref<128x128xf32, #tpu.memory_space<vmem>>
      %gather3A_3882 = tpu.vector_load_idx %gather3A_3881[%add3A_3553, %add3A_3877] : memref<128x128xf32, #tpu.memory_space<vmem>>[vector<16xi32>, vector<16xi32>], vector<16xf32>,
      %swap3A_3883 = arith.constant 2 : i32
      %swap3A_3884 = arith.constant 5 : i32
      %swap3A_3885 = arith.index_cast %rem3A_105 : i32 to index
      %swap3A_3886 = arith.index_cast %swap3A_3883 : i32 to index
      %swap3A_3887 = arith.index_cast %swap3A_3884 : i32 to index
      %swap3A_3888 = arith.constant 112 : index
      %swap3A_3889 = tpu.vector_load %arg9[%swap3A_3885, %swap3A_3886, %swap3A_3887, %swap3A_3888] {strides = array<i32>} : memref<2x4x8x128xf32, #tpu.memory_space<vmem>>, vector<16xf32>,
      tpu.vector_store %arg9[%swap3A_3885, %swap3A_3886, %swap3A_3887, %swap3A_3888], %gather3A_3882 {strides = array<i32>} : memref<2x4x8x128xf32, #tpu.memory_space<vmem>>, vector<16xf32>,
      %add3A_3890 = arith.constant 22 : i32
      %add3A_3891 = vector.broadcast %add3A_3890 : i32 to vector<16xi32>
      %add3A_3892 = arith.addi %mul3A_3559, %add3A_3891 : vector<16xi32>
      %gather3A_3893 = arith.constant 0 : i32
      %gather3A_3894 = arith.constant 0 : i32
      %gather3A_3895 = tpu.memref_slice %arg8[%rem3A_103, %gather3A_3893, %gather3A_3894] : memref<4x128x128xf32, #tpu.memory_space<vmem>> -> memref<1x128x128xf32, #tpu.memory_space<vmem>>
      %gather3A_3896 = tpu.memref_squeeze %gather3A_3895 : memref<1x128x128xf32, #tpu.memory_space<vmem>> -> memref<128x128xf32, #tpu.memory_space<vmem>>
      %gather3A_3897 = tpu.vector_load_idx %gather3A_3896[%add3A_3553, %add3A_3892] : memref<128x128xf32, #tpu.memory_space<vmem>>[vector<16xi32>, vector<16xi32>], vector<16xf32>,
      %swap3A_3898 = arith.constant 2 : i32
      %swap3A_3899 = arith.constant 6 : i32
      %swap3A_3900 = arith.index_cast %rem3A_105 : i32 to index
      %swap3A_3901 = arith.index_cast %swap3A_3898 : i32 to index
      %swap3A_3902 = arith.index_cast %swap3A_3899 : i32 to index
      %swap3A_3903 = arith.constant 112 : index
      %swap3A_3904 = tpu.vector_load %arg9[%swap3A_3900, %swap3A_3901, %swap3A_3902, %swap3A_3903] {strides = array<i32>} : memref<2x4x8x128xf32, #tpu.memory_space<vmem>>, vector<16xf32>,
      tpu.vector_store %arg9[%swap3A_3900, %swap3A_3901, %swap3A_3902, %swap3A_3903], %gather3A_3897 {strides = array<i32>} : memref<2x4x8x128xf32, #tpu.memory_space<vmem>>, vector<16xf32>,
      %add3A_3905 = arith.constant 23 : i32
      %add3A_3906 = vector.broadcast %add3A_3905 : i32 to vector<16xi32>
      %add3A_3907 = arith.addi %mul3A_3559, %add3A_3906 : vector<16xi32>
      %gather3A_3908 = arith.constant 0 : i32
      %gather3A_3909 = arith.constant 0 : i32
      %gather3A_3910 = tpu.memref_slice %arg8[%rem3A_103, %gather3A_3908, %gather3A_3909] : memref<4x128x128xf32, #tpu.memory_space<vmem>> -> memref<1x128x128xf32, #tpu.memory_space<vmem>>
      %gather3A_3911 = tpu.memref_squeeze %gather3A_3910 : memref<1x128x128xf32, #tpu.memory_space<vmem>> -> memref<128x128xf32, #tpu.memory_space<vmem>>
      %gather3A_3912 = tpu.vector_load_idx %gather3A_3911[%add3A_3553, %add3A_3907] : memref<128x128xf32, #tpu.memory_space<vmem>>[vector<16xi32>, vector<16xi32>], vector<16xf32>,
      %swap3A_3913 = arith.constant 2 : i32
      %swap3A_3914 = arith.constant 7 : i32
      %swap3A_3915 = arith.index_cast %rem3A_105 : i32 to index
      %swap3A_3916 = arith.index_cast %swap3A_3913 : i32 to index
      %swap3A_3917 = arith.index_cast %swap3A_3914 : i32 to index
      %swap3A_3918 = arith.constant 112 : index
      %swap3A_3919 = tpu.vector_load %arg9[%swap3A_3915, %swap3A_3916, %swap3A_3917, %swap3A_3918] {strides = array<i32>} : memref<2x4x8x128xf32, #tpu.memory_space<vmem>>, vector<16xf32>,
      tpu.vector_store %arg9[%swap3A_3915, %swap3A_3916, %swap3A_3917, %swap3A_3918], %gather3A_3912 {strides = array<i32>} : memref<2x4x8x128xf32, #tpu.memory_space<vmem>>, vector<16xf32>,
      %add3A_3920 = arith.constant 24 : i32
      %add3A_3921 = vector.broadcast %add3A_3920 : i32 to vector<16xi32>
      %add3A_3922 = arith.addi %mul3A_3559, %add3A_3921 : vector<16xi32>
      %gather3A_3923 = arith.constant 0 : i32
      %gather3A_3924 = arith.constant 0 : i32
      %gather3A_3925 = tpu.memref_slice %arg8[%rem3A_103, %gather3A_3923, %gather3A_3924] : memref<4x128x128xf32, #tpu.memory_space<vmem>> -> memref<1x128x128xf32, #tpu.memory_space<vmem>>
      %gather3A_3926 = tpu.memref_squeeze %gather3A_3925 : memref<1x128x128xf32, #tpu.memory_space<vmem>> -> memref<128x128xf32, #tpu.memory_space<vmem>>
      %gather3A_3927 = tpu.vector_load_idx %gather3A_3926[%add3A_3553, %add3A_3922] : memref<128x128xf32, #tpu.memory_space<vmem>>[vector<16xi32>, vector<16xi32>], vector<16xf32>,
      %swap3A_3928 = arith.constant 3 : i32
      %swap3A_3929 = arith.constant 0 : i32
      %swap3A_3930 = arith.index_cast %rem3A_105 : i32 to index
      %swap3A_3931 = arith.index_cast %swap3A_3928 : i32 to index
      %swap3A_3932 = arith.index_cast %swap3A_3929 : i32 to index
      %swap3A_3933 = arith.constant 112 : index
      %swap3A_3934 = tpu.vector_load %arg9[%swap3A_3930, %swap3A_3931, %swap3A_3932, %swap3A_3933] {strides = array<i32>} : memref<2x4x8x128xf32, #tpu.memory_space<vmem>>, vector<16xf32>,
      tpu.vector_store %arg9[%swap3A_3930, %swap3A_3931, %swap3A_3932, %swap3A_3933], %gather3A_3927 {strides = array<i32>} : memref<2x4x8x128xf32, #tpu.memory_space<vmem>>, vector<16xf32>,
      %add3A_3935 = arith.constant 25 : i32
      %add3A_3936 = vector.broadcast %add3A_3935 : i32 to vector<16xi32>
      %add3A_3937 = arith.addi %mul3A_3559, %add3A_3936 : vector<16xi32>
      %gather3A_3938 = arith.constant 0 : i32
      %gather3A_3939 = arith.constant 0 : i32
      %gather3A_3940 = tpu.memref_slice %arg8[%rem3A_103, %gather3A_3938, %gather3A_3939] : memref<4x128x128xf32, #tpu.memory_space<vmem>> -> memref<1x128x128xf32, #tpu.memory_space<vmem>>
      %gather3A_3941 = tpu.memref_squeeze %gather3A_3940 : memref<1x128x128xf32, #tpu.memory_space<vmem>> -> memref<128x128xf32, #tpu.memory_space<vmem>>
      %gather3A_3942 = tpu.vector_load_idx %gather3A_3941[%add3A_3553, %add3A_3937] : memref<128x128xf32, #tpu.memory_space<vmem>>[vector<16xi32>, vector<16xi32>], vector<16xf32>,
      %swap3A_3943 = arith.constant 3 : i32
      %swap3A_3944 = arith.constant 1 : i32
      %swap3A_3945 = arith.index_cast %rem3A_105 : i32 to index
      %swap3A_3946 = arith.index_cast %swap3A_3943 : i32 to index
      %swap3A_3947 = arith.index_cast %swap3A_3944 : i32 to index
      %swap3A_3948 = arith.constant 112 : index
      %swap3A_3949 = tpu.vector_load %arg9[%swap3A_3945, %swap3A_3946, %swap3A_3947, %swap3A_3948] {strides = array<i32>} : memref<2x4x8x128xf32, #tpu.memory_space<vmem>>, vector<16xf32>,
      tpu.vector_store %arg9[%swap3A_3945, %swap3A_3946, %swap3A_3947, %swap3A_3948], %gather3A_3942 {strides = array<i32>} : memref<2x4x8x128xf32, #tpu.memory_space<vmem>>, vector<16xf32>,
      %add3A_3950 = arith.constant 26 : i32
      %add3A_3951 = vector.broadcast %add3A_3950 : i32 to vector<16xi32>
      %add3A_3952 = arith.addi %mul3A_3559, %add3A_3951 : vector<16xi32>
      %gather3A_3953 = arith.constant 0 : i32
      %gather3A_3954 = arith.constant 0 : i32
      %gather3A_3955 = tpu.memref_slice %arg8[%rem3A_103, %gather3A_3953, %gather3A_3954] : memref<4x128x128xf32, #tpu.memory_space<vmem>> -> memref<1x128x128xf32, #tpu.memory_space<vmem>>
      %gather3A_3956 = tpu.memref_squeeze %gather3A_3955 : memref<1x128x128xf32, #tpu.memory_space<vmem>> -> memref<128x128xf32, #tpu.memory_space<vmem>>
      %gather3A_3957 = tpu.vector_load_idx %gather3A_3956[%add3A_3553, %add3A_3952] : memref<128x128xf32, #tpu.memory_space<vmem>>[vector<16xi32>, vector<16xi32>], vector<16xf32>,
      %swap3A_3958 = arith.constant 3 : i32
      %swap3A_3959 = arith.constant 2 : i32
      %swap3A_3960 = arith.index_cast %rem3A_105 : i32 to index
      %swap3A_3961 = arith.index_cast %swap3A_3958 : i32 to index
      %swap3A_3962 = arith.index_cast %swap3A_3959 : i32 to index
      %swap3A_3963 = arith.constant 112 : index
      %swap3A_3964 = tpu.vector_load %arg9[%swap3A_3960, %swap3A_3961, %swap3A_3962, %swap3A_3963] {strides = array<i32>} : memref<2x4x8x128xf32, #tpu.memory_space<vmem>>, vector<16xf32>,
      tpu.vector_store %arg9[%swap3A_3960, %swap3A_3961, %swap3A_3962, %swap3A_3963], %gather3A_3957 {strides = array<i32>} : memref<2x4x8x128xf32, #tpu.memory_space<vmem>>, vector<16xf32>,
      %add3A_3965 = arith.constant 27 : i32
      %add3A_3966 = vector.broadcast %add3A_3965 : i32 to vector<16xi32>
      %add3A_3967 = arith.addi %mul3A_3559, %add3A_3966 : vector<16xi32>
      %gather3A_3968 = arith.constant 0 : i32
      %gather3A_3969 = arith.constant 0 : i32
      %gather3A_3970 = tpu.memref_slice %arg8[%rem3A_103, %gather3A_3968, %gather3A_3969] : memref<4x128x128xf32, #tpu.memory_space<vmem>> -> memref<1x128x128xf32, #tpu.memory_space<vmem>>
      %gather3A_3971 = tpu.memref_squeeze %gather3A_3970 : memref<1x128x128xf32, #tpu.memory_space<vmem>> -> memref<128x128xf32, #tpu.memory_space<vmem>>
      %gather3A_3972 = tpu.vector_load_idx %gather3A_3971[%add3A_3553, %add3A_3967] : memref<128x128xf32, #tpu.memory_space<vmem>>[vector<16xi32>, vector<16xi32>], vector<16xf32>,
      %swap3A_3973 = arith.constant 3 : i32
      %swap3A_3974 = arith.constant 3 : i32
      %swap3A_3975 = arith.index_cast %rem3A_105 : i32 to index
      %swap3A_3976 = arith.index_cast %swap3A_3973 : i32 to index
      %swap3A_3977 = arith.index_cast %swap3A_3974 : i32 to index
      %swap3A_3978 = arith.constant 112 : index
      %swap3A_3979 = tpu.vector_load %arg9[%swap3A_3975, %swap3A_3976, %swap3A_3977, %swap3A_3978] {strides = array<i32>} : memref<2x4x8x128xf32, #tpu.memory_space<vmem>>, vector<16xf32>,
      tpu.vector_store %arg9[%swap3A_3975, %swap3A_3976, %swap3A_3977, %swap3A_3978], %gather3A_3972 {strides = array<i32>} : memref<2x4x8x128xf32, #tpu.memory_space<vmem>>, vector<16xf32>,
      %add3A_3980 = arith.constant 28 : i32
      %add3A_3981 = vector.broadcast %add3A_3980 : i32 to vector<16xi32>
      %add3A_3982 = arith.addi %mul3A_3559, %add3A_3981 : vector<16xi32>
      %gather3A_3983 = arith.constant 0 : i32
      %gather3A_3984 = arith.constant 0 : i32
      %gather3A_3985 = tpu.memref_slice %arg8[%rem3A_103, %gather3A_3983, %gather3A_3984] : memref<4x128x128xf32, #tpu.memory_space<vmem>> -> memref<1x128x128xf32, #tpu.memory_space<vmem>>
      %gather3A_3986 = tpu.memref_squeeze %gather3A_3985 : memref<1x128x128xf32, #tpu.memory_space<vmem>> -> memref<128x128xf32, #tpu.memory_space<vmem>>
      %gather3A_3987 = tpu.vector_load_idx %gather3A_3986[%add3A_3553, %add3A_3982] : memref<128x128xf32, #tpu.memory_space<vmem>>[vector<16xi32>, vector<16xi32>], vector<16xf32>,
      %swap3A_3988 = arith.constant 3 : i32
      %swap3A_3989 = arith.constant 4 : i32
      %swap3A_3990 = arith.index_cast %rem3A_105 : i32 to index
      %swap3A_3991 = arith.index_cast %swap3A_3988 : i32 to index
      %swap3A_3992 = arith.index_cast %swap3A_3989 : i32 to index
      %swap3A_3993 = arith.constant 112 : index
      %swap3A_3994 = tpu.vector_load %arg9[%swap3A_3990, %swap3A_3991, %swap3A_3992, %swap3A_3993] {strides = array<i32>} : memref<2x4x8x128xf32, #tpu.memory_space<vmem>>, vector<16xf32>,
      tpu.vector_store %arg9[%swap3A_3990, %swap3A_3991, %swap3A_3992, %swap3A_3993], %gather3A_3987 {strides = array<i32>} : memref<2x4x8x128xf32, #tpu.memory_space<vmem>>, vector<16xf32>,
      %add3A_3995 = arith.constant 29 : i32
      %add3A_3996 = vector.broadcast %add3A_3995 : i32 to vector<16xi32>
      %add3A_3997 = arith.addi %mul3A_3559, %add3A_3996 : vector<16xi32>
      %gather3A_3998 = arith.constant 0 : i32
      %gather3A_3999 = arith.constant 0 : i32
      %gather3A_4000 = tpu.memref_slice %arg8[%rem3A_103, %gather3A_3998, %gather3A_3999] : memref<4x128x128xf32, #tpu.memory_space<vmem>> -> memref<1x128x128xf32, #tpu.memory_space<vmem>>
      %gather3A_4001 = tpu.memref_squeeze %gather3A_4000 : memref<1x128x128xf32, #tpu.memory_space<vmem>> -> memref<128x128xf32, #tpu.memory_space<vmem>>
      %gather3A_4002 = tpu.vector_load_idx %gather3A_4001[%add3A_3553, %add3A_3997] : memref<128x128xf32, #tpu.memory_space<vmem>>[vector<16xi32>, vector<16xi32>], vector<16xf32>,
      %swap3A_4003 = arith.constant 3 : i32
      %swap3A_4004 = arith.constant 5 : i32
      %swap3A_4005 = arith.index_cast %rem3A_105 : i32 to index
      %swap3A_4006 = arith.index_cast %swap3A_4003 : i32 to index
      %swap3A_4007 = arith.index_cast %swap3A_4004 : i32 to index
      %swap3A_4008 = arith.constant 112 : index
      %swap3A_4009 = tpu.vector_load %arg9[%swap3A_4005, %swap3A_4006, %swap3A_4007, %swap3A_4008] {strides = array<i32>} : memref<2x4x8x128xf32, #tpu.memory_space<vmem>>, vector<16xf32>,
      tpu.vector_store %arg9[%swap3A_4005, %swap3A_4006, %swap3A_4007, %swap3A_4008], %gather3A_4002 {strides = array<i32>} : memref<2x4x8x128xf32, #tpu.memory_space<vmem>>, vector<16xf32>,
      %add3A_4010 = arith.constant 30 : i32
      %add3A_4011 = vector.broadcast %add3A_4010 : i32 to vector<16xi32>
      %add3A_4012 = arith.addi %mul3A_3559, %add3A_4011 : vector<16xi32>
      %gather3A_4013 = arith.constant 0 : i32
      %gather3A_4014 = arith.constant 0 : i32
      %gather3A_4015 = tpu.memref_slice %arg8[%rem3A_103, %gather3A_4013, %gather3A_4014] : memref<4x128x128xf32, #tpu.memory_space<vmem>> -> memref<1x128x128xf32, #tpu.memory_space<vmem>>
      %gather3A_4016 = tpu.memref_squeeze %gather3A_4015 : memref<1x128x128xf32, #tpu.memory_space<vmem>> -> memref<128x128xf32, #tpu.memory_space<vmem>>
      %gather3A_4017 = tpu.vector_load_idx %gather3A_4016[%add3A_3553, %add3A_4012] : memref<128x128xf32, #tpu.memory_space<vmem>>[vector<16xi32>, vector<16xi32>], vector<16xf32>,
      %swap3A_4018 = arith.constant 3 : i32
      %swap3A_4019 = arith.constant 6 : i32
      %swap3A_4020 = arith.index_cast %rem3A_105 : i32 to index
      %swap3A_4021 = arith.index_cast %swap3A_4018 : i32 to index
      %swap3A_4022 = arith.index_cast %swap3A_4019 : i32 to index
      %swap3A_4023 = arith.constant 112 : index
      %swap3A_4024 = tpu.vector_load %arg9[%swap3A_4020, %swap3A_4021, %swap3A_4022, %swap3A_4023] {strides = array<i32>} : memref<2x4x8x128xf32, #tpu.memory_space<vmem>>, vector<16xf32>,
      tpu.vector_store %arg9[%swap3A_4020, %swap3A_4021, %swap3A_4022, %swap3A_4023], %gather3A_4017 {strides = array<i32>} : memref<2x4x8x128xf32, #tpu.memory_space<vmem>>, vector<16xf32>,
      %add3A_4025 = arith.constant 31 : i32
      %add3A_4026 = vector.broadcast %add3A_4025 : i32 to vector<16xi32>
      %add3A_4027 = arith.addi %mul3A_3559, %add3A_4026 : vector<16xi32>
      %gather3A_4028 = arith.constant 0 : i32
      %gather3A_4029 = arith.constant 0 : i32
      %gather3A_4030 = tpu.memref_slice %arg8[%rem3A_103, %gather3A_4028, %gather3A_4029] : memref<4x128x128xf32, #tpu.memory_space<vmem>> -> memref<1x128x128xf32, #tpu.memory_space<vmem>>
      %gather3A_4031 = tpu.memref_squeeze %gather3A_4030 : memref<1x128x128xf32, #tpu.memory_space<vmem>> -> memref<128x128xf32, #tpu.memory_space<vmem>>
      %gather3A_4032 = tpu.vector_load_idx %gather3A_4031[%add3A_3553, %add3A_4027] : memref<128x128xf32, #tpu.memory_space<vmem>>[vector<16xi32>, vector<16xi32>], vector<16xf32>,
      %swap3A_4033 = arith.constant 3 : i32
      %swap3A_4034 = arith.constant 7 : i32
      %swap3A_4035 = arith.index_cast %rem3A_105 : i32 to index
      %swap3A_4036 = arith.index_cast %swap3A_4033 : i32 to index
      %swap3A_4037 = arith.index_cast %swap3A_4034 : i32 to index
      %swap3A_4038 = arith.constant 112 : index
      %swap3A_4039 = tpu.vector_load %arg9[%swap3A_4035, %swap3A_4036, %swap3A_4037, %swap3A_4038] {strides = array<i32>} : memref<2x4x8x128xf32, #tpu.memory_space<vmem>>, vector<16xf32>,
      tpu.vector_store %arg9[%swap3A_4035, %swap3A_4036, %swap3A_4037, %swap3A_4038], %gather3A_4032 {strides = array<i32>} : memref<2x4x8x128xf32, #tpu.memory_space<vmem>>, vector<16xf32>,
      %dma_start3A_4040 = arith.constant 0 : i32
      %dma_start3A_4041 = arith.constant 0 : i32
      %dma_start3A_4042 = arith.constant 0 : i32
      %dma_start3A_4043 = tpu.memref_slice %arg9[%rem3A_105, %dma_start3A_4040, %dma_start3A_4041, %dma_start3A_4042] : memref<2x4x8x128xf32, #tpu.memory_space<vmem>> -> memref<1x4x8x128xf32, #tpu.memory_space<vmem>>
      %dma_start3A_4044 = tpu.memref_squeeze %dma_start3A_4043 : memref<1x4x8x128xf32, #tpu.memory_space<vmem>> -> memref<4x8x128xf32, #tpu.memory_space<vmem>>
      %dma_start3A_4045 = arith.constant 0 : i32
      %dma_start3A_4046 = arith.constant 0 : i32
      %dma_start3A_4047 = arith.constant 0 : i32
      %dma_start3A_4048 = tpu.memref_slice %arg5[%scan3A_102, %dma_start3A_4045, %add3A, %dma_start3A_4046, %dma_start3A_4047] : memref<200x4x32x8x128xf32, #tpu.memory_space<hbm>> -> memref<1x4x1x8x128xf32, #tpu.memory_space<hbm>>
      %dma_start3A_4049 = tpu.memref_squeeze %dma_start3A_4048 : memref<1x4x1x8x128xf32, #tpu.memory_space<hbm>> -> memref<4x8x128xf32, #tpu.memory_space<hbm>>
      %dma_start3A_4050 = arith.constant 0 : i32
      %dma_start3A_4051 = arith.constant 0 : i32
      %dma_start3A_4052 = arith.constant 0 : i32
      %dma_start3A_4053 = tpu.memref_slice %arg5[%scan3A_102, %dma_start3A_4050, %add3A, %dma_start3A_4051, %dma_start3A_4052] : memref<200x4x32x8x128xf32, #tpu.memory_space<hbm>> -> memref<1x4x1x8x128xf32, #tpu.memory_space<hbm>>
      %dma_start3A_4054 = tpu.memref_squeeze %dma_start3A_4053 : memref<1x4x1x8x128xf32, #tpu.memory_space<hbm>> -> memref<4x8x128xf32, #tpu.memory_space<hbm>>
      %dma_start3A_4055 = arith.constant 0 : i32
      %dma_start3A_4056 = arith.constant 0 : i32
      %dma_start3A_4057 = arith.constant 0 : i32
      %dma_start3A_4058 = tpu.memref_slice %arg9[%rem3A_105, %dma_start3A_4055, %dma_start3A_4056, %dma_start3A_4057] : memref<2x4x8x128xf32, #tpu.memory_space<vmem>> -> memref<1x4x8x128xf32, #tpu.memory_space<vmem>>
      %dma_start3A_4059 = tpu.memref_squeeze %dma_start3A_4058 : memref<1x4x8x128xf32, #tpu.memory_space<vmem>> -> memref<4x8x128xf32, #tpu.memory_space<vmem>>
      tpu.enqueue_dma source(%dma_start3A_4059 : memref<4x8x128xf32, #tpu.memory_space<vmem>>) target(%dma_start3A_4054 : memref<4x8x128xf32, #tpu.memory_space<hbm>>) target_semaphore(%arg11 : memref<!tpu.dma_semaphore, #tpu.memory_space<semaphore_mem>>)
    }
    %scan3A_57 = arith.constant 200 : i32
    %dma_wait3A_58 = arith.constant 0 : i32
    %dma_wait3A_59 = arith.constant 198 : i32
    %dma_wait3A_60 = arith.constant 0 : i32
    %dma_wait3A_61 = arith.constant 0 : i32
    %dma_wait3A_62 = arith.constant 0 : i32
    %dma_wait3A_63 = tpu.memref_slice %arg9[%dma_wait3A_58, %dma_wait3A_60, %dma_wait3A_61, %dma_wait3A_62] : memref<2x4x8x128xf32, #tpu.memory_space<vmem>> -> memref<1x4x8x128xf32, #tpu.memory_space<vmem>>
    %dma_wait3A_64 = tpu.memref_squeeze %dma_wait3A_63 : memref<1x4x8x128xf32, #tpu.memory_space<vmem>> -> memref<4x8x128xf32, #tpu.memory_space<vmem>>
    %dma_wait3A_65 = arith.constant 0 : i32
    %dma_wait3A_66 = arith.constant 0 : i32
    %dma_wait3A_67 = arith.constant 0 : i32
    %dma_wait3A_68 = tpu.memref_slice %arg5[%dma_wait3A_59, %dma_wait3A_65, %add3A, %dma_wait3A_66, %dma_wait3A_67] : memref<200x4x32x8x128xf32, #tpu.memory_space<hbm>> -> memref<1x4x1x8x128xf32, #tpu.memory_space<hbm>>
    %dma_wait3A_69 = tpu.memref_squeeze %dma_wait3A_68 : memref<1x4x1x8x128xf32, #tpu.memory_space<hbm>> -> memref<4x8x128xf32, #tpu.memory_space<hbm>>
    %dma_wait3A_70 = arith.constant 0 : i32
    %dma_wait3A_71 = arith.constant 0 : i32
    %dma_wait3A_72 = arith.constant 0 : i32
    %dma_wait3A_73 = tpu.memref_slice %arg5[%dma_wait3A_59, %dma_wait3A_70, %add3A, %dma_wait3A_71, %dma_wait3A_72] : memref<200x4x32x8x128xf32, #tpu.memory_space<hbm>> -> memref<1x4x1x8x128xf32, #tpu.memory_space<hbm>>
    %dma_wait3A_74 = tpu.memref_squeeze %dma_wait3A_73 : memref<1x4x1x8x128xf32, #tpu.memory_space<hbm>> -> memref<4x8x128xf32, #tpu.memory_space<hbm>>
    %dma_wait3A_75 = arith.constant 0 : i32
    %dma_wait3A_76 = arith.constant 0 : i32
    %dma_wait3A_77 = arith.constant 0 : i32
    %dma_wait3A_78 = tpu.memref_slice %arg9[%dma_wait3A_58, %dma_wait3A_75, %dma_wait3A_76, %dma_wait3A_77] : memref<2x4x8x128xf32, #tpu.memory_space<vmem>> -> memref<1x4x8x128xf32, #tpu.memory_space<vmem>>
    %dma_wait3A_79 = tpu.memref_squeeze %dma_wait3A_78 : memref<1x4x8x128xf32, #tpu.memory_space<vmem>> -> memref<4x8x128xf32, #tpu.memory_space<vmem>>
    tpu.wait_dma2 semaphore(%arg11 : memref<!tpu.dma_semaphore, #tpu.memory_space<semaphore_mem>>) src(%dma_wait3A_79 : memref<4x8x128xf32, #tpu.memory_space<vmem>>) dst(%dma_wait3A_74 : memref<4x8x128xf32, #tpu.memory_space<hbm>>)
    %dma_wait3A_80 = arith.constant 1 : i32
    %dma_wait3A_81 = arith.constant 199 : i32
    %dma_wait3A_82 = arith.constant 0 : i32
    %dma_wait3A_83 = arith.constant 0 : i32
    %dma_wait3A_84 = arith.constant 0 : i32
    %dma_wait3A_85 = tpu.memref_slice %arg9[%dma_wait3A_80, %dma_wait3A_82, %dma_wait3A_83, %dma_wait3A_84] : memref<2x4x8x128xf32, #tpu.memory_space<vmem>> -> memref<1x4x8x128xf32, #tpu.memory_space<vmem>>
    %dma_wait3A_86 = tpu.memref_squeeze %dma_wait3A_85 : memref<1x4x8x128xf32, #tpu.memory_space<vmem>> -> memref<4x8x128xf32, #tpu.memory_space<vmem>>
    %dma_wait3A_87 = arith.constant 0 : i32
    %dma_wait3A_88 = arith.constant 0 : i32
    %dma_wait3A_89 = arith.constant 0 : i32
    %dma_wait3A_90 = tpu.memref_slice %arg5[%dma_wait3A_81, %dma_wait3A_87, %add3A, %dma_wait3A_88, %dma_wait3A_89] : memref<200x4x32x8x128xf32, #tpu.memory_space<hbm>> -> memref<1x4x1x8x128xf32, #tpu.memory_space<hbm>>
    %dma_wait3A_91 = tpu.memref_squeeze %dma_wait3A_90 : memref<1x4x1x8x128xf32, #tpu.memory_space<hbm>> -> memref<4x8x128xf32, #tpu.memory_space<hbm>>
    %dma_wait3A_92 = arith.constant 0 : i32
    %dma_wait3A_93 = arith.constant 0 : i32
    %dma_wait3A_94 = arith.constant 0 : i32
    %dma_wait3A_95 = tpu.memref_slice %arg5[%dma_wait3A_81, %dma_wait3A_92, %add3A, %dma_wait3A_93, %dma_wait3A_94] : memref<200x4x32x8x128xf32, #tpu.memory_space<hbm>> -> memref<1x4x1x8x128xf32, #tpu.memory_space<hbm>>
    %dma_wait3A_96 = tpu.memref_squeeze %dma_wait3A_95 : memref<1x4x1x8x128xf32, #tpu.memory_space<hbm>> -> memref<4x8x128xf32, #tpu.memory_space<hbm>>
    %dma_wait3A_97 = arith.constant 0 : i32
    %dma_wait3A_98 = arith.constant 0 : i32
    %dma_wait3A_99 = arith.constant 0 : i32
    %dma_wait3A_100 = tpu.memref_slice %arg9[%dma_wait3A_80, %dma_wait3A_97, %dma_wait3A_98, %dma_wait3A_99] : memref<2x4x8x128xf32, #tpu.memory_space<vmem>> -> memref<1x4x8x128xf32, #tpu.memory_space<vmem>>
    %dma_wait3A_101 = tpu.memref_squeeze %dma_wait3A_100 : memref<1x4x8x128xf32, #tpu.memory_space<vmem>> -> memref<4x8x128xf32, #tpu.memory_space<vmem>>
    tpu.wait_dma2 semaphore(%arg11 : memref<!tpu.dma_semaphore, #tpu.memory_space<semaphore_mem>>) src(%dma_wait3A_101 : memref<4x8x128xf32, #tpu.memory_space<vmem>>) dst(%dma_wait3A_96 : memref<4x8x128xf32, #tpu.memory_space<hbm>>)
    return
  }
}

</mosaic_0001>

<sc_bundles>
// kernel: kernel.3.cloned.1.call-start
scs
__scs_entry_jumppad:
0x0: {  	(pc) =	sbr.rel $0x88, $3  }
0x1: {  	(tag) =	ssettag $0x0;
	lr =	simm.s32 $0x1  }
0x2: {  	[smem:$0x3F9F] =	sst lr;
	_ =	strace $0xD0000000  }
0x3: {  	_ = 	snop  }
0x4: {  	_ = 	snop  }
0x5: {  	_ = 	snop  }
0x6: {  	_ = 	snop  }
0x7: {  	_ = 	snop  }
__scs_overlays_trampoline_lowered:
0x8: {  	[smem:$0x3FAE] =	sst s0  }
0x9: {  	[smem:$0x3FAF] =	sst s1  }
0xa: {  	[smem:$0x3FB0] =	sst s2  }
0xb: {  	[smem:$0x3FB1] =	sst s3  }
0xc: {  	[smem:$0x3FB2] =	sst s4  }
0xd: {  	[smem:$0x3FB3] =	sst s5  }
0xe: {  	[smem:$0x3FB4] =	sst s6  }
0xf: {  	[smem:$0x3FB5] =	sst s7  }
0x10: {  	[smem:$0x3FB6] =	sst s8  }
0x11: {  	[smem:$0x3FB7] =	sst s9;
	s0 =	simm.s32 @!p0 $0x0  }
0x12: {  	s1 =	sld [smem:$0x3F9D];
	s0 =	simm.s32 @p0 $0x1  }
0x13: {  	[smem:$0x3FB8] =	sst s0;
	s0 =	simm.s32 @!p1 $0x0  }
0x14: {  	s2 =	sld [smem:$0x3F9C];
	s0 =	simm.s32 @p1 $0x1  }
0x15: {  	[smem:$0x3FB9] =	sst s0;
	s0 =	simm.s32 @!p2 $0x0  }
0x16: {  	s3 =	sld [smem:$0x3FDB];
	s0 =	simm.s32 @p2 $0x1  }
0x17: {  	s4 =	simm.s32 $0x1BF5;
	[smem:$0x3FBB] =	sst s0  }
0x18: {  	s0 =	sld [smem:$0x3F9E];
	_ =	swait.ge [sflag:s4], $0x0  }
0x19: {  	s7 =	sld [smem:$0x3F9F]  }
0x1a: {  	s8 =	sadd.s32 $0xFFFFE003, lr  }
0x1b: {  	s9 =	sadd.s32 $0xFFFFFEF7, lr;
	s5 =	simm.s32 $0xFFFFFFFF;
	p2 =	slt.u32 s8, $0xFFFFF086  }
0x1c: {  	p1 =	slt.u32 s9, $0xF7A;
	s5 =	simm.s32 @!p2 $0x0  }
0x1d: {  	s5 =	simm.s32 @p1 $0x1;
	p0 =	seq.s32 s7, s2  }
0x1e: {  	s7 =	smul.u32 @!p0 $0xF7A, s2;
	p2 =	seq.s32 @!p0 s5, $0x0  }
0x1f: {  	s9 =	smul.u32 $0xF7A, s1;
	s8 =	simm.s32 @!p0 $0x1BF5;
	p2 =	por !p2, p0  }
0x20: {  	[sflag:s8] =	ssyncset.s32 @!p0 $0xFFFFF086;
	s6 =	sadd.s32 @!p0 s3, s7;
	s7 =	simm.s32 @!p0 $0x108  }
0x21: {  	s3 =	sadd.s32 s3, s9;
	s6 =	sadd.s32 @!p0 $0x88, s6;
	s7 =	simm.s32 @p2 $0x1082  }
0x22: {  	[simem:s7], [sflag:s8] =	dma.local @!p0 [hbm:s6], $0xF7A  }
0x23: {  	s9 =	sor.u32 $0xD0000000, s2;
	s6 =	simm.s32 $0x108;
	_ =	swait.ge @!p0 [sflag:s8], $0x0  }
0x24: {  	s3 =	sadd.s32 $0x88, s3;
	s6 =	simm.s32 @!p1 $0x1082;
	[sflag:s4] =	ssyncset.s32 $0xFFFFF086  }
0x25: {  	[simem:s6], [sflag:s4] =	dma.local [hbm:s3], $0xF7A  }
0x26: {  	[smem:$0x3F9F] =	sst s1;
	(tag) =	ssettag s2;
	_ =	strace s9  }
0x27: {  	s1 =	sld [smem:$0x3FAF]  }
0x28: {  	s2 =	sld [smem:$0x3FB0]  }
0x29: {  	s4 =	sld [smem:$0x3FB2]  }
0x2a: {  	p0 =	seq.s32 s5, $0x0;
	s5 =	sld [smem:$0x3FB3]  }
0x2b: {  	s6 =	sld [smem:$0x3FB4]  }
0x2c: {  	s7 =	sld [smem:$0x3FB5]  }
0x2d: {  	s3 =	simm.s32 $0x108;
	s8 =	sld [smem:$0x3FB6]  }
0x2e: {  	s3 =	simm.s32 @!p0 $0x1082;
	s9 =	sld [smem:$0x3FB7]  }
0x2f: {  	lr =	sadd.s32 s0, s3;
	s0 =	sld [smem:$0x3FAE]  }
0x30: {  	s3 =	sld [smem:$0x3FB1]  }
0x31: {  	[smem:$0x3FBA] =	sst s10  }
0x32: {  	s10 =	sld [smem:$0x3FB8];
	_ =	sdelay $0x3  }
0x33: {  	p0 =	seq.s32 s10, $0x1;
	s10 =	sld [smem:$0x3FBA];
	_ =	sdelay $0x3  }
0x34: {  	[smem:$0x3FBA] =	sst s10  }
0x35: {  	s10 =	sld [smem:$0x3FB9];
	_ =	sdelay $0x3  }
0x36: {  	p1 =	seq.s32 s10, $0x1;
	s10 =	sld [smem:$0x3FBA];
	_ =	sdelay $0x3  }
0x37: {  	[smem:$0x3FBA] =	sst s10  }
0x38: {  	s10 =	sld [smem:$0x3FBB]  }
0x39: {  	_ = 	snop;
	(pc) =	sbr.ind lr, $3  }
0x3a: {  	_ = 	snop  }
0x3b: {  	_ = 	snop  }
0x3c: {  	p2 =	seq.s32 s10, $0x1;
	s10 =	sld [smem:$0x3FBA]  }
0x3d: {  	_ =	shalt  }
0x3e: {  	_ =	shalt  }
0x3f: {  	_ =	shalt  }
0x40: {  	_ =	shalt  }
0x41: {  	_ =	shalt  }
0x42: {  	_ =	shalt  }
0x43: {  	_ =	shalt  }
0x44: {  	_ =	shalt  }
0x45: {  	_ =	shalt  }
0x46: {  	_ =	shalt  }
0x47: {  	_ =	shalt  }
0x48: {  	_ =	shalt  }
0x49: {  	_ =	shalt  }
0x4a: {  	_ =	shalt  }
0x4b: {  	_ =	shalt  }
0x4c: {  	_ =	shalt  }
0x4d: {  	_ =	shalt  }
0x4e: {  	_ =	shalt  }
0x4f: {  	_ =	shalt  }
0x50: {  	_ =	shalt  }
0x51: {  	_ =	shalt  }
0x52: {  	_ =	shalt  }
0x53: {  	_ =	shalt  }
0x54: {  	_ =	shalt  }
0x55: {  	_ =	shalt  }
0x56: {  	_ =	shalt  }
0x57: {  	_ =	shalt  }
0x58: {  	_ =	shalt  }
0x59: {  	_ =	shalt  }
0x5a: {  	_ =	shalt  }
0x5b: {  	_ =	shalt  }
0x5c: {  	_ =	shalt  }
0x5d: {  	_ =	shalt  }
0x5e: {  	_ =	shalt  }
0x5f: {  	_ =	shalt  }
0x60: {  	_ =	shalt  }
0x61: {  	_ =	shalt  }
0x62: {  	_ =	shalt  }
0x63: {  	_ =	shalt  }
0x64: {  	_ =	shalt  }
0x65: {  	_ =	shalt  }
0x66: {  	_ =	shalt  }
0x67: {  	_ =	shalt  }
0x68: {  	_ =	shalt  }
0x69: {  	_ =	shalt  }
0x6a: {  	_ =	shalt  }
0x6b: {  	_ =	shalt  }
0x6c: {  	_ =	shalt  }
0x6d: {  	_ =	shalt  }
0x6e: {  	_ =	shalt  }
0x6f: {  	_ =	shalt  }
0x70: {  	_ =	shalt  }
0x71: {  	_ =	shalt  }
0x72: {  	_ =	shalt  }
0x73: {  	_ =	shalt  }
0x74: {  	_ =	shalt  }
0x75: {  	_ =	shalt  }
0x76: {  	_ =	shalt  }
0x77: {  	_ =	shalt  }
0x78: {  	_ =	shalt  }
0x79: {  	_ =	shalt  }
0x7a: {  	_ =	shalt  }
0x7b: {  	_ =	shalt  }
0x7c: {  	_ =	shalt  }
0x7d: {  	_ =	shalt  }
0x7e: {  	_ =	shalt  }
0x7f: {  	_ =	shalt  }
0x80: {  	_ =	shalt  }
0x81: {  	_ =	shalt  }
0x82: {  	_ =	shalt  }
0x83: {  	_ =	shalt  }
0x84: {  	_ =	shalt  }
0x85: {  	_ =	shalt  }
0x86: {  	_ =	shalt  }
0x87: {  	_ =	shalt  }
.Lfunc_end0:
.L_simem_size_0:
called_computation_lowered:
.L_overlay_start_0:
0x88: {  	s2 =	sld [smem:$0x3FD9]  }
0x89: {  	s3 =	sld [smem:$0x3FFE];
	_ =	sdelay $0x1  }
0x8a: {  	s1 =	srdreg.scid  }
0x8b: {  	s0 =	sand.u32 $0x1, s1  }
0x8c: {  	s17 =	sshll.u32 s0, $0xA;
	s2 =	sadd.s32 s3, s2  }
0x8d: {  	s2 =	sadd.s32 s2, s17  }
0x8e: {  	[smem:$0x3FC6] =	sst s2  }
0x8f: {  	_ = 	snop  }
0x90: {  	s2 =	sld [smem:$0x3FD0];
	(tm) =	ssettm $0x1  }
0x91: {  	s18 =	sld [smem:$0x3FFB];
	_ =	sdelay $0x3  }
0x92: {  	_ =	strace s18  }
0x93: {  	s3 =	sld [smem:$0x3FFC];
	_ =	sdelay $0x3  }
0x94: {  	_ =	strace s3  }
0x95: {  	s3 =	sld [smem:$0x3FFD];
	_ =	sdelay $0x3  }
0x96: {  	_ =	strace s3  }
0x97: {  	_ =	strace $0x8FFFFFFF  }
0x98: {  	s19 =	sld [smem:$0x3FDB];
	_ =	sdelay $0x1  }
0x99: {  	s4 =	simm.s32 $_scs_section_size  }
0x9a: {  	s5 =	simm.s32 $_size__tile_overlayer_lowered;
	s6 =	simm.s32 $_tile_overlayer_lowered  }
0x9b: {  	s22 =	simm.s32 $0x1BFF;
	s21 =	sshll.u32 s6, $0x1;
	s3 =	sadd.s32 s4, s19  }
0x9c: {  	s7 =	simm.s32 $0x0;
	s20 =	sshll.u32 s5, $0x1;
	s5 =	sadd.s32 s21, s3  }
0x9d: {  	[timem:s7], [sflag:s22] =	dma.local [hbm:s5], s20  }
0x9e: {  	_ =	swait.ge [sflag:s22], s20  }
0x9f: {  	s4 =	ssub.s32 $0x0, s20;
	[sflag:s22] =	ssyncset.done $0x0  }
0xa0: {  	[sflag:s22] =	ssyncadd.s32 s4;
	_ =	sdelay $0x1  }
0xa1: {  	s23 =	simm.s32 $0x1B8B  }
0xa2: {  	_ =	swait.ge [sflag:s23], $0x1  }
0xa3: {  	[sflag:s23] =	ssyncset.done $0x0  }
0xa4: {  	s25 =	simm.s32 $0x1B8E;
	s24 =	sld [smem:$0x3FFE];
	[sflag:s23] =	ssyncadd.s32 $0xFFFFFFFF  }
0xa5: {  	s26 =	simm.s32 $execute0_lowered;
	[smem:$0x3FD2] =	sst s25  }
0xa6: {  	s5 =	sshll.u32 s26, $0x1;
	_ =	strace $0x80000046;
	[dreg:$0x1] =	wrdreg $0xFFFFFFFF  }
0xa7: {  	s28 =	simm.s32 $_size_execute0_lowered;
	s3 =	sadd.s32 s3, s5;
	[dreg:$0x0] =	wrdreg $0x0  }
0xa8: {  	s5 =	sshll.u32 s28, $0x1;
	[dreg:$0x2] =	wrdreg s3  }
0xa9: {  	[dreg:$0x3] =	wrdreg s5  }
0xaa: {  	[dreg:$0x4] =	wrdreg $0xC0  }
0xab: {  	_ =	task [dreg:s7], $0x5FFFF  }
0xac: {  	[dreg:$0x1] =	wrdreg $0xFFFFFFFF  }
0xad: {  	[dreg:$0x0] =	wrdreg $0x60  }
0xae: {  	[dreg:$0x2] =	wrdreg s24  }
0xaf: {  	[dreg:$0x3] =	wrdreg s2  }
0xb0: {  	[dreg:$0x4] =	wrdreg $0x9  }
0xb1: {  	_ =	task.clear_ibuf [dreg:s7], $0x5FFFF;
	_ =	strace $0x90000046  }
0xb2: {  	s29 =	simm.s32 $0x9;
	_ =	strace $0x80000048  }
0xb3: {  	_ =	swait.ge [sflag:s29], $0x1  }
0xb4: {  	[sflag:s29] =	ssyncadd.s32 $0xFFFFFFFF  }
0xb5: {  	_ =	strace $0x90000048  }
0xb6: {  	_ =	sfence  }
0xb7: {  	s30 =	sld [smem:$0x0];
	_ =	sdelay $0x2  }
0xb8: {  	s31 =	sshll.u32 s1, $0xD;
	s1 =	sshrl.u32 s1, $0x2  }
0xb9: {  	s3 =	sand.u32 $0x4000, s31;
	s1 =	sadd.s32 s1, s30  }
0xba: {  	s0 =	sor.u32 s3, s0;
	s1 =	sshll.u32 s1, $0x11  }
0xbb: {  	s0 =	sor.u32 s1, s0  }
0xbc: {  	s0 =	sadd.s32 $0x8F2B, s0  }
0xbd: {  	[sflag:s0] =	ssyncadd.remote.s32 $0x1  }
0xbe: {  	_ =	sfence.sel $0xFFFF  }
0xbf: {  	[dreg:$0x0] =	wrdreg $0xFFFFFFFF;
	(pc) =	sbr.abs _section_cstart, $3  }
0xc0: {  	[dreg:$0x1] =	wrdreg $0xFFFFFFFF  }
0xc1: {  	_ =	task.clear_ibuf [dreg:s7], $0x2FFFF;
	_ =	strace $0x9FFFFFFF  }
0xc2: {  	(tm) =	ssettm $0x7FFFFFFF  }
0xc3: {  	_ =	shalt  }
tec
execute0_lowered:
.L_overlay_start_1:
0x0: {  	(tag) =	ssettag $0x1  }
0x1: {  	v0 =	vlaneseq.u32  }
0x2: {  	v0 =	vmul.u32 $0x80, v0;
	_ =	sdelay $0x1  }
0x3: {  	v1 =	vor.u32 $0x1, v0;
	v4 =	vor.u32 $0x4, v0;
	v5 =	vor.u32 $0x5, v0  }
0x4: {  	v6 =	vor.u32 $0x6, v0;
	v7 =	vor.u32 $0x7, v0;
	v8 =	vor.u32 $0x8, v0  }
0x5: {  	v9 =	vor.u32 $0x9, v0;
	v10 =	vor.u32 $0xA, v0;
	v11 =	vor.u32 $0xB, v0  }
0x6: {  	v12 =	vor.u32 $0xC, v0;
	v13 =	vor.u32 $0xD, v0;
	v14 =	vor.u32 $0xE, v0  }
0x7: {  	v15 =	vor.u32 $0xF, v0;
	v16 =	vor.u32 $0x10, v0;
	v17 =	vor.u32 $0x11, v0  }
0x8: {  	v18 =	vor.u32 $0x12, v0;
	v19 =	vor.u32 $0x13, v0;
	v20 =	vor.u32 $0x14, v0  }
0x9: {  	v21 =	vor.u32 $0x15, v0;
	v22 =	vor.u32 $0x16, v0;
	v23 =	vor.u32 $0x17, v0  }
0xa: {  	s3 =	rddreg [dreg:$0x0];
	v24 =	vor.u32 $0x18, v0;
	v25 =	vor.u32 $0x19, v0;
	v26 =	vor.u32 $0x1A, v0  }
0xb: {  	s6 =	rddreg [dreg:$0x1];
	v27 =	vor.u32 $0x1B, v0;
	v28 =	vor.u32 $0x1C, v0;
	v29 =	vor.u32 $0x1D, v0  }
0xc: {  	s0 =	rddreg [dreg:$0x2];
	s4 =	srdreg.scid;
	v30 =	vor.u32 $0x1E, v0;
	v31 =	vor.u32 $0x1F, v0;
	v32 =	vor.u32 $0x800, v0  }
0xd: {  	s2 =	simm.s32 $0x0;
	s1 =	stileid.u32;
	s11 =	simm.s32 $0x3;
	v33 =	vor.u32 $0x801, v0;
	v34 =	vor.u32 $0x802, v0;
	v35 =	vor.u32 $0x803, v0  }
0xe: {  	s12 =	simm.s32 $0xC800;
	s13 =	simm.s32 $0x10800;
	s14 =	simm.s32 $0x100;
	v36 =	vor.u32 $0x804, v0;
	v37 =	vor.u32 $0x805, v0;
	v38 =	vor.u32 $0x806, v0  }
0xf: {  	s15 =	simm.s32 $0x14800;
	s16 =	simm.s32 $0x1;
	s17 =	simm.s32 $0x2;
	v39 =	vor.u32 $0x807, v0;
	v40 =	vor.u32 $0x808, v0;
	v41 =	vor.u32 $0x809, v0  }
0x10: {  	s18 =	simm.s32 $0x400;
	s19 =	simm.s32 $0x8000;
	s20 =	simm.s32 $0x0;
	v42 =	vor.u32 $0x80A, v0;
	v43 =	vor.u32 $0x80B, v0;
	v44 =	vor.u32 $0x80C, v0  }
0x11: {  	s7 =	sand.u32 $0x1, s4;
	[smem:$0x7FF] =	sst s2;
	s28 =	sshll.u32 s1, $0x5;
	v45 =	vor.u32 $0x80D, v0;
	v46 =	vor.u32 $0x80E, v0;
	v47 =	vor.u32 $0x80F, v0  }
0x12: {  	s10 =	sshll.u32 s1, $0x8;
	s5 =	sshll.u32 s7, $0x4;
	s29 =	ssub.s32 $0x2, s7;
	v48 =	vor.u32 $0x810, v0;
	v49 =	vor.u32 $0x811, v0;
	v50 =	vor.u32 $0x812, v0  }
0x13: {  	s31 =	sadd.s32 s10, s6;
	s7 =	sshll.u32 s7, $0x7;
	s10 =	simm.s32 $0x6400;
	v51 =	vor.u32 $0x813, v0;
	v52 =	vor.u32 $0x814, v0;
	v53 =	vor.u32 $0x815, v0  }
0x14: {  	s4 =	sor.u32 s5, s28;
	s30 =	sshrl.u32 s29, $0x1;
	s7 =	sadd.s32 s7, s31;
	v54 =	vor.u32 $0x816, v0;
	v55 =	vor.u32 $0x817, v0;
	[tilespmem:$0x1FFD0] =	vst v1;
	v1 =	vor.u32 $0x2, v0  }
0x15: {  	v56 =	vor.u32 $0x818, v0;
	v57 =	vor.u32 $0x819, v0;
	s8 =	sadd.s32 s4, s3;
	s3 =	sadd.s32 $0xF74A00, s3;
	s9 =	ssub.s32 s29, s30;
	[tilespmem:$0x1FFE0] =	vst v1;
	v1 =	vor.u32 $0x3, v0  }
0x16: {  	v58 =	vor.u32 $0x81A, v0;
	v59 =	vor.u32 $0x81B, v0;
	v60 =	vor.u32 $0x81C, v0;
	s4 =	sadd.s32 $0x19600, s8;
	s5 =	sadd.s32 $0x600, s8;
	s6 =	smax.u32 s9, $0x1;
	[tilespmem:$0x1FFF0] =	vst v1  }
0x17: {  	v61 =	vor.u32 $0x81D, v0;
	v62 =	vor.u32 $0x81E, v0;
	v63 =	vor.u32 $0x81F, v0;
	s8 =	simm.s32 $0x80;
	s9 =	simm.s32 $0x1000;
	_ =	strace $0x80000047  }
.LBB2_1:
0x18: {  	[tilespmem:s2], [sflag:$0x3] =	stream.strided.gather [hbm4b:s4+s8], $0x6400, s9, s8, $0x38;
	[tilespmem:$0x1E800] =	vst v63  }
0x19: {  	_ = 	snop  }
0x1a: {  	[tilespmem:s10], [sflag:$0x3] =	stream.strided.gather [hbm4b:s5+s8], $0x6400, s9, s8, $0x38;
	[tilespmem:$0x1E800] =	vst v63  }
0x1b: {  	_ =	swait.ge [sflag:s11], $0x6400  }
0x1c: {  	[sflag:s11] =	ssyncset.done $0x0  }
0x1d: {  	[sflag:s11] =	ssyncadd.s32 $0xFFFF9C00  }
0x1e: {  	_ =	swait.ge [sflag:s11], $0x6400  }
0x1f: {  	[sflag:s11] =	ssyncset.done $0x0  }
0x20: {  	[sflag:s11] =	ssyncadd.s32 $0xFFFF9C00  }
0x21: {  	[tilespmem:s12], [sflag:$0x1] =	stream.indirect.gather [hbm4b:s3+s8], $0x80, s2, s8, $0xb8;
	[tilespmem:$0x1E800] =	vst v63  }
0x22: {  	s21 =	simm.s32 $0x30000;
	s22 =	simm.s32 $0x180;
	s23 =	simm.s32 $0x6440  }
0x23: {  	[tilespmem:s13], [sflag:$0x1] =	stream.indirect.gather [hbm4b:s3+s8], $0x80, s8, s8, $0xb8;
	[tilespmem:$0x1E800] =	vst v63  }
0x24: {  	s24 =	simm.s32 $0x0;
	s25 =	smov.u32 s7;
	s26 =	simm.s32 $0x0  }
0x25: {  	[tilespmem:s15], [sflag:$0x1] =	stream.indirect.gather [hbm4b:s3+s8], $0x80, s14, s8, $0xb8;
	[tilespmem:$0x1E800] =	vst v63  }
.LBB2_2:
0x26: {  	p0 =	sgt.u32 s26, $0xC4  }
0x27: {  	_ =	swait.ge [sflag:s16], $0x4000;
	s28 =	sand.u32 @!p0 $0x30000, s21  }
0x28: {  	[sflag:s16] =	ssyncset.done $0x0;
	s29 =	simm.s32 @!p0 $0x80;
	s28 =	sshrl.u32 @!p0 s28, $0x2  }
0x29: {  	p1 =	slt.u32 @!p0 s26, $0x2;
	[sflag:s16] =	ssyncadd.s32 $0xFFFFC000;
	s28 =	sadd.s32 @!p0 $0xC800, s28  }
0x2a: {  	[tilespmem:s28], [sflag:$0x1] =	stream.indirect.gather @!p0 [hbm4b:s3+s29], $0x80, s22, s29, $0xb8;
	[tilespmem:$0x1E800] =	vst v63  }
0x2b: {  	p0 =	por p0, !p1  }
0x2c: {  	_ =	swait.ge @p0 [sflag:s17], $0x1000  }
0x2d: {  	[sflag:s17] =	ssyncset.done @p0 $0x0  }
0x2e: {  	[sflag:s17] =	ssyncadd.s32 @p0 $0xFFFFF000  }
0x2f: {  	v1 =	vld [tilespmem:s23+$0xFFFFFFC0];
	_ =	sdelay $0x4  }
0x30: {  	v1 =	vshll.u32 v1, $0x5  }
0x31: {  	v2 =	vadd.s32 v0, v1  }
0x32: {  	v3 =	vld [tilespmem:$0x1FFD0]  }
0x33: {  	s29 =	sadd.s32 $0xFFFD0000, s21  }
0x34: {  	s28 =	sand.u32 $0x30000, s29  }
0x35: {  	s28 =	sshrl.u32 s28, $0x2  }
0x36: {  	v2 =	vld.idx.msk [tilespmem:v2+s28+$0xC800], $0xffff  }
0x37: {  	v3 =	vadd.s32 v3, v1;
	_ =	sdelay $0x2  }
0x38: {  	s30 =	sand.u32 $0x1000, s24  }
0x39: {  	[tilespmem:s30+$0x1C800] =	vst v2  }
0x3a: {  	v2 =	vld.idx.msk [tilespmem:v3+s28+$0xC800], $0xffff  }
0x3b: {  	v3 =	vld [tilespmem:$0x1FFE0];
	_ =	sdelay $0x4  }
0x3c: {  	v3 =	vadd.s32 v3, v1;
	_ =	sdelay $0x3  }
0x3d: {  	[tilespmem:s30+$0x1C880] =	vst v2  }
0x3e: {  	v2 =	vld.idx.msk [tilespmem:v3+s28+$0xC800], $0xffff  }
0x3f: {  	v3 =	vld [tilespmem:$0x1FFF0];
	_ =	sdelay $0x4  }
0x40: {  	v3 =	vadd.s32 v3, v1;
	_ =	sdelay $0x3  }
0x41: {  	[tilespmem:s30+$0x1C900] =	vst v2  }
0x42: {  	v2 =	vld.idx.msk [tilespmem:v3+s28+$0xC800], $0xffff  }
0x43: {  	v3 =	vadd.s32 v4, v1;
	_ =	sdelay $0x3  }
0x44: {  	[tilespmem:s30+$0x1C980] =	vst v2  }
0x45: {  	v2 =	vld.idx.msk [tilespmem:v3+s28+$0xC800], $0xffff  }
0x46: {  	v3 =	vadd.s32 v5, v1;
	_ =	sdelay $0x3  }
0x47: {  	[tilespmem:s30+$0x1CA00] =	vst v2  }
0x48: {  	v2 =	vld.idx.msk [tilespmem:v3+s28+$0xC800], $0xffff  }
0x49: {  	v3 =	vadd.s32 v6, v1;
	_ =	sdelay $0x3  }
0x4a: {  	[tilespmem:s30+$0x1CA80] =	vst v2  }
0x4b: {  	v2 =	vld.idx.msk [tilespmem:v3+s28+$0xC800], $0xffff  }
0x4c: {  	v3 =	vadd.s32 v7, v1;
	_ =	sdelay $0x3  }
0x4d: {  	[tilespmem:s30+$0x1CB00] =	vst v2  }
0x4e: {  	v2 =	vld.idx.msk [tilespmem:v3+s28+$0xC800], $0xffff  }
0x4f: {  	v3 =	vadd.s32 v8, v1;
	_ =	sdelay $0x3  }
0x50: {  	[tilespmem:s30+$0x1CB80] =	vst v2  }
0x51: {  	v2 =	vld.idx.msk [tilespmem:v3+s28+$0xC800], $0xffff  }
0x52: {  	v3 =	vadd.s32 v9, v1;
	_ =	sdelay $0x3  }
0x53: {  	[tilespmem:s30+$0x1CC00] =	vst v2  }
0x54: {  	v2 =	vld.idx.msk [tilespmem:v3+s28+$0xC800], $0xffff  }
0x55: {  	v3 =	vadd.s32 v10, v1;
	_ =	sdelay $0x3  }
0x56: {  	[tilespmem:s30+$0x1CC80] =	vst v2  }
0x57: {  	v2 =	vld.idx.msk [tilespmem:v3+s28+$0xC800], $0xffff  }
0x58: {  	v3 =	vadd.s32 v11, v1;
	_ =	sdelay $0x3  }
0x59: {  	[tilespmem:s30+$0x1CD00] =	vst v2  }
0x5a: {  	v2 =	vld.idx.msk [tilespmem:v3+s28+$0xC800], $0xffff  }
0x5b: {  	v3 =	vadd.s32 v12, v1;
	_ =	sdelay $0x3  }
0x5c: {  	[tilespmem:s30+$0x1CD80] =	vst v2  }
0x5d: {  	v2 =	vld.idx.msk [tilespmem:v3+s28+$0xC800], $0xffff  }
0x5e: {  	v3 =	vadd.s32 v13, v1;
	_ =	sdelay $0x3  }
0x5f: {  	[tilespmem:s30+$0x1CE00] =	vst v2  }
0x60: {  	v2 =	vld.idx.msk [tilespmem:v3+s28+$0xC800], $0xffff  }
0x61: {  	v3 =	vadd.s32 v14, v1;
	_ =	sdelay $0x3  }
0x62: {  	[tilespmem:s30+$0x1CE80] =	vst v2  }
0x63: {  	v2 =	vld.idx.msk [tilespmem:v3+s28+$0xC800], $0xffff  }
0x64: {  	v3 =	vadd.s32 v15, v1;
	_ =	sdelay $0x3  }
0x65: {  	[tilespmem:s30+$0x1CF00] =	vst v2  }
0x66: {  	v2 =	vld.idx.msk [tilespmem:v3+s28+$0xC800], $0xffff  }
0x67: {  	v3 =	vadd.s32 v16, v1;
	_ =	sdelay $0x3  }
0x68: {  	[tilespmem:s30+$0x1CF80] =	vst v2  }
0x69: {  	v2 =	vld.idx.msk [tilespmem:v3+s28+$0xC800], $0xffff  }
0x6a: {  	v3 =	vadd.s32 v17, v1;
	_ =	sdelay $0x3  }
0x6b: {  	[tilespmem:s30+$0x1D000] =	vst v2  }
0x6c: {  	v2 =	vld.idx.msk [tilespmem:v3+s28+$0xC800], $0xffff  }
0x6d: {  	v3 =	vadd.s32 v18, v1;
	_ =	sdelay $0x3  }
0x6e: {  	[tilespmem:s30+$0x1D080] =	vst v2  }
0x6f: {  	v2 =	vld.idx.msk [tilespmem:v3+s28+$0xC800], $0xffff  }
0x70: {  	v3 =	vadd.s32 v19, v1;
	_ =	sdelay $0x3  }
0x71: {  	[tilespmem:s30+$0x1D100] =	vst v2  }
0x72: {  	v2 =	vld.idx.msk [tilespmem:v3+s28+$0xC800], $0xffff  }
0x73: {  	v3 =	vadd.s32 v20, v1;
	_ =	sdelay $0x3  }
0x74: {  	[tilespmem:s30+$0x1D180] =	vst v2  }
0x75: {  	v2 =	vld.idx.msk [tilespmem:v3+s28+$0xC800], $0xffff  }
0x76: {  	v3 =	vadd.s32 v21, v1;
	_ =	sdelay $0x3  }
0x77: {  	[tilespmem:s30+$0x1D200] =	vst v2  }
0x78: {  	v2 =	vld.idx.msk [tilespmem:v3+s28+$0xC800], $0xffff  }
0x79: {  	v3 =	vadd.s32 v22, v1;
	_ =	sdelay $0x3  }
0x7a: {  	[tilespmem:s30+$0x1D280] =	vst v2  }
0x7b: {  	v2 =	vld.idx.msk [tilespmem:v3+s28+$0xC800], $0xffff  }
0x7c: {  	v3 =	vadd.s32 v23, v1;
	_ =	sdelay $0x3  }
0x7d: {  	[tilespmem:s30+$0x1D300] =	vst v2  }
0x7e: {  	v2 =	vld.idx.msk [tilespmem:v3+s28+$0xC800], $0xffff  }
0x7f: {  	v3 =	vadd.s32 v24, v1;
	_ =	sdelay $0x3  }
0x80: {  	[tilespmem:s30+$0x1D380] =	vst v2  }
0x81: {  	v2 =	vld.idx.msk [tilespmem:v3+s28+$0xC800], $0xffff  }
0x82: {  	v3 =	vadd.s32 v25, v1;
	_ =	sdelay $0x3  }
0x83: {  	[tilespmem:s30+$0x1D400] =	vst v2  }
0x84: {  	v2 =	vld.idx.msk [tilespmem:v3+s28+$0xC800], $0xffff  }
0x85: {  	v3 =	vadd.s32 v26, v1;
	_ =	sdelay $0x3  }
0x86: {  	[tilespmem:s30+$0x1D480] =	vst v2  }
0x87: {  	v2 =	vld.idx.msk [tilespmem:v3+s28+$0xC800], $0xffff  }
0x88: {  	v3 =	vadd.s32 v27, v1;
	_ =	sdelay $0x3  }
0x89: {  	[tilespmem:s30+$0x1D500] =	vst v2  }
0x8a: {  	v2 =	vld.idx.msk [tilespmem:v3+s28+$0xC800], $0xffff  }
0x8b: {  	v3 =	vadd.s32 v28, v1;
	_ =	sdelay $0x3  }
0x8c: {  	[tilespmem:s30+$0x1D580] =	vst v2  }
0x8d: {  	v2 =	vld.idx.msk [tilespmem:v3+s28+$0xC800], $0xffff  }
0x8e: {  	v3 =	vadd.s32 v29, v1;
	_ =	sdelay $0x3  }
0x8f: {  	[tilespmem:s30+$0x1D600] =	vst v2  }
0x90: {  	v2 =	vld.idx.msk [tilespmem:v3+s28+$0xC800], $0xffff  }
0x91: {  	v3 =	vadd.s32 v30, v1;
	_ =	sdelay $0x3  }
0x92: {  	[tilespmem:s30+$0x1D680] =	vst v2  }
0x93: {  	v2 =	vld.idx.msk [tilespmem:v3+s28+$0xC800], $0xffff  }
0x94: {  	v1 =	vadd.s32 v31, v1;
	_ =	sdelay $0x3  }
0x95: {  	[tilespmem:s30+$0x1D700] =	vst v2  }
0x96: {  	v1 =	vld.idx.msk [tilespmem:v1+s28+$0xC800], $0xffff;
	_ =	sdelay $0x4  }
0x97: {  	[tilespmem:s30+$0x1D780] =	vst v1  }
0x98: {  	v1 =	vld [tilespmem:s23+$0xFFFFFFD0];
	_ =	sdelay $0x4  }
0x99: {  	v1 =	vshll.u32 v1, $0x5  }
0x9a: {  	v2 =	vadd.s32 v32, v1;
	_ =	sdelay $0x4  }
0x9b: {  	v2 =	vld.idx.msk [tilespmem:v2+s28+$0xC800], $0xffff  }
0x9c: {  	v3 =	vadd.s32 v33, v1;
	_ =	sdelay $0x3  }
0x9d: {  	[tilespmem:s30+$0x1C810] =	vst v2  }
0x9e: {  	v2 =	vld.idx.msk [tilespmem:v3+s28+$0xC800], $0xffff  }
0x9f: {  	v3 =	vadd.s32 v34, v1;
	_ =	sdelay $0x3  }
0xa0: {  	[tilespmem:s30+$0x1C890] =	vst v2  }
0xa1: {  	v2 =	vld.idx.msk [tilespmem:v3+s28+$0xC800], $0xffff  }
0xa2: {  	v3 =	vadd.s32 v35, v1;
	_ =	sdelay $0x3  }
0xa3: {  	[tilespmem:s30+$0x1C910] =	vst v2  }
0xa4: {  	v2 =	vld.idx.msk [tilespmem:v3+s28+$0xC800], $0xffff  }
0xa5: {  	v3 =	vadd.s32 v36, v1;
	_ =	sdelay $0x3  }
0xa6: {  	[tilespmem:s30+$0x1C990] =	vst v2  }
0xa7: {  	v2 =	vld.idx.msk [tilespmem:v3+s28+$0xC800], $0xffff  }
0xa8: {  	v3 =	vadd.s32 v37, v1;
	_ =	sdelay $0x3  }
0xa9: {  	[tilespmem:s30+$0x1CA10] =	vst v2  }
0xaa: {  	v2 =	vld.idx.msk [tilespmem:v3+s28+$0xC800], $0xffff  }
0xab: {  	v3 =	vadd.s32 v38, v1;
	_ =	sdelay $0x3  }
0xac: {  	[tilespmem:s30+$0x1CA90] =	vst v2  }
0xad: {  	v2 =	vld.idx.msk [tilespmem:v3+s28+$0xC800], $0xffff  }
0xae: {  	v3 =	vadd.s32 v39, v1;
	_ =	sdelay $0x3  }
0xaf: {  	[tilespmem:s30+$0x1CB10] =	vst v2  }
0xb0: {  	v2 =	vld.idx.msk [tilespmem:v3+s28+$0xC800], $0xffff  }
0xb1: {  	v3 =	vadd.s32 v40, v1;
	_ =	sdelay $0x3  }
0xb2: {  	[tilespmem:s30+$0x1CB90] =	vst v2  }
0xb3: {  	v2 =	vld.idx.msk [tilespmem:v3+s28+$0xC800], $0xffff  }
0xb4: {  	v3 =	vadd.s32 v41, v1;
	_ =	sdelay $0x3  }
0xb5: {  	[tilespmem:s30+$0x1CC10] =	vst v2  }
0xb6: {  	v2 =	vld.idx.msk [tilespmem:v3+s28+$0xC800], $0xffff  }
0xb7: {  	v3 =	vadd.s32 v42, v1;
	_ =	sdelay $0x3  }
0xb8: {  	[tilespmem:s30+$0x1CC90] =	vst v2  }
0xb9: {  	v2 =	vld.idx.msk [tilespmem:v3+s28+$0xC800], $0xffff  }
0xba: {  	v3 =	vadd.s32 v43, v1;
	_ =	sdelay $0x3  }
0xbb: {  	[tilespmem:s30+$0x1CD10] =	vst v2  }
0xbc: {  	v2 =	vld.idx.msk [tilespmem:v3+s28+$0xC800], $0xffff  }
0xbd: {  	v3 =	vadd.s32 v44, v1;
	_ =	sdelay $0x3  }
0xbe: {  	[tilespmem:s30+$0x1CD90] =	vst v2  }
0xbf: {  	v2 =	vld.idx.msk [tilespmem:v3+s28+$0xC800], $0xffff  }
0xc0: {  	v3 =	vadd.s32 v45, v1;
	_ =	sdelay $0x3  }
0xc1: {  	[tilespmem:s30+$0x1CE10] =	vst v2  }
0xc2: {  	v2 =	vld.idx.msk [tilespmem:v3+s28+$0xC800], $0xffff  }
0xc3: {  	v3 =	vadd.s32 v46, v1;
	_ =	sdelay $0x3  }
0xc4: {  	[tilespmem:s30+$0x1CE90] =	vst v2  }
0xc5: {  	v2 =	vld.idx.msk [tilespmem:v3+s28+$0xC800], $0xffff  }
0xc6: {  	v3 =	vadd.s32 v47, v1;
	_ =	sdelay $0x3  }
0xc7: {  	[tilespmem:s30+$0x1CF10] =	vst v2  }
0xc8: {  	v2 =	vld.idx.msk [tilespmem:v3+s28+$0xC800], $0xffff  }
0xc9: {  	v3 =	vadd.s32 v48, v1;
	_ =	sdelay $0x3  }
0xca: {  	[tilespmem:s30+$0x1CF90] =	vst v2  }
0xcb: {  	v2 =	vld.idx.msk [tilespmem:v3+s28+$0xC800], $0xffff  }
0xcc: {  	v3 =	vadd.s32 v49, v1;
	_ =	sdelay $0x3  }
0xcd: {  	[tilespmem:s30+$0x1D010] =	vst v2  }
0xce: {  	v2 =	vld.idx.msk [tilespmem:v3+s28+$0xC800], $0xffff  }
0xcf: {  	v3 =	vadd.s32 v50, v1;
	_ =	sdelay $0x3  }
0xd0: {  	[tilespmem:s30+$0x1D090] =	vst v2  }
0xd1: {  	v2 =	vld.idx.msk [tilespmem:v3+s28+$0xC800], $0xffff  }
0xd2: {  	v3 =	vadd.s32 v51, v1;
	_ =	sdelay $0x3  }
0xd3: {  	[tilespmem:s30+$0x1D110] =	vst v2  }
0xd4: {  	v2 =	vld.idx.msk [tilespmem:v3+s28+$0xC800], $0xffff  }
0xd5: {  	v3 =	vadd.s32 v52, v1;
	_ =	sdelay $0x3  }
0xd6: {  	[tilespmem:s30+$0x1D190] =	vst v2  }
0xd7: {  	v2 =	vld.idx.msk [tilespmem:v3+s28+$0xC800], $0xffff  }
0xd8: {  	v3 =	vadd.s32 v53, v1;
	_ =	sdelay $0x3  }
0xd9: {  	[tilespmem:s30+$0x1D210] =	vst v2  }
0xda: {  	v2 =	vld.idx.msk [tilespmem:v3+s28+$0xC800], $0xffff  }
0xdb: {  	v3 =	vadd.s32 v54, v1;
	_ =	sdelay $0x3  }
0xdc: {  	[tilespmem:s30+$0x1D290] =	vst v2  }
0xdd: {  	v2 =	vld.idx.msk [tilespmem:v3+s28+$0xC800], $0xffff  }
0xde: {  	v3 =	vadd.s32 v55, v1;
	_ =	sdelay $0x3  }
0xdf: {  	[tilespmem:s30+$0x1D310] =	vst v2  }
0xe0: {  	v2 =	vld.idx.msk [tilespmem:v3+s28+$0xC800], $0xffff  }
0xe1: {  	v3 =	vadd.s32 v56, v1;
	_ =	sdelay $0x3  }
0xe2: {  	[tilespmem:s30+$0x1D390] =	vst v2  }
0xe3: {  	v2 =	vld.idx.msk [tilespmem:v3+s28+$0xC800], $0xffff  }
0xe4: {  	v3 =	vadd.s32 v57, v1;
	_ =	sdelay $0x3  }
0xe5: {  	[tilespmem:s30+$0x1D410] =	vst v2  }
0xe6: {  	v2 =	vld.idx.msk [tilespmem:v3+s28+$0xC800], $0xffff  }
0xe7: {  	v3 =	vadd.s32 v58, v1;
	_ =	sdelay $0x3  }
0xe8: {  	[tilespmem:s30+$0x1D490] =	vst v2  }
0xe9: {  	v2 =	vld.idx.msk [tilespmem:v3+s28+$0xC800], $0xffff  }
0xea: {  	v3 =	vadd.s32 v59, v1;
	_ =	sdelay $0x3  }
0xeb: {  	[tilespmem:s30+$0x1D510] =	vst v2  }
0xec: {  	v2 =	vld.idx.msk [tilespmem:v3+s28+$0xC800], $0xffff  }
0xed: {  	v3 =	vadd.s32 v60, v1;
	_ =	sdelay $0x3  }
0xee: {  	[tilespmem:s30+$0x1D590] =	vst v2  }
0xef: {  	v2 =	vld.idx.msk [tilespmem:v3+s28+$0xC800], $0xffff  }
0xf0: {  	v3 =	vadd.s32 v61, v1;
	_ =	sdelay $0x3  }
0xf1: {  	[tilespmem:s30+$0x1D610] =	vst v2  }
0xf2: {  	v2 =	vld.idx.msk [tilespmem:v3+s28+$0xC800], $0xffff  }
0xf3: {  	v3 =	vadd.s32 v62, v1;
	_ =	sdelay $0x3  }
0xf4: {  	[tilespmem:s30+$0x1D690] =	vst v2  }
0xf5: {  	v2 =	vld.idx.msk [tilespmem:v3+s28+$0xC800], $0xffff  }
0xf6: {  	v1 =	vadd.s32 v63, v1;
	_ =	sdelay $0x3  }
0xf7: {  	[tilespmem:s30+$0x1D710] =	vst v2  }
0xf8: {  	v1 =	vld.idx.msk [tilespmem:v1+s28+$0xC800], $0xffff;
	_ =	sdelay $0x4  }
0xf9: {  	[tilespmem:s30+$0x1D790] =	vst v1  }
0xfa: {  	v1 =	vld [tilespmem:s23+$0xFFFFFFE0];
	_ =	sdelay $0x4  }
0xfb: {  	v2 =	vor.u32 $0x1000, v0;
	v1 =	vshll.u32 v1, $0x5  }
0xfc: {  	v2 =	vadd.s32 v2, v1;
	_ =	sdelay $0x4  }
0xfd: {  	v3 =	vor.u32 $0x1001, v0;
	v2 =	vld.idx.msk [tilespmem:v2+s28+$0xC800], $0xffff  }
0xfe: {  	v3 =	vadd.s32 v3, v1;
	_ =	sdelay $0x3  }
0xff: {  	[tilespmem:s30+$0x1C820] =	vst v2  }
0x100: {  	v2 =	vld.idx.msk [tilespmem:v3+s28+$0xC800], $0xffff;
	v3 =	vor.u32 $0x1002, v0  }
0x101: {  	v3 =	vadd.s32 v3, v1;
	_ =	sdelay $0x3  }
0x102: {  	[tilespmem:s30+$0x1C8A0] =	vst v2  }
0x103: {  	v2 =	vld.idx.msk [tilespmem:v3+s28+$0xC800], $0xffff;
	v3 =	vor.u32 $0x1003, v0  }
0x104: {  	v3 =	vadd.s32 v3, v1;
	_ =	sdelay $0x3  }
0x105: {  	[tilespmem:s30+$0x1C920] =	vst v2  }
0x106: {  	v2 =	vld.idx.msk [tilespmem:v3+s28+$0xC800], $0xffff;
	v3 =	vor.u32 $0x1004, v0  }
0x107: {  	v3 =	vadd.s32 v3, v1;
	_ =	sdelay $0x3  }
0x108: {  	[tilespmem:s30+$0x1C9A0] =	vst v2  }
0x109: {  	v2 =	vld.idx.msk [tilespmem:v3+s28+$0xC800], $0xffff;
	v3 =	vor.u32 $0x1005, v0  }
0x10a: {  	v3 =	vadd.s32 v3, v1;
	_ =	sdelay $0x3  }
0x10b: {  	[tilespmem:s30+$0x1CA20] =	vst v2  }
0x10c: {  	v2 =	vld.idx.msk [tilespmem:v3+s28+$0xC800], $0xffff;
	v3 =	vor.u32 $0x1006, v0  }
0x10d: {  	v3 =	vadd.s32 v3, v1;
	_ =	sdelay $0x3  }
0x10e: {  	[tilespmem:s30+$0x1CAA0] =	vst v2  }
0x10f: {  	v2 =	vld.idx.msk [tilespmem:v3+s28+$0xC800], $0xffff;
	v3 =	vor.u32 $0x1007, v0  }
0x110: {  	v3 =	vadd.s32 v3, v1;
	_ =	sdelay $0x3  }
0x111: {  	[tilespmem:s30+$0x1CB20] =	vst v2  }
0x112: {  	v2 =	vld.idx.msk [tilespmem:v3+s28+$0xC800], $0xffff;
	v3 =	vor.u32 $0x1008, v0  }
0x113: {  	v3 =	vadd.s32 v3, v1;
	_ =	sdelay $0x3  }
0x114: {  	[tilespmem:s30+$0x1CBA0] =	vst v2  }
0x115: {  	v2 =	vld.idx.msk [tilespmem:v3+s28+$0xC800], $0xffff;
	v3 =	vor.u32 $0x1009, v0  }
0x116: {  	v3 =	vadd.s32 v3, v1;
	_ =	sdelay $0x3  }
0x117: {  	[tilespmem:s30+$0x1CC20] =	vst v2  }
0x118: {  	v2 =	vld.idx.msk [tilespmem:v3+s28+$0xC800], $0xffff;
	v3 =	vor.u32 $0x100A, v0  }
0x119: {  	v3 =	vadd.s32 v3, v1;
	_ =	sdelay $0x3  }
0x11a: {  	[tilespmem:s30+$0x1CCA0] =	vst v2  }
0x11b: {  	v2 =	vld.idx.msk [tilespmem:v3+s28+$0xC800], $0xffff;
	v3 =	vor.u32 $0x100B, v0  }
0x11c: {  	v3 =	vadd.s32 v3, v1;
	_ =	sdelay $0x3  }
0x11d: {  	[tilespmem:s30+$0x1CD20] =	vst v2  }
0x11e: {  	v2 =	vld.idx.msk [tilespmem:v3+s28+$0xC800], $0xffff;
	v3 =	vor.u32 $0x100C, v0  }
0x11f: {  	v3 =	vadd.s32 v3, v1;
	_ =	sdelay $0x3  }
0x120: {  	[tilespmem:s30+$0x1CDA0] =	vst v2  }
0x121: {  	v2 =	vld.idx.msk [tilespmem:v3+s28+$0xC800], $0xffff;
	v3 =	vor.u32 $0x100D, v0  }
0x122: {  	v3 =	vadd.s32 v3, v1;
	_ =	sdelay $0x3  }
0x123: {  	[tilespmem:s30+$0x1CE20] =	vst v2  }
0x124: {  	v2 =	vld.idx.msk [tilespmem:v3+s28+$0xC800], $0xffff;
	v3 =	vor.u32 $0x100E, v0  }
0x125: {  	v3 =	vadd.s32 v3, v1;
	_ =	sdelay $0x3  }
0x126: {  	[tilespmem:s30+$0x1CEA0] =	vst v2  }
0x127: {  	v2 =	vld.idx.msk [tilespmem:v3+s28+$0xC800], $0xffff;
	v3 =	vor.u32 $0x100F, v0  }
0x128: {  	v3 =	vadd.s32 v3, v1;
	_ =	sdelay $0x3  }
0x129: {  	[tilespmem:s30+$0x1CF20] =	vst v2  }
0x12a: {  	v2 =	vld.idx.msk [tilespmem:v3+s28+$0xC800], $0xffff;
	v3 =	vor.u32 $0x1010, v0  }
0x12b: {  	v3 =	vadd.s32 v3, v1;
	_ =	sdelay $0x3  }
0x12c: {  	[tilespmem:s30+$0x1CFA0] =	vst v2  }
0x12d: {  	v2 =	vld.idx.msk [tilespmem:v3+s28+$0xC800], $0xffff;
	v3 =	vor.u32 $0x1011, v0  }
0x12e: {  	v3 =	vadd.s32 v3, v1;
	_ =	sdelay $0x3  }
0x12f: {  	[tilespmem:s30+$0x1D020] =	vst v2  }
0x130: {  	v2 =	vld.idx.msk [tilespmem:v3+s28+$0xC800], $0xffff;
	v3 =	vor.u32 $0x1012, v0  }
0x131: {  	v3 =	vadd.s32 v3, v1;
	_ =	sdelay $0x3  }
0x132: {  	[tilespmem:s30+$0x1D0A0] =	vst v2  }
0x133: {  	v2 =	vld.idx.msk [tilespmem:v3+s28+$0xC800], $0xffff;
	v3 =	vor.u32 $0x1013, v0  }
0x134: {  	v3 =	vadd.s32 v3, v1;
	_ =	sdelay $0x3  }
0x135: {  	[tilespmem:s30+$0x1D120] =	vst v2  }
0x136: {  	v2 =	vld.idx.msk [tilespmem:v3+s28+$0xC800], $0xffff;
	v3 =	vor.u32 $0x1014, v0  }
0x137: {  	v3 =	vadd.s32 v3, v1;
	_ =	sdelay $0x3  }
0x138: {  	[tilespmem:s30+$0x1D1A0] =	vst v2  }
0x139: {  	v2 =	vld.idx.msk [tilespmem:v3+s28+$0xC800], $0xffff;
	v3 =	vor.u32 $0x1015, v0  }
0x13a: {  	v3 =	vadd.s32 v3, v1;
	_ =	sdelay $0x3  }
0x13b: {  	[tilespmem:s30+$0x1D220] =	vst v2  }
0x13c: {  	v2 =	vld.idx.msk [tilespmem:v3+s28+$0xC800], $0xffff;
	v3 =	vor.u32 $0x1016, v0  }
0x13d: {  	v3 =	vadd.s32 v3, v1;
	_ =	sdelay $0x3  }
0x13e: {  	[tilespmem:s30+$0x1D2A0] =	vst v2  }
0x13f: {  	v2 =	vld.idx.msk [tilespmem:v3+s28+$0xC800], $0xffff;
	v3 =	vor.u32 $0x1017, v0  }
0x140: {  	v3 =	vadd.s32 v3, v1;
	_ =	sdelay $0x3  }
0x141: {  	[tilespmem:s30+$0x1D320] =	vst v2  }
0x142: {  	v2 =	vld.idx.msk [tilespmem:v3+s28+$0xC800], $0xffff;
	v3 =	vor.u32 $0x1018, v0  }
0x143: {  	v3 =	vadd.s32 v3, v1;
	_ =	sdelay $0x3  }
0x144: {  	[tilespmem:s30+$0x1D3A0] =	vst v2  }
0x145: {  	v2 =	vld.idx.msk [tilespmem:v3+s28+$0xC800], $0xffff;
	v3 =	vor.u32 $0x1019, v0  }
0x146: {  	v3 =	vadd.s32 v3, v1;
	_ =	sdelay $0x3  }
0x147: {  	[tilespmem:s30+$0x1D420] =	vst v2  }
0x148: {  	v2 =	vld.idx.msk [tilespmem:v3+s28+$0xC800], $0xffff;
	v3 =	vor.u32 $0x101A, v0  }
0x149: {  	v3 =	vadd.s32 v3, v1;
	_ =	sdelay $0x3  }
0x14a: {  	[tilespmem:s30+$0x1D4A0] =	vst v2  }
0x14b: {  	v2 =	vld.idx.msk [tilespmem:v3+s28+$0xC800], $0xffff;
	v3 =	vor.u32 $0x101B, v0  }
0x14c: {  	v3 =	vadd.s32 v3, v1;
	_ =	sdelay $0x3  }
0x14d: {  	[tilespmem:s30+$0x1D520] =	vst v2  }
0x14e: {  	v2 =	vld.idx.msk [tilespmem:v3+s28+$0xC800], $0xffff;
	v3 =	vor.u32 $0x101C, v0  }
0x14f: {  	v3 =	vadd.s32 v3, v1;
	_ =	sdelay $0x3  }
0x150: {  	[tilespmem:s30+$0x1D5A0] =	vst v2  }
0x151: {  	v2 =	vld.idx.msk [tilespmem:v3+s28+$0xC800], $0xffff;
	v3 =	vor.u32 $0x101D, v0  }
0x152: {  	v3 =	vadd.s32 v3, v1;
	_ =	sdelay $0x3  }
0x153: {  	[tilespmem:s30+$0x1D620] =	vst v2  }
0x154: {  	v2 =	vld.idx.msk [tilespmem:v3+s28+$0xC800], $0xffff;
	v3 =	vor.u32 $0x101E, v0  }
0x155: {  	v3 =	vadd.s32 v3, v1;
	_ =	sdelay $0x3  }
0x156: {  	[tilespmem:s30+$0x1D6A0] =	vst v2  }
0x157: {  	v2 =	vld.idx.msk [tilespmem:v3+s28+$0xC800], $0xffff;
	v3 =	vor.u32 $0x101F, v0  }
0x158: {  	v1 =	vadd.s32 v3, v1;
	_ =	sdelay $0x3  }
0x159: {  	[tilespmem:s30+$0x1D720] =	vst v2  }
0x15a: {  	v1 =	vld.idx.msk [tilespmem:v1+s28+$0xC800], $0xffff;
	_ =	sdelay $0x4  }
0x15b: {  	[tilespmem:s30+$0x1D7A0] =	vst v1  }
0x15c: {  	v1 =	vld [tilespmem:s23+$0xFFFFFFF0];
	_ =	sdelay $0x4  }
0x15d: {  	v2 =	vor.u32 $0x1800, v0;
	v1 =	vshll.u32 v1, $0x5  }
0x15e: {  	v2 =	vadd.s32 v2, v1;
	_ =	sdelay $0x4  }
0x15f: {  	v3 =	vor.u32 $0x1801, v0;
	v2 =	vld.idx.msk [tilespmem:v2+s28+$0xC800], $0xffff  }
0x160: {  	v3 =	vadd.s32 v3, v1;
	_ =	sdelay $0x3  }
0x161: {  	[tilespmem:s30+$0x1C830] =	vst v2  }
0x162: {  	v2 =	vld.idx.msk [tilespmem:v3+s28+$0xC800], $0xffff;
	v3 =	vor.u32 $0x1802, v0  }
0x163: {  	v3 =	vadd.s32 v3, v1;
	_ =	sdelay $0x3  }
0x164: {  	[tilespmem:s30+$0x1C8B0] =	vst v2  }
0x165: {  	v2 =	vld.idx.msk [tilespmem:v3+s28+$0xC800], $0xffff;
	v3 =	vor.u32 $0x1803, v0  }
0x166: {  	v3 =	vadd.s32 v3, v1;
	_ =	sdelay $0x3  }
0x167: {  	[tilespmem:s30+$0x1C930] =	vst v2  }
0x168: {  	v2 =	vld.idx.msk [tilespmem:v3+s28+$0xC800], $0xffff;
	v3 =	vor.u32 $0x1804, v0  }
0x169: {  	v3 =	vadd.s32 v3, v1;
	_ =	sdelay $0x3  }
0x16a: {  	[tilespmem:s30+$0x1C9B0] =	vst v2  }
0x16b: {  	v2 =	vld.idx.msk [tilespmem:v3+s28+$0xC800], $0xffff;
	v3 =	vor.u32 $0x1805, v0  }
0x16c: {  	v3 =	vadd.s32 v3, v1;
	_ =	sdelay $0x3  }
0x16d: {  	[tilespmem:s30+$0x1CA30] =	vst v2  }
0x16e: {  	v2 =	vld.idx.msk [tilespmem:v3+s28+$0xC800], $0xffff;
	v3 =	vor.u32 $0x1806, v0  }
0x16f: {  	v3 =	vadd.s32 v3, v1;
	_ =	sdelay $0x3  }
0x170: {  	[tilespmem:s30+$0x1CAB0] =	vst v2  }
0x171: {  	v2 =	vld.idx.msk [tilespmem:v3+s28+$0xC800], $0xffff;
	v3 =	vor.u32 $0x1807, v0  }
0x172: {  	v3 =	vadd.s32 v3, v1;
	_ =	sdelay $0x3  }
0x173: {  	[tilespmem:s30+$0x1CB30] =	vst v2  }
0x174: {  	v2 =	vld.idx.msk [tilespmem:v3+s28+$0xC800], $0xffff;
	v3 =	vor.u32 $0x1808, v0  }
0x175: {  	v3 =	vadd.s32 v3, v1;
	_ =	sdelay $0x3  }
0x176: {  	[tilespmem:s30+$0x1CBB0] =	vst v2  }
0x177: {  	v2 =	vld.idx.msk [tilespmem:v3+s28+$0xC800], $0xffff;
	v3 =	vor.u32 $0x1809, v0  }
0x178: {  	v3 =	vadd.s32 v3, v1;
	_ =	sdelay $0x3  }
0x179: {  	[tilespmem:s30+$0x1CC30] =	vst v2  }
0x17a: {  	v2 =	vld.idx.msk [tilespmem:v3+s28+$0xC800], $0xffff;
	v3 =	vor.u32 $0x180A, v0  }
0x17b: {  	v3 =	vadd.s32 v3, v1;
	_ =	sdelay $0x3  }
0x17c: {  	[tilespmem:s30+$0x1CCB0] =	vst v2  }
0x17d: {  	v2 =	vld.idx.msk [tilespmem:v3+s28+$0xC800], $0xffff;
	v3 =	vor.u32 $0x180B, v0  }
0x17e: {  	v3 =	vadd.s32 v3, v1;
	_ =	sdelay $0x3  }
0x17f: {  	[tilespmem:s30+$0x1CD30] =	vst v2  }
0x180: {  	v2 =	vld.idx.msk [tilespmem:v3+s28+$0xC800], $0xffff;
	v3 =	vor.u32 $0x180C, v0  }
0x181: {  	v3 =	vadd.s32 v3, v1;
	_ =	sdelay $0x3  }
0x182: {  	[tilespmem:s30+$0x1CDB0] =	vst v2  }
0x183: {  	v2 =	vld.idx.msk [tilespmem:v3+s28+$0xC800], $0xffff;
	v3 =	vor.u32 $0x180D, v0  }
0x184: {  	v3 =	vadd.s32 v3, v1;
	_ =	sdelay $0x3  }
0x185: {  	[tilespmem:s30+$0x1CE30] =	vst v2  }
0x186: {  	v2 =	vld.idx.msk [tilespmem:v3+s28+$0xC800], $0xffff;
	v3 =	vor.u32 $0x180E, v0  }
0x187: {  	v3 =	vadd.s32 v3, v1;
	_ =	sdelay $0x3  }
0x188: {  	[tilespmem:s30+$0x1CEB0] =	vst v2  }
0x189: {  	v2 =	vld.idx.msk [tilespmem:v3+s28+$0xC800], $0xffff;
	v3 =	vor.u32 $0x180F, v0  }
0x18a: {  	v3 =	vadd.s32 v3, v1;
	_ =	sdelay $0x3  }
0x18b: {  	[tilespmem:s30+$0x1CF30] =	vst v2  }
0x18c: {  	v2 =	vld.idx.msk [tilespmem:v3+s28+$0xC800], $0xffff;
	v3 =	vor.u32 $0x1810, v0  }
0x18d: {  	v3 =	vadd.s32 v3, v1;
	_ =	sdelay $0x3  }
0x18e: {  	[tilespmem:s30+$0x1CFB0] =	vst v2  }
0x18f: {  	v2 =	vld.idx.msk [tilespmem:v3+s28+$0xC800], $0xffff;
	v3 =	vor.u32 $0x1811, v0  }
0x190: {  	v3 =	vadd.s32 v3, v1;
	_ =	sdelay $0x3  }
0x191: {  	[tilespmem:s30+$0x1D030] =	vst v2  }
0x192: {  	v2 =	vld.idx.msk [tilespmem:v3+s28+$0xC800], $0xffff;
	v3 =	vor.u32 $0x1812, v0  }
0x193: {  	v3 =	vadd.s32 v3, v1;
	_ =	sdelay $0x3  }
0x194: {  	[tilespmem:s30+$0x1D0B0] =	vst v2  }
0x195: {  	v2 =	vld.idx.msk [tilespmem:v3+s28+$0xC800], $0xffff;
	v3 =	vor.u32 $0x1813, v0  }
0x196: {  	v3 =	vadd.s32 v3, v1;
	_ =	sdelay $0x3  }
0x197: {  	[tilespmem:s30+$0x1D130] =	vst v2  }
0x198: {  	v2 =	vld.idx.msk [tilespmem:v3+s28+$0xC800], $0xffff;
	v3 =	vor.u32 $0x1814, v0  }
0x199: {  	v3 =	vadd.s32 v3, v1;
	_ =	sdelay $0x3  }
0x19a: {  	[tilespmem:s30+$0x1D1B0] =	vst v2  }
0x19b: {  	v2 =	vld.idx.msk [tilespmem:v3+s28+$0xC800], $0xffff;
	v3 =	vor.u32 $0x1815, v0  }
0x19c: {  	v3 =	vadd.s32 v3, v1;
	_ =	sdelay $0x3  }
0x19d: {  	[tilespmem:s30+$0x1D230] =	vst v2  }
0x19e: {  	v2 =	vld.idx.msk [tilespmem:v3+s28+$0xC800], $0xffff;
	v3 =	vor.u32 $0x1816, v0  }
0x19f: {  	v3 =	vadd.s32 v3, v1;
	_ =	sdelay $0x3  }
0x1a0: {  	[tilespmem:s30+$0x1D2B0] =	vst v2  }
0x1a1: {  	v2 =	vld.idx.msk [tilespmem:v3+s28+$0xC800], $0xffff;
	v3 =	vor.u32 $0x1817, v0  }
0x1a2: {  	v3 =	vadd.s32 v3, v1;
	_ =	sdelay $0x3  }
0x1a3: {  	[tilespmem:s30+$0x1D330] =	vst v2  }
0x1a4: {  	v2 =	vld.idx.msk [tilespmem:v3+s28+$0xC800], $0xffff;
	v3 =	vor.u32 $0x1818, v0  }
0x1a5: {  	v3 =	vadd.s32 v3, v1;
	_ =	sdelay $0x3  }
0x1a6: {  	[tilespmem:s30+$0x1D3B0] =	vst v2  }
0x1a7: {  	v2 =	vld.idx.msk [tilespmem:v3+s28+$0xC800], $0xffff;
	v3 =	vor.u32 $0x1819, v0  }
0x1a8: {  	v3 =	vadd.s32 v3, v1;
	_ =	sdelay $0x3  }
0x1a9: {  	[tilespmem:s30+$0x1D430] =	vst v2  }
0x1aa: {  	v2 =	vld.idx.msk [tilespmem:v3+s28+$0xC800], $0xffff;
	v3 =	vor.u32 $0x181A, v0  }
0x1ab: {  	v3 =	vadd.s32 v3, v1;
	_ =	sdelay $0x3  }
0x1ac: {  	[tilespmem:s30+$0x1D4B0] =	vst v2  }
0x1ad: {  	v2 =	vld.idx.msk [tilespmem:v3+s28+$0xC800], $0xffff;
	v3 =	vor.u32 $0x181B, v0  }
0x1ae: {  	v3 =	vadd.s32 v3, v1;
	_ =	sdelay $0x3  }
0x1af: {  	[tilespmem:s30+$0x1D530] =	vst v2  }
0x1b0: {  	v2 =	vld.idx.msk [tilespmem:v3+s28+$0xC800], $0xffff;
	v3 =	vor.u32 $0x181C, v0  }
0x1b1: {  	v3 =	vadd.s32 v3, v1;
	_ =	sdelay $0x3  }
0x1b2: {  	[tilespmem:s30+$0x1D5B0] =	vst v2  }
0x1b3: {  	v2 =	vld.idx.msk [tilespmem:v3+s28+$0xC800], $0xffff;
	v3 =	vor.u32 $0x181D, v0  }
0x1b4: {  	v3 =	vadd.s32 v3, v1;
	_ =	sdelay $0x3  }
0x1b5: {  	[tilespmem:s30+$0x1D630] =	vst v2  }
0x1b6: {  	v2 =	vld.idx.msk [tilespmem:v3+s28+$0xC800], $0xffff;
	v3 =	vor.u32 $0x181E, v0  }
0x1b7: {  	v3 =	vadd.s32 v3, v1;
	_ =	sdelay $0x3  }
0x1b8: {  	[tilespmem:s30+$0x1D6B0] =	vst v2  }
0x1b9: {  	v2 =	vld.idx.msk [tilespmem:v3+s28+$0xC800], $0xffff;
	v3 =	vor.u32 $0x181F, v0  }
0x1ba: {  	v1 =	vadd.s32 v3, v1;
	_ =	sdelay $0x3  }
0x1bb: {  	[tilespmem:s30+$0x1D730] =	vst v2  }
0x1bc: {  	v1 =	vld.idx.msk [tilespmem:v1+s28+$0xC800], $0xffff;
	_ =	sdelay $0x4  }
0x1bd: {  	[tilespmem:s30+$0x1D7B0] =	vst v1  }
0x1be: {  	v1 =	vld [tilespmem:s23+$0x0];
	_ =	sdelay $0x4  }
0x1bf: {  	v2 =	vor.u32 $0x2000, v0;
	v1 =	vshll.u32 v1, $0x5  }
0x1c0: {  	v2 =	vadd.s32 v2, v1;
	_ =	sdelay $0x4  }
0x1c1: {  	v3 =	vor.u32 $0x2001, v0;
	v2 =	vld.idx.msk [tilespmem:v2+s28+$0xC800], $0xffff  }
0x1c2: {  	v3 =	vadd.s32 v3, v1;
	_ =	sdelay $0x3  }
0x1c3: {  	[tilespmem:s30+$0x1C840] =	vst v2  }
0x1c4: {  	v2 =	vld.idx.msk [tilespmem:v3+s28+$0xC800], $0xffff;
	v3 =	vor.u32 $0x2002, v0  }
0x1c5: {  	v3 =	vadd.s32 v3, v1;
	_ =	sdelay $0x3  }
0x1c6: {  	[tilespmem:s30+$0x1C8C0] =	vst v2  }
0x1c7: {  	v2 =	vld.idx.msk [tilespmem:v3+s28+$0xC800], $0xffff;
	v3 =	vor.u32 $0x2003, v0  }
0x1c8: {  	v3 =	vadd.s32 v3, v1;
	_ =	sdelay $0x3  }
0x1c9: {  	[tilespmem:s30+$0x1C940] =	vst v2  }
0x1ca: {  	v2 =	vld.idx.msk [tilespmem:v3+s28+$0xC800], $0xffff;
	v3 =	vor.u32 $0x2004, v0  }
0x1cb: {  	v3 =	vadd.s32 v3, v1;
	_ =	sdelay $0x3  }
0x1cc: {  	[tilespmem:s30+$0x1C9C0] =	vst v2  }
0x1cd: {  	v2 =	vld.idx.msk [tilespmem:v3+s28+$0xC800], $0xffff;
	v3 =	vor.u32 $0x2005, v0  }
0x1ce: {  	v3 =	vadd.s32 v3, v1;
	_ =	sdelay $0x3  }
0x1cf: {  	[tilespmem:s30+$0x1CA40] =	vst v2  }
0x1d0: {  	v2 =	vld.idx.msk [tilespmem:v3+s28+$0xC800], $0xffff;
	v3 =	vor.u32 $0x2006, v0  }
0x1d1: {  	v3 =	vadd.s32 v3, v1;
	_ =	sdelay $0x3  }
0x1d2: {  	[tilespmem:s30+$0x1CAC0] =	vst v2  }
0x1d3: {  	v2 =	vld.idx.msk [tilespmem:v3+s28+$0xC800], $0xffff;
	v3 =	vor.u32 $0x2007, v0  }
0x1d4: {  	v3 =	vadd.s32 v3, v1;
	_ =	sdelay $0x3  }
0x1d5: {  	[tilespmem:s30+$0x1CB40] =	vst v2  }
0x1d6: {  	v2 =	vld.idx.msk [tilespmem:v3+s28+$0xC800], $0xffff;
	v3 =	vor.u32 $0x2008, v0  }
0x1d7: {  	v3 =	vadd.s32 v3, v1;
	_ =	sdelay $0x3  }
0x1d8: {  	[tilespmem:s30+$0x1CBC0] =	vst v2  }
0x1d9: {  	v2 =	vld.idx.msk [tilespmem:v3+s28+$0xC800], $0xffff;
	v3 =	vor.u32 $0x2009, v0  }
0x1da: {  	v3 =	vadd.s32 v3, v1;
	_ =	sdelay $0x3  }
0x1db: {  	[tilespmem:s30+$0x1CC40] =	vst v2  }
0x1dc: {  	v2 =	vld.idx.msk [tilespmem:v3+s28+$0xC800], $0xffff;
	v3 =	vor.u32 $0x200A, v0  }
0x1dd: {  	v3 =	vadd.s32 v3, v1;
	_ =	sdelay $0x3  }
0x1de: {  	[tilespmem:s30+$0x1CCC0] =	vst v2  }
0x1df: {  	v2 =	vld.idx.msk [tilespmem:v3+s28+$0xC800], $0xffff;
	v3 =	vor.u32 $0x200B, v0  }
0x1e0: {  	v3 =	vadd.s32 v3, v1;
	_ =	sdelay $0x3  }
0x1e1: {  	[tilespmem:s30+$0x1CD40] =	vst v2  }
0x1e2: {  	v2 =	vld.idx.msk [tilespmem:v3+s28+$0xC800], $0xffff;
	v3 =	vor.u32 $0x200C, v0  }
0x1e3: {  	v3 =	vadd.s32 v3, v1;
	_ =	sdelay $0x3  }
0x1e4: {  	[tilespmem:s30+$0x1CDC0] =	vst v2  }
0x1e5: {  	v2 =	vld.idx.msk [tilespmem:v3+s28+$0xC800], $0xffff;
	v3 =	vor.u32 $0x200D, v0  }
0x1e6: {  	v3 =	vadd.s32 v3, v1;
	_ =	sdelay $0x3  }
0x1e7: {  	[tilespmem:s30+$0x1CE40] =	vst v2  }
0x1e8: {  	v2 =	vld.idx.msk [tilespmem:v3+s28+$0xC800], $0xffff;
	v3 =	vor.u32 $0x200E, v0  }
0x1e9: {  	v3 =	vadd.s32 v3, v1;
	_ =	sdelay $0x3  }
0x1ea: {  	[tilespmem:s30+$0x1CEC0] =	vst v2  }
0x1eb: {  	v2 =	vld.idx.msk [tilespmem:v3+s28+$0xC800], $0xffff;
	v3 =	vor.u32 $0x200F, v0  }
0x1ec: {  	v3 =	vadd.s32 v3, v1;
	_ =	sdelay $0x3  }
0x1ed: {  	[tilespmem:s30+$0x1CF40] =	vst v2  }
0x1ee: {  	v2 =	vld.idx.msk [tilespmem:v3+s28+$0xC800], $0xffff;
	v3 =	vor.u32 $0x2010, v0  }
0x1ef: {  	v3 =	vadd.s32 v3, v1;
	_ =	sdelay $0x3  }
0x1f0: {  	[tilespmem:s30+$0x1CFC0] =	vst v2  }
0x1f1: {  	v2 =	vld.idx.msk [tilespmem:v3+s28+$0xC800], $0xffff;
	v3 =	vor.u32 $0x2011, v0  }
0x1f2: {  	v3 =	vadd.s32 v3, v1;
	_ =	sdelay $0x3  }
0x1f3: {  	[tilespmem:s30+$0x1D040] =	vst v2  }
0x1f4: {  	v2 =	vld.idx.msk [tilespmem:v3+s28+$0xC800], $0xffff;
	v3 =	vor.u32 $0x2012, v0  }
0x1f5: {  	v3 =	vadd.s32 v3, v1;
	_ =	sdelay $0x3  }
0x1f6: {  	[tilespmem:s30+$0x1D0C0] =	vst v2  }
0x1f7: {  	v2 =	vld.idx.msk [tilespmem:v3+s28+$0xC800], $0xffff;
	v3 =	vor.u32 $0x2013, v0  }
0x1f8: {  	v3 =	vadd.s32 v3, v1;
	_ =	sdelay $0x3  }
0x1f9: {  	[tilespmem:s30+$0x1D140] =	vst v2  }
0x1fa: {  	v2 =	vld.idx.msk [tilespmem:v3+s28+$0xC800], $0xffff;
	v3 =	vor.u32 $0x2014, v0  }
0x1fb: {  	v3 =	vadd.s32 v3, v1;
	_ =	sdelay $0x3  }
0x1fc: {  	[tilespmem:s30+$0x1D1C0] =	vst v2  }
0x1fd: {  	v2 =	vld.idx.msk [tilespmem:v3+s28+$0xC800], $0xffff;
	v3 =	vor.u32 $0x2015, v0  }
0x1fe: {  	v3 =	vadd.s32 v3, v1;
	_ =	sdelay $0x3  }
0x1ff: {  	[tilespmem:s30+$0x1D240] =	vst v2  }
0x200: {  	v2 =	vld.idx.msk [tilespmem:v3+s28+$0xC800], $0xffff;
	v3 =	vor.u32 $0x2016, v0  }
0x201: {  	v3 =	vadd.s32 v3, v1;
	_ =	sdelay $0x3  }
0x202: {  	[tilespmem:s30+$0x1D2C0] =	vst v2  }
0x203: {  	v2 =	vld.idx.msk [tilespmem:v3+s28+$0xC800], $0xffff;
	v3 =	vor.u32 $0x2017, v0  }
0x204: {  	v3 =	vadd.s32 v3, v1;
	_ =	sdelay $0x3  }
0x205: {  	[tilespmem:s30+$0x1D340] =	vst v2  }
0x206: {  	v2 =	vld.idx.msk [tilespmem:v3+s28+$0xC800], $0xffff;
	v3 =	vor.u32 $0x2018, v0  }
0x207: {  	v3 =	vadd.s32 v3, v1;
	_ =	sdelay $0x3  }
0x208: {  	[tilespmem:s30+$0x1D3C0] =	vst v2  }
0x209: {  	v2 =	vld.idx.msk [tilespmem:v3+s28+$0xC800], $0xffff;
	v3 =	vor.u32 $0x2019, v0  }
0x20a: {  	v3 =	vadd.s32 v3, v1;
	_ =	sdelay $0x3  }
0x20b: {  	[tilespmem:s30+$0x1D440] =	vst v2  }
0x20c: {  	v2 =	vld.idx.msk [tilespmem:v3+s28+$0xC800], $0xffff;
	v3 =	vor.u32 $0x201A, v0  }
0x20d: {  	v3 =	vadd.s32 v3, v1;
	_ =	sdelay $0x3  }
0x20e: {  	[tilespmem:s30+$0x1D4C0] =	vst v2  }
0x20f: {  	v2 =	vld.idx.msk [tilespmem:v3+s28+$0xC800], $0xffff;
	v3 =	vor.u32 $0x201B, v0  }
0x210: {  	v3 =	vadd.s32 v3, v1;
	_ =	sdelay $0x3  }
0x211: {  	[tilespmem:s30+$0x1D540] =	vst v2  }
0x212: {  	v2 =	vld.idx.msk [tilespmem:v3+s28+$0xC800], $0xffff;
	v3 =	vor.u32 $0x201C, v0  }
0x213: {  	v3 =	vadd.s32 v3, v1;
	_ =	sdelay $0x3  }
0x214: {  	[tilespmem:s30+$0x1D5C0] =	vst v2  }
0x215: {  	v2 =	vld.idx.msk [tilespmem:v3+s28+$0xC800], $0xffff;
	v3 =	vor.u32 $0x201D, v0  }
0x216: {  	v3 =	vadd.s32 v3, v1;
	_ =	sdelay $0x3  }
0x217: {  	[tilespmem:s30+$0x1D640] =	vst v2  }
0x218: {  	v2 =	vld.idx.msk [tilespmem:v3+s28+$0xC800], $0xffff;
	v3 =	vor.u32 $0x201E, v0  }
0x219: {  	v3 =	vadd.s32 v3, v1;
	_ =	sdelay $0x3  }
0x21a: {  	[tilespmem:s30+$0x1D6C0] =	vst v2  }
0x21b: {  	v2 =	vld.idx.msk [tilespmem:v3+s28+$0xC800], $0xffff;
	v3 =	vor.u32 $0x201F, v0  }
0x21c: {  	v1 =	vadd.s32 v3, v1;
	_ =	sdelay $0x3  }
0x21d: {  	[tilespmem:s30+$0x1D740] =	vst v2  }
0x21e: {  	v1 =	vld.idx.msk [tilespmem:v1+s28+$0xC800], $0xffff;
	_ =	sdelay $0x4  }
0x21f: {  	[tilespmem:s30+$0x1D7C0] =	vst v1  }
0x220: {  	v1 =	vld [tilespmem:s23+$0x10];
	_ =	sdelay $0x4  }
0x221: {  	v2 =	vor.u32 $0x2800, v0;
	v1 =	vshll.u32 v1, $0x5  }
0x222: {  	v2 =	vadd.s32 v2, v1;
	_ =	sdelay $0x4  }
0x223: {  	v3 =	vor.u32 $0x2801, v0;
	v2 =	vld.idx.msk [tilespmem:v2+s28+$0xC800], $0xffff  }
0x224: {  	v3 =	vadd.s32 v3, v1;
	_ =	sdelay $0x3  }
0x225: {  	[tilespmem:s30+$0x1C850] =	vst v2  }
0x226: {  	v2 =	vld.idx.msk [tilespmem:v3+s28+$0xC800], $0xffff;
	v3 =	vor.u32 $0x2802, v0  }
0x227: {  	v3 =	vadd.s32 v3, v1;
	_ =	sdelay $0x3  }
0x228: {  	[tilespmem:s30+$0x1C8D0] =	vst v2  }
0x229: {  	v2 =	vld.idx.msk [tilespmem:v3+s28+$0xC800], $0xffff;
	v3 =	vor.u32 $0x2803, v0  }
0x22a: {  	v3 =	vadd.s32 v3, v1;
	_ =	sdelay $0x3  }
0x22b: {  	[tilespmem:s30+$0x1C950] =	vst v2  }
0x22c: {  	v2 =	vld.idx.msk [tilespmem:v3+s28+$0xC800], $0xffff;
	v3 =	vor.u32 $0x2804, v0  }
0x22d: {  	v3 =	vadd.s32 v3, v1;
	_ =	sdelay $0x3  }
0x22e: {  	[tilespmem:s30+$0x1C9D0] =	vst v2  }
0x22f: {  	v2 =	vld.idx.msk [tilespmem:v3+s28+$0xC800], $0xffff;
	v3 =	vor.u32 $0x2805, v0  }
0x230: {  	v3 =	vadd.s32 v3, v1;
	_ =	sdelay $0x3  }
0x231: {  	[tilespmem:s30+$0x1CA50] =	vst v2  }
0x232: {  	v2 =	vld.idx.msk [tilespmem:v3+s28+$0xC800], $0xffff;
	v3 =	vor.u32 $0x2806, v0  }
0x233: {  	v3 =	vadd.s32 v3, v1;
	_ =	sdelay $0x3  }
0x234: {  	[tilespmem:s30+$0x1CAD0] =	vst v2  }
0x235: {  	v2 =	vld.idx.msk [tilespmem:v3+s28+$0xC800], $0xffff;
	v3 =	vor.u32 $0x2807, v0  }
0x236: {  	v3 =	vadd.s32 v3, v1;
	_ =	sdelay $0x3  }
0x237: {  	[tilespmem:s30+$0x1CB50] =	vst v2  }
0x238: {  	v2 =	vld.idx.msk [tilespmem:v3+s28+$0xC800], $0xffff;
	v3 =	vor.u32 $0x2808, v0  }
0x239: {  	v3 =	vadd.s32 v3, v1;
	_ =	sdelay $0x3  }
0x23a: {  	[tilespmem:s30+$0x1CBD0] =	vst v2  }
0x23b: {  	v2 =	vld.idx.msk [tilespmem:v3+s28+$0xC800], $0xffff;
	v3 =	vor.u32 $0x2809, v0  }
0x23c: {  	v3 =	vadd.s32 v3, v1;
	_ =	sdelay $0x3  }
0x23d: {  	[tilespmem:s30+$0x1CC50] =	vst v2  }
0x23e: {  	v2 =	vld.idx.msk [tilespmem:v3+s28+$0xC800], $0xffff;
	v3 =	vor.u32 $0x280A, v0  }
0x23f: {  	v3 =	vadd.s32 v3, v1;
	_ =	sdelay $0x3  }
0x240: {  	[tilespmem:s30+$0x1CCD0] =	vst v2  }
0x241: {  	v2 =	vld.idx.msk [tilespmem:v3+s28+$0xC800], $0xffff;
	v3 =	vor.u32 $0x280B, v0  }
0x242: {  	v3 =	vadd.s32 v3, v1;
	_ =	sdelay $0x3  }
0x243: {  	[tilespmem:s30+$0x1CD50] =	vst v2  }
0x244: {  	v2 =	vld.idx.msk [tilespmem:v3+s28+$0xC800], $0xffff;
	v3 =	vor.u32 $0x280C, v0  }
0x245: {  	v3 =	vadd.s32 v3, v1;
	_ =	sdelay $0x3  }
0x246: {  	[tilespmem:s30+$0x1CDD0] =	vst v2  }
0x247: {  	v2 =	vld.idx.msk [tilespmem:v3+s28+$0xC800], $0xffff;
	v3 =	vor.u32 $0x280D, v0  }
0x248: {  	v3 =	vadd.s32 v3, v1;
	_ =	sdelay $0x3  }
0x249: {  	[tilespmem:s30+$0x1CE50] =	vst v2  }
0x24a: {  	v2 =	vld.idx.msk [tilespmem:v3+s28+$0xC800], $0xffff;
	v3 =	vor.u32 $0x280E, v0  }
0x24b: {  	v3 =	vadd.s32 v3, v1;
	_ =	sdelay $0x3  }
0x24c: {  	[tilespmem:s30+$0x1CED0] =	vst v2  }
0x24d: {  	v2 =	vld.idx.msk [tilespmem:v3+s28+$0xC800], $0xffff;
	v3 =	vor.u32 $0x280F, v0  }
0x24e: {  	v3 =	vadd.s32 v3, v1;
	_ =	sdelay $0x3  }
0x24f: {  	[tilespmem:s30+$0x1CF50] =	vst v2  }
0x250: {  	v2 =	vld.idx.msk [tilespmem:v3+s28+$0xC800], $0xffff;
	v3 =	vor.u32 $0x2810, v0  }
0x251: {  	v3 =	vadd.s32 v3, v1;
	_ =	sdelay $0x3  }
0x252: {  	[tilespmem:s30+$0x1CFD0] =	vst v2  }
0x253: {  	v2 =	vld.idx.msk [tilespmem:v3+s28+$0xC800], $0xffff;
	v3 =	vor.u32 $0x2811, v0  }
0x254: {  	v3 =	vadd.s32 v3, v1;
	_ =	sdelay $0x3  }
0x255: {  	[tilespmem:s30+$0x1D050] =	vst v2  }
0x256: {  	v2 =	vld.idx.msk [tilespmem:v3+s28+$0xC800], $0xffff;
	v3 =	vor.u32 $0x2812, v0  }
0x257: {  	v3 =	vadd.s32 v3, v1;
	_ =	sdelay $0x3  }
0x258: {  	[tilespmem:s30+$0x1D0D0] =	vst v2  }
0x259: {  	v2 =	vld.idx.msk [tilespmem:v3+s28+$0xC800], $0xffff;
	v3 =	vor.u32 $0x2813, v0  }
0x25a: {  	v3 =	vadd.s32 v3, v1;
	_ =	sdelay $0x3  }
0x25b: {  	[tilespmem:s30+$0x1D150] =	vst v2  }
0x25c: {  	v2 =	vld.idx.msk [tilespmem:v3+s28+$0xC800], $0xffff;
	v3 =	vor.u32 $0x2814, v0  }
0x25d: {  	v3 =	vadd.s32 v3, v1;
	_ =	sdelay $0x3  }
0x25e: {  	[tilespmem:s30+$0x1D1D0] =	vst v2  }
0x25f: {  	v2 =	vld.idx.msk [tilespmem:v3+s28+$0xC800], $0xffff;
	v3 =	vor.u32 $0x2815, v0  }
0x260: {  	v3 =	vadd.s32 v3, v1;
	_ =	sdelay $0x3  }
0x261: {  	[tilespmem:s30+$0x1D250] =	vst v2  }
0x262: {  	v2 =	vld.idx.msk [tilespmem:v3+s28+$0xC800], $0xffff;
	v3 =	vor.u32 $0x2816, v0  }
0x263: {  	v3 =	vadd.s32 v3, v1;
	_ =	sdelay $0x3  }
0x264: {  	[tilespmem:s30+$0x1D2D0] =	vst v2  }
0x265: {  	v2 =	vld.idx.msk [tilespmem:v3+s28+$0xC800], $0xffff;
	v3 =	vor.u32 $0x2817, v0  }
0x266: {  	v3 =	vadd.s32 v3, v1;
	_ =	sdelay $0x3  }
0x267: {  	[tilespmem:s30+$0x1D350] =	vst v2  }
0x268: {  	v2 =	vld.idx.msk [tilespmem:v3+s28+$0xC800], $0xffff;
	v3 =	vor.u32 $0x2818, v0  }
0x269: {  	v3 =	vadd.s32 v3, v1;
	_ =	sdelay $0x3  }
0x26a: {  	[tilespmem:s30+$0x1D3D0] =	vst v2  }
0x26b: {  	v2 =	vld.idx.msk [tilespmem:v3+s28+$0xC800], $0xffff;
	v3 =	vor.u32 $0x2819, v0  }
0x26c: {  	v3 =	vadd.s32 v3, v1;
	_ =	sdelay $0x3  }
0x26d: {  	[tilespmem:s30+$0x1D450] =	vst v2  }
0x26e: {  	v2 =	vld.idx.msk [tilespmem:v3+s28+$0xC800], $0xffff;
	v3 =	vor.u32 $0x281A, v0  }
0x26f: {  	v3 =	vadd.s32 v3, v1;
	_ =	sdelay $0x3  }
0x270: {  	[tilespmem:s30+$0x1D4D0] =	vst v2  }
0x271: {  	v2 =	vld.idx.msk [tilespmem:v3+s28+$0xC800], $0xffff;
	v3 =	vor.u32 $0x281B, v0  }
0x272: {  	v3 =	vadd.s32 v3, v1;
	_ =	sdelay $0x3  }
0x273: {  	[tilespmem:s30+$0x1D550] =	vst v2  }
0x274: {  	v2 =	vld.idx.msk [tilespmem:v3+s28+$0xC800], $0xffff;
	v3 =	vor.u32 $0x281C, v0  }
0x275: {  	v3 =	vadd.s32 v3, v1;
	_ =	sdelay $0x3  }
0x276: {  	[tilespmem:s30+$0x1D5D0] =	vst v2  }
0x277: {  	v2 =	vld.idx.msk [tilespmem:v3+s28+$0xC800], $0xffff;
	v3 =	vor.u32 $0x281D, v0  }
0x278: {  	v3 =	vadd.s32 v3, v1;
	_ =	sdelay $0x3  }
0x279: {  	[tilespmem:s30+$0x1D650] =	vst v2  }
0x27a: {  	v2 =	vld.idx.msk [tilespmem:v3+s28+$0xC800], $0xffff;
	v3 =	vor.u32 $0x281E, v0  }
0x27b: {  	v3 =	vadd.s32 v3, v1;
	_ =	sdelay $0x3  }
0x27c: {  	[tilespmem:s30+$0x1D6D0] =	vst v2  }
0x27d: {  	v2 =	vld.idx.msk [tilespmem:v3+s28+$0xC800], $0xffff;
	v3 =	vor.u32 $0x281F, v0  }
0x27e: {  	v1 =	vadd.s32 v3, v1;
	_ =	sdelay $0x3  }
0x27f: {  	[tilespmem:s30+$0x1D750] =	vst v2  }
0x280: {  	v1 =	vld.idx.msk [tilespmem:v1+s28+$0xC800], $0xffff;
	_ =	sdelay $0x4  }
0x281: {  	[tilespmem:s30+$0x1D7D0] =	vst v1  }
0x282: {  	v1 =	vld [tilespmem:s23+$0x20];
	_ =	sdelay $0x4  }
0x283: {  	v2 =	vor.u32 $0x3000, v0;
	v1 =	vshll.u32 v1, $0x5  }
0x284: {  	v2 =	vadd.s32 v2, v1;
	_ =	sdelay $0x4  }
0x285: {  	v3 =	vor.u32 $0x3001, v0;
	v2 =	vld.idx.msk [tilespmem:v2+s28+$0xC800], $0xffff  }
0x286: {  	v3 =	vadd.s32 v3, v1;
	_ =	sdelay $0x3  }
0x287: {  	[tilespmem:s30+$0x1C860] =	vst v2  }
0x288: {  	v2 =	vld.idx.msk [tilespmem:v3+s28+$0xC800], $0xffff;
	v3 =	vor.u32 $0x3002, v0  }
0x289: {  	v3 =	vadd.s32 v3, v1;
	_ =	sdelay $0x3  }
0x28a: {  	[tilespmem:s30+$0x1C8E0] =	vst v2  }
0x28b: {  	v2 =	vld.idx.msk [tilespmem:v3+s28+$0xC800], $0xffff;
	v3 =	vor.u32 $0x3003, v0  }
0x28c: {  	v3 =	vadd.s32 v3, v1;
	_ =	sdelay $0x3  }
0x28d: {  	[tilespmem:s30+$0x1C960] =	vst v2  }
0x28e: {  	v2 =	vld.idx.msk [tilespmem:v3+s28+$0xC800], $0xffff;
	v3 =	vor.u32 $0x3004, v0  }
0x28f: {  	v3 =	vadd.s32 v3, v1;
	_ =	sdelay $0x3  }
0x290: {  	[tilespmem:s30+$0x1C9E0] =	vst v2  }
0x291: {  	v2 =	vld.idx.msk [tilespmem:v3+s28+$0xC800], $0xffff;
	v3 =	vor.u32 $0x3005, v0  }
0x292: {  	v3 =	vadd.s32 v3, v1;
	_ =	sdelay $0x3  }
0x293: {  	[tilespmem:s30+$0x1CA60] =	vst v2  }
0x294: {  	v2 =	vld.idx.msk [tilespmem:v3+s28+$0xC800], $0xffff;
	v3 =	vor.u32 $0x3006, v0  }
0x295: {  	v3 =	vadd.s32 v3, v1;
	_ =	sdelay $0x3  }
0x296: {  	[tilespmem:s30+$0x1CAE0] =	vst v2  }
0x297: {  	v2 =	vld.idx.msk [tilespmem:v3+s28+$0xC800], $0xffff;
	v3 =	vor.u32 $0x3007, v0  }
0x298: {  	v3 =	vadd.s32 v3, v1;
	_ =	sdelay $0x3  }
0x299: {  	[tilespmem:s30+$0x1CB60] =	vst v2  }
0x29a: {  	v2 =	vld.idx.msk [tilespmem:v3+s28+$0xC800], $0xffff;
	v3 =	vor.u32 $0x3008, v0  }
0x29b: {  	v3 =	vadd.s32 v3, v1;
	_ =	sdelay $0x3  }
0x29c: {  	[tilespmem:s30+$0x1CBE0] =	vst v2  }
0x29d: {  	v2 =	vld.idx.msk [tilespmem:v3+s28+$0xC800], $0xffff;
	v3 =	vor.u32 $0x3009, v0  }
0x29e: {  	v3 =	vadd.s32 v3, v1;
	_ =	sdelay $0x3  }
0x29f: {  	[tilespmem:s30+$0x1CC60] =	vst v2  }
0x2a0: {  	v2 =	vld.idx.msk [tilespmem:v3+s28+$0xC800], $0xffff;
	v3 =	vor.u32 $0x300A, v0  }
0x2a1: {  	v3 =	vadd.s32 v3, v1;
	_ =	sdelay $0x3  }
0x2a2: {  	[tilespmem:s30+$0x1CCE0] =	vst v2  }
0x2a3: {  	v2 =	vld.idx.msk [tilespmem:v3+s28+$0xC800], $0xffff;
	v3 =	vor.u32 $0x300B, v0  }
0x2a4: {  	v3 =	vadd.s32 v3, v1;
	_ =	sdelay $0x3  }
0x2a5: {  	[tilespmem:s30+$0x1CD60] =	vst v2  }
0x2a6: {  	v2 =	vld.idx.msk [tilespmem:v3+s28+$0xC800], $0xffff;
	v3 =	vor.u32 $0x300C, v0  }
0x2a7: {  	v3 =	vadd.s32 v3, v1;
	_ =	sdelay $0x3  }
0x2a8: {  	[tilespmem:s30+$0x1CDE0] =	vst v2  }
0x2a9: {  	v2 =	vld.idx.msk [tilespmem:v3+s28+$0xC800], $0xffff;
	v3 =	vor.u32 $0x300D, v0  }
0x2aa: {  	v3 =	vadd.s32 v3, v1;
	_ =	sdelay $0x3  }
0x2ab: {  	[tilespmem:s30+$0x1CE60] =	vst v2  }
0x2ac: {  	v2 =	vld.idx.msk [tilespmem:v3+s28+$0xC800], $0xffff;
	v3 =	vor.u32 $0x300E, v0  }
0x2ad: {  	v3 =	vadd.s32 v3, v1;
	_ =	sdelay $0x3  }
0x2ae: {  	[tilespmem:s30+$0x1CEE0] =	vst v2  }
0x2af: {  	v2 =	vld.idx.msk [tilespmem:v3+s28+$0xC800], $0xffff;
	v3 =	vor.u32 $0x300F, v0  }
0x2b0: {  	v3 =	vadd.s32 v3, v1;
	_ =	sdelay $0x3  }
0x2b1: {  	[tilespmem:s30+$0x1CF60] =	vst v2  }
0x2b2: {  	v2 =	vld.idx.msk [tilespmem:v3+s28+$0xC800], $0xffff;
	v3 =	vor.u32 $0x3010, v0  }
0x2b3: {  	v3 =	vadd.s32 v3, v1;
	_ =	sdelay $0x3  }
0x2b4: {  	[tilespmem:s30+$0x1CFE0] =	vst v2  }
0x2b5: {  	v2 =	vld.idx.msk [tilespmem:v3+s28+$0xC800], $0xffff;
	v3 =	vor.u32 $0x3011, v0  }
0x2b6: {  	v3 =	vadd.s32 v3, v1;
	_ =	sdelay $0x3  }
0x2b7: {  	[tilespmem:s30+$0x1D060] =	vst v2  }
0x2b8: {  	v2 =	vld.idx.msk [tilespmem:v3+s28+$0xC800], $0xffff;
	v3 =	vor.u32 $0x3012, v0  }
0x2b9: {  	v3 =	vadd.s32 v3, v1;
	_ =	sdelay $0x3  }
0x2ba: {  	[tilespmem:s30+$0x1D0E0] =	vst v2  }
0x2bb: {  	v2 =	vld.idx.msk [tilespmem:v3+s28+$0xC800], $0xffff;
	v3 =	vor.u32 $0x3013, v0  }
0x2bc: {  	v3 =	vadd.s32 v3, v1;
	_ =	sdelay $0x3  }
0x2bd: {  	[tilespmem:s30+$0x1D160] =	vst v2  }
0x2be: {  	v2 =	vld.idx.msk [tilespmem:v3+s28+$0xC800], $0xffff;
	v3 =	vor.u32 $0x3014, v0  }
0x2bf: {  	v3 =	vadd.s32 v3, v1;
	_ =	sdelay $0x3  }
0x2c0: {  	[tilespmem:s30+$0x1D1E0] =	vst v2  }
0x2c1: {  	v2 =	vld.idx.msk [tilespmem:v3+s28+$0xC800], $0xffff;
	v3 =	vor.u32 $0x3015, v0  }
0x2c2: {  	v3 =	vadd.s32 v3, v1;
	_ =	sdelay $0x3  }
0x2c3: {  	[tilespmem:s30+$0x1D260] =	vst v2  }
0x2c4: {  	v2 =	vld.idx.msk [tilespmem:v3+s28+$0xC800], $0xffff;
	v3 =	vor.u32 $0x3016, v0  }
0x2c5: {  	v3 =	vadd.s32 v3, v1;
	_ =	sdelay $0x3  }
0x2c6: {  	[tilespmem:s30+$0x1D2E0] =	vst v2  }
0x2c7: {  	v2 =	vld.idx.msk [tilespmem:v3+s28+$0xC800], $0xffff;
	v3 =	vor.u32 $0x3017, v0  }
0x2c8: {  	v3 =	vadd.s32 v3, v1;
	_ =	sdelay $0x3  }
0x2c9: {  	[tilespmem:s30+$0x1D360] =	vst v2  }
0x2ca: {  	v2 =	vld.idx.msk [tilespmem:v3+s28+$0xC800], $0xffff;
	v3 =	vor.u32 $0x3018, v0  }
0x2cb: {  	v3 =	vadd.s32 v3, v1;
	_ =	sdelay $0x3  }
0x2cc: {  	[tilespmem:s30+$0x1D3E0] =	vst v2  }
0x2cd: {  	v2 =	vld.idx.msk [tilespmem:v3+s28+$0xC800], $0xffff;
	v3 =	vor.u32 $0x3019, v0  }
0x2ce: {  	v3 =	vadd.s32 v3, v1;
	_ =	sdelay $0x3  }
0x2cf: {  	[tilespmem:s30+$0x1D460] =	vst v2  }
0x2d0: {  	v2 =	vld.idx.msk [tilespmem:v3+s28+$0xC800], $0xffff;
	v3 =	vor.u32 $0x301A, v0  }
0x2d1: {  	v3 =	vadd.s32 v3, v1;
	_ =	sdelay $0x3  }
0x2d2: {  	[tilespmem:s30+$0x1D4E0] =	vst v2  }
0x2d3: {  	v2 =	vld.idx.msk [tilespmem:v3+s28+$0xC800], $0xffff;
	v3 =	vor.u32 $0x301B, v0  }
0x2d4: {  	v3 =	vadd.s32 v3, v1;
	_ =	sdelay $0x3  }
0x2d5: {  	[tilespmem:s30+$0x1D560] =	vst v2  }
0x2d6: {  	v2 =	vld.idx.msk [tilespmem:v3+s28+$0xC800], $0xffff;
	v3 =	vor.u32 $0x301C, v0  }
0x2d7: {  	v3 =	vadd.s32 v3, v1;
	_ =	sdelay $0x3  }
0x2d8: {  	[tilespmem:s30+$0x1D5E0] =	vst v2  }
0x2d9: {  	v2 =	vld.idx.msk [tilespmem:v3+s28+$0xC800], $0xffff;
	v3 =	vor.u32 $0x301D, v0  }
0x2da: {  	v3 =	vadd.s32 v3, v1;
	_ =	sdelay $0x3  }
0x2db: {  	[tilespmem:s30+$0x1D660] =	vst v2  }
0x2dc: {  	v2 =	vld.idx.msk [tilespmem:v3+s28+$0xC800], $0xffff;
	v3 =	vor.u32 $0x301E, v0  }
0x2dd: {  	v3 =	vadd.s32 v3, v1;
	_ =	sdelay $0x3  }
0x2de: {  	[tilespmem:s30+$0x1D6E0] =	vst v2  }
0x2df: {  	v2 =	vld.idx.msk [tilespmem:v3+s28+$0xC800], $0xffff;
	v3 =	vor.u32 $0x301F, v0  }
0x2e0: {  	v1 =	vadd.s32 v3, v1;
	_ =	sdelay $0x3  }
0x2e1: {  	[tilespmem:s30+$0x1D760] =	vst v2  }
0x2e2: {  	v1 =	vld.idx.msk [tilespmem:v1+s28+$0xC800], $0xffff;
	_ =	sdelay $0x4  }
0x2e3: {  	[tilespmem:s30+$0x1D7E0] =	vst v1  }
0x2e4: {  	v1 =	vld [tilespmem:s23+$0x30];
	_ =	sdelay $0x4  }
0x2e5: {  	v2 =	vor.u32 $0x3800, v0;
	v1 =	vshll.u32 v1, $0x5  }
0x2e6: {  	v2 =	vadd.s32 v2, v1;
	_ =	sdelay $0x4  }
0x2e7: {  	v3 =	vor.u32 $0x3801, v0;
	v2 =	vld.idx.msk [tilespmem:v2+s28+$0xC800], $0xffff  }
0x2e8: {  	v3 =	vadd.s32 v3, v1;
	_ =	sdelay $0x3  }
0x2e9: {  	[tilespmem:s30+$0x1C870] =	vst v2  }
0x2ea: {  	v2 =	vld.idx.msk [tilespmem:v3+s28+$0xC800], $0xffff;
	v3 =	vor.u32 $0x3802, v0  }
0x2eb: {  	v3 =	vadd.s32 v3, v1;
	_ =	sdelay $0x3  }
0x2ec: {  	[tilespmem:s30+$0x1C8F0] =	vst v2  }
0x2ed: {  	v2 =	vld.idx.msk [tilespmem:v3+s28+$0xC800], $0xffff;
	v3 =	vor.u32 $0x3803, v0  }
0x2ee: {  	v3 =	vadd.s32 v3, v1;
	_ =	sdelay $0x3  }
0x2ef: {  	[tilespmem:s30+$0x1C970] =	vst v2  }
0x2f0: {  	v2 =	vld.idx.msk [tilespmem:v3+s28+$0xC800], $0xffff;
	v3 =	vor.u32 $0x3804, v0  }
0x2f1: {  	v3 =	vadd.s32 v3, v1;
	_ =	sdelay $0x3  }
0x2f2: {  	[tilespmem:s30+$0x1C9F0] =	vst v2  }
0x2f3: {  	v2 =	vld.idx.msk [tilespmem:v3+s28+$0xC800], $0xffff;
	v3 =	vor.u32 $0x3805, v0  }
0x2f4: {  	v3 =	vadd.s32 v3, v1;
	_ =	sdelay $0x3  }
0x2f5: {  	[tilespmem:s30+$0x1CA70] =	vst v2  }
0x2f6: {  	v2 =	vld.idx.msk [tilespmem:v3+s28+$0xC800], $0xffff;
	v3 =	vor.u32 $0x3806, v0  }
0x2f7: {  	v3 =	vadd.s32 v3, v1;
	_ =	sdelay $0x3  }
0x2f8: {  	[tilespmem:s30+$0x1CAF0] =	vst v2  }
0x2f9: {  	v2 =	vld.idx.msk [tilespmem:v3+s28+$0xC800], $0xffff;
	v3 =	vor.u32 $0x3807, v0  }
0x2fa: {  	v3 =	vadd.s32 v3, v1;
	_ =	sdelay $0x3  }
0x2fb: {  	[tilespmem:s30+$0x1CB70] =	vst v2  }
0x2fc: {  	v2 =	vld.idx.msk [tilespmem:v3+s28+$0xC800], $0xffff;
	v3 =	vor.u32 $0x3808, v0  }
0x2fd: {  	v3 =	vadd.s32 v3, v1;
	_ =	sdelay $0x3  }
0x2fe: {  	[tilespmem:s30+$0x1CBF0] =	vst v2  }
0x2ff: {  	v2 =	vld.idx.msk [tilespmem:v3+s28+$0xC800], $0xffff;
	v3 =	vor.u32 $0x3809, v0  }
0x300: {  	v3 =	vadd.s32 v3, v1;
	_ =	sdelay $0x3  }
0x301: {  	[tilespmem:s30+$0x1CC70] =	vst v2  }
0x302: {  	v2 =	vld.idx.msk [tilespmem:v3+s28+$0xC800], $0xffff;
	v3 =	vor.u32 $0x380A, v0  }
0x303: {  	v3 =	vadd.s32 v3, v1;
	_ =	sdelay $0x3  }
0x304: {  	[tilespmem:s30+$0x1CCF0] =	vst v2  }
0x305: {  	v2 =	vld.idx.msk [tilespmem:v3+s28+$0xC800], $0xffff;
	v3 =	vor.u32 $0x380B, v0  }
0x306: {  	v3 =	vadd.s32 v3, v1;
	_ =	sdelay $0x3  }
0x307: {  	[tilespmem:s30+$0x1CD70] =	vst v2  }
0x308: {  	v2 =	vld.idx.msk [tilespmem:v3+s28+$0xC800], $0xffff;
	v3 =	vor.u32 $0x380C, v0  }
0x309: {  	v3 =	vadd.s32 v3, v1;
	_ =	sdelay $0x3  }
0x30a: {  	[tilespmem:s30+$0x1CDF0] =	vst v2  }
0x30b: {  	v2 =	vld.idx.msk [tilespmem:v3+s28+$0xC800], $0xffff;
	v3 =	vor.u32 $0x380D, v0  }
0x30c: {  	v3 =	vadd.s32 v3, v1;
	_ =	sdelay $0x3  }
0x30d: {  	[tilespmem:s30+$0x1CE70] =	vst v2  }
0x30e: {  	v2 =	vld.idx.msk [tilespmem:v3+s28+$0xC800], $0xffff;
	v3 =	vor.u32 $0x380E, v0  }
0x30f: {  	v3 =	vadd.s32 v3, v1;
	_ =	sdelay $0x3  }
0x310: {  	[tilespmem:s30+$0x1CEF0] =	vst v2  }
0x311: {  	v2 =	vld.idx.msk [tilespmem:v3+s28+$0xC800], $0xffff;
	v3 =	vor.u32 $0x380F, v0  }
0x312: {  	v3 =	vadd.s32 v3, v1;
	_ =	sdelay $0x3  }
0x313: {  	[tilespmem:s30+$0x1CF70] =	vst v2  }
0x314: {  	v2 =	vld.idx.msk [tilespmem:v3+s28+$0xC800], $0xffff;
	v3 =	vor.u32 $0x3810, v0  }
0x315: {  	v3 =	vadd.s32 v3, v1;
	_ =	sdelay $0x3  }
0x316: {  	[tilespmem:s30+$0x1CFF0] =	vst v2  }
0x317: {  	v2 =	vld.idx.msk [tilespmem:v3+s28+$0xC800], $0xffff;
	v3 =	vor.u32 $0x3811, v0  }
0x318: {  	v3 =	vadd.s32 v3, v1;
	_ =	sdelay $0x3  }
0x319: {  	[tilespmem:s30+$0x1D070] =	vst v2  }
0x31a: {  	v2 =	vld.idx.msk [tilespmem:v3+s28+$0xC800], $0xffff;
	v3 =	vor.u32 $0x3812, v0  }
0x31b: {  	v3 =	vadd.s32 v3, v1;
	_ =	sdelay $0x3  }
0x31c: {  	[tilespmem:s30+$0x1D0F0] =	vst v2  }
0x31d: {  	v2 =	vld.idx.msk [tilespmem:v3+s28+$0xC800], $0xffff;
	v3 =	vor.u32 $0x3813, v0  }
0x31e: {  	v3 =	vadd.s32 v3, v1;
	_ =	sdelay $0x3  }
0x31f: {  	[tilespmem:s30+$0x1D170] =	vst v2  }
0x320: {  	v2 =	vld.idx.msk [tilespmem:v3+s28+$0xC800], $0xffff;
	v3 =	vor.u32 $0x3814, v0  }
0x321: {  	v3 =	vadd.s32 v3, v1;
	_ =	sdelay $0x3  }
0x322: {  	[tilespmem:s30+$0x1D1F0] =	vst v2  }
0x323: {  	v2 =	vld.idx.msk [tilespmem:v3+s28+$0xC800], $0xffff;
	v3 =	vor.u32 $0x3815, v0  }
0x324: {  	v3 =	vadd.s32 v3, v1;
	_ =	sdelay $0x3  }
0x325: {  	[tilespmem:s30+$0x1D270] =	vst v2  }
0x326: {  	v2 =	vld.idx.msk [tilespmem:v3+s28+$0xC800], $0xffff;
	v3 =	vor.u32 $0x3816, v0  }
0x327: {  	v3 =	vadd.s32 v3, v1;
	_ =	sdelay $0x3  }
0x328: {  	[tilespmem:s30+$0x1D2F0] =	vst v2  }
0x329: {  	v2 =	vld.idx.msk [tilespmem:v3+s28+$0xC800], $0xffff;
	v3 =	vor.u32 $0x3817, v0  }
0x32a: {  	v3 =	vadd.s32 v3, v1;
	_ =	sdelay $0x3  }
0x32b: {  	[tilespmem:s30+$0x1D370] =	vst v2  }
0x32c: {  	v2 =	vld.idx.msk [tilespmem:v3+s28+$0xC800], $0xffff;
	v3 =	vor.u32 $0x3818, v0  }
0x32d: {  	v3 =	vadd.s32 v3, v1;
	_ =	sdelay $0x3  }
0x32e: {  	[tilespmem:s30+$0x1D3F0] =	vst v2  }
0x32f: {  	v2 =	vld.idx.msk [tilespmem:v3+s28+$0xC800], $0xffff;
	v3 =	vor.u32 $0x3819, v0  }
0x330: {  	v3 =	vadd.s32 v3, v1;
	_ =	sdelay $0x3  }
0x331: {  	[tilespmem:s30+$0x1D470] =	vst v2  }
0x332: {  	v2 =	vld.idx.msk [tilespmem:v3+s28+$0xC800], $0xffff;
	v3 =	vor.u32 $0x381A, v0  }
0x333: {  	v3 =	vadd.s32 v3, v1;
	_ =	sdelay $0x3  }
0x334: {  	[tilespmem:s30+$0x1D4F0] =	vst v2  }
0x335: {  	v2 =	vld.idx.msk [tilespmem:v3+s28+$0xC800], $0xffff;
	v3 =	vor.u32 $0x381B, v0  }
0x336: {  	v3 =	vadd.s32 v3, v1;
	_ =	sdelay $0x3  }
0x337: {  	[tilespmem:s30+$0x1D570] =	vst v2  }
0x338: {  	v2 =	vld.idx.msk [tilespmem:v3+s28+$0xC800], $0xffff;
	v3 =	vor.u32 $0x381C, v0  }
0x339: {  	v3 =	vadd.s32 v3, v1;
	_ =	sdelay $0x3  }
0x33a: {  	[tilespmem:s30+$0x1D5F0] =	vst v2  }
0x33b: {  	v2 =	vld.idx.msk [tilespmem:v3+s28+$0xC800], $0xffff;
	v3 =	vor.u32 $0x381D, v0  }
0x33c: {  	v3 =	vadd.s32 v3, v1;
	_ =	sdelay $0x3  }
0x33d: {  	[tilespmem:s30+$0x1D670] =	vst v2  }
0x33e: {  	v2 =	vld.idx.msk [tilespmem:v3+s28+$0xC800], $0xffff;
	v3 =	vor.u32 $0x381E, v0  }
0x33f: {  	v3 =	vadd.s32 v3, v1;
	_ =	sdelay $0x3  }
0x340: {  	[tilespmem:s30+$0x1D6F0] =	vst v2  }
0x341: {  	v2 =	vld.idx.msk [tilespmem:v3+s28+$0xC800], $0xffff;
	v3 =	vor.u32 $0x381F, v0  }
0x342: {  	v1 =	vadd.s32 v3, v1;
	_ =	sdelay $0x3  }
0x343: {  	[tilespmem:s30+$0x1D770] =	vst v2  }
0x344: {  	v1 =	vld.idx.msk [tilespmem:v1+s28+$0xC800], $0xffff  }
0x345: {  	s26 =	sadd.s32 $0x1, s26  }
0x346: {  	p0 =	sne.s32 s26, $0xC8  }
.Ltmp0:
0x347: {  	_ = 	snop;
	(pc) =	sbr.rel @p0 .LBB2_2-.Ltmp0, $4  }
0x348: {  	_ = 	snop  }
0x349: {  	s24 =	sadd.s32 $0x1000, s24;
	s31 =	sor.u32 $0x1C800, s30;
	s21 =	sadd.s32 $0x10000, s21;
	[tilespmem:s30+$0x1D7F0] =	vst v1  }
0x34a: {  	[hbm4b:s25+s18] =	stream.strided.scatter [tilespmem:s31], [sflag:$0x2], $0x1000, s19, s18, $0x38;
	[tilespmem:$0x1E800] =	vst v63  }
0x34b: {  	s22 =	sadd.s32 $0x80, s22;
	s23 =	sadd.s32 $0x80, s23;
	s25 =	sadd.s32 $0x4000, s25  }
0x34c: {  	s20 =	sadd.s32 $0x1, s20  }
0x34d: {  	_ =	swait.ge [sflag:s17], $0x1000;
	p0 =	sne.s32 s20, s6  }
.Ltmp1:
0x34e: {  	[sflag:s17] =	ssyncset.done $0x0;
	(pc) =	sbr.rel @p0 .LBB2_1-.Ltmp1, $4  }
0x34f: {  	[sflag:s17] =	ssyncadd.s32 $0xFFFFF000  }
0x350: {  	_ =	swait.ge [sflag:s17], $0x1000  }
0x351: {  	[sflag:s17] =	ssyncset.done $0x0  }
0x352: {  	[sflag:s17] =	ssyncadd.s32 $0xFFFFF000  }
0x353: {  	_ =	sfence.sel $0x180000  }
0x354: {  	[bflag:$0x0] =	sbarrier.arrive $0xFFFF  }
0x355: {  	p0 =	sne.s32 s1, $0x0;
	_ =	strace $0x90000047  }
0x356: {  	s0 =	sadd.s32 @!p0 $0x100000, s0;
	[bflag:$0x2] =	sbarrier.arrive $0xFFFF  }
0x357: {  	[sflag:s0] =	ssyncadd.tile.s32 @!p0 $0x1;
	_ =	shalt  }
.Lfunc_end2:
_tile_overlayer_lowered:
.L_overlay_start_2:
0x358: {  	(tag) =	ssettag $0x2  }
0x359: {  	s0 =	rddreg [dreg:$0x0];
	s2 =	stileid.u32  }
0x35a: {  	s1 =	rddreg [dreg:$0x1];
	p0 =	sne.s32 s2, $0x0  }
0x35b: {  	s3 =	rddreg [dreg:$0x2];
	[bflag:$0x3] =	sbarrier.arrive $0xFFFF;
	s2 =	simm.s32 @!p0 $0x1C04  }
0x35c: {  	[timem:s3], [sflag:s2] =	dma.local @!p0 [hbm:s0], s1  }
0x35d: {  	s0 =	simm.s32 @!p0 $0x4  }
0x35e: {  	_ =	swait.ge @!p0 [sflag:s0], s1  }
0x35f: {  	s1 =	ssub.s32 @!p0 $0x0, s1;
	[sflag:s0] =	ssyncset.done @!p0 $0x0  }
0x360: {  	[sflag:s0] =	ssyncadd.s32 @!p0 s1  }
0x361: {  	[bflag:$0x3] =	sbarrier.arrive $0xFFFF  }
0x362: {  	_ =	shalt  }

</sc_bundles>
